<compile_context>
chip_gen: v7x
topology: tpu7x:2x2x1
jax: 0.10.2.dev20260603
libtpu: 0.0.44.dev20260713+nightly
codegen_flags: <defaults>
</compile_context>

<pallas_src>
import functools

import jax
import jax.numpy as jnp
from jax import lax
from jax.experimental import pallas as pl
from jax.experimental.pallas import tpu as pltpu
from jax.experimental.pallas import tpu_sc as plsc

B, L, V, D = 1024, 50, 100000, 128
LP = 64
NW = 32
VCH = 4000
ALPHA = 0.2

VPW = 3200
VC = 32
NCHMAX = VPW // VC
PR = 128
NP = B // PR
CAP = 128
SEL = 2048


def _tc_body(tab_ref, a1_ref, attr_ref, a2_ref, t_ref, c_ref):
    t_ref[...] = lax.dot_general(
        a1_ref[...], tab_ref[...], (((1,), (1,)), ((), ())),
        preferred_element_type=jnp.float32)[None]
    @pl.when(pl.program_id(0) == 0)
    def _():
        c_ref[...] = jnp.sum(attr_ref[...] * a2_ref[...], axis=-1)


def _sc_body(t_hbm, c_hbm, w_hbm, out_hbm,
             wp0, wp1, selw, seli, bloc, bcnt, probe, tloc, cvm, cbuf, cbuf2,
             sem0, sem1):
    wid = lax.axis_index("s") * 2 + lax.axis_index("c")
    lo = wid * VPW
    hi = jnp.where(wid == NW - 1, V, lo + VPW)
    nch = jnp.where(wid == NW - 1, (V - (NW - 1) * VPW) // VC, NCHMAX)

    lane = lax.iota(jnp.int32, 16)
    zero16f = jnp.zeros((16,), jnp.float32)
    zero16i = jnp.zeros((16,), jnp.int32)

    pltpu.sync_copy(t_hbm.at[pl.ds(lo, VPW)], tloc)
    pltpu.sync_copy(c_hbm, cvm)
    for g in range(7):
        bcnt[pl.ds(g * 16, 16)] = zero16i

    @pl.loop(0, VC)
    def _zc(r):
        @pl.loop(0, B // 16)
        def _zc2(q):
            cbuf[r, pl.ds(q * 16, 16)] = zero16f
            cbuf2[r, pl.ds(q * 16, 16)] = zero16f

    wps = (wp0, wp1)

    d0w = pltpu.async_copy(w_hbm.at[pl.ds(0, PR)], wp0, sem0)
    off = 0
    for p in range(NP):
        wp = wps[p % 2]
        if p == 0:
            d0w.wait()
        if p + 1 < NP:
            dnw = pltpu.async_copy(
                w_hbm.at[pl.ds((p + 1) * PR, PR)], wps[(p + 1) % 2], sem1)

        def piece_body(k, o, wp=wp, p=p):
            r = k >> 2
            ch = k & 3
            w16 = wp[r, pl.ds(ch * 16, 16)]
            jm = lane < jnp.where(ch == 3, L - 48, 16)
            m = jm & (w16 >= lo) & (w16 < hi)
            i16 = jnp.full((16,), p * PR, jnp.int32) + r
            oc = jnp.minimum(o, SEL - 16)
            plsc.store_compressed(selw.at[pl.ds(oc, 16)], w16, mask=m)
            plsc.store_compressed(seli.at[pl.ds(oc, 16)], i16, mask=m)
            return o + plsc.all_reduce_population_count(m)[0]

        off = lax.fori_loop(0, PR * 4, piece_body, off, unroll=2)
        if p + 1 < NP:
            dnw.wait()

    selcnt = off

    def bucket_body(g, _):
        w16 = selw[pl.ds(g * 16, 16)]
        i16 = seli[pl.ds(g * 16, 16)]
        m = (g * 16 + lane) < selcnt
        b16 = jnp.where(m, (w16 - lo) >> 5, 0)
        loc16 = jnp.where(m, (w16 - lo) & (VC - 1), 0) * B + i16

        def peel_round(mrem):
            plsc.store_scatter(probe, [b16], lane, mask=mrem)
            g16 = plsc.load_gather(probe, [b16])
            win = jnp.logical_and(g16 == lane, mrem)
            cnt16 = plsc.load_gather(bcnt, [b16])
            tgt16 = (b16 << 7) + jnp.minimum(cnt16, CAP - 1)
            plsc.store_scatter(bloc, [tgt16], loc16, mask=win)
            plsc.store_scatter(bcnt, [b16], cnt16 + 1, mask=win)
            return jnp.logical_and(mrem, jnp.logical_not(win))

        mrem = peel_round(m)

        @pl.when(jnp.any(mrem))
        def _():
            lax.while_loop(lambda mr: jnp.any(mr), peel_round, mrem)

        return 0

    lax.fori_loop(0, SEL // 16, bucket_body, 0)

    mx = bcnt[pl.ds(0, 16)]
    for g in range(1, 7):
        mx = jnp.maximum(mx, bcnt[pl.ds(g * 16, 16)])
    ok = jnp.logical_and(selcnt <= SEL - 16,
                         lax.reduce_max(mx, axes=(0,)) <= CAP)

    @pl.when(ok)
    def _fast():
        def do_scatter(kc, buf, cntv):
            for g in range(CAP // 16):
                lm = (g * 16 + lane) < cntv
                l16 = bloc[pl.ds(kc * CAP + g * 16, 16)]
                l16 = jnp.where(lm, l16, 0)
                lv16 = l16 >> 10
                li16 = l16 & (B - 1)
                t16 = plsc.load_gather(tloc, [(kc << 5) + lv16])
                c16 = plsc.load_gather(cvm, [li16])
                x = t16 + c16
                v16 = jnp.maximum(x, ALPHA * x)
                plsc.store_scatter(buf, [lv16, li16], v16, mask=lm)

        def do_unscatter(kc, buf, cntv):
            for g in range(CAP // 16):
                lm = (g * 16 + lane) < cntv
                l16 = bloc[pl.ds(kc * CAP + g * 16, 16)]
                l16 = jnp.where(lm, l16, 0)
                plsc.store_scatter(buf, [l16 >> 10, l16 & (B - 1)], zero16f,
                                   mask=lm)

        def getcnt(kc):
            return plsc.load_gather(bcnt, [jnp.full((16,), kc, jnp.int32)])

        @pl.loop(0, (nch + 1) // 2)
        def _pair(q):
            k0 = 2 * q
            k1 = 2 * q + 1
            cnt0 = getcnt(k0)
            do_scatter(k0, cbuf, cnt0)
            dA = pltpu.async_copy(
                cbuf, out_hbm.at[pl.ds(lo + k0 * VC, VC)], sem0)

            @pl.when(k1 < nch)
            def _():
                cnt1 = getcnt(k1)
                do_scatter(k1, cbuf2, cnt1)
                pltpu.async_copy(
                    cbuf2, out_hbm.at[pl.ds(lo + k1 * VC, VC)], sem1)

            dA.wait()
            do_unscatter(k0, cbuf, cnt0)

            @pl.when(k1 < nch)
            def _():
                cnt1 = getcnt(k1)
                pltpu.make_async_copy(
                    cbuf2, out_hbm.at[pl.ds(lo + k1 * VC, VC)], sem1).wait()
                do_unscatter(k1, cbuf2, cnt1)

    @pl.when(jnp.logical_not(ok))
    def _slow():
        @pl.loop(0, nch)
        def _chunk(kc):
            clo = lo + kc * VC
            for p in range(NP):
                wp = wps[p % 2]
                pltpu.sync_copy(w_hbm.at[pl.ds(p * PR, PR)], wp)

                def piece_body(k, _, wp=wp, p=p):
                    r = k >> 2
                    ch = k & 3
                    w16 = wp[r, pl.ds(ch * 16, 16)]
                    jm = lane < jnp.where(ch == 3, L - 48, 16)
                    m = jm & (w16 >= clo) & (w16 < clo + VC)
                    i16 = jnp.full((16,), p * PR, jnp.int32) + r
                    lv = jnp.where(m, w16 - clo, 0)
                    t16 = plsc.load_gather(tloc, [jnp.where(m, w16 - lo, 0)])
                    c16 = plsc.load_gather(cvm, [i16])
                    x = t16 + c16
                    e16 = jnp.maximum(x, ALPHA * x)
                    plsc.store_scatter(cbuf, [lv, i16], e16, mask=m)
                    return 0

                lax.fori_loop(0, PR * 4, piece_body, 0)
            pltpu.sync_copy(cbuf, out_hbm.at[pl.ds(clo, VC)])

            @pl.loop(0, VC)
            def _rz(r):
                @pl.loop(0, B // 16)
                def _rz2(q):
                    cbuf[r, pl.ds(q * 16, 16)] = zero16f


def kernel(words, attr_emb, word_emb_table, a):
    a1 = a[:D, 0].reshape(1, D)
    a2 = a[D:, 0].reshape(1, D)

    t3, c = pl.pallas_call(
        _tc_body,
        grid=(V // VCH,),
        in_specs=[
            pl.BlockSpec((VCH, D), lambda i: (i, 0)),
            pl.BlockSpec((1, D), lambda i: (0, 0)),
            pl.BlockSpec((B, D), lambda i: (0, 0)),
            pl.BlockSpec((1, D), lambda i: (0, 0)),
        ],
        out_specs=[
            pl.BlockSpec((1, 1, VCH), lambda i: (i, 0, 0)),
            pl.BlockSpec((B,), lambda i: (0,)),
        ],
        out_shape=[
            jax.ShapeDtypeStruct((V // VCH, 1, VCH), jnp.float32),
            jax.ShapeDtypeStruct((B,), jnp.float32),
        ],
    )(word_emb_table, a1, attr_emb, a2)
    t = jnp.pad(t3.reshape(-1), (0, NW * VPW - V))

    words_p = jnp.pad(words.astype(jnp.int32), ((0, 0), (0, LP - L)))

    mesh = plsc.VectorSubcoreMesh(core_axis_name="c", subcore_axis_name="s")
    attn_t = pl.kernel(
        _sc_body,
        out_type=jax.ShapeDtypeStruct((V, B), jnp.float32),
        mesh=mesh,
        compiler_params=pltpu.CompilerParams(needs_layout_passes=False),
        scratch_types=[
            pltpu.VMEM((PR, LP), jnp.int32),
            pltpu.VMEM((PR, LP), jnp.int32),
            pltpu.VMEM((2048,), jnp.int32),
            pltpu.VMEM((2048,), jnp.int32),
            pltpu.VMEM((NCHMAX * CAP,), jnp.int32),
            pltpu.VMEM((112,), jnp.int32),
            pltpu.VMEM((112,), jnp.int32),
            pltpu.VMEM((VPW,), jnp.float32),
            pltpu.VMEM((B,), jnp.float32),
            pltpu.VMEM((VC, B), jnp.float32),
            pltpu.VMEM((VC, B), jnp.float32),
            pltpu.SemaphoreType.DMA,
            pltpu.SemaphoreType.DMA,
        ],
    )(t, c, words_p)
    return attn_t.T

# --- scband reference (transcript-rebuilt; emitter-appended) ---
"""Pipeline reference for scband-attention-layer-49984829391158 (READ-ONLY COPY).

The authoritative reference and input builder live on the scoring server;
editing this copy changes nothing except your own understanding.
"""

import jax, jax.numpy as jnp
import numpy as np

ALPHA = 0.2
B, L, V, D = 1024, 50, 100000, 128
HID = 2 * D


def setup_inputs(seed: int = 0) -> dict:
    key = jax.random.key(seed)
    k1, k2, k3, k4 = jax.random.split(key, 4)
    words = jax.random.randint(k1, (B, L), 0, V, dtype=jnp.int64) if jax.config.jax_enable_x64 else jax.random.randint(k1, (B, L), 0, V, dtype=jnp.int32)
    attr_emb = jax.random.normal(k2, (B, D), dtype=jnp.float32)
    word_emb_table = jax.random.normal(k3, (V, D), dtype=jnp.float32) * 0.02
    # xavier_uniform with gain=1.414 on (HID, 1)
    limit = 1.414 * np.sqrt(6.0 / (HID + 1))
    a = jax.random.uniform(k4, (HID, 1), dtype=jnp.float32, minval=-limit, maxval=limit)
    return {"words": words, "attr_emb": attr_emb, "word_emb_table": word_emb_table, "a": a}


def reference(words, attr_emb, word_emb_table, a):
    # words_emb = word_emb(words)
    words_emb = jnp.take(word_emb_table, words, axis=0)          # [B, L, D]
    # attr_emb.unsqueeze(1).repeat(1, L, 1)
    attrs_emb = jnp.repeat(attr_emb[:, None, :], words_emb.shape[1], axis=1)  # [B, L, D]
    combina = jnp.concatenate([words_emb, attrs_emb], axis=2)    # [B, L, 2D]
    e = jax.nn.leaky_relu(jnp.matmul(combina, a), negative_slope=ALPHA)[..., 0]  # [B, L]
    b = words.shape[0]
    v = word_emb_table.shape[0]
    # attn[i][words[i]] = e[i]  (scatter-overwrite per row)
    attn = jnp.zeros((b, v), dtype=e.dtype)
    attn = attn.at[jnp.arange(b)[:, None], words].set(e)
    return attn

if __name__ == "__main__":
    import jax
    _d = setup_inputs()
    print(jax.jit(kernel)(*tuple(_d.values())))

</pallas_src>

<mosaic_0001>
#map = affine_map<(d0, d1) -> (0)>
#map1 = affine_map<(d0, d1) -> (0, 0)>
module attributes {stable_mosaic.version = 14 : i64} {
  func.func @_sc_body(%arg0: i32, %arg1: i32, %arg2: memref<102400xf32, #tpu.memory_space<hbm>>, %arg3: memref<1024xf32, #tpu.memory_space<hbm>>, %arg4: memref<1024x64xi32, #tpu.memory_space<hbm>>, %arg5: memref<100000x1024xf32, #tpu.memory_space<hbm>>, %arg6: memref<128x64xi32, #tpu.memory_space<vmem>>, %arg7: memref<128x64xi32, #tpu.memory_space<vmem>>, %arg8: memref<2048xi32, #tpu.memory_space<vmem>>, %arg9: memref<2048xi32, #tpu.memory_space<vmem>>, %arg10: memref<12800xi32, #tpu.memory_space<vmem>>, %arg11: memref<112xi32, #tpu.memory_space<vmem>>, %arg12: memref<112xi32, #tpu.memory_space<vmem>>, %arg13: memref<3200xf32, #tpu.memory_space<vmem>>, %arg14: memref<1024xf32, #tpu.memory_space<vmem>>, %arg15: memref<32x1024xf32, #tpu.memory_space<vmem>>, %arg16: memref<32x1024xf32, #tpu.memory_space<vmem>>, %arg17: memref<!tpu.dma_semaphore, #tpu.memory_space<semaphore_mem>>, %arg18: memref<!tpu.dma_semaphore, #tpu.memory_space<semaphore_mem>>) attributes {dimension_semantics = [#tpu.dimension_semantics<core_parallel>, #tpu.dimension_semantics<subcore_parallel>], iteration_bounds = array<i64: 2, 16>, scalar_prefetch = 0 : i64, scratch_operands = 13 : i64, tpu.core_type = #tpu.core_type<sc_vector_subcore>, window_params = [{transform_indices = #map}, {transform_indices = #map}, {transform_indices = #map1}, {transform_indices = #map1}]} {
    %mul3A = arith.constant 2 : i32
    %mul3A_0 = arith.muli %arg1, %mul3A : i32
    %add3A = arith.addi %mul3A_0, %arg0 : i32
    %mul3A_1 = arith.constant 3200 : i32
    %mul3A_2 = arith.muli %add3A, %mul3A_1 : i32
    %eq3A = arith.constant 31 : i32
    %eq3A_3 = arith.cmpi eq, %add3A, %eq3A : i32
    %add3A_4 = arith.constant 3200 : i32
    %add3A_5 = arith.addi %mul3A_2, %add3A_4 : i32
    %jit3A = arith.constant 100000 : i32
    %select_n3A = arith.select %eq3A_3, %jit3A, %add3A_5 : i32
    %eq3A_6 = arith.constant 31 : i32
    %eq3A_7 = arith.cmpi eq, %add3A, %eq3A_6 : i32
    %jit3A_8 = arith.constant 25 : i32
    %jit3A_9 = arith.constant 100 : i32
    %select_n3A_10 = arith.select %eq3A_7, %jit3A_8, %jit3A_9 : i32
    %iota3A = tpu.iota {dimensions = array<i32: 0>} : vector<16xi32>
    %broadcast_in_dim3A = arith.constant 0.000000e+00 : f32
    %broadcast_in_dim3A_11 = vector.broadcast %broadcast_in_dim3A : f32 to vector<16xf32>
    %broadcast_in_dim3A_12 = arith.constant 0 : i32
    %broadcast_in_dim3A_13 = vector.broadcast %broadcast_in_dim3A_12 : i32 to vector<16xi32>
    "tpu.region"() ({
      %run_scoped3A = tpu.sem_alloc : memref<!tpu.dma_semaphore, #tpu.memory_space<semaphore_mem>>
      %dma_start3A_214 = tpu.memref_slice %arg2[%mul3A_2] : memref<102400xf32, #tpu.memory_space<hbm>> -> memref<3200xf32, #tpu.memory_space<hbm>>
      %dma_start3A_215 = tpu.memref_slice %arg2[%mul3A_2] : memref<102400xf32, #tpu.memory_space<hbm>> -> memref<3200xf32, #tpu.memory_space<hbm>>
      tpu.enqueue_dma source(%dma_start3A_215 : memref<3200xf32, #tpu.memory_space<hbm>>) target(%arg13 : memref<3200xf32, #tpu.memory_space<vmem>>) target_semaphore(%run_scoped3A : memref<!tpu.dma_semaphore, #tpu.memory_space<semaphore_mem>>)
      %dma_wait3A_216 = tpu.memref_slice %arg2[%mul3A_2] : memref<102400xf32, #tpu.memory_space<hbm>> -> memref<3200xf32, #tpu.memory_space<hbm>>
      %dma_wait3A_217 = tpu.memref_slice %arg2[%mul3A_2] : memref<102400xf32, #tpu.memory_space<hbm>> -> memref<3200xf32, #tpu.memory_space<hbm>>
      tpu.wait_dma2 semaphore(%run_scoped3A : memref<!tpu.dma_semaphore, #tpu.memory_space<semaphore_mem>>) src(%dma_wait3A_217 : memref<3200xf32, #tpu.memory_space<hbm>>) dst(%arg13 : memref<3200xf32, #tpu.memory_space<vmem>>)
      tpu.yield
    }) : () -> ()
    "tpu.region"() ({
      %run_scoped3A = tpu.sem_alloc : memref<!tpu.dma_semaphore, #tpu.memory_space<semaphore_mem>>
      tpu.enqueue_dma source(%arg3 : memref<1024xf32, #tpu.memory_space<hbm>>) target(%arg14 : memref<1024xf32, #tpu.memory_space<vmem>>) target_semaphore(%run_scoped3A : memref<!tpu.dma_semaphore, #tpu.memory_space<semaphore_mem>>)
      tpu.wait_dma2 semaphore(%run_scoped3A : memref<!tpu.dma_semaphore, #tpu.memory_space<semaphore_mem>>) src(%arg3 : memref<1024xf32, #tpu.memory_space<hbm>>) dst(%arg14 : memref<1024xf32, #tpu.memory_space<vmem>>)
      tpu.yield
    }) : () -> ()
    %swap3A = arith.constant 0 : index
    %swap3A_14 = tpu.vector_load %arg11[%swap3A] {strides = array<i32>} : memref<112xi32, #tpu.memory_space<vmem>>, vector<16xi32>,
    tpu.vector_store %arg11[%swap3A], %broadcast_in_dim3A_13 {strides = array<i32>} : memref<112xi32, #tpu.memory_space<vmem>>, vector<16xi32>,
    %swap3A_15 = arith.constant 16 : index
    %swap3A_16 = tpu.vector_load %arg11[%swap3A_15] {strides = array<i32>} : memref<112xi32, #tpu.memory_space<vmem>>, vector<16xi32>,
    tpu.vector_store %arg11[%swap3A_15], %broadcast_in_dim3A_13 {strides = array<i32>} : memref<112xi32, #tpu.memory_space<vmem>>, vector<16xi32>,
    %swap3A_17 = arith.constant 32 : index
    %swap3A_18 = tpu.vector_load %arg11[%swap3A_17] {strides = array<i32>} : memref<112xi32, #tpu.memory_space<vmem>>, vector<16xi32>,
    tpu.vector_store %arg11[%swap3A_17], %broadcast_in_dim3A_13 {strides = array<i32>} : memref<112xi32, #tpu.memory_space<vmem>>, vector<16xi32>,
    %swap3A_19 = arith.constant 48 : index
    %swap3A_20 = tpu.vector_load %arg11[%swap3A_19] {strides = array<i32>} : memref<112xi32, #tpu.memory_space<vmem>>, vector<16xi32>,
    tpu.vector_store %arg11[%swap3A_19], %broadcast_in_dim3A_13 {strides = array<i32>} : memref<112xi32, #tpu.memory_space<vmem>>, vector<16xi32>,
    %swap3A_21 = arith.constant 64 : index
    %swap3A_22 = tpu.vector_load %arg11[%swap3A_21] {strides = array<i32>} : memref<112xi32, #tpu.memory_space<vmem>>, vector<16xi32>,
    tpu.vector_store %arg11[%swap3A_21], %broadcast_in_dim3A_13 {strides = array<i32>} : memref<112xi32, #tpu.memory_space<vmem>>, vector<16xi32>,
    %swap3A_23 = arith.constant 80 : index
    %swap3A_24 = tpu.vector_load %arg11[%swap3A_23] {strides = array<i32>} : memref<112xi32, #tpu.memory_space<vmem>>, vector<16xi32>,
    tpu.vector_store %arg11[%swap3A_23], %broadcast_in_dim3A_13 {strides = array<i32>} : memref<112xi32, #tpu.memory_space<vmem>>, vector<16xi32>,
    %swap3A_25 = arith.constant 96 : index
    %swap3A_26 = tpu.vector_load %arg11[%swap3A_25] {strides = array<i32>} : memref<112xi32, #tpu.memory_space<vmem>>, vector<16xi32>,
    tpu.vector_store %arg11[%swap3A_25], %broadcast_in_dim3A_13 {strides = array<i32>} : memref<112xi32, #tpu.memory_space<vmem>>, vector<16xi32>,
    %scan3A = arith.constant 0 : i32
    %scan3A_27 = arith.constant 32 : i32
    %scan3A_28 = arith.addi %scan3A, %scan3A_27 : i32
    %scan3A_29 = arith.constant 1 : i32
    scf.for %scan3A_214 = %scan3A to %scan3A_28 step %scan3A_29  : i32 {
      %mul3A_215 = arith.constant 1 : i32
      %mul3A_216 = arith.muli %scan3A_214, %mul3A_215 : i32
      %add3A_217 = arith.constant 0 : i32
      %add3A_218 = arith.addi %add3A_217, %mul3A_216 : i32
      %scan3A_219 = arith.constant 0 : i32
      %scan3A_220 = arith.constant 64 : i32
      %scan3A_221 = arith.addi %scan3A_219, %scan3A_220 : i32
      %scan3A_222 = arith.constant 1 : i32
      scf.for %scan3A_224 = %scan3A_219 to %scan3A_221 step %scan3A_222  : i32 {
        %mul3A_225 = arith.constant 1 : i32
        %mul3A_226 = arith.muli %scan3A_224, %mul3A_225 : i32
        %add3A_227 = arith.constant 0 : i32
        %add3A_228 = arith.addi %add3A_227, %mul3A_226 : i32
        %mul3A_229 = arith.constant 16 : i32
        %mul3A_230 = arith.muli %add3A_228, %mul3A_229 : i32
        %swap3A_231 = arith.index_cast %add3A_218 : i32 to index
        %swap3A_232 = arith.index_cast %mul3A_230 : i32 to index
        %swap3A_233 = tpu.vector_load %arg15[%swap3A_231, %swap3A_232] {strides = array<i32>} : memref<32x1024xf32, #tpu.memory_space<vmem>>, vector<16xf32>,
        tpu.vector_store %arg15[%swap3A_231, %swap3A_232], %broadcast_in_dim3A_11 {strides = array<i32>} : memref<32x1024xf32, #tpu.memory_space<vmem>>, vector<16xf32>,
        %mul3A_234 = arith.constant 16 : i32
        %mul3A_235 = arith.muli %add3A_228, %mul3A_234 : i32
        %swap3A_236 = arith.index_cast %add3A_218 : i32 to index
        %swap3A_237 = arith.index_cast %mul3A_235 : i32 to index
        %swap3A_238 = tpu.vector_load %arg16[%swap3A_236, %swap3A_237] {strides = array<i32>} : memref<32x1024xf32, #tpu.memory_space<vmem>>, vector<16xf32>,
        tpu.vector_store %arg16[%swap3A_236, %swap3A_237], %broadcast_in_dim3A_11 {strides = array<i32>} : memref<32x1024xf32, #tpu.memory_space<vmem>>, vector<16xf32>,
      }
      %scan3A_223 = arith.constant 64 : i32
    }
    %scan3A_30 = arith.constant 32 : i32
    %dma_start3A = arith.constant 0 : i32
    %dma_start3A_31 = arith.constant 0 : i32
    %dma_start3A_32 = tpu.memref_slice %arg4[%dma_start3A, %dma_start3A_31] : memref<1024x64xi32, #tpu.memory_space<hbm>> -> memref<128x64xi32, #tpu.memory_space<hbm>>
    %dma_start3A_33 = arith.constant 0 : i32
    %dma_start3A_34 = arith.constant 0 : i32
    %dma_start3A_35 = tpu.memref_slice %arg4[%dma_start3A_33, %dma_start3A_34] : memref<1024x64xi32, #tpu.memory_space<hbm>> -> memref<128x64xi32, #tpu.memory_space<hbm>>
    tpu.enqueue_dma source(%dma_start3A_35 : memref<128x64xi32, #tpu.memory_space<hbm>>) target(%arg6 : memref<128x64xi32, #tpu.memory_space<vmem>>) target_semaphore(%arg17 : memref<!tpu.dma_semaphore, #tpu.memory_space<semaphore_mem>>)
    %dma_wait3A = arith.constant 0 : i32
    %dma_wait3A_36 = arith.constant 0 : i32
    %dma_wait3A_37 = tpu.memref_slice %arg4[%dma_wait3A, %dma_wait3A_36] : memref<1024x64xi32, #tpu.memory_space<hbm>> -> memref<128x64xi32, #tpu.memory_space<hbm>>
    %dma_wait3A_38 = arith.constant 0 : i32
    %dma_wait3A_39 = arith.constant 0 : i32
    %dma_wait3A_40 = tpu.memref_slice %arg4[%dma_wait3A_38, %dma_wait3A_39] : memref<1024x64xi32, #tpu.memory_space<hbm>> -> memref<128x64xi32, #tpu.memory_space<hbm>>
    tpu.wait_dma2 semaphore(%arg17 : memref<!tpu.dma_semaphore, #tpu.memory_space<semaphore_mem>>) src(%dma_wait3A_40 : memref<128x64xi32, #tpu.memory_space<hbm>>) dst(%arg6 : memref<128x64xi32, #tpu.memory_space<vmem>>)
    %dma_start3A_41 = arith.constant 128 : i32
    %dma_start3A_42 = arith.constant 0 : i32
    %dma_start3A_43 = tpu.memref_slice %arg4[%dma_start3A_41, %dma_start3A_42] : memref<1024x64xi32, #tpu.memory_space<hbm>> -> memref<128x64xi32, #tpu.memory_space<hbm>>
    %dma_start3A_44 = arith.constant 128 : i32
    %dma_start3A_45 = arith.constant 0 : i32
    %dma_start3A_46 = tpu.memref_slice %arg4[%dma_start3A_44, %dma_start3A_45] : memref<1024x64xi32, #tpu.memory_space<hbm>> -> memref<128x64xi32, #tpu.memory_space<hbm>>
    tpu.enqueue_dma source(%dma_start3A_46 : memref<128x64xi32, #tpu.memory_space<hbm>>) target(%arg7 : memref<128x64xi32, #tpu.memory_space<vmem>>) target_semaphore(%arg18 : memref<!tpu.dma_semaphore, #tpu.memory_space<semaphore_mem>>)
    %scan3A_47 = arith.constant 0 : i32
    %scan3A_48 = arith.constant 0 : i32
    %scan3A_49 = arith.constant 512 : i32
    %scan3A_50 = arith.addi %scan3A_48, %scan3A_49 : i32
    %scan3A_51 = arith.constant 2 : i32
    %scan3A_52 = scf.for %scan3A_214 = %scan3A_48 to %scan3A_50 step %scan3A_51 iter_args(%scan3A_215 = %scan3A_47) -> (i32)  : i32 {
      %shift_right_arithmetic3A = arith.constant 2 : i32
      %shift_right_arithmetic3A_216 = arith.shrsi %scan3A_214, %shift_right_arithmetic3A : i32
      %and3A_217 = arith.constant 3 : i32
      %and3A_218 = arith.andi %scan3A_214, %and3A_217 : i32
      %mul3A_219 = arith.constant 16 : i32
      %mul3A_220 = arith.muli %and3A_218, %mul3A_219 : i32
      %get3A_221 = arith.index_cast %shift_right_arithmetic3A_216 : i32 to index
      %get3A_222 = arith.index_cast %mul3A_220 : i32 to index
      %get3A_223 = tpu.vector_load %arg6[%get3A_221, %get3A_222] {strides = array<i32>} : memref<128x64xi32, #tpu.memory_space<vmem>>, vector<16xi32>,
      %eq3A_224 = arith.constant 3 : i32
      %eq3A_225 = arith.cmpi eq, %and3A_218, %eq3A_224 : i32
      %jit3A_226 = arith.constant 2 : i32
      %jit3A_227 = arith.constant 16 : i32
      %select_n3A_228 = arith.select %eq3A_225, %jit3A_226, %jit3A_227 : i32
      %lt3A = vector.broadcast %select_n3A_228 : i32 to vector<16xi32>
      %lt3A_229 = arith.cmpi slt, %iota3A, %lt3A : vector<16xi32>
      %ge3A = vector.broadcast %mul3A_2 : i32 to vector<16xi32>
      %ge3A_230 = arith.cmpi sge, %get3A_223, %ge3A : vector<16xi32>
      %and3A_231 = arith.andi %lt3A_229, %ge3A_230 : vector<16xi1>
      %lt3A_232 = vector.broadcast %select_n3A : i32 to vector<16xi32>
      %lt3A_233 = arith.cmpi slt, %get3A_223, %lt3A_232 : vector<16xi32>
      %and3A_234 = arith.andi %and3A_231, %lt3A_233 : vector<16xi1>
      %broadcast_in_dim3A_235 = arith.constant 0 : i32
      %broadcast_in_dim3A_236 = vector.broadcast %broadcast_in_dim3A_235 : i32 to vector<16xi32>
      %add3A_237 = vector.broadcast %shift_right_arithmetic3A_216 : i32 to vector<16xi32>
      %add3A_238 = arith.addi %broadcast_in_dim3A_236, %add3A_237 : vector<16xi32>
      %min3A = arith.constant 2032 : i32
      %min3A_239 = arith.minsi %scan3A_215, %min3A : i32
      %swap3A_240 = arith.index_cast %min3A_239 : i32 to index
      %swap3A_241 = tpu.vector_load %arg8[%swap3A_240] masked %and3A_234 {strides = array<i32>} : memref<2048xi32, #tpu.memory_space<vmem>>, vector<16xi32>, vector<16xi1>
      tpu.vector_store %arg8[%swap3A_240], %get3A_223 masked %and3A_234 {strides = array<i32>} : memref<2048xi32, #tpu.memory_space<vmem>>, vector<16xi32>, vector<16xi1>
      %swap3A_242 = arith.index_cast %min3A_239 : i32 to index
      %swap3A_243 = tpu.vector_load %arg9[%swap3A_242] masked %and3A_234 {strides = array<i32>} : memref<2048xi32, #tpu.memory_space<vmem>>, vector<16xi32>, vector<16xi1>
      tpu.vector_store %arg9[%swap3A_242], %add3A_238 masked %and3A_234 {strides = array<i32>} : memref<2048xi32, #tpu.memory_space<vmem>>, vector<16xi32>, vector<16xi1>
      %all_reduce_population_count3A = tpu.all_reduce %and3A_234 {dim = 0 : i64, kind = #tpu.reduction_kind<sum>} : vector<16xi1> -> vector<16xi32>
      %slice3A = vector.extract_strided_slice %all_reduce_population_count3A {offsets = [0], sizes = [1], strides = [1]} : vector<16xi32> to vector<1xi32>
      %squeeze3A = vector.extract %slice3A[0] : i32 from vector<1xi32>
      %add3A_244 = arith.addi %scan3A_215, %squeeze3A : i32
      %scan3A_245 = arith.constant 1 : i32
      %scan3A_246 = arith.addi %scan3A_214, %scan3A_245 : i32
      %shift_right_arithmetic3A_247 = arith.constant 2 : i32
      %shift_right_arithmetic3A_248 = arith.shrsi %scan3A_246, %shift_right_arithmetic3A_247 : i32
      %and3A_249 = arith.constant 3 : i32
      %and3A_250 = arith.andi %scan3A_246, %and3A_249 : i32
      %mul3A_251 = arith.constant 16 : i32
      %mul3A_252 = arith.muli %and3A_250, %mul3A_251 : i32
      %get3A_253 = arith.index_cast %shift_right_arithmetic3A_248 : i32 to index
      %get3A_254 = arith.index_cast %mul3A_252 : i32 to index
      %get3A_255 = tpu.vector_load %arg6[%get3A_253, %get3A_254] {strides = array<i32>} : memref<128x64xi32, #tpu.memory_space<vmem>>, vector<16xi32>,
      %eq3A_256 = arith.constant 3 : i32
      %eq3A_257 = arith.cmpi eq, %and3A_250, %eq3A_256 : i32
      %jit3A_258 = arith.constant 2 : i32
      %jit3A_259 = arith.constant 16 : i32
      %select_n3A_260 = arith.select %eq3A_257, %jit3A_258, %jit3A_259 : i32
      %lt3A_261 = vector.broadcast %select_n3A_260 : i32 to vector<16xi32>
      %lt3A_262 = arith.cmpi slt, %iota3A, %lt3A_261 : vector<16xi32>
      %ge3A_263 = vector.broadcast %mul3A_2 : i32 to vector<16xi32>
      %ge3A_264 = arith.cmpi sge, %get3A_255, %ge3A_263 : vector<16xi32>
      %and3A_265 = arith.andi %lt3A_262, %ge3A_264 : vector<16xi1>
      %lt3A_266 = vector.broadcast %select_n3A : i32 to vector<16xi32>
      %lt3A_267 = arith.cmpi slt, %get3A_255, %lt3A_266 : vector<16xi32>
      %and3A_268 = arith.andi %and3A_265, %lt3A_267 : vector<16xi1>
      %broadcast_in_dim3A_269 = arith.constant 0 : i32
      %broadcast_in_dim3A_270 = vector.broadcast %broadcast_in_dim3A_269 : i32 to vector<16xi32>
      %add3A_271 = vector.broadcast %shift_right_arithmetic3A_248 : i32 to vector<16xi32>
      %add3A_272 = arith.addi %broadcast_in_dim3A_270, %add3A_271 : vector<16xi32>
      %min3A_273 = arith.constant 2032 : i32
      %min3A_274 = arith.minsi %add3A_244, %min3A_273 : i32
      %swap3A_275 = arith.index_cast %min3A_274 : i32 to index
      %swap3A_276 = tpu.vector_load %arg8[%swap3A_275] masked %and3A_268 {strides = array<i32>} : memref<2048xi32, #tpu.memory_space<vmem>>, vector<16xi32>, vector<16xi1>
      tpu.vector_store %arg8[%swap3A_275], %get3A_255 masked %and3A_268 {strides = array<i32>} : memref<2048xi32, #tpu.memory_space<vmem>>, vector<16xi32>, vector<16xi1>
      %swap3A_277 = arith.index_cast %min3A_274 : i32 to index
      %swap3A_278 = tpu.vector_load %arg9[%swap3A_277] masked %and3A_268 {strides = array<i32>} : memref<2048xi32, #tpu.memory_space<vmem>>, vector<16xi32>, vector<16xi1>
      tpu.vector_store %arg9[%swap3A_277], %add3A_272 masked %and3A_268 {strides = array<i32>} : memref<2048xi32, #tpu.memory_space<vmem>>, vector<16xi32>, vector<16xi1>
      %all_reduce_population_count3A_279 = tpu.all_reduce %and3A_268 {dim = 0 : i64, kind = #tpu.reduction_kind<sum>} : vector<16xi1> -> vector<16xi32>
      %slice3A_280 = vector.extract_strided_slice %all_reduce_population_count3A_279 {offsets = [0], sizes = [1], strides = [1]} : vector<16xi32> to vector<1xi32>
      %squeeze3A_281 = vector.extract %slice3A_280[0] : i32 from vector<1xi32>
      %add3A_282 = arith.addi %add3A_244, %squeeze3A_281 : i32
      scf.yield %add3A_282 : i32
    }
    %scan3A_53 = arith.constant 512 : i32
    %dma_wait3A_54 = arith.constant 128 : i32
    %dma_wait3A_55 = arith.constant 0 : i32
    %dma_wait3A_56 = tpu.memref_slice %arg4[%dma_wait3A_54, %dma_wait3A_55] : memref<1024x64xi32, #tpu.memory_space<hbm>> -> memref<128x64xi32, #tpu.memory_space<hbm>>
    %dma_wait3A_57 = arith.constant 128 : i32
    %dma_wait3A_58 = arith.constant 0 : i32
    %dma_wait3A_59 = tpu.memref_slice %arg4[%dma_wait3A_57, %dma_wait3A_58] : memref<1024x64xi32, #tpu.memory_space<hbm>> -> memref<128x64xi32, #tpu.memory_space<hbm>>
    tpu.wait_dma2 semaphore(%arg18 : memref<!tpu.dma_semaphore, #tpu.memory_space<semaphore_mem>>) src(%dma_wait3A_59 : memref<128x64xi32, #tpu.memory_space<hbm>>) dst(%arg7 : memref<128x64xi32, #tpu.memory_space<vmem>>)
    %dma_start3A_60 = arith.constant 256 : i32
    %dma_start3A_61 = arith.constant 0 : i32
    %dma_start3A_62 = tpu.memref_slice %arg4[%dma_start3A_60, %dma_start3A_61] : memref<1024x64xi32, #tpu.memory_space<hbm>> -> memref<128x64xi32, #tpu.memory_space<hbm>>
    %dma_start3A_63 = arith.constant 256 : i32
    %dma_start3A_64 = arith.constant 0 : i32
    %dma_start3A_65 = tpu.memref_slice %arg4[%dma_start3A_63, %dma_start3A_64] : memref<1024x64xi32, #tpu.memory_space<hbm>> -> memref<128x64xi32, #tpu.memory_space<hbm>>
    tpu.enqueue_dma source(%dma_start3A_65 : memref<128x64xi32, #tpu.memory_space<hbm>>) target(%arg6 : memref<128x64xi32, #tpu.memory_space<vmem>>) target_semaphore(%arg18 : memref<!tpu.dma_semaphore, #tpu.memory_space<semaphore_mem>>)
    %scan3A_66 = arith.constant 0 : i32
    %scan3A_67 = arith.constant 512 : i32
    %scan3A_68 = arith.addi %scan3A_66, %scan3A_67 : i32
    %scan3A_69 = arith.constant 2 : i32
    %scan3A_70 = scf.for %scan3A_214 = %scan3A_66 to %scan3A_68 step %scan3A_69 iter_args(%scan3A_215 = %scan3A_52) -> (i32)  : i32 {
      %shift_right_arithmetic3A = arith.constant 2 : i32
      %shift_right_arithmetic3A_216 = arith.shrsi %scan3A_214, %shift_right_arithmetic3A : i32
      %and3A_217 = arith.constant 3 : i32
      %and3A_218 = arith.andi %scan3A_214, %and3A_217 : i32
      %mul3A_219 = arith.constant 16 : i32
      %mul3A_220 = arith.muli %and3A_218, %mul3A_219 : i32
      %get3A_221 = arith.index_cast %shift_right_arithmetic3A_216 : i32 to index
      %get3A_222 = arith.index_cast %mul3A_220 : i32 to index
      %get3A_223 = tpu.vector_load %arg7[%get3A_221, %get3A_222] {strides = array<i32>} : memref<128x64xi32, #tpu.memory_space<vmem>>, vector<16xi32>,
      %eq3A_224 = arith.constant 3 : i32
      %eq3A_225 = arith.cmpi eq, %and3A_218, %eq3A_224 : i32
      %jit3A_226 = arith.constant 2 : i32
      %jit3A_227 = arith.constant 16 : i32
      %select_n3A_228 = arith.select %eq3A_225, %jit3A_226, %jit3A_227 : i32
      %lt3A = vector.broadcast %select_n3A_228 : i32 to vector<16xi32>
      %lt3A_229 = arith.cmpi slt, %iota3A, %lt3A : vector<16xi32>
      %ge3A = vector.broadcast %mul3A_2 : i32 to vector<16xi32>
      %ge3A_230 = arith.cmpi sge, %get3A_223, %ge3A : vector<16xi32>
      %and3A_231 = arith.andi %lt3A_229, %ge3A_230 : vector<16xi1>
      %lt3A_232 = vector.broadcast %select_n3A : i32 to vector<16xi32>
      %lt3A_233 = arith.cmpi slt, %get3A_223, %lt3A_232 : vector<16xi32>
      %and3A_234 = arith.andi %and3A_231, %lt3A_233 : vector<16xi1>
      %broadcast_in_dim3A_235 = arith.constant 128 : i32
      %broadcast_in_dim3A_236 = vector.broadcast %broadcast_in_dim3A_235 : i32 to vector<16xi32>
      %add3A_237 = vector.broadcast %shift_right_arithmetic3A_216 : i32 to vector<16xi32>
      %add3A_238 = arith.addi %broadcast_in_dim3A_236, %add3A_237 : vector<16xi32>
      %min3A = arith.constant 2032 : i32
      %min3A_239 = arith.minsi %scan3A_215, %min3A : i32
      %swap3A_240 = arith.index_cast %min3A_239 : i32 to index
      %swap3A_241 = tpu.vector_load %arg8[%swap3A_240] masked %and3A_234 {strides = array<i32>} : memref<2048xi32, #tpu.memory_space<vmem>>, vector<16xi32>, vector<16xi1>
      tpu.vector_store %arg8[%swap3A_240], %get3A_223 masked %and3A_234 {strides = array<i32>} : memref<2048xi32, #tpu.memory_space<vmem>>, vector<16xi32>, vector<16xi1>
      %swap3A_242 = arith.index_cast %min3A_239 : i32 to index
      %swap3A_243 = tpu.vector_load %arg9[%swap3A_242] masked %and3A_234 {strides = array<i32>} : memref<2048xi32, #tpu.memory_space<vmem>>, vector<16xi32>, vector<16xi1>
      tpu.vector_store %arg9[%swap3A_242], %add3A_238 masked %and3A_234 {strides = array<i32>} : memref<2048xi32, #tpu.memory_space<vmem>>, vector<16xi32>, vector<16xi1>
      %all_reduce_population_count3A = tpu.all_reduce %and3A_234 {dim = 0 : i64, kind = #tpu.reduction_kind<sum>} : vector<16xi1> -> vector<16xi32>
      %slice3A = vector.extract_strided_slice %all_reduce_population_count3A {offsets = [0], sizes = [1], strides = [1]} : vector<16xi32> to vector<1xi32>
      %squeeze3A = vector.extract %slice3A[0] : i32 from vector<1xi32>
      %add3A_244 = arith.addi %scan3A_215, %squeeze3A : i32
      %scan3A_245 = arith.constant 1 : i32
      %scan3A_246 = arith.addi %scan3A_214, %scan3A_245 : i32
      %shift_right_arithmetic3A_247 = arith.constant 2 : i32
      %shift_right_arithmetic3A_248 = arith.shrsi %scan3A_246, %shift_right_arithmetic3A_247 : i32
      %and3A_249 = arith.constant 3 : i32
      %and3A_250 = arith.andi %scan3A_246, %and3A_249 : i32
      %mul3A_251 = arith.constant 16 : i32
      %mul3A_252 = arith.muli %and3A_250, %mul3A_251 : i32
      %get3A_253 = arith.index_cast %shift_right_arithmetic3A_248 : i32 to index
      %get3A_254 = arith.index_cast %mul3A_252 : i32 to index
      %get3A_255 = tpu.vector_load %arg7[%get3A_253, %get3A_254] {strides = array<i32>} : memref<128x64xi32, #tpu.memory_space<vmem>>, vector<16xi32>,
      %eq3A_256 = arith.constant 3 : i32
      %eq3A_257 = arith.cmpi eq, %and3A_250, %eq3A_256 : i32
      %jit3A_258 = arith.constant 2 : i32
      %jit3A_259 = arith.constant 16 : i32
      %select_n3A_260 = arith.select %eq3A_257, %jit3A_258, %jit3A_259 : i32
      %lt3A_261 = vector.broadcast %select_n3A_260 : i32 to vector<16xi32>
      %lt3A_262 = arith.cmpi slt, %iota3A, %lt3A_261 : vector<16xi32>
      %ge3A_263 = vector.broadcast %mul3A_2 : i32 to vector<16xi32>
      %ge3A_264 = arith.cmpi sge, %get3A_255, %ge3A_263 : vector<16xi32>
      %and3A_265 = arith.andi %lt3A_262, %ge3A_264 : vector<16xi1>
      %lt3A_266 = vector.broadcast %select_n3A : i32 to vector<16xi32>
      %lt3A_267 = arith.cmpi slt, %get3A_255, %lt3A_266 : vector<16xi32>
      %and3A_268 = arith.andi %and3A_265, %lt3A_267 : vector<16xi1>
      %broadcast_in_dim3A_269 = arith.constant 128 : i32
      %broadcast_in_dim3A_270 = vector.broadcast %broadcast_in_dim3A_269 : i32 to vector<16xi32>
      %add3A_271 = vector.broadcast %shift_right_arithmetic3A_248 : i32 to vector<16xi32>
      %add3A_272 = arith.addi %broadcast_in_dim3A_270, %add3A_271 : vector<16xi32>
      %min3A_273 = arith.constant 2032 : i32
      %min3A_274 = arith.minsi %add3A_244, %min3A_273 : i32
      %swap3A_275 = arith.index_cast %min3A_274 : i32 to index
      %swap3A_276 = tpu.vector_load %arg8[%swap3A_275] masked %and3A_268 {strides = array<i32>} : memref<2048xi32, #tpu.memory_space<vmem>>, vector<16xi32>, vector<16xi1>
      tpu.vector_store %arg8[%swap3A_275], %get3A_255 masked %and3A_268 {strides = array<i32>} : memref<2048xi32, #tpu.memory_space<vmem>>, vector<16xi32>, vector<16xi1>
      %swap3A_277 = arith.index_cast %min3A_274 : i32 to index
      %swap3A_278 = tpu.vector_load %arg9[%swap3A_277] masked %and3A_268 {strides = array<i32>} : memref<2048xi32, #tpu.memory_space<vmem>>, vector<16xi32>, vector<16xi1>
      tpu.vector_store %arg9[%swap3A_277], %add3A_272 masked %and3A_268 {strides = array<i32>} : memref<2048xi32, #tpu.memory_space<vmem>>, vector<16xi32>, vector<16xi1>
      %all_reduce_population_count3A_279 = tpu.all_reduce %and3A_268 {dim = 0 : i64, kind = #tpu.reduction_kind<sum>} : vector<16xi1> -> vector<16xi32>
      %slice3A_280 = vector.extract_strided_slice %all_reduce_population_count3A_279 {offsets = [0], sizes = [1], strides = [1]} : vector<16xi32> to vector<1xi32>
      %squeeze3A_281 = vector.extract %slice3A_280[0] : i32 from vector<1xi32>
      %add3A_282 = arith.addi %add3A_244, %squeeze3A_281 : i32
      scf.yield %add3A_282 : i32
    }
    %scan3A_71 = arith.constant 512 : i32
    %dma_wait3A_72 = arith.constant 256 : i32
    %dma_wait3A_73 = arith.constant 0 : i32
    %dma_wait3A_74 = tpu.memref_slice %arg4[%dma_wait3A_72, %dma_wait3A_73] : memref<1024x64xi32, #tpu.memory_space<hbm>> -> memref<128x64xi32, #tpu.memory_space<hbm>>
    %dma_wait3A_75 = arith.constant 256 : i32
    %dma_wait3A_76 = arith.constant 0 : i32
    %dma_wait3A_77 = tpu.memref_slice %arg4[%dma_wait3A_75, %dma_wait3A_76] : memref<1024x64xi32, #tpu.memory_space<hbm>> -> memref<128x64xi32, #tpu.memory_space<hbm>>
    tpu.wait_dma2 semaphore(%arg18 : memref<!tpu.dma_semaphore, #tpu.memory_space<semaphore_mem>>) src(%dma_wait3A_77 : memref<128x64xi32, #tpu.memory_space<hbm>>) dst(%arg6 : memref<128x64xi32, #tpu.memory_space<vmem>>)
    %dma_start3A_78 = arith.constant 384 : i32
    %dma_start3A_79 = arith.constant 0 : i32
    %dma_start3A_80 = tpu.memref_slice %arg4[%dma_start3A_78, %dma_start3A_79] : memref<1024x64xi32, #tpu.memory_space<hbm>> -> memref<128x64xi32, #tpu.memory_space<hbm>>
    %dma_start3A_81 = arith.constant 384 : i32
    %dma_start3A_82 = arith.constant 0 : i32
    %dma_start3A_83 = tpu.memref_slice %arg4[%dma_start3A_81, %dma_start3A_82] : memref<1024x64xi32, #tpu.memory_space<hbm>> -> memref<128x64xi32, #tpu.memory_space<hbm>>
    tpu.enqueue_dma source(%dma_start3A_83 : memref<128x64xi32, #tpu.memory_space<hbm>>) target(%arg7 : memref<128x64xi32, #tpu.memory_space<vmem>>) target_semaphore(%arg18 : memref<!tpu.dma_semaphore, #tpu.memory_space<semaphore_mem>>)
    %scan3A_84 = arith.constant 0 : i32
    %scan3A_85 = arith.constant 512 : i32
    %scan3A_86 = arith.addi %scan3A_84, %scan3A_85 : i32
    %scan3A_87 = arith.constant 2 : i32
    %scan3A_88 = scf.for %scan3A_214 = %scan3A_84 to %scan3A_86 step %scan3A_87 iter_args(%scan3A_215 = %scan3A_70) -> (i32)  : i32 {
      %shift_right_arithmetic3A = arith.constant 2 : i32
      %shift_right_arithmetic3A_216 = arith.shrsi %scan3A_214, %shift_right_arithmetic3A : i32
      %and3A_217 = arith.constant 3 : i32
      %and3A_218 = arith.andi %scan3A_214, %and3A_217 : i32
      %mul3A_219 = arith.constant 16 : i32
      %mul3A_220 = arith.muli %and3A_218, %mul3A_219 : i32
      %get3A_221 = arith.index_cast %shift_right_arithmetic3A_216 : i32 to index
      %get3A_222 = arith.index_cast %mul3A_220 : i32 to index
      %get3A_223 = tpu.vector_load %arg6[%get3A_221, %get3A_222] {strides = array<i32>} : memref<128x64xi32, #tpu.memory_space<vmem>>, vector<16xi32>,
      %eq3A_224 = arith.constant 3 : i32
      %eq3A_225 = arith.cmpi eq, %and3A_218, %eq3A_224 : i32
      %jit3A_226 = arith.constant 2 : i32
      %jit3A_227 = arith.constant 16 : i32
      %select_n3A_228 = arith.select %eq3A_225, %jit3A_226, %jit3A_227 : i32
      %lt3A = vector.broadcast %select_n3A_228 : i32 to vector<16xi32>
      %lt3A_229 = arith.cmpi slt, %iota3A, %lt3A : vector<16xi32>
      %ge3A = vector.broadcast %mul3A_2 : i32 to vector<16xi32>
      %ge3A_230 = arith.cmpi sge, %get3A_223, %ge3A : vector<16xi32>
      %and3A_231 = arith.andi %lt3A_229, %ge3A_230 : vector<16xi1>
      %lt3A_232 = vector.broadcast %select_n3A : i32 to vector<16xi32>
      %lt3A_233 = arith.cmpi slt, %get3A_223, %lt3A_232 : vector<16xi32>
      %and3A_234 = arith.andi %and3A_231, %lt3A_233 : vector<16xi1>
      %broadcast_in_dim3A_235 = arith.constant 256 : i32
      %broadcast_in_dim3A_236 = vector.broadcast %broadcast_in_dim3A_235 : i32 to vector<16xi32>
      %add3A_237 = vector.broadcast %shift_right_arithmetic3A_216 : i32 to vector<16xi32>
      %add3A_238 = arith.addi %broadcast_in_dim3A_236, %add3A_237 : vector<16xi32>
      %min3A = arith.constant 2032 : i32
      %min3A_239 = arith.minsi %scan3A_215, %min3A : i32
      %swap3A_240 = arith.index_cast %min3A_239 : i32 to index
      %swap3A_241 = tpu.vector_load %arg8[%swap3A_240] masked %and3A_234 {strides = array<i32>} : memref<2048xi32, #tpu.memory_space<vmem>>, vector<16xi32>, vector<16xi1>
      tpu.vector_store %arg8[%swap3A_240], %get3A_223 masked %and3A_234 {strides = array<i32>} : memref<2048xi32, #tpu.memory_space<vmem>>, vector<16xi32>, vector<16xi1>
      %swap3A_242 = arith.index_cast %min3A_239 : i32 to index
      %swap3A_243 = tpu.vector_load %arg9[%swap3A_242] masked %and3A_234 {strides = array<i32>} : memref<2048xi32, #tpu.memory_space<vmem>>, vector<16xi32>, vector<16xi1>
      tpu.vector_store %arg9[%swap3A_242], %add3A_238 masked %and3A_234 {strides = array<i32>} : memref<2048xi32, #tpu.memory_space<vmem>>, vector<16xi32>, vector<16xi1>
      %all_reduce_population_count3A = tpu.all_reduce %and3A_234 {dim = 0 : i64, kind = #tpu.reduction_kind<sum>} : vector<16xi1> -> vector<16xi32>
      %slice3A = vector.extract_strided_slice %all_reduce_population_count3A {offsets = [0], sizes = [1], strides = [1]} : vector<16xi32> to vector<1xi32>
      %squeeze3A = vector.extract %slice3A[0] : i32 from vector<1xi32>
      %add3A_244 = arith.addi %scan3A_215, %squeeze3A : i32
      %scan3A_245 = arith.constant 1 : i32
      %scan3A_246 = arith.addi %scan3A_214, %scan3A_245 : i32
      %shift_right_arithmetic3A_247 = arith.constant 2 : i32
      %shift_right_arithmetic3A_248 = arith.shrsi %scan3A_246, %shift_right_arithmetic3A_247 : i32
      %and3A_249 = arith.constant 3 : i32
      %and3A_250 = arith.andi %scan3A_246, %and3A_249 : i32
      %mul3A_251 = arith.constant 16 : i32
      %mul3A_252 = arith.muli %and3A_250, %mul3A_251 : i32
      %get3A_253 = arith.index_cast %shift_right_arithmetic3A_248 : i32 to index
      %get3A_254 = arith.index_cast %mul3A_252 : i32 to index
      %get3A_255 = tpu.vector_load %arg6[%get3A_253, %get3A_254] {strides = array<i32>} : memref<128x64xi32, #tpu.memory_space<vmem>>, vector<16xi32>,
      %eq3A_256 = arith.constant 3 : i32
      %eq3A_257 = arith.cmpi eq, %and3A_250, %eq3A_256 : i32
      %jit3A_258 = arith.constant 2 : i32
      %jit3A_259 = arith.constant 16 : i32
      %select_n3A_260 = arith.select %eq3A_257, %jit3A_258, %jit3A_259 : i32
      %lt3A_261 = vector.broadcast %select_n3A_260 : i32 to vector<16xi32>
      %lt3A_262 = arith.cmpi slt, %iota3A, %lt3A_261 : vector<16xi32>
      %ge3A_263 = vector.broadcast %mul3A_2 : i32 to vector<16xi32>
      %ge3A_264 = arith.cmpi sge, %get3A_255, %ge3A_263 : vector<16xi32>
      %and3A_265 = arith.andi %lt3A_262, %ge3A_264 : vector<16xi1>
      %lt3A_266 = vector.broadcast %select_n3A : i32 to vector<16xi32>
      %lt3A_267 = arith.cmpi slt, %get3A_255, %lt3A_266 : vector<16xi32>
      %and3A_268 = arith.andi %and3A_265, %lt3A_267 : vector<16xi1>
      %broadcast_in_dim3A_269 = arith.constant 256 : i32
      %broadcast_in_dim3A_270 = vector.broadcast %broadcast_in_dim3A_269 : i32 to vector<16xi32>
      %add3A_271 = vector.broadcast %shift_right_arithmetic3A_248 : i32 to vector<16xi32>
      %add3A_272 = arith.addi %broadcast_in_dim3A_270, %add3A_271 : vector<16xi32>
      %min3A_273 = arith.constant 2032 : i32
      %min3A_274 = arith.minsi %add3A_244, %min3A_273 : i32
      %swap3A_275 = arith.index_cast %min3A_274 : i32 to index
      %swap3A_276 = tpu.vector_load %arg8[%swap3A_275] masked %and3A_268 {strides = array<i32>} : memref<2048xi32, #tpu.memory_space<vmem>>, vector<16xi32>, vector<16xi1>
      tpu.vector_store %arg8[%swap3A_275], %get3A_255 masked %and3A_268 {strides = array<i32>} : memref<2048xi32, #tpu.memory_space<vmem>>, vector<16xi32>, vector<16xi1>
      %swap3A_277 = arith.index_cast %min3A_274 : i32 to index
      %swap3A_278 = tpu.vector_load %arg9[%swap3A_277] masked %and3A_268 {strides = array<i32>} : memref<2048xi32, #tpu.memory_space<vmem>>, vector<16xi32>, vector<16xi1>
      tpu.vector_store %arg9[%swap3A_277], %add3A_272 masked %and3A_268 {strides = array<i32>} : memref<2048xi32, #tpu.memory_space<vmem>>, vector<16xi32>, vector<16xi1>
      %all_reduce_population_count3A_279 = tpu.all_reduce %and3A_268 {dim = 0 : i64, kind = #tpu.reduction_kind<sum>} : vector<16xi1> -> vector<16xi32>
      %slice3A_280 = vector.extract_strided_slice %all_reduce_population_count3A_279 {offsets = [0], sizes = [1], strides = [1]} : vector<16xi32> to vector<1xi32>
      %squeeze3A_281 = vector.extract %slice3A_280[0] : i32 from vector<1xi32>
      %add3A_282 = arith.addi %add3A_244, %squeeze3A_281 : i32
      scf.yield %add3A_282 : i32
    }
    %scan3A_89 = arith.constant 512 : i32
    %dma_wait3A_90 = arith.constant 384 : i32
    %dma_wait3A_91 = arith.constant 0 : i32
    %dma_wait3A_92 = tpu.memref_slice %arg4[%dma_wait3A_90, %dma_wait3A_91] : memref<1024x64xi32, #tpu.memory_space<hbm>> -> memref<128x64xi32, #tpu.memory_space<hbm>>
    %dma_wait3A_93 = arith.constant 384 : i32
    %dma_wait3A_94 = arith.constant 0 : i32
    %dma_wait3A_95 = tpu.memref_slice %arg4[%dma_wait3A_93, %dma_wait3A_94] : memref<1024x64xi32, #tpu.memory_space<hbm>> -> memref<128x64xi32, #tpu.memory_space<hbm>>
    tpu.wait_dma2 semaphore(%arg18 : memref<!tpu.dma_semaphore, #tpu.memory_space<semaphore_mem>>) src(%dma_wait3A_95 : memref<128x64xi32, #tpu.memory_space<hbm>>) dst(%arg7 : memref<128x64xi32, #tpu.memory_space<vmem>>)
    %dma_start3A_96 = arith.constant 512 : i32
    %dma_start3A_97 = arith.constant 0 : i32
    %dma_start3A_98 = tpu.memref_slice %arg4[%dma_start3A_96, %dma_start3A_97] : memref<1024x64xi32, #tpu.memory_space<hbm>> -> memref<128x64xi32, #tpu.memory_space<hbm>>
    %dma_start3A_99 = arith.constant 512 : i32
    %dma_start3A_100 = arith.constant 0 : i32
    %dma_start3A_101 = tpu.memref_slice %arg4[%dma_start3A_99, %dma_start3A_100] : memref<1024x64xi32, #tpu.memory_space<hbm>> -> memref<128x64xi32, #tpu.memory_space<hbm>>
    tpu.enqueue_dma source(%dma_start3A_101 : memref<128x64xi32, #tpu.memory_space<hbm>>) target(%arg6 : memref<128x64xi32, #tpu.memory_space<vmem>>) target_semaphore(%arg18 : memref<!tpu.dma_semaphore, #tpu.memory_space<semaphore_mem>>)
    %scan3A_102 = arith.constant 0 : i32
    %scan3A_103 = arith.constant 512 : i32
    %scan3A_104 = arith.addi %scan3A_102, %scan3A_103 : i32
    %scan3A_105 = arith.constant 2 : i32
    %scan3A_106 = scf.for %scan3A_214 = %scan3A_102 to %scan3A_104 step %scan3A_105 iter_args(%scan3A_215 = %scan3A_88) -> (i32)  : i32 {
      %shift_right_arithmetic3A = arith.constant 2 : i32
      %shift_right_arithmetic3A_216 = arith.shrsi %scan3A_214, %shift_right_arithmetic3A : i32
      %and3A_217 = arith.constant 3 : i32
      %and3A_218 = arith.andi %scan3A_214, %and3A_217 : i32
      %mul3A_219 = arith.constant 16 : i32
      %mul3A_220 = arith.muli %and3A_218, %mul3A_219 : i32
      %get3A_221 = arith.index_cast %shift_right_arithmetic3A_216 : i32 to index
      %get3A_222 = arith.index_cast %mul3A_220 : i32 to index
      %get3A_223 = tpu.vector_load %arg7[%get3A_221, %get3A_222] {strides = array<i32>} : memref<128x64xi32, #tpu.memory_space<vmem>>, vector<16xi32>,
      %eq3A_224 = arith.constant 3 : i32
      %eq3A_225 = arith.cmpi eq, %and3A_218, %eq3A_224 : i32
      %jit3A_226 = arith.constant 2 : i32
      %jit3A_227 = arith.constant 16 : i32
      %select_n3A_228 = arith.select %eq3A_225, %jit3A_226, %jit3A_227 : i32
      %lt3A = vector.broadcast %select_n3A_228 : i32 to vector<16xi32>
      %lt3A_229 = arith.cmpi slt, %iota3A, %lt3A : vector<16xi32>
      %ge3A = vector.broadcast %mul3A_2 : i32 to vector<16xi32>
      %ge3A_230 = arith.cmpi sge, %get3A_223, %ge3A : vector<16xi32>
      %and3A_231 = arith.andi %lt3A_229, %ge3A_230 : vector<16xi1>
      %lt3A_232 = vector.broadcast %select_n3A : i32 to vector<16xi32>
      %lt3A_233 = arith.cmpi slt, %get3A_223, %lt3A_232 : vector<16xi32>
      %and3A_234 = arith.andi %and3A_231, %lt3A_233 : vector<16xi1>
      %broadcast_in_dim3A_235 = arith.constant 384 : i32
      %broadcast_in_dim3A_236 = vector.broadcast %broadcast_in_dim3A_235 : i32 to vector<16xi32>
      %add3A_237 = vector.broadcast %shift_right_arithmetic3A_216 : i32 to vector<16xi32>
      %add3A_238 = arith.addi %broadcast_in_dim3A_236, %add3A_237 : vector<16xi32>
      %min3A = arith.constant 2032 : i32
      %min3A_239 = arith.minsi %scan3A_215, %min3A : i32
      %swap3A_240 = arith.index_cast %min3A_239 : i32 to index
      %swap3A_241 = tpu.vector_load %arg8[%swap3A_240] masked %and3A_234 {strides = array<i32>} : memref<2048xi32, #tpu.memory_space<vmem>>, vector<16xi32>, vector<16xi1>
      tpu.vector_store %arg8[%swap3A_240], %get3A_223 masked %and3A_234 {strides = array<i32>} : memref<2048xi32, #tpu.memory_space<vmem>>, vector<16xi32>, vector<16xi1>
      %swap3A_242 = arith.index_cast %min3A_239 : i32 to index
      %swap3A_243 = tpu.vector_load %arg9[%swap3A_242] masked %and3A_234 {strides = array<i32>} : memref<2048xi32, #tpu.memory_space<vmem>>, vector<16xi32>, vector<16xi1>
      tpu.vector_store %arg9[%swap3A_242], %add3A_238 masked %and3A_234 {strides = array<i32>} : memref<2048xi32, #tpu.memory_space<vmem>>, vector<16xi32>, vector<16xi1>
      %all_reduce_population_count3A = tpu.all_reduce %and3A_234 {dim = 0 : i64, kind = #tpu.reduction_kind<sum>} : vector<16xi1> -> vector<16xi32>
      %slice3A = vector.extract_strided_slice %all_reduce_population_count3A {offsets = [0], sizes = [1], strides = [1]} : vector<16xi32> to vector<1xi32>
      %squeeze3A = vector.extract %slice3A[0] : i32 from vector<1xi32>
      %add3A_244 = arith.addi %scan3A_215, %squeeze3A : i32
      %scan3A_245 = arith.constant 1 : i32
      %scan3A_246 = arith.addi %scan3A_214, %scan3A_245 : i32
      %shift_right_arithmetic3A_247 = arith.constant 2 : i32
      %shift_right_arithmetic3A_248 = arith.shrsi %scan3A_246, %shift_right_arithmetic3A_247 : i32
      %and3A_249 = arith.constant 3 : i32
      %and3A_250 = arith.andi %scan3A_246, %and3A_249 : i32
      %mul3A_251 = arith.constant 16 : i32
      %mul3A_252 = arith.muli %and3A_250, %mul3A_251 : i32
      %get3A_253 = arith.index_cast %shift_right_arithmetic3A_248 : i32 to index
      %get3A_254 = arith.index_cast %mul3A_252 : i32 to index
      %get3A_255 = tpu.vector_load %arg7[%get3A_253, %get3A_254] {strides = array<i32>} : memref<128x64xi32, #tpu.memory_space<vmem>>, vector<16xi32>,
      %eq3A_256 = arith.constant 3 : i32
      %eq3A_257 = arith.cmpi eq, %and3A_250, %eq3A_256 : i32
      %jit3A_258 = arith.constant 2 : i32
      %jit3A_259 = arith.constant 16 : i32
      %select_n3A_260 = arith.select %eq3A_257, %jit3A_258, %jit3A_259 : i32
      %lt3A_261 = vector.broadcast %select_n3A_260 : i32 to vector<16xi32>
      %lt3A_262 = arith.cmpi slt, %iota3A, %lt3A_261 : vector<16xi32>
      %ge3A_263 = vector.broadcast %mul3A_2 : i32 to vector<16xi32>
      %ge3A_264 = arith.cmpi sge, %get3A_255, %ge3A_263 : vector<16xi32>
      %and3A_265 = arith.andi %lt3A_262, %ge3A_264 : vector<16xi1>
      %lt3A_266 = vector.broadcast %select_n3A : i32 to vector<16xi32>
      %lt3A_267 = arith.cmpi slt, %get3A_255, %lt3A_266 : vector<16xi32>
      %and3A_268 = arith.andi %and3A_265, %lt3A_267 : vector<16xi1>
      %broadcast_in_dim3A_269 = arith.constant 384 : i32
      %broadcast_in_dim3A_270 = vector.broadcast %broadcast_in_dim3A_269 : i32 to vector<16xi32>
      %add3A_271 = vector.broadcast %shift_right_arithmetic3A_248 : i32 to vector<16xi32>
      %add3A_272 = arith.addi %broadcast_in_dim3A_270, %add3A_271 : vector<16xi32>
      %min3A_273 = arith.constant 2032 : i32
      %min3A_274 = arith.minsi %add3A_244, %min3A_273 : i32
      %swap3A_275 = arith.index_cast %min3A_274 : i32 to index
      %swap3A_276 = tpu.vector_load %arg8[%swap3A_275] masked %and3A_268 {strides = array<i32>} : memref<2048xi32, #tpu.memory_space<vmem>>, vector<16xi32>, vector<16xi1>
      tpu.vector_store %arg8[%swap3A_275], %get3A_255 masked %and3A_268 {strides = array<i32>} : memref<2048xi32, #tpu.memory_space<vmem>>, vector<16xi32>, vector<16xi1>
      %swap3A_277 = arith.index_cast %min3A_274 : i32 to index
      %swap3A_278 = tpu.vector_load %arg9[%swap3A_277] masked %and3A_268 {strides = array<i32>} : memref<2048xi32, #tpu.memory_space<vmem>>, vector<16xi32>, vector<16xi1>
      tpu.vector_store %arg9[%swap3A_277], %add3A_272 masked %and3A_268 {strides = array<i32>} : memref<2048xi32, #tpu.memory_space<vmem>>, vector<16xi32>, vector<16xi1>
      %all_reduce_population_count3A_279 = tpu.all_reduce %and3A_268 {dim = 0 : i64, kind = #tpu.reduction_kind<sum>} : vector<16xi1> -> vector<16xi32>
      %slice3A_280 = vector.extract_strided_slice %all_reduce_population_count3A_279 {offsets = [0], sizes = [1], strides = [1]} : vector<16xi32> to vector<1xi32>
      %squeeze3A_281 = vector.extract %slice3A_280[0] : i32 from vector<1xi32>
      %add3A_282 = arith.addi %add3A_244, %squeeze3A_281 : i32
      scf.yield %add3A_282 : i32
    }
    %scan3A_107 = arith.constant 512 : i32
    %dma_wait3A_108 = arith.constant 512 : i32
    %dma_wait3A_109 = arith.constant 0 : i32
    %dma_wait3A_110 = tpu.memref_slice %arg4[%dma_wait3A_108, %dma_wait3A_109] : memref<1024x64xi32, #tpu.memory_space<hbm>> -> memref<128x64xi32, #tpu.memory_space<hbm>>
    %dma_wait3A_111 = arith.constant 512 : i32
    %dma_wait3A_112 = arith.constant 0 : i32
    %dma_wait3A_113 = tpu.memref_slice %arg4[%dma_wait3A_111, %dma_wait3A_112] : memref<1024x64xi32, #tpu.memory_space<hbm>> -> memref<128x64xi32, #tpu.memory_space<hbm>>
    tpu.wait_dma2 semaphore(%arg18 : memref<!tpu.dma_semaphore, #tpu.memory_space<semaphore_mem>>) src(%dma_wait3A_113 : memref<128x64xi32, #tpu.memory_space<hbm>>) dst(%arg6 : memref<128x64xi32, #tpu.memory_space<vmem>>)
    %dma_start3A_114 = arith.constant 640 : i32
    %dma_start3A_115 = arith.constant 0 : i32
    %dma_start3A_116 = tpu.memref_slice %arg4[%dma_start3A_114, %dma_start3A_115] : memref<1024x64xi32, #tpu.memory_space<hbm>> -> memref<128x64xi32, #tpu.memory_space<hbm>>
    %dma_start3A_117 = arith.constant 640 : i32
    %dma_start3A_118 = arith.constant 0 : i32
    %dma_start3A_119 = tpu.memref_slice %arg4[%dma_start3A_117, %dma_start3A_118] : memref<1024x64xi32, #tpu.memory_space<hbm>> -> memref<128x64xi32, #tpu.memory_space<hbm>>
    tpu.enqueue_dma source(%dma_start3A_119 : memref<128x64xi32, #tpu.memory_space<hbm>>) target(%arg7 : memref<128x64xi32, #tpu.memory_space<vmem>>) target_semaphore(%arg18 : memref<!tpu.dma_semaphore, #tpu.memory_space<semaphore_mem>>)
    %scan3A_120 = arith.constant 0 : i32
    %scan3A_121 = arith.constant 512 : i32
    %scan3A_122 = arith.addi %scan3A_120, %scan3A_121 : i32
    %scan3A_123 = arith.constant 2 : i32
    %scan3A_124 = scf.for %scan3A_214 = %scan3A_120 to %scan3A_122 step %scan3A_123 iter_args(%scan3A_215 = %scan3A_106) -> (i32)  : i32 {
      %shift_right_arithmetic3A = arith.constant 2 : i32
      %shift_right_arithmetic3A_216 = arith.shrsi %scan3A_214, %shift_right_arithmetic3A : i32
      %and3A_217 = arith.constant 3 : i32
      %and3A_218 = arith.andi %scan3A_214, %and3A_217 : i32
      %mul3A_219 = arith.constant 16 : i32
      %mul3A_220 = arith.muli %and3A_218, %mul3A_219 : i32
      %get3A_221 = arith.index_cast %shift_right_arithmetic3A_216 : i32 to index
      %get3A_222 = arith.index_cast %mul3A_220 : i32 to index
      %get3A_223 = tpu.vector_load %arg6[%get3A_221, %get3A_222] {strides = array<i32>} : memref<128x64xi32, #tpu.memory_space<vmem>>, vector<16xi32>,
      %eq3A_224 = arith.constant 3 : i32
      %eq3A_225 = arith.cmpi eq, %and3A_218, %eq3A_224 : i32
      %jit3A_226 = arith.constant 2 : i32
      %jit3A_227 = arith.constant 16 : i32
      %select_n3A_228 = arith.select %eq3A_225, %jit3A_226, %jit3A_227 : i32
      %lt3A = vector.broadcast %select_n3A_228 : i32 to vector<16xi32>
      %lt3A_229 = arith.cmpi slt, %iota3A, %lt3A : vector<16xi32>
      %ge3A = vector.broadcast %mul3A_2 : i32 to vector<16xi32>
      %ge3A_230 = arith.cmpi sge, %get3A_223, %ge3A : vector<16xi32>
      %and3A_231 = arith.andi %lt3A_229, %ge3A_230 : vector<16xi1>
      %lt3A_232 = vector.broadcast %select_n3A : i32 to vector<16xi32>
      %lt3A_233 = arith.cmpi slt, %get3A_223, %lt3A_232 : vector<16xi32>
      %and3A_234 = arith.andi %and3A_231, %lt3A_233 : vector<16xi1>
      %broadcast_in_dim3A_235 = arith.constant 512 : i32
      %broadcast_in_dim3A_236 = vector.broadcast %broadcast_in_dim3A_235 : i32 to vector<16xi32>
      %add3A_237 = vector.broadcast %shift_right_arithmetic3A_216 : i32 to vector<16xi32>
      %add3A_238 = arith.addi %broadcast_in_dim3A_236, %add3A_237 : vector<16xi32>
      %min3A = arith.constant 2032 : i32
      %min3A_239 = arith.minsi %scan3A_215, %min3A : i32
      %swap3A_240 = arith.index_cast %min3A_239 : i32 to index
      %swap3A_241 = tpu.vector_load %arg8[%swap3A_240] masked %and3A_234 {strides = array<i32>} : memref<2048xi32, #tpu.memory_space<vmem>>, vector<16xi32>, vector<16xi1>
      tpu.vector_store %arg8[%swap3A_240], %get3A_223 masked %and3A_234 {strides = array<i32>} : memref<2048xi32, #tpu.memory_space<vmem>>, vector<16xi32>, vector<16xi1>
      %swap3A_242 = arith.index_cast %min3A_239 : i32 to index
      %swap3A_243 = tpu.vector_load %arg9[%swap3A_242] masked %and3A_234 {strides = array<i32>} : memref<2048xi32, #tpu.memory_space<vmem>>, vector<16xi32>, vector<16xi1>
      tpu.vector_store %arg9[%swap3A_242], %add3A_238 masked %and3A_234 {strides = array<i32>} : memref<2048xi32, #tpu.memory_space<vmem>>, vector<16xi32>, vector<16xi1>
      %all_reduce_population_count3A = tpu.all_reduce %and3A_234 {dim = 0 : i64, kind = #tpu.reduction_kind<sum>} : vector<16xi1> -> vector<16xi32>
      %slice3A = vector.extract_strided_slice %all_reduce_population_count3A {offsets = [0], sizes = [1], strides = [1]} : vector<16xi32> to vector<1xi32>
      %squeeze3A = vector.extract %slice3A[0] : i32 from vector<1xi32>
      %add3A_244 = arith.addi %scan3A_215, %squeeze3A : i32
      %scan3A_245 = arith.constant 1 : i32
      %scan3A_246 = arith.addi %scan3A_214, %scan3A_245 : i32
      %shift_right_arithmetic3A_247 = arith.constant 2 : i32
      %shift_right_arithmetic3A_248 = arith.shrsi %scan3A_246, %shift_right_arithmetic3A_247 : i32
      %and3A_249 = arith.constant 3 : i32
      %and3A_250 = arith.andi %scan3A_246, %and3A_249 : i32
      %mul3A_251 = arith.constant 16 : i32
      %mul3A_252 = arith.muli %and3A_250, %mul3A_251 : i32
      %get3A_253 = arith.index_cast %shift_right_arithmetic3A_248 : i32 to index
      %get3A_254 = arith.index_cast %mul3A_252 : i32 to index
      %get3A_255 = tpu.vector_load %arg6[%get3A_253, %get3A_254] {strides = array<i32>} : memref<128x64xi32, #tpu.memory_space<vmem>>, vector<16xi32>,
      %eq3A_256 = arith.constant 3 : i32
      %eq3A_257 = arith.cmpi eq, %and3A_250, %eq3A_256 : i32
      %jit3A_258 = arith.constant 2 : i32
      %jit3A_259 = arith.constant 16 : i32
      %select_n3A_260 = arith.select %eq3A_257, %jit3A_258, %jit3A_259 : i32
      %lt3A_261 = vector.broadcast %select_n3A_260 : i32 to vector<16xi32>
      %lt3A_262 = arith.cmpi slt, %iota3A, %lt3A_261 : vector<16xi32>
      %ge3A_263 = vector.broadcast %mul3A_2 : i32 to vector<16xi32>
      %ge3A_264 = arith.cmpi sge, %get3A_255, %ge3A_263 : vector<16xi32>
      %and3A_265 = arith.andi %lt3A_262, %ge3A_264 : vector<16xi1>
      %lt3A_266 = vector.broadcast %select_n3A : i32 to vector<16xi32>
      %lt3A_267 = arith.cmpi slt, %get3A_255, %lt3A_266 : vector<16xi32>
      %and3A_268 = arith.andi %and3A_265, %lt3A_267 : vector<16xi1>
      %broadcast_in_dim3A_269 = arith.constant 512 : i32
      %broadcast_in_dim3A_270 = vector.broadcast %broadcast_in_dim3A_269 : i32 to vector<16xi32>
      %add3A_271 = vector.broadcast %shift_right_arithmetic3A_248 : i32 to vector<16xi32>
      %add3A_272 = arith.addi %broadcast_in_dim3A_270, %add3A_271 : vector<16xi32>
      %min3A_273 = arith.constant 2032 : i32
      %min3A_274 = arith.minsi %add3A_244, %min3A_273 : i32
      %swap3A_275 = arith.index_cast %min3A_274 : i32 to index
      %swap3A_276 = tpu.vector_load %arg8[%swap3A_275] masked %and3A_268 {strides = array<i32>} : memref<2048xi32, #tpu.memory_space<vmem>>, vector<16xi32>, vector<16xi1>
      tpu.vector_store %arg8[%swap3A_275], %get3A_255 masked %and3A_268 {strides = array<i32>} : memref<2048xi32, #tpu.memory_space<vmem>>, vector<16xi32>, vector<16xi1>
      %swap3A_277 = arith.index_cast %min3A_274 : i32 to index
      %swap3A_278 = tpu.vector_load %arg9[%swap3A_277] masked %and3A_268 {strides = array<i32>} : memref<2048xi32, #tpu.memory_space<vmem>>, vector<16xi32>, vector<16xi1>
      tpu.vector_store %arg9[%swap3A_277], %add3A_272 masked %and3A_268 {strides = array<i32>} : memref<2048xi32, #tpu.memory_space<vmem>>, vector<16xi32>, vector<16xi1>
      %all_reduce_population_count3A_279 = tpu.all_reduce %and3A_268 {dim = 0 : i64, kind = #tpu.reduction_kind<sum>} : vector<16xi1> -> vector<16xi32>
      %slice3A_280 = vector.extract_strided_slice %all_reduce_population_count3A_279 {offsets = [0], sizes = [1], strides = [1]} : vector<16xi32> to vector<1xi32>
      %squeeze3A_281 = vector.extract %slice3A_280[0] : i32 from vector<1xi32>
      %add3A_282 = arith.addi %add3A_244, %squeeze3A_281 : i32
      scf.yield %add3A_282 : i32
    }
    %scan3A_125 = arith.constant 512 : i32
    %dma_wait3A_126 = arith.constant 640 : i32
    %dma_wait3A_127 = arith.constant 0 : i32
    %dma_wait3A_128 = tpu.memref_slice %arg4[%dma_wait3A_126, %dma_wait3A_127] : memref<1024x64xi32, #tpu.memory_space<hbm>> -> memref<128x64xi32, #tpu.memory_space<hbm>>
    %dma_wait3A_129 = arith.constant 640 : i32
    %dma_wait3A_130 = arith.constant 0 : i32
    %dma_wait3A_131 = tpu.memref_slice %arg4[%dma_wait3A_129, %dma_wait3A_130] : memref<1024x64xi32, #tpu.memory_space<hbm>> -> memref<128x64xi32, #tpu.memory_space<hbm>>
    tpu.wait_dma2 semaphore(%arg18 : memref<!tpu.dma_semaphore, #tpu.memory_space<semaphore_mem>>) src(%dma_wait3A_131 : memref<128x64xi32, #tpu.memory_space<hbm>>) dst(%arg7 : memref<128x64xi32, #tpu.memory_space<vmem>>)
    %dma_start3A_132 = arith.constant 768 : i32
    %dma_start3A_133 = arith.constant 0 : i32
    %dma_start3A_134 = tpu.memref_slice %arg4[%dma_start3A_132, %dma_start3A_133] : memref<1024x64xi32, #tpu.memory_space<hbm>> -> memref<128x64xi32, #tpu.memory_space<hbm>>
    %dma_start3A_135 = arith.constant 768 : i32
    %dma_start3A_136 = arith.constant 0 : i32
    %dma_start3A_137 = tpu.memref_slice %arg4[%dma_start3A_135, %dma_start3A_136] : memref<1024x64xi32, #tpu.memory_space<hbm>> -> memref<128x64xi32, #tpu.memory_space<hbm>>
    tpu.enqueue_dma source(%dma_start3A_137 : memref<128x64xi32, #tpu.memory_space<hbm>>) target(%arg6 : memref<128x64xi32, #tpu.memory_space<vmem>>) target_semaphore(%arg18 : memref<!tpu.dma_semaphore, #tpu.memory_space<semaphore_mem>>)
    %scan3A_138 = arith.constant 0 : i32
    %scan3A_139 = arith.constant 512 : i32
    %scan3A_140 = arith.addi %scan3A_138, %scan3A_139 : i32
    %scan3A_141 = arith.constant 2 : i32
    %scan3A_142 = scf.for %scan3A_214 = %scan3A_138 to %scan3A_140 step %scan3A_141 iter_args(%scan3A_215 = %scan3A_124) -> (i32)  : i32 {
      %shift_right_arithmetic3A = arith.constant 2 : i32
      %shift_right_arithmetic3A_216 = arith.shrsi %scan3A_214, %shift_right_arithmetic3A : i32
      %and3A_217 = arith.constant 3 : i32
      %and3A_218 = arith.andi %scan3A_214, %and3A_217 : i32
      %mul3A_219 = arith.constant 16 : i32
      %mul3A_220 = arith.muli %and3A_218, %mul3A_219 : i32
      %get3A_221 = arith.index_cast %shift_right_arithmetic3A_216 : i32 to index
      %get3A_222 = arith.index_cast %mul3A_220 : i32 to index
      %get3A_223 = tpu.vector_load %arg7[%get3A_221, %get3A_222] {strides = array<i32>} : memref<128x64xi32, #tpu.memory_space<vmem>>, vector<16xi32>,
      %eq3A_224 = arith.constant 3 : i32
      %eq3A_225 = arith.cmpi eq, %and3A_218, %eq3A_224 : i32
      %jit3A_226 = arith.constant 2 : i32
      %jit3A_227 = arith.constant 16 : i32
      %select_n3A_228 = arith.select %eq3A_225, %jit3A_226, %jit3A_227 : i32
      %lt3A = vector.broadcast %select_n3A_228 : i32 to vector<16xi32>
      %lt3A_229 = arith.cmpi slt, %iota3A, %lt3A : vector<16xi32>
      %ge3A = vector.broadcast %mul3A_2 : i32 to vector<16xi32>
      %ge3A_230 = arith.cmpi sge, %get3A_223, %ge3A : vector<16xi32>
      %and3A_231 = arith.andi %lt3A_229, %ge3A_230 : vector<16xi1>
      %lt3A_232 = vector.broadcast %select_n3A : i32 to vector<16xi32>
      %lt3A_233 = arith.cmpi slt, %get3A_223, %lt3A_232 : vector<16xi32>
      %and3A_234 = arith.andi %and3A_231, %lt3A_233 : vector<16xi1>
      %broadcast_in_dim3A_235 = arith.constant 640 : i32
      %broadcast_in_dim3A_236 = vector.broadcast %broadcast_in_dim3A_235 : i32 to vector<16xi32>
      %add3A_237 = vector.broadcast %shift_right_arithmetic3A_216 : i32 to vector<16xi32>
      %add3A_238 = arith.addi %broadcast_in_dim3A_236, %add3A_237 : vector<16xi32>
      %min3A = arith.constant 2032 : i32
      %min3A_239 = arith.minsi %scan3A_215, %min3A : i32
      %swap3A_240 = arith.index_cast %min3A_239 : i32 to index
      %swap3A_241 = tpu.vector_load %arg8[%swap3A_240] masked %and3A_234 {strides = array<i32>} : memref<2048xi32, #tpu.memory_space<vmem>>, vector<16xi32>, vector<16xi1>
      tpu.vector_store %arg8[%swap3A_240], %get3A_223 masked %and3A_234 {strides = array<i32>} : memref<2048xi32, #tpu.memory_space<vmem>>, vector<16xi32>, vector<16xi1>
      %swap3A_242 = arith.index_cast %min3A_239 : i32 to index
      %swap3A_243 = tpu.vector_load %arg9[%swap3A_242] masked %and3A_234 {strides = array<i32>} : memref<2048xi32, #tpu.memory_space<vmem>>, vector<16xi32>, vector<16xi1>
      tpu.vector_store %arg9[%swap3A_242], %add3A_238 masked %and3A_234 {strides = array<i32>} : memref<2048xi32, #tpu.memory_space<vmem>>, vector<16xi32>, vector<16xi1>
      %all_reduce_population_count3A = tpu.all_reduce %and3A_234 {dim = 0 : i64, kind = #tpu.reduction_kind<sum>} : vector<16xi1> -> vector<16xi32>
      %slice3A = vector.extract_strided_slice %all_reduce_population_count3A {offsets = [0], sizes = [1], strides = [1]} : vector<16xi32> to vector<1xi32>
      %squeeze3A = vector.extract %slice3A[0] : i32 from vector<1xi32>
      %add3A_244 = arith.addi %scan3A_215, %squeeze3A : i32
      %scan3A_245 = arith.constant 1 : i32
      %scan3A_246 = arith.addi %scan3A_214, %scan3A_245 : i32
      %shift_right_arithmetic3A_247 = arith.constant 2 : i32
      %shift_right_arithmetic3A_248 = arith.shrsi %scan3A_246, %shift_right_arithmetic3A_247 : i32
      %and3A_249 = arith.constant 3 : i32
      %and3A_250 = arith.andi %scan3A_246, %and3A_249 : i32
      %mul3A_251 = arith.constant 16 : i32
      %mul3A_252 = arith.muli %and3A_250, %mul3A_251 : i32
      %get3A_253 = arith.index_cast %shift_right_arithmetic3A_248 : i32 to index
      %get3A_254 = arith.index_cast %mul3A_252 : i32 to index
      %get3A_255 = tpu.vector_load %arg7[%get3A_253, %get3A_254] {strides = array<i32>} : memref<128x64xi32, #tpu.memory_space<vmem>>, vector<16xi32>,
      %eq3A_256 = arith.constant 3 : i32
      %eq3A_257 = arith.cmpi eq, %and3A_250, %eq3A_256 : i32
      %jit3A_258 = arith.constant 2 : i32
      %jit3A_259 = arith.constant 16 : i32
      %select_n3A_260 = arith.select %eq3A_257, %jit3A_258, %jit3A_259 : i32
      %lt3A_261 = vector.broadcast %select_n3A_260 : i32 to vector<16xi32>
      %lt3A_262 = arith.cmpi slt, %iota3A, %lt3A_261 : vector<16xi32>
      %ge3A_263 = vector.broadcast %mul3A_2 : i32 to vector<16xi32>
      %ge3A_264 = arith.cmpi sge, %get3A_255, %ge3A_263 : vector<16xi32>
      %and3A_265 = arith.andi %lt3A_262, %ge3A_264 : vector<16xi1>
      %lt3A_266 = vector.broadcast %select_n3A : i32 to vector<16xi32>
      %lt3A_267 = arith.cmpi slt, %get3A_255, %lt3A_266 : vector<16xi32>
      %and3A_268 = arith.andi %and3A_265, %lt3A_267 : vector<16xi1>
      %broadcast_in_dim3A_269 = arith.constant 640 : i32
      %broadcast_in_dim3A_270 = vector.broadcast %broadcast_in_dim3A_269 : i32 to vector<16xi32>
      %add3A_271 = vector.broadcast %shift_right_arithmetic3A_248 : i32 to vector<16xi32>
      %add3A_272 = arith.addi %broadcast_in_dim3A_270, %add3A_271 : vector<16xi32>
      %min3A_273 = arith.constant 2032 : i32
      %min3A_274 = arith.minsi %add3A_244, %min3A_273 : i32
      %swap3A_275 = arith.index_cast %min3A_274 : i32 to index
      %swap3A_276 = tpu.vector_load %arg8[%swap3A_275] masked %and3A_268 {strides = array<i32>} : memref<2048xi32, #tpu.memory_space<vmem>>, vector<16xi32>, vector<16xi1>
      tpu.vector_store %arg8[%swap3A_275], %get3A_255 masked %and3A_268 {strides = array<i32>} : memref<2048xi32, #tpu.memory_space<vmem>>, vector<16xi32>, vector<16xi1>
      %swap3A_277 = arith.index_cast %min3A_274 : i32 to index
      %swap3A_278 = tpu.vector_load %arg9[%swap3A_277] masked %and3A_268 {strides = array<i32>} : memref<2048xi32, #tpu.memory_space<vmem>>, vector<16xi32>, vector<16xi1>
      tpu.vector_store %arg9[%swap3A_277], %add3A_272 masked %and3A_268 {strides = array<i32>} : memref<2048xi32, #tpu.memory_space<vmem>>, vector<16xi32>, vector<16xi1>
      %all_reduce_population_count3A_279 = tpu.all_reduce %and3A_268 {dim = 0 : i64, kind = #tpu.reduction_kind<sum>} : vector<16xi1> -> vector<16xi32>
      %slice3A_280 = vector.extract_strided_slice %all_reduce_population_count3A_279 {offsets = [0], sizes = [1], strides = [1]} : vector<16xi32> to vector<1xi32>
      %squeeze3A_281 = vector.extract %slice3A_280[0] : i32 from vector<1xi32>
      %add3A_282 = arith.addi %add3A_244, %squeeze3A_281 : i32
      scf.yield %add3A_282 : i32
    }
    %scan3A_143 = arith.constant 512 : i32
    %dma_wait3A_144 = arith.constant 768 : i32
    %dma_wait3A_145 = arith.constant 0 : i32
    %dma_wait3A_146 = tpu.memref_slice %arg4[%dma_wait3A_144, %dma_wait3A_145] : memref<1024x64xi32, #tpu.memory_space<hbm>> -> memref<128x64xi32, #tpu.memory_space<hbm>>
    %dma_wait3A_147 = arith.constant 768 : i32
    %dma_wait3A_148 = arith.constant 0 : i32
    %dma_wait3A_149 = tpu.memref_slice %arg4[%dma_wait3A_147, %dma_wait3A_148] : memref<1024x64xi32, #tpu.memory_space<hbm>> -> memref<128x64xi32, #tpu.memory_space<hbm>>
    tpu.wait_dma2 semaphore(%arg18 : memref<!tpu.dma_semaphore, #tpu.memory_space<semaphore_mem>>) src(%dma_wait3A_149 : memref<128x64xi32, #tpu.memory_space<hbm>>) dst(%arg6 : memref<128x64xi32, #tpu.memory_space<vmem>>)
    %dma_start3A_150 = arith.constant 896 : i32
    %dma_start3A_151 = arith.constant 0 : i32
    %dma_start3A_152 = tpu.memref_slice %arg4[%dma_start3A_150, %dma_start3A_151] : memref<1024x64xi32, #tpu.memory_space<hbm>> -> memref<128x64xi32, #tpu.memory_space<hbm>>
    %dma_start3A_153 = arith.constant 896 : i32
    %dma_start3A_154 = arith.constant 0 : i32
    %dma_start3A_155 = tpu.memref_slice %arg4[%dma_start3A_153, %dma_start3A_154] : memref<1024x64xi32, #tpu.memory_space<hbm>> -> memref<128x64xi32, #tpu.memory_space<hbm>>
    tpu.enqueue_dma source(%dma_start3A_155 : memref<128x64xi32, #tpu.memory_space<hbm>>) target(%arg7 : memref<128x64xi32, #tpu.memory_space<vmem>>) target_semaphore(%arg18 : memref<!tpu.dma_semaphore, #tpu.memory_space<semaphore_mem>>)
    %scan3A_156 = arith.constant 0 : i32
    %scan3A_157 = arith.constant 512 : i32
    %scan3A_158 = arith.addi %scan3A_156, %scan3A_157 : i32
    %scan3A_159 = arith.constant 2 : i32
    %scan3A_160 = scf.for %scan3A_214 = %scan3A_156 to %scan3A_158 step %scan3A_159 iter_args(%scan3A_215 = %scan3A_142) -> (i32)  : i32 {
      %shift_right_arithmetic3A = arith.constant 2 : i32
      %shift_right_arithmetic3A_216 = arith.shrsi %scan3A_214, %shift_right_arithmetic3A : i32
      %and3A_217 = arith.constant 3 : i32
      %and3A_218 = arith.andi %scan3A_214, %and3A_217 : i32
      %mul3A_219 = arith.constant 16 : i32
      %mul3A_220 = arith.muli %and3A_218, %mul3A_219 : i32
      %get3A_221 = arith.index_cast %shift_right_arithmetic3A_216 : i32 to index
      %get3A_222 = arith.index_cast %mul3A_220 : i32 to index
      %get3A_223 = tpu.vector_load %arg6[%get3A_221, %get3A_222] {strides = array<i32>} : memref<128x64xi32, #tpu.memory_space<vmem>>, vector<16xi32>,
      %eq3A_224 = arith.constant 3 : i32
      %eq3A_225 = arith.cmpi eq, %and3A_218, %eq3A_224 : i32
      %jit3A_226 = arith.constant 2 : i32
      %jit3A_227 = arith.constant 16 : i32
      %select_n3A_228 = arith.select %eq3A_225, %jit3A_226, %jit3A_227 : i32
      %lt3A = vector.broadcast %select_n3A_228 : i32 to vector<16xi32>
      %lt3A_229 = arith.cmpi slt, %iota3A, %lt3A : vector<16xi32>
      %ge3A = vector.broadcast %mul3A_2 : i32 to vector<16xi32>
      %ge3A_230 = arith.cmpi sge, %get3A_223, %ge3A : vector<16xi32>
      %and3A_231 = arith.andi %lt3A_229, %ge3A_230 : vector<16xi1>
      %lt3A_232 = vector.broadcast %select_n3A : i32 to vector<16xi32>
      %lt3A_233 = arith.cmpi slt, %get3A_223, %lt3A_232 : vector<16xi32>
      %and3A_234 = arith.andi %and3A_231, %lt3A_233 : vector<16xi1>
      %broadcast_in_dim3A_235 = arith.constant 768 : i32
      %broadcast_in_dim3A_236 = vector.broadcast %broadcast_in_dim3A_235 : i32 to vector<16xi32>
      %add3A_237 = vector.broadcast %shift_right_arithmetic3A_216 : i32 to vector<16xi32>
      %add3A_238 = arith.addi %broadcast_in_dim3A_236, %add3A_237 : vector<16xi32>
      %min3A = arith.constant 2032 : i32
      %min3A_239 = arith.minsi %scan3A_215, %min3A : i32
      %swap3A_240 = arith.index_cast %min3A_239 : i32 to index
      %swap3A_241 = tpu.vector_load %arg8[%swap3A_240] masked %and3A_234 {strides = array<i32>} : memref<2048xi32, #tpu.memory_space<vmem>>, vector<16xi32>, vector<16xi1>
      tpu.vector_store %arg8[%swap3A_240], %get3A_223 masked %and3A_234 {strides = array<i32>} : memref<2048xi32, #tpu.memory_space<vmem>>, vector<16xi32>, vector<16xi1>
      %swap3A_242 = arith.index_cast %min3A_239 : i32 to index
      %swap3A_243 = tpu.vector_load %arg9[%swap3A_242] masked %and3A_234 {strides = array<i32>} : memref<2048xi32, #tpu.memory_space<vmem>>, vector<16xi32>, vector<16xi1>
      tpu.vector_store %arg9[%swap3A_242], %add3A_238 masked %and3A_234 {strides = array<i32>} : memref<2048xi32, #tpu.memory_space<vmem>>, vector<16xi32>, vector<16xi1>
      %all_reduce_population_count3A = tpu.all_reduce %and3A_234 {dim = 0 : i64, kind = #tpu.reduction_kind<sum>} : vector<16xi1> -> vector<16xi32>
      %slice3A = vector.extract_strided_slice %all_reduce_population_count3A {offsets = [0], sizes = [1], strides = [1]} : vector<16xi32> to vector<1xi32>
      %squeeze3A = vector.extract %slice3A[0] : i32 from vector<1xi32>
      %add3A_244 = arith.addi %scan3A_215, %squeeze3A : i32
      %scan3A_245 = arith.constant 1 : i32
      %scan3A_246 = arith.addi %scan3A_214, %scan3A_245 : i32
      %shift_right_arithmetic3A_247 = arith.constant 2 : i32
      %shift_right_arithmetic3A_248 = arith.shrsi %scan3A_246, %shift_right_arithmetic3A_247 : i32
      %and3A_249 = arith.constant 3 : i32
      %and3A_250 = arith.andi %scan3A_246, %and3A_249 : i32
      %mul3A_251 = arith.constant 16 : i32
      %mul3A_252 = arith.muli %and3A_250, %mul3A_251 : i32
      %get3A_253 = arith.index_cast %shift_right_arithmetic3A_248 : i32 to index
      %get3A_254 = arith.index_cast %mul3A_252 : i32 to index
      %get3A_255 = tpu.vector_load %arg6[%get3A_253, %get3A_254] {strides = array<i32>} : memref<128x64xi32, #tpu.memory_space<vmem>>, vector<16xi32>,
      %eq3A_256 = arith.constant 3 : i32
      %eq3A_257 = arith.cmpi eq, %and3A_250, %eq3A_256 : i32
      %jit3A_258 = arith.constant 2 : i32
      %jit3A_259 = arith.constant 16 : i32
      %select_n3A_260 = arith.select %eq3A_257, %jit3A_258, %jit3A_259 : i32
      %lt3A_261 = vector.broadcast %select_n3A_260 : i32 to vector<16xi32>
      %lt3A_262 = arith.cmpi slt, %iota3A, %lt3A_261 : vector<16xi32>
      %ge3A_263 = vector.broadcast %mul3A_2 : i32 to vector<16xi32>
      %ge3A_264 = arith.cmpi sge, %get3A_255, %ge3A_263 : vector<16xi32>
      %and3A_265 = arith.andi %lt3A_262, %ge3A_264 : vector<16xi1>
      %lt3A_266 = vector.broadcast %select_n3A : i32 to vector<16xi32>
      %lt3A_267 = arith.cmpi slt, %get3A_255, %lt3A_266 : vector<16xi32>
      %and3A_268 = arith.andi %and3A_265, %lt3A_267 : vector<16xi1>
      %broadcast_in_dim3A_269 = arith.constant 768 : i32
      %broadcast_in_dim3A_270 = vector.broadcast %broadcast_in_dim3A_269 : i32 to vector<16xi32>
      %add3A_271 = vector.broadcast %shift_right_arithmetic3A_248 : i32 to vector<16xi32>
      %add3A_272 = arith.addi %broadcast_in_dim3A_270, %add3A_271 : vector<16xi32>
      %min3A_273 = arith.constant 2032 : i32
      %min3A_274 = arith.minsi %add3A_244, %min3A_273 : i32
      %swap3A_275 = arith.index_cast %min3A_274 : i32 to index
      %swap3A_276 = tpu.vector_load %arg8[%swap3A_275] masked %and3A_268 {strides = array<i32>} : memref<2048xi32, #tpu.memory_space<vmem>>, vector<16xi32>, vector<16xi1>
      tpu.vector_store %arg8[%swap3A_275], %get3A_255 masked %and3A_268 {strides = array<i32>} : memref<2048xi32, #tpu.memory_space<vmem>>, vector<16xi32>, vector<16xi1>
      %swap3A_277 = arith.index_cast %min3A_274 : i32 to index
      %swap3A_278 = tpu.vector_load %arg9[%swap3A_277] masked %and3A_268 {strides = array<i32>} : memref<2048xi32, #tpu.memory_space<vmem>>, vector<16xi32>, vector<16xi1>
      tpu.vector_store %arg9[%swap3A_277], %add3A_272 masked %and3A_268 {strides = array<i32>} : memref<2048xi32, #tpu.memory_space<vmem>>, vector<16xi32>, vector<16xi1>
      %all_reduce_population_count3A_279 = tpu.all_reduce %and3A_268 {dim = 0 : i64, kind = #tpu.reduction_kind<sum>} : vector<16xi1> -> vector<16xi32>
      %slice3A_280 = vector.extract_strided_slice %all_reduce_population_count3A_279 {offsets = [0], sizes = [1], strides = [1]} : vector<16xi32> to vector<1xi32>
      %squeeze3A_281 = vector.extract %slice3A_280[0] : i32 from vector<1xi32>
      %add3A_282 = arith.addi %add3A_244, %squeeze3A_281 : i32
      scf.yield %add3A_282 : i32
    }
    %scan3A_161 = arith.constant 512 : i32
    %dma_wait3A_162 = arith.constant 896 : i32
    %dma_wait3A_163 = arith.constant 0 : i32
    %dma_wait3A_164 = tpu.memref_slice %arg4[%dma_wait3A_162, %dma_wait3A_163] : memref<1024x64xi32, #tpu.memory_space<hbm>> -> memref<128x64xi32, #tpu.memory_space<hbm>>
    %dma_wait3A_165 = arith.constant 896 : i32
    %dma_wait3A_166 = arith.constant 0 : i32
    %dma_wait3A_167 = tpu.memref_slice %arg4[%dma_wait3A_165, %dma_wait3A_166] : memref<1024x64xi32, #tpu.memory_space<hbm>> -> memref<128x64xi32, #tpu.memory_space<hbm>>
    tpu.wait_dma2 semaphore(%arg18 : memref<!tpu.dma_semaphore, #tpu.memory_space<semaphore_mem>>) src(%dma_wait3A_167 : memref<128x64xi32, #tpu.memory_space<hbm>>) dst(%arg7 : memref<128x64xi32, #tpu.memory_space<vmem>>)
    %scan3A_168 = arith.constant 0 : i32
    %scan3A_169 = arith.constant 512 : i32
    %scan3A_170 = arith.addi %scan3A_168, %scan3A_169 : i32
    %scan3A_171 = arith.constant 2 : i32
    %scan3A_172 = scf.for %scan3A_214 = %scan3A_168 to %scan3A_170 step %scan3A_171 iter_args(%scan3A_215 = %scan3A_160) -> (i32)  : i32 {
      %shift_right_arithmetic3A = arith.constant 2 : i32
      %shift_right_arithmetic3A_216 = arith.shrsi %scan3A_214, %shift_right_arithmetic3A : i32
      %and3A_217 = arith.constant 3 : i32
      %and3A_218 = arith.andi %scan3A_214, %and3A_217 : i32
      %mul3A_219 = arith.constant 16 : i32
      %mul3A_220 = arith.muli %and3A_218, %mul3A_219 : i32
      %get3A_221 = arith.index_cast %shift_right_arithmetic3A_216 : i32 to index
      %get3A_222 = arith.index_cast %mul3A_220 : i32 to index
      %get3A_223 = tpu.vector_load %arg7[%get3A_221, %get3A_222] {strides = array<i32>} : memref<128x64xi32, #tpu.memory_space<vmem>>, vector<16xi32>,
      %eq3A_224 = arith.constant 3 : i32
      %eq3A_225 = arith.cmpi eq, %and3A_218, %eq3A_224 : i32
      %jit3A_226 = arith.constant 2 : i32
      %jit3A_227 = arith.constant 16 : i32
      %select_n3A_228 = arith.select %eq3A_225, %jit3A_226, %jit3A_227 : i32
      %lt3A = vector.broadcast %select_n3A_228 : i32 to vector<16xi32>
      %lt3A_229 = arith.cmpi slt, %iota3A, %lt3A : vector<16xi32>
      %ge3A = vector.broadcast %mul3A_2 : i32 to vector<16xi32>
      %ge3A_230 = arith.cmpi sge, %get3A_223, %ge3A : vector<16xi32>
      %and3A_231 = arith.andi %lt3A_229, %ge3A_230 : vector<16xi1>
      %lt3A_232 = vector.broadcast %select_n3A : i32 to vector<16xi32>
      %lt3A_233 = arith.cmpi slt, %get3A_223, %lt3A_232 : vector<16xi32>
      %and3A_234 = arith.andi %and3A_231, %lt3A_233 : vector<16xi1>
      %broadcast_in_dim3A_235 = arith.constant 896 : i32
      %broadcast_in_dim3A_236 = vector.broadcast %broadcast_in_dim3A_235 : i32 to vector<16xi32>
      %add3A_237 = vector.broadcast %shift_right_arithmetic3A_216 : i32 to vector<16xi32>
      %add3A_238 = arith.addi %broadcast_in_dim3A_236, %add3A_237 : vector<16xi32>
      %min3A = arith.constant 2032 : i32
      %min3A_239 = arith.minsi %scan3A_215, %min3A : i32
      %swap3A_240 = arith.index_cast %min3A_239 : i32 to index
      %swap3A_241 = tpu.vector_load %arg8[%swap3A_240] masked %and3A_234 {strides = array<i32>} : memref<2048xi32, #tpu.memory_space<vmem>>, vector<16xi32>, vector<16xi1>
      tpu.vector_store %arg8[%swap3A_240], %get3A_223 masked %and3A_234 {strides = array<i32>} : memref<2048xi32, #tpu.memory_space<vmem>>, vector<16xi32>, vector<16xi1>
      %swap3A_242 = arith.index_cast %min3A_239 : i32 to index
      %swap3A_243 = tpu.vector_load %arg9[%swap3A_242] masked %and3A_234 {strides = array<i32>} : memref<2048xi32, #tpu.memory_space<vmem>>, vector<16xi32>, vector<16xi1>
      tpu.vector_store %arg9[%swap3A_242], %add3A_238 masked %and3A_234 {strides = array<i32>} : memref<2048xi32, #tpu.memory_space<vmem>>, vector<16xi32>, vector<16xi1>
      %all_reduce_population_count3A = tpu.all_reduce %and3A_234 {dim = 0 : i64, kind = #tpu.reduction_kind<sum>} : vector<16xi1> -> vector<16xi32>
      %slice3A = vector.extract_strided_slice %all_reduce_population_count3A {offsets = [0], sizes = [1], strides = [1]} : vector<16xi32> to vector<1xi32>
      %squeeze3A = vector.extract %slice3A[0] : i32 from vector<1xi32>
      %add3A_244 = arith.addi %scan3A_215, %squeeze3A : i32
      %scan3A_245 = arith.constant 1 : i32
      %scan3A_246 = arith.addi %scan3A_214, %scan3A_245 : i32
      %shift_right_arithmetic3A_247 = arith.constant 2 : i32
      %shift_right_arithmetic3A_248 = arith.shrsi %scan3A_246, %shift_right_arithmetic3A_247 : i32
      %and3A_249 = arith.constant 3 : i32
      %and3A_250 = arith.andi %scan3A_246, %and3A_249 : i32
      %mul3A_251 = arith.constant 16 : i32
      %mul3A_252 = arith.muli %and3A_250, %mul3A_251 : i32
      %get3A_253 = arith.index_cast %shift_right_arithmetic3A_248 : i32 to index
      %get3A_254 = arith.index_cast %mul3A_252 : i32 to index
      %get3A_255 = tpu.vector_load %arg7[%get3A_253, %get3A_254] {strides = array<i32>} : memref<128x64xi32, #tpu.memory_space<vmem>>, vector<16xi32>,
      %eq3A_256 = arith.constant 3 : i32
      %eq3A_257 = arith.cmpi eq, %and3A_250, %eq3A_256 : i32
      %jit3A_258 = arith.constant 2 : i32
      %jit3A_259 = arith.constant 16 : i32
      %select_n3A_260 = arith.select %eq3A_257, %jit3A_258, %jit3A_259 : i32
      %lt3A_261 = vector.broadcast %select_n3A_260 : i32 to vector<16xi32>
      %lt3A_262 = arith.cmpi slt, %iota3A, %lt3A_261 : vector<16xi32>
      %ge3A_263 = vector.broadcast %mul3A_2 : i32 to vector<16xi32>
      %ge3A_264 = arith.cmpi sge, %get3A_255, %ge3A_263 : vector<16xi32>
      %and3A_265 = arith.andi %lt3A_262, %ge3A_264 : vector<16xi1>
      %lt3A_266 = vector.broadcast %select_n3A : i32 to vector<16xi32>
      %lt3A_267 = arith.cmpi slt, %get3A_255, %lt3A_266 : vector<16xi32>
      %and3A_268 = arith.andi %and3A_265, %lt3A_267 : vector<16xi1>
      %broadcast_in_dim3A_269 = arith.constant 896 : i32
      %broadcast_in_dim3A_270 = vector.broadcast %broadcast_in_dim3A_269 : i32 to vector<16xi32>
      %add3A_271 = vector.broadcast %shift_right_arithmetic3A_248 : i32 to vector<16xi32>
      %add3A_272 = arith.addi %broadcast_in_dim3A_270, %add3A_271 : vector<16xi32>
      %min3A_273 = arith.constant 2032 : i32
      %min3A_274 = arith.minsi %add3A_244, %min3A_273 : i32
      %swap3A_275 = arith.index_cast %min3A_274 : i32 to index
      %swap3A_276 = tpu.vector_load %arg8[%swap3A_275] masked %and3A_268 {strides = array<i32>} : memref<2048xi32, #tpu.memory_space<vmem>>, vector<16xi32>, vector<16xi1>
      tpu.vector_store %arg8[%swap3A_275], %get3A_255 masked %and3A_268 {strides = array<i32>} : memref<2048xi32, #tpu.memory_space<vmem>>, vector<16xi32>, vector<16xi1>
      %swap3A_277 = arith.index_cast %min3A_274 : i32 to index
      %swap3A_278 = tpu.vector_load %arg9[%swap3A_277] masked %and3A_268 {strides = array<i32>} : memref<2048xi32, #tpu.memory_space<vmem>>, vector<16xi32>, vector<16xi1>
      tpu.vector_store %arg9[%swap3A_277], %add3A_272 masked %and3A_268 {strides = array<i32>} : memref<2048xi32, #tpu.memory_space<vmem>>, vector<16xi32>, vector<16xi1>
      %all_reduce_population_count3A_279 = tpu.all_reduce %and3A_268 {dim = 0 : i64, kind = #tpu.reduction_kind<sum>} : vector<16xi1> -> vector<16xi32>
      %slice3A_280 = vector.extract_strided_slice %all_reduce_population_count3A_279 {offsets = [0], sizes = [1], strides = [1]} : vector<16xi32> to vector<1xi32>
      %squeeze3A_281 = vector.extract %slice3A_280[0] : i32 from vector<1xi32>
      %add3A_282 = arith.addi %add3A_244, %squeeze3A_281 : i32
      scf.yield %add3A_282 : i32
    }
    %scan3A_173 = arith.constant 512 : i32
    %scan3A_174 = arith.constant 0 : i32
    %scan3A_175 = arith.constant 0 : i32
    %scan3A_176 = arith.constant 128 : i32
    %scan3A_177 = arith.addi %scan3A_175, %scan3A_176 : i32
    %scan3A_178 = arith.constant 1 : i32
    %scan3A_179 = scf.for %scan3A_214 = %scan3A_175 to %scan3A_177 step %scan3A_178 iter_args(%scan3A_215 = %scan3A_174) -> (i32)  : i32 {
      %mul3A_216 = arith.constant 16 : i32
      %mul3A_217 = arith.muli %scan3A_214, %mul3A_216 : i32
      %get3A_218 = arith.index_cast %mul3A_217 : i32 to index
      %get3A_219 = tpu.vector_load %arg8[%get3A_218] {strides = array<i32>} : memref<2048xi32, #tpu.memory_space<vmem>>, vector<16xi32>,
      %mul3A_220 = arith.constant 16 : i32
      %mul3A_221 = arith.muli %scan3A_214, %mul3A_220 : i32
      %get3A_222 = arith.index_cast %mul3A_221 : i32 to index
      %get3A_223 = tpu.vector_load %arg9[%get3A_222] {strides = array<i32>} : memref<2048xi32, #tpu.memory_space<vmem>>, vector<16xi32>,
      %mul3A_224 = arith.constant 16 : i32
      %mul3A_225 = arith.muli %scan3A_214, %mul3A_224 : i32
      %add3A_226 = vector.broadcast %mul3A_225 : i32 to vector<16xi32>
      %add3A_227 = arith.addi %add3A_226, %iota3A : vector<16xi32>
      %lt3A = vector.broadcast %scan3A_172 : i32 to vector<16xi32>
      %lt3A_228 = arith.cmpi slt, %add3A_227, %lt3A : vector<16xi32>
      %sub3A = vector.broadcast %mul3A_2 : i32 to vector<16xi32>
      %sub3A_229 = arith.subi %get3A_219, %sub3A : vector<16xi32>
      %shift_right_arithmetic3A = arith.constant 5 : i32
      %shift_right_arithmetic3A_230 = vector.broadcast %shift_right_arithmetic3A : i32 to vector<16xi32>
      %shift_right_arithmetic3A_231 = arith.shrsi %sub3A_229, %shift_right_arithmetic3A_230 : vector<16xi32>
      %jit3A_232 = arith.constant 0 : i32
      %broadcast_in_dim3A_233 = vector.broadcast %jit3A_232 : i32 to vector<16xi32>
      %select_n3A_234 = arith.select %lt3A_228, %shift_right_arithmetic3A_231, %broadcast_in_dim3A_233 : vector<16xi1>, vector<16xi32>
      %sub3A_235 = vector.broadcast %mul3A_2 : i32 to vector<16xi32>
      %sub3A_236 = arith.subi %get3A_219, %sub3A_235 : vector<16xi32>
      %and3A_237 = arith.constant 31 : i32
      %and3A_238 = vector.broadcast %and3A_237 : i32 to vector<16xi32>
      %and3A_239 = arith.andi %sub3A_236, %and3A_238 : vector<16xi32>
      %jit3A_240 = arith.constant 0 : i32
      %broadcast_in_dim3A_241 = vector.broadcast %jit3A_240 : i32 to vector<16xi32>
      %select_n3A_242 = arith.select %lt3A_228, %and3A_239, %broadcast_in_dim3A_241 : vector<16xi1>, vector<16xi32>
      %mul3A_243 = arith.constant 1024 : i32
      %mul3A_244 = vector.broadcast %mul3A_243 : i32 to vector<16xi32>
      %mul3A_245 = arith.muli %select_n3A_242, %mul3A_244 : vector<16xi32>
      %add3A_246 = arith.addi %mul3A_245, %get3A_223 : vector<16xi32>
      tpu.vector_store_idx %arg12[%select_n3A_234], %iota3A masked %lt3A_228 : memref<112xi32, #tpu.memory_space<vmem>>[vector<16xi32>], vector<16xi32>, vector<16xi1>
      %gather3A = tpu.vector_load_idx %arg12[%select_n3A_234] : memref<112xi32, #tpu.memory_space<vmem>>[vector<16xi32>], vector<16xi32>,
      %eq3A_247 = arith.cmpi eq, %gather3A, %iota3A : vector<16xi32>
      %and3A_248 = arith.andi %eq3A_247, %lt3A_228 : vector<16xi1>
      %gather3A_249 = tpu.vector_load_idx %arg11[%select_n3A_234] : memref<112xi32, #tpu.memory_space<vmem>>[vector<16xi32>], vector<16xi32>,
      %shift_left3A = arith.constant 7 : i32
      %shift_left3A_250 = vector.broadcast %shift_left3A : i32 to vector<16xi32>
      %shift_left3A_251 = arith.shli %select_n3A_234, %shift_left3A_250 : vector<16xi32>
      %min3A = arith.constant 127 : i32
      %min3A_252 = vector.broadcast %min3A : i32 to vector<16xi32>
      %min3A_253 = arith.minsi %gather3A_249, %min3A_252 : vector<16xi32>
      %add3A_254 = arith.addi %shift_left3A_251, %min3A_253 : vector<16xi32>
      tpu.vector_store_idx %arg10[%add3A_254], %add3A_246 masked %and3A_248 : memref<12800xi32, #tpu.memory_space<vmem>>[vector<16xi32>], vector<16xi32>, vector<16xi1>
      %add3A_255 = arith.constant 1 : i32
      %add3A_256 = vector.broadcast %add3A_255 : i32 to vector<16xi32>
      %add3A_257 = arith.addi %gather3A_249, %add3A_256 : vector<16xi32>
      tpu.vector_store_idx %arg11[%select_n3A_234], %add3A_257 masked %and3A_248 : memref<112xi32, #tpu.memory_space<vmem>>[vector<16xi32>], vector<16xi32>, vector<16xi1>
      %not3A_258 = arith.constant dense<true> : vector<16xi1>
      %not3A_259 = arith.xori %and3A_248, %not3A_258 : vector<16xi1>
      %and3A_260 = arith.andi %lt3A_228, %not3A_259 : vector<16xi1>
      %reduce_or3A = arith.constant 1.000000e+00 : f32
      %reduce_or3A_261 = arith.constant 0.000000e+00 : f32
      %reduce_or3A_262 = vector.broadcast %reduce_or3A : f32 to vector<16xf32>
      %reduce_or3A_263 = vector.broadcast %reduce_or3A_261 : f32 to vector<16xf32>
      %reduce_or3A_264 = arith.select %and3A_260, %reduce_or3A_262, %reduce_or3A_263 : vector<16xi1>, vector<16xf32>
      %reduce_or3A_265 = arith.constant true
      %reduce_or3A_266 = vector.broadcast %reduce_or3A_265 : i1 to vector<16xi1>
      %reduce_or3A_267 = tpu.scan <max>, %reduce_or3A_264 masked %reduce_or3A_266 : vector<16xf32>, vector<16xi1> -> vector<16xf32>
      %reduce_or3A_268 = vector.extract %reduce_or3A_267[15] : f32 from vector<16xf32>
      %reduce_or3A_269 = arith.constant 0.000000e+00 : f32
      %reduce_or3A_270 = arith.cmpf ogt, %reduce_or3A_268, %reduce_or3A_269 : f32
      %convert_element_type3A_271 = arith.extui %reduce_or3A_270 : i1 to i32
      %cond3A_272 = arith.constant 0 : i32
      %cond3A_273 = arith.cmpi ne, %convert_element_type3A_271, %cond3A_272 : i32
      scf.if %cond3A_273 {
        %while3A = scf.while (%while3A_275 = %and3A_260) : (vector<16xi1>) -> vector<16xi1> {
          %reduce_or3A_276 = arith.constant 1.000000e+00 : f32
          %reduce_or3A_277 = arith.constant 0.000000e+00 : f32
          %reduce_or3A_278 = vector.broadcast %reduce_or3A_276 : f32 to vector<16xf32>
          %reduce_or3A_279 = vector.broadcast %reduce_or3A_277 : f32 to vector<16xf32>
          %reduce_or3A_280 = arith.select %while3A_275, %reduce_or3A_278, %reduce_or3A_279 : vector<16xi1>, vector<16xf32>
          %reduce_or3A_281 = arith.constant true
          %reduce_or3A_282 = vector.broadcast %reduce_or3A_281 : i1 to vector<16xi1>
          %reduce_or3A_283 = tpu.scan <max>, %reduce_or3A_280 masked %reduce_or3A_282 : vector<16xf32>, vector<16xi1> -> vector<16xf32>
          %reduce_or3A_284 = vector.extract %reduce_or3A_283[15] : f32 from vector<16xf32>
          %reduce_or3A_285 = arith.constant 0.000000e+00 : f32
          %reduce_or3A_286 = arith.cmpf ogt, %reduce_or3A_284, %reduce_or3A_285 : f32
          scf.condition(%reduce_or3A_286) %while3A_275 : vector<16xi1>
        } do {
        ^bb0(%while3A_275: vector<16xi1>):
          tpu.vector_store_idx %arg12[%select_n3A_234], %iota3A masked %while3A_275 : memref<112xi32, #tpu.memory_space<vmem>>[vector<16xi32>], vector<16xi32>, vector<16xi1>
          %gather3A_276 = tpu.vector_load_idx %arg12[%select_n3A_234] : memref<112xi32, #tpu.memory_space<vmem>>[vector<16xi32>], vector<16xi32>,
          %eq3A_277 = arith.cmpi eq, %gather3A_276, %iota3A : vector<16xi32>
          %and3A_278 = arith.andi %eq3A_277, %while3A_275 : vector<16xi1>
          %gather3A_279 = tpu.vector_load_idx %arg11[%select_n3A_234] : memref<112xi32, #tpu.memory_space<vmem>>[vector<16xi32>], vector<16xi32>,
          %shift_left3A_280 = arith.constant 7 : i32
          %shift_left3A_281 = vector.broadcast %shift_left3A_280 : i32 to vector<16xi32>
          %shift_left3A_282 = arith.shli %select_n3A_234, %shift_left3A_281 : vector<16xi32>
          %min3A_283 = arith.constant 127 : i32
          %min3A_284 = vector.broadcast %min3A_283 : i32 to vector<16xi32>
          %min3A_285 = arith.minsi %gather3A_279, %min3A_284 : vector<16xi32>
          %add3A_286 = arith.addi %shift_left3A_282, %min3A_285 : vector<16xi32>
          tpu.vector_store_idx %arg10[%add3A_286], %add3A_246 masked %and3A_278 : memref<12800xi32, #tpu.memory_space<vmem>>[vector<16xi32>], vector<16xi32>, vector<16xi1>
          %add3A_287 = arith.constant 1 : i32
          %add3A_288 = vector.broadcast %add3A_287 : i32 to vector<16xi32>
          %add3A_289 = arith.addi %gather3A_279, %add3A_288 : vector<16xi32>
          tpu.vector_store_idx %arg11[%select_n3A_234], %add3A_289 masked %and3A_278 : memref<112xi32, #tpu.memory_space<vmem>>[vector<16xi32>], vector<16xi32>, vector<16xi1>
          %not3A_290 = arith.constant dense<true> : vector<16xi1>
          %not3A_291 = arith.xori %and3A_278, %not3A_290 : vector<16xi1>
          %and3A_292 = arith.andi %while3A_275, %not3A_291 : vector<16xi1>
          scf.yield %and3A_292 : vector<16xi1>
        }
      } else {
      }
      %scan3A_274 = arith.constant 0 : i32
      scf.yield %scan3A_274 : i32
    }
    %scan3A_180 = arith.constant 128 : i32
    %get3A = arith.constant 0 : index
    %get3A_181 = tpu.vector_load %arg11[%get3A] {strides = array<i32>} : memref<112xi32, #tpu.memory_space<vmem>>, vector<16xi32>,
    %get3A_182 = arith.constant 16 : index
    %get3A_183 = tpu.vector_load %arg11[%get3A_182] {strides = array<i32>} : memref<112xi32, #tpu.memory_space<vmem>>, vector<16xi32>,
    %max3A = arith.maxsi %get3A_181, %get3A_183 : vector<16xi32>
    %get3A_184 = arith.constant 32 : index
    %get3A_185 = tpu.vector_load %arg11[%get3A_184] {strides = array<i32>} : memref<112xi32, #tpu.memory_space<vmem>>, vector<16xi32>,
    %max3A_186 = arith.maxsi %max3A, %get3A_185 : vector<16xi32>
    %get3A_187 = arith.constant 48 : index
    %get3A_188 = tpu.vector_load %arg11[%get3A_187] {strides = array<i32>} : memref<112xi32, #tpu.memory_space<vmem>>, vector<16xi32>,
    %max3A_189 = arith.maxsi %max3A_186, %get3A_188 : vector<16xi32>
    %get3A_190 = arith.constant 64 : index
    %get3A_191 = tpu.vector_load %arg11[%get3A_190] {strides = array<i32>} : memref<112xi32, #tpu.memory_space<vmem>>, vector<16xi32>,
    %max3A_192 = arith.maxsi %max3A_189, %get3A_191 : vector<16xi32>
    %get3A_193 = arith.constant 80 : index
    %get3A_194 = tpu.vector_load %arg11[%get3A_193] {strides = array<i32>} : memref<112xi32, #tpu.memory_space<vmem>>, vector<16xi32>,
    %max3A_195 = arith.maxsi %max3A_192, %get3A_194 : vector<16xi32>
    %get3A_196 = arith.constant 96 : index
    %get3A_197 = tpu.vector_load %arg11[%get3A_196] {strides = array<i32>} : memref<112xi32, #tpu.memory_space<vmem>>, vector<16xi32>,
    %max3A_198 = arith.maxsi %max3A_195, %get3A_197 : vector<16xi32>
    %le3A = arith.constant 2032 : i32
    %le3A_199 = arith.cmpi sle, %scan3A_172, %le3A : i32
    %reduce_max3A = arith.constant true
    %reduce_max3A_200 = vector.broadcast %reduce_max3A : i1 to vector<16xi1>
    %reduce_max3A_201 = arith.constant -2147483648 : i32
    %reduce_max3A_202 = vector.broadcast %reduce_max3A_201 : i32 to vector<16xi32>
    %reduce_max3A_203 = arith.xori %max3A_198, %reduce_max3A_202 : vector<16xi32>
    %reduce_max3A_204 = tpu.scan <max>, %reduce_max3A_203 masked %reduce_max3A_200 : vector<16xi32>, vector<16xi1> -> vector<16xi32>
    %reduce_max3A_205 = arith.xori %reduce_max3A_204, %reduce_max3A_202 : vector<16xi32>
    %reduce_max3A_206 = vector.extract %reduce_max3A_205[15] : i32 from vector<16xi32>
    %le3A_207 = arith.constant 128 : i32
    %le3A_208 = arith.cmpi sle, %reduce_max3A_206, %le3A_207 : i32
    %and3A = arith.andi %le3A_199, %le3A_208 : i1
    %convert_element_type3A = arith.extui %and3A : i1 to i32
    %cond3A = arith.constant 0 : i32
    %cond3A_209 = arith.cmpi ne, %convert_element_type3A, %cond3A : i32
    scf.if %cond3A_209 {
      %add3A_214 = arith.constant 1 : i32
      %add3A_215 = arith.addi %select_n3A_10, %add3A_214 : i32
      %jit3A_216 = arith.constant 2 : i32
      %div3A = arith.divsi %add3A_215, %jit3A_216 : i32
      %sign3A = arith.constant 0 : i32
      %sign3A_217 = arith.cmpi sgt, %add3A_215, %sign3A : i32
      %sign3A_218 = arith.extui %sign3A_217 : i1 to i32
      %sign3A_219 = arith.constant 0 : i32
      %sign3A_220 = arith.cmpi slt, %add3A_215, %sign3A_219 : i32
      %sign3A_221 = arith.extui %sign3A_220 : i1 to i32
      %sign3A_222 = arith.subi %sign3A_218, %sign3A_221 : i32
      %sign3A_223 = arith.constant 0 : i32
      %sign3A_224 = arith.cmpi sgt, %jit3A_216, %sign3A_223 : i32
      %sign3A_225 = arith.extui %sign3A_224 : i1 to i32
      %sign3A_226 = arith.constant 0 : i32
      %sign3A_227 = arith.cmpi slt, %jit3A_216, %sign3A_226 : i32
      %sign3A_228 = arith.extui %sign3A_227 : i1 to i32
      %sign3A_229 = arith.subi %sign3A_225, %sign3A_228 : i32
      %ne3A = arith.cmpi ne, %sign3A_222, %sign3A_229 : i32
      %rem3A = arith.remsi %add3A_215, %jit3A_216 : i32
      %ne3A_230 = arith.constant 0 : i32
      %ne3A_231 = arith.cmpi ne, %rem3A, %ne3A_230 : i32
      %and3A_232 = arith.andi %ne3A, %ne3A_231 : i1
      %sub3A = arith.constant 1 : i32
      %sub3A_233 = arith.subi %div3A, %sub3A : i32
      %select_n3A_234 = arith.select %and3A_232, %sub3A_233, %div3A : i32
      %sub3A_235 = arith.constant 0 : i32
      %sub3A_236 = arith.subi %select_n3A_234, %sub3A_235 : i32
      %sub3A_237 = arith.constant 1 : i32
      %sub3A_238 = arith.constant 1 : i32
      %sub3A_239 = arith.subi %sub3A_237, %sub3A_238 : i32
      %add3A_240 = arith.addi %sub3A_236, %sub3A_239 : i32
      %div3A_241 = arith.constant 1 : i32
      %div3A_242 = arith.divsi %add3A_240, %div3A_241 : i32
      %while3A = arith.constant 1 : i32
      %while3A_243 = arith.constant 0 : i32
      %while3A_244 = arith.constant 0 : i32
      %while3A_245 = arith.subi %div3A_242, %while3A_244 : i32
      %while3A_246 = arith.addi %while3A_244, %while3A_245 : i32
      %while3A_247 = arith.constant 1 : i32
      %while3A_248 = arith.divsi %while3A_245, %while3A_247 : i32
      %while3A_249 = arith.muli %while3A_248, %while3A_247 : i32
      %while3A_250 = arith.addi %while3A_244, %while3A_249 : i32
      %while3A_251 = arith.constant 1 : i32
      scf.for %while3A_253 = %while3A_244 to %while3A_250 step %while3A_251  : i32 {
        %mul3A_254 = arith.muli %while3A_253, %while3A : i32
        %add3A_255 = arith.addi %while3A_243, %mul3A_254 : i32
        %mul3A_256 = arith.constant 2 : i32
        %mul3A_257 = arith.muli %mul3A_256, %add3A_255 : i32
        %mul3A_258 = arith.constant 2 : i32
        %mul3A_259 = arith.muli %mul3A_258, %add3A_255 : i32
        %add3A_260 = arith.constant 1 : i32
        %add3A_261 = arith.addi %mul3A_259, %add3A_260 : i32
        %broadcast_in_dim3A_262 = vector.broadcast %mul3A_257 : i32 to vector<16xi32>
        %gather3A = tpu.vector_load_idx %arg11[%broadcast_in_dim3A_262] : memref<112xi32, #tpu.memory_space<vmem>>[vector<16xi32>], vector<16xi32>,
        %add3A_263 = arith.constant 0 : i32
        %add3A_264 = vector.broadcast %add3A_263 : i32 to vector<16xi32>
        %add3A_265 = arith.addi %add3A_264, %iota3A : vector<16xi32>
        %lt3A = arith.cmpi slt, %add3A_265, %gather3A : vector<16xi32>
        %mul3A_266 = arith.constant 128 : i32
        %mul3A_267 = arith.muli %mul3A_257, %mul3A_266 : i32
        %add3A_268 = arith.constant 0 : i32
        %add3A_269 = arith.addi %mul3A_267, %add3A_268 : i32
        %get3A_270 = arith.index_cast %add3A_269 : i32 to index
        %get3A_271 = tpu.vector_load %arg10[%get3A_270] {strides = array<i32>} : memref<12800xi32, #tpu.memory_space<vmem>>, vector<16xi32>,
        %jit3A_272 = arith.constant 0 : i32
        %broadcast_in_dim3A_273 = vector.broadcast %jit3A_272 : i32 to vector<16xi32>
        %select_n3A_274 = arith.select %lt3A, %get3A_271, %broadcast_in_dim3A_273 : vector<16xi1>, vector<16xi32>
        %shift_right_arithmetic3A = arith.constant 10 : i32
        %shift_right_arithmetic3A_275 = vector.broadcast %shift_right_arithmetic3A : i32 to vector<16xi32>
        %shift_right_arithmetic3A_276 = arith.shrsi %select_n3A_274, %shift_right_arithmetic3A_275 : vector<16xi32>
        %and3A_277 = arith.constant 1023 : i32
        %and3A_278 = vector.broadcast %and3A_277 : i32 to vector<16xi32>
        %and3A_279 = arith.andi %select_n3A_274, %and3A_278 : vector<16xi32>
        %shift_left3A = arith.constant 5 : i32
        %shift_left3A_280 = arith.shli %mul3A_257, %shift_left3A : i32
        %add3A_281 = vector.broadcast %shift_left3A_280 : i32 to vector<16xi32>
        %add3A_282 = arith.addi %add3A_281, %shift_right_arithmetic3A_276 : vector<16xi32>
        %gather3A_283 = tpu.vector_load_idx %arg13[%add3A_282] : memref<3200xf32, #tpu.memory_space<vmem>>[vector<16xi32>], vector<16xf32>,
        %gather3A_284 = tpu.vector_load_idx %arg14[%and3A_279] : memref<1024xf32, #tpu.memory_space<vmem>>[vector<16xi32>], vector<16xf32>,
        %add3A_285 = arith.addf %gather3A_283, %gather3A_284 : vector<16xf32>
        %mul3A_286 = arith.constant 2.000000e-01 : f32
        %mul3A_287 = vector.broadcast %mul3A_286 : f32 to vector<16xf32>
        %mul3A_288 = arith.mulf %mul3A_287, %add3A_285 : vector<16xf32>
        %max3A_289 = arith.maximumf %add3A_285, %mul3A_288 : vector<16xf32>
        tpu.vector_store_idx %arg15[%shift_right_arithmetic3A_276, %and3A_279], %max3A_289 masked %lt3A : memref<32x1024xf32, #tpu.memory_space<vmem>>[vector<16xi32>, vector<16xi32>], vector<16xf32>, vector<16xi1>
        %add3A_290 = arith.constant 16 : i32
        %add3A_291 = vector.broadcast %add3A_290 : i32 to vector<16xi32>
        %add3A_292 = arith.addi %add3A_291, %iota3A : vector<16xi32>
        %lt3A_293 = arith.cmpi slt, %add3A_292, %gather3A : vector<16xi32>
        %mul3A_294 = arith.constant 128 : i32
        %mul3A_295 = arith.muli %mul3A_257, %mul3A_294 : i32
        %add3A_296 = arith.constant 16 : i32
        %add3A_297 = arith.addi %mul3A_295, %add3A_296 : i32
        %get3A_298 = arith.index_cast %add3A_297 : i32 to index
        %get3A_299 = tpu.vector_load %arg10[%get3A_298] {strides = array<i32>} : memref<12800xi32, #tpu.memory_space<vmem>>, vector<16xi32>,
        %jit3A_300 = arith.constant 0 : i32
        %broadcast_in_dim3A_301 = vector.broadcast %jit3A_300 : i32 to vector<16xi32>
        %select_n3A_302 = arith.select %lt3A_293, %get3A_299, %broadcast_in_dim3A_301 : vector<16xi1>, vector<16xi32>
        %shift_right_arithmetic3A_303 = arith.constant 10 : i32
        %shift_right_arithmetic3A_304 = vector.broadcast %shift_right_arithmetic3A_303 : i32 to vector<16xi32>
        %shift_right_arithmetic3A_305 = arith.shrsi %select_n3A_302, %shift_right_arithmetic3A_304 : vector<16xi32>
        %and3A_306 = arith.constant 1023 : i32
        %and3A_307 = vector.broadcast %and3A_306 : i32 to vector<16xi32>
        %and3A_308 = arith.andi %select_n3A_302, %and3A_307 : vector<16xi32>
        %shift_left3A_309 = arith.constant 5 : i32
        %shift_left3A_310 = arith.shli %mul3A_257, %shift_left3A_309 : i32
        %add3A_311 = vector.broadcast %shift_left3A_310 : i32 to vector<16xi32>
        %add3A_312 = arith.addi %add3A_311, %shift_right_arithmetic3A_305 : vector<16xi32>
        %gather3A_313 = tpu.vector_load_idx %arg13[%add3A_312] : memref<3200xf32, #tpu.memory_space<vmem>>[vector<16xi32>], vector<16xf32>,
        %gather3A_314 = tpu.vector_load_idx %arg14[%and3A_308] : memref<1024xf32, #tpu.memory_space<vmem>>[vector<16xi32>], vector<16xf32>,
        %add3A_315 = arith.addf %gather3A_313, %gather3A_314 : vector<16xf32>
        %mul3A_316 = arith.constant 2.000000e-01 : f32
        %mul3A_317 = vector.broadcast %mul3A_316 : f32 to vector<16xf32>
        %mul3A_318 = arith.mulf %mul3A_317, %add3A_315 : vector<16xf32>
        %max3A_319 = arith.maximumf %add3A_315, %mul3A_318 : vector<16xf32>
        tpu.vector_store_idx %arg15[%shift_right_arithmetic3A_305, %and3A_308], %max3A_319 masked %lt3A_293 : memref<32x1024xf32, #tpu.memory_space<vmem>>[vector<16xi32>, vector<16xi32>], vector<16xf32>, vector<16xi1>
        %add3A_320 = arith.constant 32 : i32
        %add3A_321 = vector.broadcast %add3A_320 : i32 to vector<16xi32>
        %add3A_322 = arith.addi %add3A_321, %iota3A : vector<16xi32>
        %lt3A_323 = arith.cmpi slt, %add3A_322, %gather3A : vector<16xi32>
        %mul3A_324 = arith.constant 128 : i32
        %mul3A_325 = arith.muli %mul3A_257, %mul3A_324 : i32
        %add3A_326 = arith.constant 32 : i32
        %add3A_327 = arith.addi %mul3A_325, %add3A_326 : i32
        %get3A_328 = arith.index_cast %add3A_327 : i32 to index
        %get3A_329 = tpu.vector_load %arg10[%get3A_328] {strides = array<i32>} : memref<12800xi32, #tpu.memory_space<vmem>>, vector<16xi32>,
        %jit3A_330 = arith.constant 0 : i32
        %broadcast_in_dim3A_331 = vector.broadcast %jit3A_330 : i32 to vector<16xi32>
        %select_n3A_332 = arith.select %lt3A_323, %get3A_329, %broadcast_in_dim3A_331 : vector<16xi1>, vector<16xi32>
        %shift_right_arithmetic3A_333 = arith.constant 10 : i32
        %shift_right_arithmetic3A_334 = vector.broadcast %shift_right_arithmetic3A_333 : i32 to vector<16xi32>
        %shift_right_arithmetic3A_335 = arith.shrsi %select_n3A_332, %shift_right_arithmetic3A_334 : vector<16xi32>
        %and3A_336 = arith.constant 1023 : i32
        %and3A_337 = vector.broadcast %and3A_336 : i32 to vector<16xi32>
        %and3A_338 = arith.andi %select_n3A_332, %and3A_337 : vector<16xi32>
        %shift_left3A_339 = arith.constant 5 : i32
        %shift_left3A_340 = arith.shli %mul3A_257, %shift_left3A_339 : i32
        %add3A_341 = vector.broadcast %shift_left3A_340 : i32 to vector<16xi32>
        %add3A_342 = arith.addi %add3A_341, %shift_right_arithmetic3A_335 : vector<16xi32>
        %gather3A_343 = tpu.vector_load_idx %arg13[%add3A_342] : memref<3200xf32, #tpu.memory_space<vmem>>[vector<16xi32>], vector<16xf32>,
        %gather3A_344 = tpu.vector_load_idx %arg14[%and3A_338] : memref<1024xf32, #tpu.memory_space<vmem>>[vector<16xi32>], vector<16xf32>,
        %add3A_345 = arith.addf %gather3A_343, %gather3A_344 : vector<16xf32>
        %mul3A_346 = arith.constant 2.000000e-01 : f32
        %mul3A_347 = vector.broadcast %mul3A_346 : f32 to vector<16xf32>
        %mul3A_348 = arith.mulf %mul3A_347, %add3A_345 : vector<16xf32>
        %max3A_349 = arith.maximumf %add3A_345, %mul3A_348 : vector<16xf32>
        tpu.vector_store_idx %arg15[%shift_right_arithmetic3A_335, %and3A_338], %max3A_349 masked %lt3A_323 : memref<32x1024xf32, #tpu.memory_space<vmem>>[vector<16xi32>, vector<16xi32>], vector<16xf32>, vector<16xi1>
        %add3A_350 = arith.constant 48 : i32
        %add3A_351 = vector.broadcast %add3A_350 : i32 to vector<16xi32>
        %add3A_352 = arith.addi %add3A_351, %iota3A : vector<16xi32>
        %lt3A_353 = arith.cmpi slt, %add3A_352, %gather3A : vector<16xi32>
        %mul3A_354 = arith.constant 128 : i32
        %mul3A_355 = arith.muli %mul3A_257, %mul3A_354 : i32
        %add3A_356 = arith.constant 48 : i32
        %add3A_357 = arith.addi %mul3A_355, %add3A_356 : i32
        %get3A_358 = arith.index_cast %add3A_357 : i32 to index
        %get3A_359 = tpu.vector_load %arg10[%get3A_358] {strides = array<i32>} : memref<12800xi32, #tpu.memory_space<vmem>>, vector<16xi32>,
        %jit3A_360 = arith.constant 0 : i32
        %broadcast_in_dim3A_361 = vector.broadcast %jit3A_360 : i32 to vector<16xi32>
        %select_n3A_362 = arith.select %lt3A_353, %get3A_359, %broadcast_in_dim3A_361 : vector<16xi1>, vector<16xi32>
        %shift_right_arithmetic3A_363 = arith.constant 10 : i32
        %shift_right_arithmetic3A_364 = vector.broadcast %shift_right_arithmetic3A_363 : i32 to vector<16xi32>
        %shift_right_arithmetic3A_365 = arith.shrsi %select_n3A_362, %shift_right_arithmetic3A_364 : vector<16xi32>
        %and3A_366 = arith.constant 1023 : i32
        %and3A_367 = vector.broadcast %and3A_366 : i32 to vector<16xi32>
        %and3A_368 = arith.andi %select_n3A_362, %and3A_367 : vector<16xi32>
        %shift_left3A_369 = arith.constant 5 : i32
        %shift_left3A_370 = arith.shli %mul3A_257, %shift_left3A_369 : i32
        %add3A_371 = vector.broadcast %shift_left3A_370 : i32 to vector<16xi32>
        %add3A_372 = arith.addi %add3A_371, %shift_right_arithmetic3A_365 : vector<16xi32>
        %gather3A_373 = tpu.vector_load_idx %arg13[%add3A_372] : memref<3200xf32, #tpu.memory_space<vmem>>[vector<16xi32>], vector<16xf32>,
        %gather3A_374 = tpu.vector_load_idx %arg14[%and3A_368] : memref<1024xf32, #tpu.memory_space<vmem>>[vector<16xi32>], vector<16xf32>,
        %add3A_375 = arith.addf %gather3A_373, %gather3A_374 : vector<16xf32>
        %mul3A_376 = arith.constant 2.000000e-01 : f32
        %mul3A_377 = vector.broadcast %mul3A_376 : f32 to vector<16xf32>
        %mul3A_378 = arith.mulf %mul3A_377, %add3A_375 : vector<16xf32>
        %max3A_379 = arith.maximumf %add3A_375, %mul3A_378 : vector<16xf32>
        tpu.vector_store_idx %arg15[%shift_right_arithmetic3A_365, %and3A_368], %max3A_379 masked %lt3A_353 : memref<32x1024xf32, #tpu.memory_space<vmem>>[vector<16xi32>, vector<16xi32>], vector<16xf32>, vector<16xi1>
        %add3A_380 = arith.constant 64 : i32
        %add3A_381 = vector.broadcast %add3A_380 : i32 to vector<16xi32>
        %add3A_382 = arith.addi %add3A_381, %iota3A : vector<16xi32>
        %lt3A_383 = arith.cmpi slt, %add3A_382, %gather3A : vector<16xi32>
        %mul3A_384 = arith.constant 128 : i32
        %mul3A_385 = arith.muli %mul3A_257, %mul3A_384 : i32
        %add3A_386 = arith.constant 64 : i32
        %add3A_387 = arith.addi %mul3A_385, %add3A_386 : i32
        %get3A_388 = arith.index_cast %add3A_387 : i32 to index
        %get3A_389 = tpu.vector_load %arg10[%get3A_388] {strides = array<i32>} : memref<12800xi32, #tpu.memory_space<vmem>>, vector<16xi32>,
        %jit3A_390 = arith.constant 0 : i32
        %broadcast_in_dim3A_391 = vector.broadcast %jit3A_390 : i32 to vector<16xi32>
        %select_n3A_392 = arith.select %lt3A_383, %get3A_389, %broadcast_in_dim3A_391 : vector<16xi1>, vector<16xi32>
        %shift_right_arithmetic3A_393 = arith.constant 10 : i32
        %shift_right_arithmetic3A_394 = vector.broadcast %shift_right_arithmetic3A_393 : i32 to vector<16xi32>
        %shift_right_arithmetic3A_395 = arith.shrsi %select_n3A_392, %shift_right_arithmetic3A_394 : vector<16xi32>
        %and3A_396 = arith.constant 1023 : i32
        %and3A_397 = vector.broadcast %and3A_396 : i32 to vector<16xi32>
        %and3A_398 = arith.andi %select_n3A_392, %and3A_397 : vector<16xi32>
        %shift_left3A_399 = arith.constant 5 : i32
        %shift_left3A_400 = arith.shli %mul3A_257, %shift_left3A_399 : i32
        %add3A_401 = vector.broadcast %shift_left3A_400 : i32 to vector<16xi32>
        %add3A_402 = arith.addi %add3A_401, %shift_right_arithmetic3A_395 : vector<16xi32>
        %gather3A_403 = tpu.vector_load_idx %arg13[%add3A_402] : memref<3200xf32, #tpu.memory_space<vmem>>[vector<16xi32>], vector<16xf32>,
        %gather3A_404 = tpu.vector_load_idx %arg14[%and3A_398] : memref<1024xf32, #tpu.memory_space<vmem>>[vector<16xi32>], vector<16xf32>,
        %add3A_405 = arith.addf %gather3A_403, %gather3A_404 : vector<16xf32>
        %mul3A_406 = arith.constant 2.000000e-01 : f32
        %mul3A_407 = vector.broadcast %mul3A_406 : f32 to vector<16xf32>
        %mul3A_408 = arith.mulf %mul3A_407, %add3A_405 : vector<16xf32>
        %max3A_409 = arith.maximumf %add3A_405, %mul3A_408 : vector<16xf32>
        tpu.vector_store_idx %arg15[%shift_right_arithmetic3A_395, %and3A_398], %max3A_409 masked %lt3A_383 : memref<32x1024xf32, #tpu.memory_space<vmem>>[vector<16xi32>, vector<16xi32>], vector<16xf32>, vector<16xi1>
        %add3A_410 = arith.constant 80 : i32
        %add3A_411 = vector.broadcast %add3A_410 : i32 to vector<16xi32>
        %add3A_412 = arith.addi %add3A_411, %iota3A : vector<16xi32>
        %lt3A_413 = arith.cmpi slt, %add3A_412, %gather3A : vector<16xi32>
        %mul3A_414 = arith.constant 128 : i32
        %mul3A_415 = arith.muli %mul3A_257, %mul3A_414 : i32
        %add3A_416 = arith.constant 80 : i32
        %add3A_417 = arith.addi %mul3A_415, %add3A_416 : i32
        %get3A_418 = arith.index_cast %add3A_417 : i32 to index
        %get3A_419 = tpu.vector_load %arg10[%get3A_418] {strides = array<i32>} : memref<12800xi32, #tpu.memory_space<vmem>>, vector<16xi32>,
        %jit3A_420 = arith.constant 0 : i32
        %broadcast_in_dim3A_421 = vector.broadcast %jit3A_420 : i32 to vector<16xi32>
        %select_n3A_422 = arith.select %lt3A_413, %get3A_419, %broadcast_in_dim3A_421 : vector<16xi1>, vector<16xi32>
        %shift_right_arithmetic3A_423 = arith.constant 10 : i32
        %shift_right_arithmetic3A_424 = vector.broadcast %shift_right_arithmetic3A_423 : i32 to vector<16xi32>
        %shift_right_arithmetic3A_425 = arith.shrsi %select_n3A_422, %shift_right_arithmetic3A_424 : vector<16xi32>
        %and3A_426 = arith.constant 1023 : i32
        %and3A_427 = vector.broadcast %and3A_426 : i32 to vector<16xi32>
        %and3A_428 = arith.andi %select_n3A_422, %and3A_427 : vector<16xi32>
        %shift_left3A_429 = arith.constant 5 : i32
        %shift_left3A_430 = arith.shli %mul3A_257, %shift_left3A_429 : i32
        %add3A_431 = vector.broadcast %shift_left3A_430 : i32 to vector<16xi32>
        %add3A_432 = arith.addi %add3A_431, %shift_right_arithmetic3A_425 : vector<16xi32>
        %gather3A_433 = tpu.vector_load_idx %arg13[%add3A_432] : memref<3200xf32, #tpu.memory_space<vmem>>[vector<16xi32>], vector<16xf32>,
        %gather3A_434 = tpu.vector_load_idx %arg14[%and3A_428] : memref<1024xf32, #tpu.memory_space<vmem>>[vector<16xi32>], vector<16xf32>,
        %add3A_435 = arith.addf %gather3A_433, %gather3A_434 : vector<16xf32>
        %mul3A_436 = arith.constant 2.000000e-01 : f32
        %mul3A_437 = vector.broadcast %mul3A_436 : f32 to vector<16xf32>
        %mul3A_438 = arith.mulf %mul3A_437, %add3A_435 : vector<16xf32>
        %max3A_439 = arith.maximumf %add3A_435, %mul3A_438 : vector<16xf32>
        tpu.vector_store_idx %arg15[%shift_right_arithmetic3A_425, %and3A_428], %max3A_439 masked %lt3A_413 : memref<32x1024xf32, #tpu.memory_space<vmem>>[vector<16xi32>, vector<16xi32>], vector<16xf32>, vector<16xi1>
        %add3A_440 = arith.constant 96 : i32
        %add3A_441 = vector.broadcast %add3A_440 : i32 to vector<16xi32>
        %add3A_442 = arith.addi %add3A_441, %iota3A : vector<16xi32>
        %lt3A_443 = arith.cmpi slt, %add3A_442, %gather3A : vector<16xi32>
        %mul3A_444 = arith.constant 128 : i32
        %mul3A_445 = arith.muli %mul3A_257, %mul3A_444 : i32
        %add3A_446 = arith.constant 96 : i32
        %add3A_447 = arith.addi %mul3A_445, %add3A_446 : i32
        %get3A_448 = arith.index_cast %add3A_447 : i32 to index
        %get3A_449 = tpu.vector_load %arg10[%get3A_448] {strides = array<i32>} : memref<12800xi32, #tpu.memory_space<vmem>>, vector<16xi32>,
        %jit3A_450 = arith.constant 0 : i32
        %broadcast_in_dim3A_451 = vector.broadcast %jit3A_450 : i32 to vector<16xi32>
        %select_n3A_452 = arith.select %lt3A_443, %get3A_449, %broadcast_in_dim3A_451 : vector<16xi1>, vector<16xi32>
        %shift_right_arithmetic3A_453 = arith.constant 10 : i32
        %shift_right_arithmetic3A_454 = vector.broadcast %shift_right_arithmetic3A_453 : i32 to vector<16xi32>
        %shift_right_arithmetic3A_455 = arith.shrsi %select_n3A_452, %shift_right_arithmetic3A_454 : vector<16xi32>
        %and3A_456 = arith.constant 1023 : i32
        %and3A_457 = vector.broadcast %and3A_456 : i32 to vector<16xi32>
        %and3A_458 = arith.andi %select_n3A_452, %and3A_457 : vector<16xi32>
        %shift_left3A_459 = arith.constant 5 : i32
        %shift_left3A_460 = arith.shli %mul3A_257, %shift_left3A_459 : i32
        %add3A_461 = vector.broadcast %shift_left3A_460 : i32 to vector<16xi32>
        %add3A_462 = arith.addi %add3A_461, %shift_right_arithmetic3A_455 : vector<16xi32>
        %gather3A_463 = tpu.vector_load_idx %arg13[%add3A_462] : memref<3200xf32, #tpu.memory_space<vmem>>[vector<16xi32>], vector<16xf32>,
        %gather3A_464 = tpu.vector_load_idx %arg14[%and3A_458] : memref<1024xf32, #tpu.memory_space<vmem>>[vector<16xi32>], vector<16xf32>,
        %add3A_465 = arith.addf %gather3A_463, %gather3A_464 : vector<16xf32>
        %mul3A_466 = arith.constant 2.000000e-01 : f32
        %mul3A_467 = vector.broadcast %mul3A_466 : f32 to vector<16xf32>
        %mul3A_468 = arith.mulf %mul3A_467, %add3A_465 : vector<16xf32>
        %max3A_469 = arith.maximumf %add3A_465, %mul3A_468 : vector<16xf32>
        tpu.vector_store_idx %arg15[%shift_right_arithmetic3A_455, %and3A_458], %max3A_469 masked %lt3A_443 : memref<32x1024xf32, #tpu.memory_space<vmem>>[vector<16xi32>, vector<16xi32>], vector<16xf32>, vector<16xi1>
        %add3A_470 = arith.constant 112 : i32
        %add3A_471 = vector.broadcast %add3A_470 : i32 to vector<16xi32>
        %add3A_472 = arith.addi %add3A_471, %iota3A : vector<16xi32>
        %lt3A_473 = arith.cmpi slt, %add3A_472, %gather3A : vector<16xi32>
        %mul3A_474 = arith.constant 128 : i32
        %mul3A_475 = arith.muli %mul3A_257, %mul3A_474 : i32
        %add3A_476 = arith.constant 112 : i32
        %add3A_477 = arith.addi %mul3A_475, %add3A_476 : i32
        %get3A_478 = arith.index_cast %add3A_477 : i32 to index
        %get3A_479 = tpu.vector_load %arg10[%get3A_478] {strides = array<i32>} : memref<12800xi32, #tpu.memory_space<vmem>>, vector<16xi32>,
        %jit3A_480 = arith.constant 0 : i32
        %broadcast_in_dim3A_481 = vector.broadcast %jit3A_480 : i32 to vector<16xi32>
        %select_n3A_482 = arith.select %lt3A_473, %get3A_479, %broadcast_in_dim3A_481 : vector<16xi1>, vector<16xi32>
        %shift_right_arithmetic3A_483 = arith.constant 10 : i32
        %shift_right_arithmetic3A_484 = vector.broadcast %shift_right_arithmetic3A_483 : i32 to vector<16xi32>
        %shift_right_arithmetic3A_485 = arith.shrsi %select_n3A_482, %shift_right_arithmetic3A_484 : vector<16xi32>
        %and3A_486 = arith.constant 1023 : i32
        %and3A_487 = vector.broadcast %and3A_486 : i32 to vector<16xi32>
        %and3A_488 = arith.andi %select_n3A_482, %and3A_487 : vector<16xi32>
        %shift_left3A_489 = arith.constant 5 : i32
        %shift_left3A_490 = arith.shli %mul3A_257, %shift_left3A_489 : i32
        %add3A_491 = vector.broadcast %shift_left3A_490 : i32 to vector<16xi32>
        %add3A_492 = arith.addi %add3A_491, %shift_right_arithmetic3A_485 : vector<16xi32>
        %gather3A_493 = tpu.vector_load_idx %arg13[%add3A_492] : memref<3200xf32, #tpu.memory_space<vmem>>[vector<16xi32>], vector<16xf32>,
        %gather3A_494 = tpu.vector_load_idx %arg14[%and3A_488] : memref<1024xf32, #tpu.memory_space<vmem>>[vector<16xi32>], vector<16xf32>,
        %add3A_495 = arith.addf %gather3A_493, %gather3A_494 : vector<16xf32>
        %mul3A_496 = arith.constant 2.000000e-01 : f32
        %mul3A_497 = vector.broadcast %mul3A_496 : f32 to vector<16xf32>
        %mul3A_498 = arith.mulf %mul3A_497, %add3A_495 : vector<16xf32>
        %max3A_499 = arith.maximumf %add3A_495, %mul3A_498 : vector<16xf32>
        tpu.vector_store_idx %arg15[%shift_right_arithmetic3A_485, %and3A_488], %max3A_499 masked %lt3A_473 : memref<32x1024xf32, #tpu.memory_space<vmem>>[vector<16xi32>, vector<16xi32>], vector<16xf32>, vector<16xi1>
        %mul3A_500 = arith.constant 32 : i32
        %mul3A_501 = arith.muli %mul3A_257, %mul3A_500 : i32
        %add3A_502 = arith.addi %mul3A_2, %mul3A_501 : i32
        %dma_start3A_503 = arith.constant 0 : i32
        %dma_start3A_504 = tpu.memref_slice %arg5[%add3A_502, %dma_start3A_503] : memref<100000x1024xf32, #tpu.memory_space<hbm>> -> memref<32x1024xf32, #tpu.memory_space<hbm>>
        %dma_start3A_505 = arith.constant 0 : i32
        %dma_start3A_506 = tpu.memref_slice %arg5[%add3A_502, %dma_start3A_505] : memref<100000x1024xf32, #tpu.memory_space<hbm>> -> memref<32x1024xf32, #tpu.memory_space<hbm>>
        tpu.enqueue_dma source(%arg15 : memref<32x1024xf32, #tpu.memory_space<vmem>>) target(%dma_start3A_506 : memref<32x1024xf32, #tpu.memory_space<hbm>>) target_semaphore(%arg17 : memref<!tpu.dma_semaphore, #tpu.memory_space<semaphore_mem>>)
        %lt3A_507 = arith.cmpi slt, %add3A_261, %select_n3A_10 : i32
        %convert_element_type3A_508 = arith.extui %lt3A_507 : i1 to i32
        %cond3A_509 = arith.constant 0 : i32
        %cond3A_510 = arith.cmpi ne, %convert_element_type3A_508, %cond3A_509 : i32
        scf.if %cond3A_510 {
          %broadcast_in_dim3A_671 = vector.broadcast %add3A_261 : i32 to vector<16xi32>
          %gather3A_672 = tpu.vector_load_idx %arg11[%broadcast_in_dim3A_671] : memref<112xi32, #tpu.memory_space<vmem>>[vector<16xi32>], vector<16xi32>,
          %add3A_673 = arith.constant 0 : i32
          %add3A_674 = vector.broadcast %add3A_673 : i32 to vector<16xi32>
          %add3A_675 = arith.addi %add3A_674, %iota3A : vector<16xi32>
          %lt3A_676 = arith.cmpi slt, %add3A_675, %gather3A_672 : vector<16xi32>
          %mul3A_677 = arith.constant 128 : i32
          %mul3A_678 = arith.muli %add3A_261, %mul3A_677 : i32
          %add3A_679 = arith.constant 0 : i32
          %add3A_680 = arith.addi %mul3A_678, %add3A_679 : i32
          %get3A_681 = arith.index_cast %add3A_680 : i32 to index
          %get3A_682 = tpu.vector_load %arg10[%get3A_681] {strides = array<i32>} : memref<12800xi32, #tpu.memory_space<vmem>>, vector<16xi32>,
          %jit3A_683 = arith.constant 0 : i32
          %broadcast_in_dim3A_684 = vector.broadcast %jit3A_683 : i32 to vector<16xi32>
          %select_n3A_685 = arith.select %lt3A_676, %get3A_682, %broadcast_in_dim3A_684 : vector<16xi1>, vector<16xi32>
          %shift_right_arithmetic3A_686 = arith.constant 10 : i32
          %shift_right_arithmetic3A_687 = vector.broadcast %shift_right_arithmetic3A_686 : i32 to vector<16xi32>
          %shift_right_arithmetic3A_688 = arith.shrsi %select_n3A_685, %shift_right_arithmetic3A_687 : vector<16xi32>
          %and3A_689 = arith.constant 1023 : i32
          %and3A_690 = vector.broadcast %and3A_689 : i32 to vector<16xi32>
          %and3A_691 = arith.andi %select_n3A_685, %and3A_690 : vector<16xi32>
          %shift_left3A_692 = arith.constant 5 : i32
          %shift_left3A_693 = arith.shli %add3A_261, %shift_left3A_692 : i32
          %add3A_694 = vector.broadcast %shift_left3A_693 : i32 to vector<16xi32>
          %add3A_695 = arith.addi %add3A_694, %shift_right_arithmetic3A_688 : vector<16xi32>
          %gather3A_696 = tpu.vector_load_idx %arg13[%add3A_695] : memref<3200xf32, #tpu.memory_space<vmem>>[vector<16xi32>], vector<16xf32>,
          %gather3A_697 = tpu.vector_load_idx %arg14[%and3A_691] : memref<1024xf32, #tpu.memory_space<vmem>>[vector<16xi32>], vector<16xf32>,
          %add3A_698 = arith.addf %gather3A_696, %gather3A_697 : vector<16xf32>
          %mul3A_699 = arith.constant 2.000000e-01 : f32
          %mul3A_700 = vector.broadcast %mul3A_699 : f32 to vector<16xf32>
          %mul3A_701 = arith.mulf %mul3A_700, %add3A_698 : vector<16xf32>
          %max3A_702 = arith.maximumf %add3A_698, %mul3A_701 : vector<16xf32>
          tpu.vector_store_idx %arg16[%shift_right_arithmetic3A_688, %and3A_691], %max3A_702 masked %lt3A_676 : memref<32x1024xf32, #tpu.memory_space<vmem>>[vector<16xi32>, vector<16xi32>], vector<16xf32>, vector<16xi1>
          %add3A_703 = arith.constant 16 : i32
          %add3A_704 = vector.broadcast %add3A_703 : i32 to vector<16xi32>
          %add3A_705 = arith.addi %add3A_704, %iota3A : vector<16xi32>
          %lt3A_706 = arith.cmpi slt, %add3A_705, %gather3A_672 : vector<16xi32>
          %mul3A_707 = arith.constant 128 : i32
          %mul3A_708 = arith.muli %add3A_261, %mul3A_707 : i32
          %add3A_709 = arith.constant 16 : i32
          %add3A_710 = arith.addi %mul3A_708, %add3A_709 : i32
          %get3A_711 = arith.index_cast %add3A_710 : i32 to index
          %get3A_712 = tpu.vector_load %arg10[%get3A_711] {strides = array<i32>} : memref<12800xi32, #tpu.memory_space<vmem>>, vector<16xi32>,
          %jit3A_713 = arith.constant 0 : i32
          %broadcast_in_dim3A_714 = vector.broadcast %jit3A_713 : i32 to vector<16xi32>
          %select_n3A_715 = arith.select %lt3A_706, %get3A_712, %broadcast_in_dim3A_714 : vector<16xi1>, vector<16xi32>
          %shift_right_arithmetic3A_716 = arith.constant 10 : i32
          %shift_right_arithmetic3A_717 = vector.broadcast %shift_right_arithmetic3A_716 : i32 to vector<16xi32>
          %shift_right_arithmetic3A_718 = arith.shrsi %select_n3A_715, %shift_right_arithmetic3A_717 : vector<16xi32>
          %and3A_719 = arith.constant 1023 : i32
          %and3A_720 = vector.broadcast %and3A_719 : i32 to vector<16xi32>
          %and3A_721 = arith.andi %select_n3A_715, %and3A_720 : vector<16xi32>
          %shift_left3A_722 = arith.constant 5 : i32
          %shift_left3A_723 = arith.shli %add3A_261, %shift_left3A_722 : i32
          %add3A_724 = vector.broadcast %shift_left3A_723 : i32 to vector<16xi32>
          %add3A_725 = arith.addi %add3A_724, %shift_right_arithmetic3A_718 : vector<16xi32>
          %gather3A_726 = tpu.vector_load_idx %arg13[%add3A_725] : memref<3200xf32, #tpu.memory_space<vmem>>[vector<16xi32>], vector<16xf32>,
          %gather3A_727 = tpu.vector_load_idx %arg14[%and3A_721] : memref<1024xf32, #tpu.memory_space<vmem>>[vector<16xi32>], vector<16xf32>,
          %add3A_728 = arith.addf %gather3A_726, %gather3A_727 : vector<16xf32>
          %mul3A_729 = arith.constant 2.000000e-01 : f32
          %mul3A_730 = vector.broadcast %mul3A_729 : f32 to vector<16xf32>
          %mul3A_731 = arith.mulf %mul3A_730, %add3A_728 : vector<16xf32>
          %max3A_732 = arith.maximumf %add3A_728, %mul3A_731 : vector<16xf32>
          tpu.vector_store_idx %arg16[%shift_right_arithmetic3A_718, %and3A_721], %max3A_732 masked %lt3A_706 : memref<32x1024xf32, #tpu.memory_space<vmem>>[vector<16xi32>, vector<16xi32>], vector<16xf32>, vector<16xi1>
          %add3A_733 = arith.constant 32 : i32
          %add3A_734 = vector.broadcast %add3A_733 : i32 to vector<16xi32>
          %add3A_735 = arith.addi %add3A_734, %iota3A : vector<16xi32>
          %lt3A_736 = arith.cmpi slt, %add3A_735, %gather3A_672 : vector<16xi32>
          %mul3A_737 = arith.constant 128 : i32
          %mul3A_738 = arith.muli %add3A_261, %mul3A_737 : i32
          %add3A_739 = arith.constant 32 : i32
          %add3A_740 = arith.addi %mul3A_738, %add3A_739 : i32
          %get3A_741 = arith.index_cast %add3A_740 : i32 to index
          %get3A_742 = tpu.vector_load %arg10[%get3A_741] {strides = array<i32>} : memref<12800xi32, #tpu.memory_space<vmem>>, vector<16xi32>,
          %jit3A_743 = arith.constant 0 : i32
          %broadcast_in_dim3A_744 = vector.broadcast %jit3A_743 : i32 to vector<16xi32>
          %select_n3A_745 = arith.select %lt3A_736, %get3A_742, %broadcast_in_dim3A_744 : vector<16xi1>, vector<16xi32>
          %shift_right_arithmetic3A_746 = arith.constant 10 : i32
          %shift_right_arithmetic3A_747 = vector.broadcast %shift_right_arithmetic3A_746 : i32 to vector<16xi32>
          %shift_right_arithmetic3A_748 = arith.shrsi %select_n3A_745, %shift_right_arithmetic3A_747 : vector<16xi32>
          %and3A_749 = arith.constant 1023 : i32
          %and3A_750 = vector.broadcast %and3A_749 : i32 to vector<16xi32>
          %and3A_751 = arith.andi %select_n3A_745, %and3A_750 : vector<16xi32>
          %shift_left3A_752 = arith.constant 5 : i32
          %shift_left3A_753 = arith.shli %add3A_261, %shift_left3A_752 : i32
          %add3A_754 = vector.broadcast %shift_left3A_753 : i32 to vector<16xi32>
          %add3A_755 = arith.addi %add3A_754, %shift_right_arithmetic3A_748 : vector<16xi32>
          %gather3A_756 = tpu.vector_load_idx %arg13[%add3A_755] : memref<3200xf32, #tpu.memory_space<vmem>>[vector<16xi32>], vector<16xf32>,
          %gather3A_757 = tpu.vector_load_idx %arg14[%and3A_751] : memref<1024xf32, #tpu.memory_space<vmem>>[vector<16xi32>], vector<16xf32>,
          %add3A_758 = arith.addf %gather3A_756, %gather3A_757 : vector<16xf32>
          %mul3A_759 = arith.constant 2.000000e-01 : f32
          %mul3A_760 = vector.broadcast %mul3A_759 : f32 to vector<16xf32>
          %mul3A_761 = arith.mulf %mul3A_760, %add3A_758 : vector<16xf32>
          %max3A_762 = arith.maximumf %add3A_758, %mul3A_761 : vector<16xf32>
          tpu.vector_store_idx %arg16[%shift_right_arithmetic3A_748, %and3A_751], %max3A_762 masked %lt3A_736 : memref<32x1024xf32, #tpu.memory_space<vmem>>[vector<16xi32>, vector<16xi32>], vector<16xf32>, vector<16xi1>
          %add3A_763 = arith.constant 48 : i32
          %add3A_764 = vector.broadcast %add3A_763 : i32 to vector<16xi32>
          %add3A_765 = arith.addi %add3A_764, %iota3A : vector<16xi32>
          %lt3A_766 = arith.cmpi slt, %add3A_765, %gather3A_672 : vector<16xi32>
          %mul3A_767 = arith.constant 128 : i32
          %mul3A_768 = arith.muli %add3A_261, %mul3A_767 : i32
          %add3A_769 = arith.constant 48 : i32
          %add3A_770 = arith.addi %mul3A_768, %add3A_769 : i32
          %get3A_771 = arith.index_cast %add3A_770 : i32 to index
          %get3A_772 = tpu.vector_load %arg10[%get3A_771] {strides = array<i32>} : memref<12800xi32, #tpu.memory_space<vmem>>, vector<16xi32>,
          %jit3A_773 = arith.constant 0 : i32
          %broadcast_in_dim3A_774 = vector.broadcast %jit3A_773 : i32 to vector<16xi32>
          %select_n3A_775 = arith.select %lt3A_766, %get3A_772, %broadcast_in_dim3A_774 : vector<16xi1>, vector<16xi32>
          %shift_right_arithmetic3A_776 = arith.constant 10 : i32
          %shift_right_arithmetic3A_777 = vector.broadcast %shift_right_arithmetic3A_776 : i32 to vector<16xi32>
          %shift_right_arithmetic3A_778 = arith.shrsi %select_n3A_775, %shift_right_arithmetic3A_777 : vector<16xi32>
          %and3A_779 = arith.constant 1023 : i32
          %and3A_780 = vector.broadcast %and3A_779 : i32 to vector<16xi32>
          %and3A_781 = arith.andi %select_n3A_775, %and3A_780 : vector<16xi32>
          %shift_left3A_782 = arith.constant 5 : i32
          %shift_left3A_783 = arith.shli %add3A_261, %shift_left3A_782 : i32
          %add3A_784 = vector.broadcast %shift_left3A_783 : i32 to vector<16xi32>
          %add3A_785 = arith.addi %add3A_784, %shift_right_arithmetic3A_778 : vector<16xi32>
          %gather3A_786 = tpu.vector_load_idx %arg13[%add3A_785] : memref<3200xf32, #tpu.memory_space<vmem>>[vector<16xi32>], vector<16xf32>,
          %gather3A_787 = tpu.vector_load_idx %arg14[%and3A_781] : memref<1024xf32, #tpu.memory_space<vmem>>[vector<16xi32>], vector<16xf32>,
          %add3A_788 = arith.addf %gather3A_786, %gather3A_787 : vector<16xf32>
          %mul3A_789 = arith.constant 2.000000e-01 : f32
          %mul3A_790 = vector.broadcast %mul3A_789 : f32 to vector<16xf32>
          %mul3A_791 = arith.mulf %mul3A_790, %add3A_788 : vector<16xf32>
          %max3A_792 = arith.maximumf %add3A_788, %mul3A_791 : vector<16xf32>
          tpu.vector_store_idx %arg16[%shift_right_arithmetic3A_778, %and3A_781], %max3A_792 masked %lt3A_766 : memref<32x1024xf32, #tpu.memory_space<vmem>>[vector<16xi32>, vector<16xi32>], vector<16xf32>, vector<16xi1>
          %add3A_793 = arith.constant 64 : i32
          %add3A_794 = vector.broadcast %add3A_793 : i32 to vector<16xi32>
          %add3A_795 = arith.addi %add3A_794, %iota3A : vector<16xi32>
          %lt3A_796 = arith.cmpi slt, %add3A_795, %gather3A_672 : vector<16xi32>
          %mul3A_797 = arith.constant 128 : i32
          %mul3A_798 = arith.muli %add3A_261, %mul3A_797 : i32
          %add3A_799 = arith.constant 64 : i32
          %add3A_800 = arith.addi %mul3A_798, %add3A_799 : i32
          %get3A_801 = arith.index_cast %add3A_800 : i32 to index
          %get3A_802 = tpu.vector_load %arg10[%get3A_801] {strides = array<i32>} : memref<12800xi32, #tpu.memory_space<vmem>>, vector<16xi32>,
          %jit3A_803 = arith.constant 0 : i32
          %broadcast_in_dim3A_804 = vector.broadcast %jit3A_803 : i32 to vector<16xi32>
          %select_n3A_805 = arith.select %lt3A_796, %get3A_802, %broadcast_in_dim3A_804 : vector<16xi1>, vector<16xi32>
          %shift_right_arithmetic3A_806 = arith.constant 10 : i32
          %shift_right_arithmetic3A_807 = vector.broadcast %shift_right_arithmetic3A_806 : i32 to vector<16xi32>
          %shift_right_arithmetic3A_808 = arith.shrsi %select_n3A_805, %shift_right_arithmetic3A_807 : vector<16xi32>
          %and3A_809 = arith.constant 1023 : i32
          %and3A_810 = vector.broadcast %and3A_809 : i32 to vector<16xi32>
          %and3A_811 = arith.andi %select_n3A_805, %and3A_810 : vector<16xi32>
          %shift_left3A_812 = arith.constant 5 : i32
          %shift_left3A_813 = arith.shli %add3A_261, %shift_left3A_812 : i32
          %add3A_814 = vector.broadcast %shift_left3A_813 : i32 to vector<16xi32>
          %add3A_815 = arith.addi %add3A_814, %shift_right_arithmetic3A_808 : vector<16xi32>
          %gather3A_816 = tpu.vector_load_idx %arg13[%add3A_815] : memref<3200xf32, #tpu.memory_space<vmem>>[vector<16xi32>], vector<16xf32>,
          %gather3A_817 = tpu.vector_load_idx %arg14[%and3A_811] : memref<1024xf32, #tpu.memory_space<vmem>>[vector<16xi32>], vector<16xf32>,
          %add3A_818 = arith.addf %gather3A_816, %gather3A_817 : vector<16xf32>
          %mul3A_819 = arith.constant 2.000000e-01 : f32
          %mul3A_820 = vector.broadcast %mul3A_819 : f32 to vector<16xf32>
          %mul3A_821 = arith.mulf %mul3A_820, %add3A_818 : vector<16xf32>
          %max3A_822 = arith.maximumf %add3A_818, %mul3A_821 : vector<16xf32>
          tpu.vector_store_idx %arg16[%shift_right_arithmetic3A_808, %and3A_811], %max3A_822 masked %lt3A_796 : memref<32x1024xf32, #tpu.memory_space<vmem>>[vector<16xi32>, vector<16xi32>], vector<16xf32>, vector<16xi1>
          %add3A_823 = arith.constant 80 : i32
          %add3A_824 = vector.broadcast %add3A_823 : i32 to vector<16xi32>
          %add3A_825 = arith.addi %add3A_824, %iota3A : vector<16xi32>
          %lt3A_826 = arith.cmpi slt, %add3A_825, %gather3A_672 : vector<16xi32>
          %mul3A_827 = arith.constant 128 : i32
          %mul3A_828 = arith.muli %add3A_261, %mul3A_827 : i32
          %add3A_829 = arith.constant 80 : i32
          %add3A_830 = arith.addi %mul3A_828, %add3A_829 : i32
          %get3A_831 = arith.index_cast %add3A_830 : i32 to index
          %get3A_832 = tpu.vector_load %arg10[%get3A_831] {strides = array<i32>} : memref<12800xi32, #tpu.memory_space<vmem>>, vector<16xi32>,
          %jit3A_833 = arith.constant 0 : i32
          %broadcast_in_dim3A_834 = vector.broadcast %jit3A_833 : i32 to vector<16xi32>
          %select_n3A_835 = arith.select %lt3A_826, %get3A_832, %broadcast_in_dim3A_834 : vector<16xi1>, vector<16xi32>
          %shift_right_arithmetic3A_836 = arith.constant 10 : i32
          %shift_right_arithmetic3A_837 = vector.broadcast %shift_right_arithmetic3A_836 : i32 to vector<16xi32>
          %shift_right_arithmetic3A_838 = arith.shrsi %select_n3A_835, %shift_right_arithmetic3A_837 : vector<16xi32>
          %and3A_839 = arith.constant 1023 : i32
          %and3A_840 = vector.broadcast %and3A_839 : i32 to vector<16xi32>
          %and3A_841 = arith.andi %select_n3A_835, %and3A_840 : vector<16xi32>
          %shift_left3A_842 = arith.constant 5 : i32
          %shift_left3A_843 = arith.shli %add3A_261, %shift_left3A_842 : i32
          %add3A_844 = vector.broadcast %shift_left3A_843 : i32 to vector<16xi32>
          %add3A_845 = arith.addi %add3A_844, %shift_right_arithmetic3A_838 : vector<16xi32>
          %gather3A_846 = tpu.vector_load_idx %arg13[%add3A_845] : memref<3200xf32, #tpu.memory_space<vmem>>[vector<16xi32>], vector<16xf32>,
          %gather3A_847 = tpu.vector_load_idx %arg14[%and3A_841] : memref<1024xf32, #tpu.memory_space<vmem>>[vector<16xi32>], vector<16xf32>,
          %add3A_848 = arith.addf %gather3A_846, %gather3A_847 : vector<16xf32>
          %mul3A_849 = arith.constant 2.000000e-01 : f32
          %mul3A_850 = vector.broadcast %mul3A_849 : f32 to vector<16xf32>
          %mul3A_851 = arith.mulf %mul3A_850, %add3A_848 : vector<16xf32>
          %max3A_852 = arith.maximumf %add3A_848, %mul3A_851 : vector<16xf32>
          tpu.vector_store_idx %arg16[%shift_right_arithmetic3A_838, %and3A_841], %max3A_852 masked %lt3A_826 : memref<32x1024xf32, #tpu.memory_space<vmem>>[vector<16xi32>, vector<16xi32>], vector<16xf32>, vector<16xi1>
          %add3A_853 = arith.constant 96 : i32
          %add3A_854 = vector.broadcast %add3A_853 : i32 to vector<16xi32>
          %add3A_855 = arith.addi %add3A_854, %iota3A : vector<16xi32>
          %lt3A_856 = arith.cmpi slt, %add3A_855, %gather3A_672 : vector<16xi32>
          %mul3A_857 = arith.constant 128 : i32
          %mul3A_858 = arith.muli %add3A_261, %mul3A_857 : i32
          %add3A_859 = arith.constant 96 : i32
          %add3A_860 = arith.addi %mul3A_858, %add3A_859 : i32
          %get3A_861 = arith.index_cast %add3A_860 : i32 to index
          %get3A_862 = tpu.vector_load %arg10[%get3A_861] {strides = array<i32>} : memref<12800xi32, #tpu.memory_space<vmem>>, vector<16xi32>,
          %jit3A_863 = arith.constant 0 : i32
          %broadcast_in_dim3A_864 = vector.broadcast %jit3A_863 : i32 to vector<16xi32>
          %select_n3A_865 = arith.select %lt3A_856, %get3A_862, %broadcast_in_dim3A_864 : vector<16xi1>, vector<16xi32>
          %shift_right_arithmetic3A_866 = arith.constant 10 : i32
          %shift_right_arithmetic3A_867 = vector.broadcast %shift_right_arithmetic3A_866 : i32 to vector<16xi32>
          %shift_right_arithmetic3A_868 = arith.shrsi %select_n3A_865, %shift_right_arithmetic3A_867 : vector<16xi32>
          %and3A_869 = arith.constant 1023 : i32
          %and3A_870 = vector.broadcast %and3A_869 : i32 to vector<16xi32>
          %and3A_871 = arith.andi %select_n3A_865, %and3A_870 : vector<16xi32>
          %shift_left3A_872 = arith.constant 5 : i32
          %shift_left3A_873 = arith.shli %add3A_261, %shift_left3A_872 : i32
          %add3A_874 = vector.broadcast %shift_left3A_873 : i32 to vector<16xi32>
          %add3A_875 = arith.addi %add3A_874, %shift_right_arithmetic3A_868 : vector<16xi32>
          %gather3A_876 = tpu.vector_load_idx %arg13[%add3A_875] : memref<3200xf32, #tpu.memory_space<vmem>>[vector<16xi32>], vector<16xf32>,
          %gather3A_877 = tpu.vector_load_idx %arg14[%and3A_871] : memref<1024xf32, #tpu.memory_space<vmem>>[vector<16xi32>], vector<16xf32>,
          %add3A_878 = arith.addf %gather3A_876, %gather3A_877 : vector<16xf32>
          %mul3A_879 = arith.constant 2.000000e-01 : f32
          %mul3A_880 = vector.broadcast %mul3A_879 : f32 to vector<16xf32>
          %mul3A_881 = arith.mulf %mul3A_880, %add3A_878 : vector<16xf32>
          %max3A_882 = arith.maximumf %add3A_878, %mul3A_881 : vector<16xf32>
          tpu.vector_store_idx %arg16[%shift_right_arithmetic3A_868, %and3A_871], %max3A_882 masked %lt3A_856 : memref<32x1024xf32, #tpu.memory_space<vmem>>[vector<16xi32>, vector<16xi32>], vector<16xf32>, vector<16xi1>
          %add3A_883 = arith.constant 112 : i32
          %add3A_884 = vector.broadcast %add3A_883 : i32 to vector<16xi32>
          %add3A_885 = arith.addi %add3A_884, %iota3A : vector<16xi32>
          %lt3A_886 = arith.cmpi slt, %add3A_885, %gather3A_672 : vector<16xi32>
          %mul3A_887 = arith.constant 128 : i32
          %mul3A_888 = arith.muli %add3A_261, %mul3A_887 : i32
          %add3A_889 = arith.constant 112 : i32
          %add3A_890 = arith.addi %mul3A_888, %add3A_889 : i32
          %get3A_891 = arith.index_cast %add3A_890 : i32 to index
          %get3A_892 = tpu.vector_load %arg10[%get3A_891] {strides = array<i32>} : memref<12800xi32, #tpu.memory_space<vmem>>, vector<16xi32>,
          %jit3A_893 = arith.constant 0 : i32
          %broadcast_in_dim3A_894 = vector.broadcast %jit3A_893 : i32 to vector<16xi32>
          %select_n3A_895 = arith.select %lt3A_886, %get3A_892, %broadcast_in_dim3A_894 : vector<16xi1>, vector<16xi32>
          %shift_right_arithmetic3A_896 = arith.constant 10 : i32
          %shift_right_arithmetic3A_897 = vector.broadcast %shift_right_arithmetic3A_896 : i32 to vector<16xi32>
          %shift_right_arithmetic3A_898 = arith.shrsi %select_n3A_895, %shift_right_arithmetic3A_897 : vector<16xi32>
          %and3A_899 = arith.constant 1023 : i32
          %and3A_900 = vector.broadcast %and3A_899 : i32 to vector<16xi32>
          %and3A_901 = arith.andi %select_n3A_895, %and3A_900 : vector<16xi32>
          %shift_left3A_902 = arith.constant 5 : i32
          %shift_left3A_903 = arith.shli %add3A_261, %shift_left3A_902 : i32
          %add3A_904 = vector.broadcast %shift_left3A_903 : i32 to vector<16xi32>
          %add3A_905 = arith.addi %add3A_904, %shift_right_arithmetic3A_898 : vector<16xi32>
          %gather3A_906 = tpu.vector_load_idx %arg13[%add3A_905] : memref<3200xf32, #tpu.memory_space<vmem>>[vector<16xi32>], vector<16xf32>,
          %gather3A_907 = tpu.vector_load_idx %arg14[%and3A_901] : memref<1024xf32, #tpu.memory_space<vmem>>[vector<16xi32>], vector<16xf32>,
          %add3A_908 = arith.addf %gather3A_906, %gather3A_907 : vector<16xf32>
          %mul3A_909 = arith.constant 2.000000e-01 : f32
          %mul3A_910 = vector.broadcast %mul3A_909 : f32 to vector<16xf32>
          %mul3A_911 = arith.mulf %mul3A_910, %add3A_908 : vector<16xf32>
          %max3A_912 = arith.maximumf %add3A_908, %mul3A_911 : vector<16xf32>
          tpu.vector_store_idx %arg16[%shift_right_arithmetic3A_898, %and3A_901], %max3A_912 masked %lt3A_886 : memref<32x1024xf32, #tpu.memory_space<vmem>>[vector<16xi32>, vector<16xi32>], vector<16xf32>, vector<16xi1>
          %mul3A_913 = arith.constant 32 : i32
          %mul3A_914 = arith.muli %add3A_261, %mul3A_913 : i32
          %add3A_915 = arith.addi %mul3A_2, %mul3A_914 : i32
          %dma_start3A_916 = arith.constant 0 : i32
          %dma_start3A_917 = tpu.memref_slice %arg5[%add3A_915, %dma_start3A_916] : memref<100000x1024xf32, #tpu.memory_space<hbm>> -> memref<32x1024xf32, #tpu.memory_space<hbm>>
          %dma_start3A_918 = arith.constant 0 : i32
          %dma_start3A_919 = tpu.memref_slice %arg5[%add3A_915, %dma_start3A_918] : memref<100000x1024xf32, #tpu.memory_space<hbm>> -> memref<32x1024xf32, #tpu.memory_space<hbm>>
          tpu.enqueue_dma source(%arg16 : memref<32x1024xf32, #tpu.memory_space<vmem>>) target(%dma_start3A_919 : memref<32x1024xf32, #tpu.memory_space<hbm>>) target_semaphore(%arg18 : memref<!tpu.dma_semaphore, #tpu.memory_space<semaphore_mem>>)
        } else {
        }
        %dma_wait3A_511 = arith.constant 0 : i32
        %dma_wait3A_512 = tpu.memref_slice %arg5[%add3A_502, %dma_wait3A_511] : memref<100000x1024xf32, #tpu.memory_space<hbm>> -> memref<32x1024xf32, #tpu.memory_space<hbm>>
        %dma_wait3A_513 = arith.constant 0 : i32
        %dma_wait3A_514 = tpu.memref_slice %arg5[%add3A_502, %dma_wait3A_513] : memref<100000x1024xf32, #tpu.memory_space<hbm>> -> memref<32x1024xf32, #tpu.memory_space<hbm>>
        tpu.wait_dma2 semaphore(%arg17 : memref<!tpu.dma_semaphore, #tpu.memory_space<semaphore_mem>>) src(%arg15 : memref<32x1024xf32, #tpu.memory_space<vmem>>) dst(%dma_wait3A_514 : memref<32x1024xf32, #tpu.memory_space<hbm>>)
        %add3A_515 = arith.constant 0 : i32
        %add3A_516 = vector.broadcast %add3A_515 : i32 to vector<16xi32>
        %add3A_517 = arith.addi %add3A_516, %iota3A : vector<16xi32>
        %lt3A_518 = arith.cmpi slt, %add3A_517, %gather3A : vector<16xi32>
        %mul3A_519 = arith.constant 128 : i32
        %mul3A_520 = arith.muli %mul3A_257, %mul3A_519 : i32
        %add3A_521 = arith.constant 0 : i32
        %add3A_522 = arith.addi %mul3A_520, %add3A_521 : i32
        %get3A_523 = arith.index_cast %add3A_522 : i32 to index
        %get3A_524 = tpu.vector_load %arg10[%get3A_523] {strides = array<i32>} : memref<12800xi32, #tpu.memory_space<vmem>>, vector<16xi32>,
        %jit3A_525 = arith.constant 0 : i32
        %broadcast_in_dim3A_526 = vector.broadcast %jit3A_525 : i32 to vector<16xi32>
        %select_n3A_527 = arith.select %lt3A_518, %get3A_524, %broadcast_in_dim3A_526 : vector<16xi1>, vector<16xi32>
        %shift_right_arithmetic3A_528 = arith.constant 10 : i32
        %shift_right_arithmetic3A_529 = vector.broadcast %shift_right_arithmetic3A_528 : i32 to vector<16xi32>
        %shift_right_arithmetic3A_530 = arith.shrsi %select_n3A_527, %shift_right_arithmetic3A_529 : vector<16xi32>
        %and3A_531 = arith.constant 1023 : i32
        %and3A_532 = vector.broadcast %and3A_531 : i32 to vector<16xi32>
        %and3A_533 = arith.andi %select_n3A_527, %and3A_532 : vector<16xi32>
        tpu.vector_store_idx %arg15[%shift_right_arithmetic3A_530, %and3A_533], %broadcast_in_dim3A_11 masked %lt3A_518 : memref<32x1024xf32, #tpu.memory_space<vmem>>[vector<16xi32>, vector<16xi32>], vector<16xf32>, vector<16xi1>
        %add3A_534 = arith.constant 16 : i32
        %add3A_535 = vector.broadcast %add3A_534 : i32 to vector<16xi32>
        %add3A_536 = arith.addi %add3A_535, %iota3A : vector<16xi32>
        %lt3A_537 = arith.cmpi slt, %add3A_536, %gather3A : vector<16xi32>
        %mul3A_538 = arith.constant 128 : i32
        %mul3A_539 = arith.muli %mul3A_257, %mul3A_538 : i32
        %add3A_540 = arith.constant 16 : i32
        %add3A_541 = arith.addi %mul3A_539, %add3A_540 : i32
        %get3A_542 = arith.index_cast %add3A_541 : i32 to index
        %get3A_543 = tpu.vector_load %arg10[%get3A_542] {strides = array<i32>} : memref<12800xi32, #tpu.memory_space<vmem>>, vector<16xi32>,
        %jit3A_544 = arith.constant 0 : i32
        %broadcast_in_dim3A_545 = vector.broadcast %jit3A_544 : i32 to vector<16xi32>
        %select_n3A_546 = arith.select %lt3A_537, %get3A_543, %broadcast_in_dim3A_545 : vector<16xi1>, vector<16xi32>
        %shift_right_arithmetic3A_547 = arith.constant 10 : i32
        %shift_right_arithmetic3A_548 = vector.broadcast %shift_right_arithmetic3A_547 : i32 to vector<16xi32>
        %shift_right_arithmetic3A_549 = arith.shrsi %select_n3A_546, %shift_right_arithmetic3A_548 : vector<16xi32>
        %and3A_550 = arith.constant 1023 : i32
        %and3A_551 = vector.broadcast %and3A_550 : i32 to vector<16xi32>
        %and3A_552 = arith.andi %select_n3A_546, %and3A_551 : vector<16xi32>
        tpu.vector_store_idx %arg15[%shift_right_arithmetic3A_549, %and3A_552], %broadcast_in_dim3A_11 masked %lt3A_537 : memref<32x1024xf32, #tpu.memory_space<vmem>>[vector<16xi32>, vector<16xi32>], vector<16xf32>, vector<16xi1>
        %add3A_553 = arith.constant 32 : i32
        %add3A_554 = vector.broadcast %add3A_553 : i32 to vector<16xi32>
        %add3A_555 = arith.addi %add3A_554, %iota3A : vector<16xi32>
        %lt3A_556 = arith.cmpi slt, %add3A_555, %gather3A : vector<16xi32>
        %mul3A_557 = arith.constant 128 : i32
        %mul3A_558 = arith.muli %mul3A_257, %mul3A_557 : i32
        %add3A_559 = arith.constant 32 : i32
        %add3A_560 = arith.addi %mul3A_558, %add3A_559 : i32
        %get3A_561 = arith.index_cast %add3A_560 : i32 to index
        %get3A_562 = tpu.vector_load %arg10[%get3A_561] {strides = array<i32>} : memref<12800xi32, #tpu.memory_space<vmem>>, vector<16xi32>,
        %jit3A_563 = arith.constant 0 : i32
        %broadcast_in_dim3A_564 = vector.broadcast %jit3A_563 : i32 to vector<16xi32>
        %select_n3A_565 = arith.select %lt3A_556, %get3A_562, %broadcast_in_dim3A_564 : vector<16xi1>, vector<16xi32>
        %shift_right_arithmetic3A_566 = arith.constant 10 : i32
        %shift_right_arithmetic3A_567 = vector.broadcast %shift_right_arithmetic3A_566 : i32 to vector<16xi32>
        %shift_right_arithmetic3A_568 = arith.shrsi %select_n3A_565, %shift_right_arithmetic3A_567 : vector<16xi32>
        %and3A_569 = arith.constant 1023 : i32
        %and3A_570 = vector.broadcast %and3A_569 : i32 to vector<16xi32>
        %and3A_571 = arith.andi %select_n3A_565, %and3A_570 : vector<16xi32>
        tpu.vector_store_idx %arg15[%shift_right_arithmetic3A_568, %and3A_571], %broadcast_in_dim3A_11 masked %lt3A_556 : memref<32x1024xf32, #tpu.memory_space<vmem>>[vector<16xi32>, vector<16xi32>], vector<16xf32>, vector<16xi1>
        %add3A_572 = arith.constant 48 : i32
        %add3A_573 = vector.broadcast %add3A_572 : i32 to vector<16xi32>
        %add3A_574 = arith.addi %add3A_573, %iota3A : vector<16xi32>
        %lt3A_575 = arith.cmpi slt, %add3A_574, %gather3A : vector<16xi32>
        %mul3A_576 = arith.constant 128 : i32
        %mul3A_577 = arith.muli %mul3A_257, %mul3A_576 : i32
        %add3A_578 = arith.constant 48 : i32
        %add3A_579 = arith.addi %mul3A_577, %add3A_578 : i32
        %get3A_580 = arith.index_cast %add3A_579 : i32 to index
        %get3A_581 = tpu.vector_load %arg10[%get3A_580] {strides = array<i32>} : memref<12800xi32, #tpu.memory_space<vmem>>, vector<16xi32>,
        %jit3A_582 = arith.constant 0 : i32
        %broadcast_in_dim3A_583 = vector.broadcast %jit3A_582 : i32 to vector<16xi32>
        %select_n3A_584 = arith.select %lt3A_575, %get3A_581, %broadcast_in_dim3A_583 : vector<16xi1>, vector<16xi32>
        %shift_right_arithmetic3A_585 = arith.constant 10 : i32
        %shift_right_arithmetic3A_586 = vector.broadcast %shift_right_arithmetic3A_585 : i32 to vector<16xi32>
        %shift_right_arithmetic3A_587 = arith.shrsi %select_n3A_584, %shift_right_arithmetic3A_586 : vector<16xi32>
        %and3A_588 = arith.constant 1023 : i32
        %and3A_589 = vector.broadcast %and3A_588 : i32 to vector<16xi32>
        %and3A_590 = arith.andi %select_n3A_584, %and3A_589 : vector<16xi32>
        tpu.vector_store_idx %arg15[%shift_right_arithmetic3A_587, %and3A_590], %broadcast_in_dim3A_11 masked %lt3A_575 : memref<32x1024xf32, #tpu.memory_space<vmem>>[vector<16xi32>, vector<16xi32>], vector<16xf32>, vector<16xi1>
        %add3A_591 = arith.constant 64 : i32
        %add3A_592 = vector.broadcast %add3A_591 : i32 to vector<16xi32>
        %add3A_593 = arith.addi %add3A_592, %iota3A : vector<16xi32>
        %lt3A_594 = arith.cmpi slt, %add3A_593, %gather3A : vector<16xi32>
        %mul3A_595 = arith.constant 128 : i32
        %mul3A_596 = arith.muli %mul3A_257, %mul3A_595 : i32
        %add3A_597 = arith.constant 64 : i32
        %add3A_598 = arith.addi %mul3A_596, %add3A_597 : i32
        %get3A_599 = arith.index_cast %add3A_598 : i32 to index
        %get3A_600 = tpu.vector_load %arg10[%get3A_599] {strides = array<i32>} : memref<12800xi32, #tpu.memory_space<vmem>>, vector<16xi32>,
        %jit3A_601 = arith.constant 0 : i32
        %broadcast_in_dim3A_602 = vector.broadcast %jit3A_601 : i32 to vector<16xi32>
        %select_n3A_603 = arith.select %lt3A_594, %get3A_600, %broadcast_in_dim3A_602 : vector<16xi1>, vector<16xi32>
        %shift_right_arithmetic3A_604 = arith.constant 10 : i32
        %shift_right_arithmetic3A_605 = vector.broadcast %shift_right_arithmetic3A_604 : i32 to vector<16xi32>
        %shift_right_arithmetic3A_606 = arith.shrsi %select_n3A_603, %shift_right_arithmetic3A_605 : vector<16xi32>
        %and3A_607 = arith.constant 1023 : i32
        %and3A_608 = vector.broadcast %and3A_607 : i32 to vector<16xi32>
        %and3A_609 = arith.andi %select_n3A_603, %and3A_608 : vector<16xi32>
        tpu.vector_store_idx %arg15[%shift_right_arithmetic3A_606, %and3A_609], %broadcast_in_dim3A_11 masked %lt3A_594 : memref<32x1024xf32, #tpu.memory_space<vmem>>[vector<16xi32>, vector<16xi32>], vector<16xf32>, vector<16xi1>
        %add3A_610 = arith.constant 80 : i32
        %add3A_611 = vector.broadcast %add3A_610 : i32 to vector<16xi32>
        %add3A_612 = arith.addi %add3A_611, %iota3A : vector<16xi32>
        %lt3A_613 = arith.cmpi slt, %add3A_612, %gather3A : vector<16xi32>
        %mul3A_614 = arith.constant 128 : i32
        %mul3A_615 = arith.muli %mul3A_257, %mul3A_614 : i32
        %add3A_616 = arith.constant 80 : i32
        %add3A_617 = arith.addi %mul3A_615, %add3A_616 : i32
        %get3A_618 = arith.index_cast %add3A_617 : i32 to index
        %get3A_619 = tpu.vector_load %arg10[%get3A_618] {strides = array<i32>} : memref<12800xi32, #tpu.memory_space<vmem>>, vector<16xi32>,
        %jit3A_620 = arith.constant 0 : i32
        %broadcast_in_dim3A_621 = vector.broadcast %jit3A_620 : i32 to vector<16xi32>
        %select_n3A_622 = arith.select %lt3A_613, %get3A_619, %broadcast_in_dim3A_621 : vector<16xi1>, vector<16xi32>
        %shift_right_arithmetic3A_623 = arith.constant 10 : i32
        %shift_right_arithmetic3A_624 = vector.broadcast %shift_right_arithmetic3A_623 : i32 to vector<16xi32>
        %shift_right_arithmetic3A_625 = arith.shrsi %select_n3A_622, %shift_right_arithmetic3A_624 : vector<16xi32>
        %and3A_626 = arith.constant 1023 : i32
        %and3A_627 = vector.broadcast %and3A_626 : i32 to vector<16xi32>
        %and3A_628 = arith.andi %select_n3A_622, %and3A_627 : vector<16xi32>
        tpu.vector_store_idx %arg15[%shift_right_arithmetic3A_625, %and3A_628], %broadcast_in_dim3A_11 masked %lt3A_613 : memref<32x1024xf32, #tpu.memory_space<vmem>>[vector<16xi32>, vector<16xi32>], vector<16xf32>, vector<16xi1>
        %add3A_629 = arith.constant 96 : i32
        %add3A_630 = vector.broadcast %add3A_629 : i32 to vector<16xi32>
        %add3A_631 = arith.addi %add3A_630, %iota3A : vector<16xi32>
        %lt3A_632 = arith.cmpi slt, %add3A_631, %gather3A : vector<16xi32>
        %mul3A_633 = arith.constant 128 : i32
        %mul3A_634 = arith.muli %mul3A_257, %mul3A_633 : i32
        %add3A_635 = arith.constant 96 : i32
        %add3A_636 = arith.addi %mul3A_634, %add3A_635 : i32
        %get3A_637 = arith.index_cast %add3A_636 : i32 to index
        %get3A_638 = tpu.vector_load %arg10[%get3A_637] {strides = array<i32>} : memref<12800xi32, #tpu.memory_space<vmem>>, vector<16xi32>,
        %jit3A_639 = arith.constant 0 : i32
        %broadcast_in_dim3A_640 = vector.broadcast %jit3A_639 : i32 to vector<16xi32>
        %select_n3A_641 = arith.select %lt3A_632, %get3A_638, %broadcast_in_dim3A_640 : vector<16xi1>, vector<16xi32>
        %shift_right_arithmetic3A_642 = arith.constant 10 : i32
        %shift_right_arithmetic3A_643 = vector.broadcast %shift_right_arithmetic3A_642 : i32 to vector<16xi32>
        %shift_right_arithmetic3A_644 = arith.shrsi %select_n3A_641, %shift_right_arithmetic3A_643 : vector<16xi32>
        %and3A_645 = arith.constant 1023 : i32
        %and3A_646 = vector.broadcast %and3A_645 : i32 to vector<16xi32>
        %and3A_647 = arith.andi %select_n3A_641, %and3A_646 : vector<16xi32>
        tpu.vector_store_idx %arg15[%shift_right_arithmetic3A_644, %and3A_647], %broadcast_in_dim3A_11 masked %lt3A_632 : memref<32x1024xf32, #tpu.memory_space<vmem>>[vector<16xi32>, vector<16xi32>], vector<16xf32>, vector<16xi1>
        %add3A_648 = arith.constant 112 : i32
        %add3A_649 = vector.broadcast %add3A_648 : i32 to vector<16xi32>
        %add3A_650 = arith.addi %add3A_649, %iota3A : vector<16xi32>
        %lt3A_651 = arith.cmpi slt, %add3A_650, %gather3A : vector<16xi32>
        %mul3A_652 = arith.constant 128 : i32
        %mul3A_653 = arith.muli %mul3A_257, %mul3A_652 : i32
        %add3A_654 = arith.constant 112 : i32
        %add3A_655 = arith.addi %mul3A_653, %add3A_654 : i32
        %get3A_656 = arith.index_cast %add3A_655 : i32 to index
        %get3A_657 = tpu.vector_load %arg10[%get3A_656] {strides = array<i32>} : memref<12800xi32, #tpu.memory_space<vmem>>, vector<16xi32>,
        %jit3A_658 = arith.constant 0 : i32
        %broadcast_in_dim3A_659 = vector.broadcast %jit3A_658 : i32 to vector<16xi32>
        %select_n3A_660 = arith.select %lt3A_651, %get3A_657, %broadcast_in_dim3A_659 : vector<16xi1>, vector<16xi32>
        %shift_right_arithmetic3A_661 = arith.constant 10 : i32
        %shift_right_arithmetic3A_662 = vector.broadcast %shift_right_arithmetic3A_661 : i32 to vector<16xi32>
        %shift_right_arithmetic3A_663 = arith.shrsi %select_n3A_660, %shift_right_arithmetic3A_662 : vector<16xi32>
        %and3A_664 = arith.constant 1023 : i32
        %and3A_665 = vector.broadcast %and3A_664 : i32 to vector<16xi32>
        %and3A_666 = arith.andi %select_n3A_660, %and3A_665 : vector<16xi32>
        tpu.vector_store_idx %arg15[%shift_right_arithmetic3A_663, %and3A_666], %broadcast_in_dim3A_11 masked %lt3A_651 : memref<32x1024xf32, #tpu.memory_space<vmem>>[vector<16xi32>, vector<16xi32>], vector<16xf32>, vector<16xi1>
        %lt3A_667 = arith.cmpi slt, %add3A_261, %select_n3A_10 : i32
        %convert_element_type3A_668 = arith.extui %lt3A_667 : i1 to i32
        %cond3A_669 = arith.constant 0 : i32
        %cond3A_670 = arith.cmpi ne, %convert_element_type3A_668, %cond3A_669 : i32
        scf.if %cond3A_670 {
          %broadcast_in_dim3A_671 = vector.broadcast %add3A_261 : i32 to vector<16xi32>
          %gather3A_672 = tpu.vector_load_idx %arg11[%broadcast_in_dim3A_671] : memref<112xi32, #tpu.memory_space<vmem>>[vector<16xi32>], vector<16xi32>,
          %mul3A_673 = arith.constant 32 : i32
          %mul3A_674 = arith.muli %add3A_261, %mul3A_673 : i32
          %add3A_675 = arith.addi %mul3A_2, %mul3A_674 : i32
          %dma_wait3A_676 = arith.constant 0 : i32
          %dma_wait3A_677 = tpu.memref_slice %arg5[%add3A_675, %dma_wait3A_676] : memref<100000x1024xf32, #tpu.memory_space<hbm>> -> memref<32x1024xf32, #tpu.memory_space<hbm>>
          %dma_wait3A_678 = arith.constant 0 : i32
          %dma_wait3A_679 = tpu.memref_slice %arg5[%add3A_675, %dma_wait3A_678] : memref<100000x1024xf32, #tpu.memory_space<hbm>> -> memref<32x1024xf32, #tpu.memory_space<hbm>>
          tpu.wait_dma2 semaphore(%arg18 : memref<!tpu.dma_semaphore, #tpu.memory_space<semaphore_mem>>) src(%arg16 : memref<32x1024xf32, #tpu.memory_space<vmem>>) dst(%dma_wait3A_679 : memref<32x1024xf32, #tpu.memory_space<hbm>>)
          %add3A_680 = arith.constant 0 : i32
          %add3A_681 = vector.broadcast %add3A_680 : i32 to vector<16xi32>
          %add3A_682 = arith.addi %add3A_681, %iota3A : vector<16xi32>
          %lt3A_683 = arith.cmpi slt, %add3A_682, %gather3A_672 : vector<16xi32>
          %mul3A_684 = arith.constant 128 : i32
          %mul3A_685 = arith.muli %add3A_261, %mul3A_684 : i32
          %add3A_686 = arith.constant 0 : i32
          %add3A_687 = arith.addi %mul3A_685, %add3A_686 : i32
          %get3A_688 = arith.index_cast %add3A_687 : i32 to index
          %get3A_689 = tpu.vector_load %arg10[%get3A_688] {strides = array<i32>} : memref<12800xi32, #tpu.memory_space<vmem>>, vector<16xi32>,
          %jit3A_690 = arith.constant 0 : i32
          %broadcast_in_dim3A_691 = vector.broadcast %jit3A_690 : i32 to vector<16xi32>
          %select_n3A_692 = arith.select %lt3A_683, %get3A_689, %broadcast_in_dim3A_691 : vector<16xi1>, vector<16xi32>
          %shift_right_arithmetic3A_693 = arith.constant 10 : i32
          %shift_right_arithmetic3A_694 = vector.broadcast %shift_right_arithmetic3A_693 : i32 to vector<16xi32>
          %shift_right_arithmetic3A_695 = arith.shrsi %select_n3A_692, %shift_right_arithmetic3A_694 : vector<16xi32>
          %and3A_696 = arith.constant 1023 : i32
          %and3A_697 = vector.broadcast %and3A_696 : i32 to vector<16xi32>
          %and3A_698 = arith.andi %select_n3A_692, %and3A_697 : vector<16xi32>
          tpu.vector_store_idx %arg16[%shift_right_arithmetic3A_695, %and3A_698], %broadcast_in_dim3A_11 masked %lt3A_683 : memref<32x1024xf32, #tpu.memory_space<vmem>>[vector<16xi32>, vector<16xi32>], vector<16xf32>, vector<16xi1>
          %add3A_699 = arith.constant 16 : i32
          %add3A_700 = vector.broadcast %add3A_699 : i32 to vector<16xi32>
          %add3A_701 = arith.addi %add3A_700, %iota3A : vector<16xi32>
          %lt3A_702 = arith.cmpi slt, %add3A_701, %gather3A_672 : vector<16xi32>
          %mul3A_703 = arith.constant 128 : i32
          %mul3A_704 = arith.muli %add3A_261, %mul3A_703 : i32
          %add3A_705 = arith.constant 16 : i32
          %add3A_706 = arith.addi %mul3A_704, %add3A_705 : i32
          %get3A_707 = arith.index_cast %add3A_706 : i32 to index
          %get3A_708 = tpu.vector_load %arg10[%get3A_707] {strides = array<i32>} : memref<12800xi32, #tpu.memory_space<vmem>>, vector<16xi32>,
          %jit3A_709 = arith.constant 0 : i32
          %broadcast_in_dim3A_710 = vector.broadcast %jit3A_709 : i32 to vector<16xi32>
          %select_n3A_711 = arith.select %lt3A_702, %get3A_708, %broadcast_in_dim3A_710 : vector<16xi1>, vector<16xi32>
          %shift_right_arithmetic3A_712 = arith.constant 10 : i32
          %shift_right_arithmetic3A_713 = vector.broadcast %shift_right_arithmetic3A_712 : i32 to vector<16xi32>
          %shift_right_arithmetic3A_714 = arith.shrsi %select_n3A_711, %shift_right_arithmetic3A_713 : vector<16xi32>
          %and3A_715 = arith.constant 1023 : i32
          %and3A_716 = vector.broadcast %and3A_715 : i32 to vector<16xi32>
          %and3A_717 = arith.andi %select_n3A_711, %and3A_716 : vector<16xi32>
          tpu.vector_store_idx %arg16[%shift_right_arithmetic3A_714, %and3A_717], %broadcast_in_dim3A_11 masked %lt3A_702 : memref<32x1024xf32, #tpu.memory_space<vmem>>[vector<16xi32>, vector<16xi32>], vector<16xf32>, vector<16xi1>
          %add3A_718 = arith.constant 32 : i32
          %add3A_719 = vector.broadcast %add3A_718 : i32 to vector<16xi32>
          %add3A_720 = arith.addi %add3A_719, %iota3A : vector<16xi32>
          %lt3A_721 = arith.cmpi slt, %add3A_720, %gather3A_672 : vector<16xi32>
          %mul3A_722 = arith.constant 128 : i32
          %mul3A_723 = arith.muli %add3A_261, %mul3A_722 : i32
          %add3A_724 = arith.constant 32 : i32
          %add3A_725 = arith.addi %mul3A_723, %add3A_724 : i32
          %get3A_726 = arith.index_cast %add3A_725 : i32 to index
          %get3A_727 = tpu.vector_load %arg10[%get3A_726] {strides = array<i32>} : memref<12800xi32, #tpu.memory_space<vmem>>, vector<16xi32>,
          %jit3A_728 = arith.constant 0 : i32
          %broadcast_in_dim3A_729 = vector.broadcast %jit3A_728 : i32 to vector<16xi32>
          %select_n3A_730 = arith.select %lt3A_721, %get3A_727, %broadcast_in_dim3A_729 : vector<16xi1>, vector<16xi32>
          %shift_right_arithmetic3A_731 = arith.constant 10 : i32
          %shift_right_arithmetic3A_732 = vector.broadcast %shift_right_arithmetic3A_731 : i32 to vector<16xi32>
          %shift_right_arithmetic3A_733 = arith.shrsi %select_n3A_730, %shift_right_arithmetic3A_732 : vector<16xi32>
          %and3A_734 = arith.constant 1023 : i32
          %and3A_735 = vector.broadcast %and3A_734 : i32 to vector<16xi32>
          %and3A_736 = arith.andi %select_n3A_730, %and3A_735 : vector<16xi32>
          tpu.vector_store_idx %arg16[%shift_right_arithmetic3A_733, %and3A_736], %broadcast_in_dim3A_11 masked %lt3A_721 : memref<32x1024xf32, #tpu.memory_space<vmem>>[vector<16xi32>, vector<16xi32>], vector<16xf32>, vector<16xi1>
          %add3A_737 = arith.constant 48 : i32
          %add3A_738 = vector.broadcast %add3A_737 : i32 to vector<16xi32>
          %add3A_739 = arith.addi %add3A_738, %iota3A : vector<16xi32>
          %lt3A_740 = arith.cmpi slt, %add3A_739, %gather3A_672 : vector<16xi32>
          %mul3A_741 = arith.constant 128 : i32
          %mul3A_742 = arith.muli %add3A_261, %mul3A_741 : i32
          %add3A_743 = arith.constant 48 : i32
          %add3A_744 = arith.addi %mul3A_742, %add3A_743 : i32
          %get3A_745 = arith.index_cast %add3A_744 : i32 to index
          %get3A_746 = tpu.vector_load %arg10[%get3A_745] {strides = array<i32>} : memref<12800xi32, #tpu.memory_space<vmem>>, vector<16xi32>,
          %jit3A_747 = arith.constant 0 : i32
          %broadcast_in_dim3A_748 = vector.broadcast %jit3A_747 : i32 to vector<16xi32>
          %select_n3A_749 = arith.select %lt3A_740, %get3A_746, %broadcast_in_dim3A_748 : vector<16xi1>, vector<16xi32>
          %shift_right_arithmetic3A_750 = arith.constant 10 : i32
          %shift_right_arithmetic3A_751 = vector.broadcast %shift_right_arithmetic3A_750 : i32 to vector<16xi32>
          %shift_right_arithmetic3A_752 = arith.shrsi %select_n3A_749, %shift_right_arithmetic3A_751 : vector<16xi32>
          %and3A_753 = arith.constant 1023 : i32
          %and3A_754 = vector.broadcast %and3A_753 : i32 to vector<16xi32>
          %and3A_755 = arith.andi %select_n3A_749, %and3A_754 : vector<16xi32>
          tpu.vector_store_idx %arg16[%shift_right_arithmetic3A_752, %and3A_755], %broadcast_in_dim3A_11 masked %lt3A_740 : memref<32x1024xf32, #tpu.memory_space<vmem>>[vector<16xi32>, vector<16xi32>], vector<16xf32>, vector<16xi1>
          %add3A_756 = arith.constant 64 : i32
          %add3A_757 = vector.broadcast %add3A_756 : i32 to vector<16xi32>
          %add3A_758 = arith.addi %add3A_757, %iota3A : vector<16xi32>
          %lt3A_759 = arith.cmpi slt, %add3A_758, %gather3A_672 : vector<16xi32>
          %mul3A_760 = arith.constant 128 : i32
          %mul3A_761 = arith.muli %add3A_261, %mul3A_760 : i32
          %add3A_762 = arith.constant 64 : i32
          %add3A_763 = arith.addi %mul3A_761, %add3A_762 : i32
          %get3A_764 = arith.index_cast %add3A_763 : i32 to index
          %get3A_765 = tpu.vector_load %arg10[%get3A_764] {strides = array<i32>} : memref<12800xi32, #tpu.memory_space<vmem>>, vector<16xi32>,
          %jit3A_766 = arith.constant 0 : i32
          %broadcast_in_dim3A_767 = vector.broadcast %jit3A_766 : i32 to vector<16xi32>
          %select_n3A_768 = arith.select %lt3A_759, %get3A_765, %broadcast_in_dim3A_767 : vector<16xi1>, vector<16xi32>
          %shift_right_arithmetic3A_769 = arith.constant 10 : i32
          %shift_right_arithmetic3A_770 = vector.broadcast %shift_right_arithmetic3A_769 : i32 to vector<16xi32>
          %shift_right_arithmetic3A_771 = arith.shrsi %select_n3A_768, %shift_right_arithmetic3A_770 : vector<16xi32>
          %and3A_772 = arith.constant 1023 : i32
          %and3A_773 = vector.broadcast %and3A_772 : i32 to vector<16xi32>
          %and3A_774 = arith.andi %select_n3A_768, %and3A_773 : vector<16xi32>
          tpu.vector_store_idx %arg16[%shift_right_arithmetic3A_771, %and3A_774], %broadcast_in_dim3A_11 masked %lt3A_759 : memref<32x1024xf32, #tpu.memory_space<vmem>>[vector<16xi32>, vector<16xi32>], vector<16xf32>, vector<16xi1>
          %add3A_775 = arith.constant 80 : i32
          %add3A_776 = vector.broadcast %add3A_775 : i32 to vector<16xi32>
          %add3A_777 = arith.addi %add3A_776, %iota3A : vector<16xi32>
          %lt3A_778 = arith.cmpi slt, %add3A_777, %gather3A_672 : vector<16xi32>
          %mul3A_779 = arith.constant 128 : i32
          %mul3A_780 = arith.muli %add3A_261, %mul3A_779 : i32
          %add3A_781 = arith.constant 80 : i32
          %add3A_782 = arith.addi %mul3A_780, %add3A_781 : i32
          %get3A_783 = arith.index_cast %add3A_782 : i32 to index
          %get3A_784 = tpu.vector_load %arg10[%get3A_783] {strides = array<i32>} : memref<12800xi32, #tpu.memory_space<vmem>>, vector<16xi32>,
          %jit3A_785 = arith.constant 0 : i32
          %broadcast_in_dim3A_786 = vector.broadcast %jit3A_785 : i32 to vector<16xi32>
          %select_n3A_787 = arith.select %lt3A_778, %get3A_784, %broadcast_in_dim3A_786 : vector<16xi1>, vector<16xi32>
          %shift_right_arithmetic3A_788 = arith.constant 10 : i32
          %shift_right_arithmetic3A_789 = vector.broadcast %shift_right_arithmetic3A_788 : i32 to vector<16xi32>
          %shift_right_arithmetic3A_790 = arith.shrsi %select_n3A_787, %shift_right_arithmetic3A_789 : vector<16xi32>
          %and3A_791 = arith.constant 1023 : i32
          %and3A_792 = vector.broadcast %and3A_791 : i32 to vector<16xi32>
          %and3A_793 = arith.andi %select_n3A_787, %and3A_792 : vector<16xi32>
          tpu.vector_store_idx %arg16[%shift_right_arithmetic3A_790, %and3A_793], %broadcast_in_dim3A_11 masked %lt3A_778 : memref<32x1024xf32, #tpu.memory_space<vmem>>[vector<16xi32>, vector<16xi32>], vector<16xf32>, vector<16xi1>
          %add3A_794 = arith.constant 96 : i32
          %add3A_795 = vector.broadcast %add3A_794 : i32 to vector<16xi32>
          %add3A_796 = arith.addi %add3A_795, %iota3A : vector<16xi32>
          %lt3A_797 = arith.cmpi slt, %add3A_796, %gather3A_672 : vector<16xi32>
          %mul3A_798 = arith.constant 128 : i32
          %mul3A_799 = arith.muli %add3A_261, %mul3A_798 : i32
          %add3A_800 = arith.constant 96 : i32
          %add3A_801 = arith.addi %mul3A_799, %add3A_800 : i32
          %get3A_802 = arith.index_cast %add3A_801 : i32 to index
          %get3A_803 = tpu.vector_load %arg10[%get3A_802] {strides = array<i32>} : memref<12800xi32, #tpu.memory_space<vmem>>, vector<16xi32>,
          %jit3A_804 = arith.constant 0 : i32
          %broadcast_in_dim3A_805 = vector.broadcast %jit3A_804 : i32 to vector<16xi32>
          %select_n3A_806 = arith.select %lt3A_797, %get3A_803, %broadcast_in_dim3A_805 : vector<16xi1>, vector<16xi32>
          %shift_right_arithmetic3A_807 = arith.constant 10 : i32
          %shift_right_arithmetic3A_808 = vector.broadcast %shift_right_arithmetic3A_807 : i32 to vector<16xi32>
          %shift_right_arithmetic3A_809 = arith.shrsi %select_n3A_806, %shift_right_arithmetic3A_808 : vector<16xi32>
          %and3A_810 = arith.constant 1023 : i32
          %and3A_811 = vector.broadcast %and3A_810 : i32 to vector<16xi32>
          %and3A_812 = arith.andi %select_n3A_806, %and3A_811 : vector<16xi32>
          tpu.vector_store_idx %arg16[%shift_right_arithmetic3A_809, %and3A_812], %broadcast_in_dim3A_11 masked %lt3A_797 : memref<32x1024xf32, #tpu.memory_space<vmem>>[vector<16xi32>, vector<16xi32>], vector<16xf32>, vector<16xi1>
          %add3A_813 = arith.constant 112 : i32
          %add3A_814 = vector.broadcast %add3A_813 : i32 to vector<16xi32>
          %add3A_815 = arith.addi %add3A_814, %iota3A : vector<16xi32>
          %lt3A_816 = arith.cmpi slt, %add3A_815, %gather3A_672 : vector<16xi32>
          %mul3A_817 = arith.constant 128 : i32
          %mul3A_818 = arith.muli %add3A_261, %mul3A_817 : i32
          %add3A_819 = arith.constant 112 : i32
          %add3A_820 = arith.addi %mul3A_818, %add3A_819 : i32
          %get3A_821 = arith.index_cast %add3A_820 : i32 to index
          %get3A_822 = tpu.vector_load %arg10[%get3A_821] {strides = array<i32>} : memref<12800xi32, #tpu.memory_space<vmem>>, vector<16xi32>,
          %jit3A_823 = arith.constant 0 : i32
          %broadcast_in_dim3A_824 = vector.broadcast %jit3A_823 : i32 to vector<16xi32>
          %select_n3A_825 = arith.select %lt3A_816, %get3A_822, %broadcast_in_dim3A_824 : vector<16xi1>, vector<16xi32>
          %shift_right_arithmetic3A_826 = arith.constant 10 : i32
          %shift_right_arithmetic3A_827 = vector.broadcast %shift_right_arithmetic3A_826 : i32 to vector<16xi32>
          %shift_right_arithmetic3A_828 = arith.shrsi %select_n3A_825, %shift_right_arithmetic3A_827 : vector<16xi32>
          %and3A_829 = arith.constant 1023 : i32
          %and3A_830 = vector.broadcast %and3A_829 : i32 to vector<16xi32>
          %and3A_831 = arith.andi %select_n3A_825, %and3A_830 : vector<16xi32>
          tpu.vector_store_idx %arg16[%shift_right_arithmetic3A_828, %and3A_831], %broadcast_in_dim3A_11 masked %lt3A_816 : memref<32x1024xf32, #tpu.memory_space<vmem>>[vector<16xi32>, vector<16xi32>], vector<16xf32>, vector<16xi1>
        } else {
        }
      }
      %while3A_252 = arith.constant 1 : i32
      scf.for %while3A_253 = %while3A_250 to %while3A_246 step %while3A_252  : i32 {
        %mul3A_254 = arith.muli %while3A_253, %while3A : i32
        %add3A_255 = arith.addi %while3A_243, %mul3A_254 : i32
        %mul3A_256 = arith.constant 2 : i32
        %mul3A_257 = arith.muli %mul3A_256, %add3A_255 : i32
        %mul3A_258 = arith.constant 2 : i32
        %mul3A_259 = arith.muli %mul3A_258, %add3A_255 : i32
        %add3A_260 = arith.constant 1 : i32
        %add3A_261 = arith.addi %mul3A_259, %add3A_260 : i32
        %broadcast_in_dim3A_262 = vector.broadcast %mul3A_257 : i32 to vector<16xi32>
        %gather3A = tpu.vector_load_idx %arg11[%broadcast_in_dim3A_262] : memref<112xi32, #tpu.memory_space<vmem>>[vector<16xi32>], vector<16xi32>,
        %add3A_263 = arith.constant 0 : i32
        %add3A_264 = vector.broadcast %add3A_263 : i32 to vector<16xi32>
        %add3A_265 = arith.addi %add3A_264, %iota3A : vector<16xi32>
        %lt3A = arith.cmpi slt, %add3A_265, %gather3A : vector<16xi32>
        %mul3A_266 = arith.constant 128 : i32
        %mul3A_267 = arith.muli %mul3A_257, %mul3A_266 : i32
        %add3A_268 = arith.constant 0 : i32
        %add3A_269 = arith.addi %mul3A_267, %add3A_268 : i32
        %get3A_270 = arith.index_cast %add3A_269 : i32 to index
        %get3A_271 = tpu.vector_load %arg10[%get3A_270] {strides = array<i32>} : memref<12800xi32, #tpu.memory_space<vmem>>, vector<16xi32>,
        %jit3A_272 = arith.constant 0 : i32
        %broadcast_in_dim3A_273 = vector.broadcast %jit3A_272 : i32 to vector<16xi32>
        %select_n3A_274 = arith.select %lt3A, %get3A_271, %broadcast_in_dim3A_273 : vector<16xi1>, vector<16xi32>
        %shift_right_arithmetic3A = arith.constant 10 : i32
        %shift_right_arithmetic3A_275 = vector.broadcast %shift_right_arithmetic3A : i32 to vector<16xi32>
        %shift_right_arithmetic3A_276 = arith.shrsi %select_n3A_274, %shift_right_arithmetic3A_275 : vector<16xi32>
        %and3A_277 = arith.constant 1023 : i32
        %and3A_278 = vector.broadcast %and3A_277 : i32 to vector<16xi32>
        %and3A_279 = arith.andi %select_n3A_274, %and3A_278 : vector<16xi32>
        %shift_left3A = arith.constant 5 : i32
        %shift_left3A_280 = arith.shli %mul3A_257, %shift_left3A : i32
        %add3A_281 = vector.broadcast %shift_left3A_280 : i32 to vector<16xi32>
        %add3A_282 = arith.addi %add3A_281, %shift_right_arithmetic3A_276 : vector<16xi32>
        %gather3A_283 = tpu.vector_load_idx %arg13[%add3A_282] : memref<3200xf32, #tpu.memory_space<vmem>>[vector<16xi32>], vector<16xf32>,
        %gather3A_284 = tpu.vector_load_idx %arg14[%and3A_279] : memref<1024xf32, #tpu.memory_space<vmem>>[vector<16xi32>], vector<16xf32>,
        %add3A_285 = arith.addf %gather3A_283, %gather3A_284 : vector<16xf32>
        %mul3A_286 = arith.constant 2.000000e-01 : f32
        %mul3A_287 = vector.broadcast %mul3A_286 : f32 to vector<16xf32>
        %mul3A_288 = arith.mulf %mul3A_287, %add3A_285 : vector<16xf32>
        %max3A_289 = arith.maximumf %add3A_285, %mul3A_288 : vector<16xf32>
        tpu.vector_store_idx %arg15[%shift_right_arithmetic3A_276, %and3A_279], %max3A_289 masked %lt3A : memref<32x1024xf32, #tpu.memory_space<vmem>>[vector<16xi32>, vector<16xi32>], vector<16xf32>, vector<16xi1>
        %add3A_290 = arith.constant 16 : i32
        %add3A_291 = vector.broadcast %add3A_290 : i32 to vector<16xi32>
        %add3A_292 = arith.addi %add3A_291, %iota3A : vector<16xi32>
        %lt3A_293 = arith.cmpi slt, %add3A_292, %gather3A : vector<16xi32>
        %mul3A_294 = arith.constant 128 : i32
        %mul3A_295 = arith.muli %mul3A_257, %mul3A_294 : i32
        %add3A_296 = arith.constant 16 : i32
        %add3A_297 = arith.addi %mul3A_295, %add3A_296 : i32
        %get3A_298 = arith.index_cast %add3A_297 : i32 to index
        %get3A_299 = tpu.vector_load %arg10[%get3A_298] {strides = array<i32>} : memref<12800xi32, #tpu.memory_space<vmem>>, vector<16xi32>,
        %jit3A_300 = arith.constant 0 : i32
        %broadcast_in_dim3A_301 = vector.broadcast %jit3A_300 : i32 to vector<16xi32>
        %select_n3A_302 = arith.select %lt3A_293, %get3A_299, %broadcast_in_dim3A_301 : vector<16xi1>, vector<16xi32>
        %shift_right_arithmetic3A_303 = arith.constant 10 : i32
        %shift_right_arithmetic3A_304 = vector.broadcast %shift_right_arithmetic3A_303 : i32 to vector<16xi32>
        %shift_right_arithmetic3A_305 = arith.shrsi %select_n3A_302, %shift_right_arithmetic3A_304 : vector<16xi32>
        %and3A_306 = arith.constant 1023 : i32
        %and3A_307 = vector.broadcast %and3A_306 : i32 to vector<16xi32>
        %and3A_308 = arith.andi %select_n3A_302, %and3A_307 : vector<16xi32>
        %shift_left3A_309 = arith.constant 5 : i32
        %shift_left3A_310 = arith.shli %mul3A_257, %shift_left3A_309 : i32
        %add3A_311 = vector.broadcast %shift_left3A_310 : i32 to vector<16xi32>
        %add3A_312 = arith.addi %add3A_311, %shift_right_arithmetic3A_305 : vector<16xi32>
        %gather3A_313 = tpu.vector_load_idx %arg13[%add3A_312] : memref<3200xf32, #tpu.memory_space<vmem>>[vector<16xi32>], vector<16xf32>,
        %gather3A_314 = tpu.vector_load_idx %arg14[%and3A_308] : memref<1024xf32, #tpu.memory_space<vmem>>[vector<16xi32>], vector<16xf32>,
        %add3A_315 = arith.addf %gather3A_313, %gather3A_314 : vector<16xf32>
        %mul3A_316 = arith.constant 2.000000e-01 : f32
        %mul3A_317 = vector.broadcast %mul3A_316 : f32 to vector<16xf32>
        %mul3A_318 = arith.mulf %mul3A_317, %add3A_315 : vector<16xf32>
        %max3A_319 = arith.maximumf %add3A_315, %mul3A_318 : vector<16xf32>
        tpu.vector_store_idx %arg15[%shift_right_arithmetic3A_305, %and3A_308], %max3A_319 masked %lt3A_293 : memref<32x1024xf32, #tpu.memory_space<vmem>>[vector<16xi32>, vector<16xi32>], vector<16xf32>, vector<16xi1>
        %add3A_320 = arith.constant 32 : i32
        %add3A_321 = vector.broadcast %add3A_320 : i32 to vector<16xi32>
        %add3A_322 = arith.addi %add3A_321, %iota3A : vector<16xi32>
        %lt3A_323 = arith.cmpi slt, %add3A_322, %gather3A : vector<16xi32>
        %mul3A_324 = arith.constant 128 : i32
        %mul3A_325 = arith.muli %mul3A_257, %mul3A_324 : i32
        %add3A_326 = arith.constant 32 : i32
        %add3A_327 = arith.addi %mul3A_325, %add3A_326 : i32
        %get3A_328 = arith.index_cast %add3A_327 : i32 to index
        %get3A_329 = tpu.vector_load %arg10[%get3A_328] {strides = array<i32>} : memref<12800xi32, #tpu.memory_space<vmem>>, vector<16xi32>,
        %jit3A_330 = arith.constant 0 : i32
        %broadcast_in_dim3A_331 = vector.broadcast %jit3A_330 : i32 to vector<16xi32>
        %select_n3A_332 = arith.select %lt3A_323, %get3A_329, %broadcast_in_dim3A_331 : vector<16xi1>, vector<16xi32>
        %shift_right_arithmetic3A_333 = arith.constant 10 : i32
        %shift_right_arithmetic3A_334 = vector.broadcast %shift_right_arithmetic3A_333 : i32 to vector<16xi32>
        %shift_right_arithmetic3A_335 = arith.shrsi %select_n3A_332, %shift_right_arithmetic3A_334 : vector<16xi32>
        %and3A_336 = arith.constant 1023 : i32
        %and3A_337 = vector.broadcast %and3A_336 : i32 to vector<16xi32>
        %and3A_338 = arith.andi %select_n3A_332, %and3A_337 : vector<16xi32>
        %shift_left3A_339 = arith.constant 5 : i32
        %shift_left3A_340 = arith.shli %mul3A_257, %shift_left3A_339 : i32
        %add3A_341 = vector.broadcast %shift_left3A_340 : i32 to vector<16xi32>
        %add3A_342 = arith.addi %add3A_341, %shift_right_arithmetic3A_335 : vector<16xi32>
        %gather3A_343 = tpu.vector_load_idx %arg13[%add3A_342] : memref<3200xf32, #tpu.memory_space<vmem>>[vector<16xi32>], vector<16xf32>,
        %gather3A_344 = tpu.vector_load_idx %arg14[%and3A_338] : memref<1024xf32, #tpu.memory_space<vmem>>[vector<16xi32>], vector<16xf32>,
        %add3A_345 = arith.addf %gather3A_343, %gather3A_344 : vector<16xf32>
        %mul3A_346 = arith.constant 2.000000e-01 : f32
        %mul3A_347 = vector.broadcast %mul3A_346 : f32 to vector<16xf32>
        %mul3A_348 = arith.mulf %mul3A_347, %add3A_345 : vector<16xf32>
        %max3A_349 = arith.maximumf %add3A_345, %mul3A_348 : vector<16xf32>
        tpu.vector_store_idx %arg15[%shift_right_arithmetic3A_335, %and3A_338], %max3A_349 masked %lt3A_323 : memref<32x1024xf32, #tpu.memory_space<vmem>>[vector<16xi32>, vector<16xi32>], vector<16xf32>, vector<16xi1>
        %add3A_350 = arith.constant 48 : i32
        %add3A_351 = vector.broadcast %add3A_350 : i32 to vector<16xi32>
        %add3A_352 = arith.addi %add3A_351, %iota3A : vector<16xi32>
        %lt3A_353 = arith.cmpi slt, %add3A_352, %gather3A : vector<16xi32>
        %mul3A_354 = arith.constant 128 : i32
        %mul3A_355 = arith.muli %mul3A_257, %mul3A_354 : i32
        %add3A_356 = arith.constant 48 : i32
        %add3A_357 = arith.addi %mul3A_355, %add3A_356 : i32
        %get3A_358 = arith.index_cast %add3A_357 : i32 to index
        %get3A_359 = tpu.vector_load %arg10[%get3A_358] {strides = array<i32>} : memref<12800xi32, #tpu.memory_space<vmem>>, vector<16xi32>,
        %jit3A_360 = arith.constant 0 : i32
        %broadcast_in_dim3A_361 = vector.broadcast %jit3A_360 : i32 to vector<16xi32>
        %select_n3A_362 = arith.select %lt3A_353, %get3A_359, %broadcast_in_dim3A_361 : vector<16xi1>, vector<16xi32>
        %shift_right_arithmetic3A_363 = arith.constant 10 : i32
        %shift_right_arithmetic3A_364 = vector.broadcast %shift_right_arithmetic3A_363 : i32 to vector<16xi32>
        %shift_right_arithmetic3A_365 = arith.shrsi %select_n3A_362, %shift_right_arithmetic3A_364 : vector<16xi32>
        %and3A_366 = arith.constant 1023 : i32
        %and3A_367 = vector.broadcast %and3A_366 : i32 to vector<16xi32>
        %and3A_368 = arith.andi %select_n3A_362, %and3A_367 : vector<16xi32>
        %shift_left3A_369 = arith.constant 5 : i32
        %shift_left3A_370 = arith.shli %mul3A_257, %shift_left3A_369 : i32
        %add3A_371 = vector.broadcast %shift_left3A_370 : i32 to vector<16xi32>
        %add3A_372 = arith.addi %add3A_371, %shift_right_arithmetic3A_365 : vector<16xi32>
        %gather3A_373 = tpu.vector_load_idx %arg13[%add3A_372] : memref<3200xf32, #tpu.memory_space<vmem>>[vector<16xi32>], vector<16xf32>,
        %gather3A_374 = tpu.vector_load_idx %arg14[%and3A_368] : memref<1024xf32, #tpu.memory_space<vmem>>[vector<16xi32>], vector<16xf32>,
        %add3A_375 = arith.addf %gather3A_373, %gather3A_374 : vector<16xf32>
        %mul3A_376 = arith.constant 2.000000e-01 : f32
        %mul3A_377 = vector.broadcast %mul3A_376 : f32 to vector<16xf32>
        %mul3A_378 = arith.mulf %mul3A_377, %add3A_375 : vector<16xf32>
        %max3A_379 = arith.maximumf %add3A_375, %mul3A_378 : vector<16xf32>
        tpu.vector_store_idx %arg15[%shift_right_arithmetic3A_365, %and3A_368], %max3A_379 masked %lt3A_353 : memref<32x1024xf32, #tpu.memory_space<vmem>>[vector<16xi32>, vector<16xi32>], vector<16xf32>, vector<16xi1>
        %add3A_380 = arith.constant 64 : i32
        %add3A_381 = vector.broadcast %add3A_380 : i32 to vector<16xi32>
        %add3A_382 = arith.addi %add3A_381, %iota3A : vector<16xi32>
        %lt3A_383 = arith.cmpi slt, %add3A_382, %gather3A : vector<16xi32>
        %mul3A_384 = arith.constant 128 : i32
        %mul3A_385 = arith.muli %mul3A_257, %mul3A_384 : i32
        %add3A_386 = arith.constant 64 : i32
        %add3A_387 = arith.addi %mul3A_385, %add3A_386 : i32
        %get3A_388 = arith.index_cast %add3A_387 : i32 to index
        %get3A_389 = tpu.vector_load %arg10[%get3A_388] {strides = array<i32>} : memref<12800xi32, #tpu.memory_space<vmem>>, vector<16xi32>,
        %jit3A_390 = arith.constant 0 : i32
        %broadcast_in_dim3A_391 = vector.broadcast %jit3A_390 : i32 to vector<16xi32>
        %select_n3A_392 = arith.select %lt3A_383, %get3A_389, %broadcast_in_dim3A_391 : vector<16xi1>, vector<16xi32>
        %shift_right_arithmetic3A_393 = arith.constant 10 : i32
        %shift_right_arithmetic3A_394 = vector.broadcast %shift_right_arithmetic3A_393 : i32 to vector<16xi32>
        %shift_right_arithmetic3A_395 = arith.shrsi %select_n3A_392, %shift_right_arithmetic3A_394 : vector<16xi32>
        %and3A_396 = arith.constant 1023 : i32
        %and3A_397 = vector.broadcast %and3A_396 : i32 to vector<16xi32>
        %and3A_398 = arith.andi %select_n3A_392, %and3A_397 : vector<16xi32>
        %shift_left3A_399 = arith.constant 5 : i32
        %shift_left3A_400 = arith.shli %mul3A_257, %shift_left3A_399 : i32
        %add3A_401 = vector.broadcast %shift_left3A_400 : i32 to vector<16xi32>
        %add3A_402 = arith.addi %add3A_401, %shift_right_arithmetic3A_395 : vector<16xi32>
        %gather3A_403 = tpu.vector_load_idx %arg13[%add3A_402] : memref<3200xf32, #tpu.memory_space<vmem>>[vector<16xi32>], vector<16xf32>,
        %gather3A_404 = tpu.vector_load_idx %arg14[%and3A_398] : memref<1024xf32, #tpu.memory_space<vmem>>[vector<16xi32>], vector<16xf32>,
        %add3A_405 = arith.addf %gather3A_403, %gather3A_404 : vector<16xf32>
        %mul3A_406 = arith.constant 2.000000e-01 : f32
        %mul3A_407 = vector.broadcast %mul3A_406 : f32 to vector<16xf32>
        %mul3A_408 = arith.mulf %mul3A_407, %add3A_405 : vector<16xf32>
        %max3A_409 = arith.maximumf %add3A_405, %mul3A_408 : vector<16xf32>
        tpu.vector_store_idx %arg15[%shift_right_arithmetic3A_395, %and3A_398], %max3A_409 masked %lt3A_383 : memref<32x1024xf32, #tpu.memory_space<vmem>>[vector<16xi32>, vector<16xi32>], vector<16xf32>, vector<16xi1>
        %add3A_410 = arith.constant 80 : i32
        %add3A_411 = vector.broadcast %add3A_410 : i32 to vector<16xi32>
        %add3A_412 = arith.addi %add3A_411, %iota3A : vector<16xi32>
        %lt3A_413 = arith.cmpi slt, %add3A_412, %gather3A : vector<16xi32>
        %mul3A_414 = arith.constant 128 : i32
        %mul3A_415 = arith.muli %mul3A_257, %mul3A_414 : i32
        %add3A_416 = arith.constant 80 : i32
        %add3A_417 = arith.addi %mul3A_415, %add3A_416 : i32
        %get3A_418 = arith.index_cast %add3A_417 : i32 to index
        %get3A_419 = tpu.vector_load %arg10[%get3A_418] {strides = array<i32>} : memref<12800xi32, #tpu.memory_space<vmem>>, vector<16xi32>,
        %jit3A_420 = arith.constant 0 : i32
        %broadcast_in_dim3A_421 = vector.broadcast %jit3A_420 : i32 to vector<16xi32>
        %select_n3A_422 = arith.select %lt3A_413, %get3A_419, %broadcast_in_dim3A_421 : vector<16xi1>, vector<16xi32>
        %shift_right_arithmetic3A_423 = arith.constant 10 : i32
        %shift_right_arithmetic3A_424 = vector.broadcast %shift_right_arithmetic3A_423 : i32 to vector<16xi32>
        %shift_right_arithmetic3A_425 = arith.shrsi %select_n3A_422, %shift_right_arithmetic3A_424 : vector<16xi32>
        %and3A_426 = arith.constant 1023 : i32
        %and3A_427 = vector.broadcast %and3A_426 : i32 to vector<16xi32>
        %and3A_428 = arith.andi %select_n3A_422, %and3A_427 : vector<16xi32>
        %shift_left3A_429 = arith.constant 5 : i32
        %shift_left3A_430 = arith.shli %mul3A_257, %shift_left3A_429 : i32
        %add3A_431 = vector.broadcast %shift_left3A_430 : i32 to vector<16xi32>
        %add3A_432 = arith.addi %add3A_431, %shift_right_arithmetic3A_425 : vector<16xi32>
        %gather3A_433 = tpu.vector_load_idx %arg13[%add3A_432] : memref<3200xf32, #tpu.memory_space<vmem>>[vector<16xi32>], vector<16xf32>,
        %gather3A_434 = tpu.vector_load_idx %arg14[%and3A_428] : memref<1024xf32, #tpu.memory_space<vmem>>[vector<16xi32>], vector<16xf32>,
        %add3A_435 = arith.addf %gather3A_433, %gather3A_434 : vector<16xf32>
        %mul3A_436 = arith.constant 2.000000e-01 : f32
        %mul3A_437 = vector.broadcast %mul3A_436 : f32 to vector<16xf32>
        %mul3A_438 = arith.mulf %mul3A_437, %add3A_435 : vector<16xf32>
        %max3A_439 = arith.maximumf %add3A_435, %mul3A_438 : vector<16xf32>
        tpu.vector_store_idx %arg15[%shift_right_arithmetic3A_425, %and3A_428], %max3A_439 masked %lt3A_413 : memref<32x1024xf32, #tpu.memory_space<vmem>>[vector<16xi32>, vector<16xi32>], vector<16xf32>, vector<16xi1>
        %add3A_440 = arith.constant 96 : i32
        %add3A_441 = vector.broadcast %add3A_440 : i32 to vector<16xi32>
        %add3A_442 = arith.addi %add3A_441, %iota3A : vector<16xi32>
        %lt3A_443 = arith.cmpi slt, %add3A_442, %gather3A : vector<16xi32>
        %mul3A_444 = arith.constant 128 : i32
        %mul3A_445 = arith.muli %mul3A_257, %mul3A_444 : i32
        %add3A_446 = arith.constant 96 : i32
        %add3A_447 = arith.addi %mul3A_445, %add3A_446 : i32
        %get3A_448 = arith.index_cast %add3A_447 : i32 to index
        %get3A_449 = tpu.vector_load %arg10[%get3A_448] {strides = array<i32>} : memref<12800xi32, #tpu.memory_space<vmem>>, vector<16xi32>,
        %jit3A_450 = arith.constant 0 : i32
        %broadcast_in_dim3A_451 = vector.broadcast %jit3A_450 : i32 to vector<16xi32>
        %select_n3A_452 = arith.select %lt3A_443, %get3A_449, %broadcast_in_dim3A_451 : vector<16xi1>, vector<16xi32>
        %shift_right_arithmetic3A_453 = arith.constant 10 : i32
        %shift_right_arithmetic3A_454 = vector.broadcast %shift_right_arithmetic3A_453 : i32 to vector<16xi32>
        %shift_right_arithmetic3A_455 = arith.shrsi %select_n3A_452, %shift_right_arithmetic3A_454 : vector<16xi32>
        %and3A_456 = arith.constant 1023 : i32
        %and3A_457 = vector.broadcast %and3A_456 : i32 to vector<16xi32>
        %and3A_458 = arith.andi %select_n3A_452, %and3A_457 : vector<16xi32>
        %shift_left3A_459 = arith.constant 5 : i32
        %shift_left3A_460 = arith.shli %mul3A_257, %shift_left3A_459 : i32
        %add3A_461 = vector.broadcast %shift_left3A_460 : i32 to vector<16xi32>
        %add3A_462 = arith.addi %add3A_461, %shift_right_arithmetic3A_455 : vector<16xi32>
        %gather3A_463 = tpu.vector_load_idx %arg13[%add3A_462] : memref<3200xf32, #tpu.memory_space<vmem>>[vector<16xi32>], vector<16xf32>,
        %gather3A_464 = tpu.vector_load_idx %arg14[%and3A_458] : memref<1024xf32, #tpu.memory_space<vmem>>[vector<16xi32>], vector<16xf32>,
        %add3A_465 = arith.addf %gather3A_463, %gather3A_464 : vector<16xf32>
        %mul3A_466 = arith.constant 2.000000e-01 : f32
        %mul3A_467 = vector.broadcast %mul3A_466 : f32 to vector<16xf32>
        %mul3A_468 = arith.mulf %mul3A_467, %add3A_465 : vector<16xf32>
        %max3A_469 = arith.maximumf %add3A_465, %mul3A_468 : vector<16xf32>
        tpu.vector_store_idx %arg15[%shift_right_arithmetic3A_455, %and3A_458], %max3A_469 masked %lt3A_443 : memref<32x1024xf32, #tpu.memory_space<vmem>>[vector<16xi32>, vector<16xi32>], vector<16xf32>, vector<16xi1>
        %add3A_470 = arith.constant 112 : i32
        %add3A_471 = vector.broadcast %add3A_470 : i32 to vector<16xi32>
        %add3A_472 = arith.addi %add3A_471, %iota3A : vector<16xi32>
        %lt3A_473 = arith.cmpi slt, %add3A_472, %gather3A : vector<16xi32>
        %mul3A_474 = arith.constant 128 : i32
        %mul3A_475 = arith.muli %mul3A_257, %mul3A_474 : i32
        %add3A_476 = arith.constant 112 : i32
        %add3A_477 = arith.addi %mul3A_475, %add3A_476 : i32
        %get3A_478 = arith.index_cast %add3A_477 : i32 to index
        %get3A_479 = tpu.vector_load %arg10[%get3A_478] {strides = array<i32>} : memref<12800xi32, #tpu.memory_space<vmem>>, vector<16xi32>,
        %jit3A_480 = arith.constant 0 : i32
        %broadcast_in_dim3A_481 = vector.broadcast %jit3A_480 : i32 to vector<16xi32>
        %select_n3A_482 = arith.select %lt3A_473, %get3A_479, %broadcast_in_dim3A_481 : vector<16xi1>, vector<16xi32>
        %shift_right_arithmetic3A_483 = arith.constant 10 : i32
        %shift_right_arithmetic3A_484 = vector.broadcast %shift_right_arithmetic3A_483 : i32 to vector<16xi32>
        %shift_right_arithmetic3A_485 = arith.shrsi %select_n3A_482, %shift_right_arithmetic3A_484 : vector<16xi32>
        %and3A_486 = arith.constant 1023 : i32
        %and3A_487 = vector.broadcast %and3A_486 : i32 to vector<16xi32>
        %and3A_488 = arith.andi %select_n3A_482, %and3A_487 : vector<16xi32>
        %shift_left3A_489 = arith.constant 5 : i32
        %shift_left3A_490 = arith.shli %mul3A_257, %shift_left3A_489 : i32
        %add3A_491 = vector.broadcast %shift_left3A_490 : i32 to vector<16xi32>
        %add3A_492 = arith.addi %add3A_491, %shift_right_arithmetic3A_485 : vector<16xi32>
        %gather3A_493 = tpu.vector_load_idx %arg13[%add3A_492] : memref<3200xf32, #tpu.memory_space<vmem>>[vector<16xi32>], vector<16xf32>,
        %gather3A_494 = tpu.vector_load_idx %arg14[%and3A_488] : memref<1024xf32, #tpu.memory_space<vmem>>[vector<16xi32>], vector<16xf32>,
        %add3A_495 = arith.addf %gather3A_493, %gather3A_494 : vector<16xf32>
        %mul3A_496 = arith.constant 2.000000e-01 : f32
        %mul3A_497 = vector.broadcast %mul3A_496 : f32 to vector<16xf32>
        %mul3A_498 = arith.mulf %mul3A_497, %add3A_495 : vector<16xf32>
        %max3A_499 = arith.maximumf %add3A_495, %mul3A_498 : vector<16xf32>
        tpu.vector_store_idx %arg15[%shift_right_arithmetic3A_485, %and3A_488], %max3A_499 masked %lt3A_473 : memref<32x1024xf32, #tpu.memory_space<vmem>>[vector<16xi32>, vector<16xi32>], vector<16xf32>, vector<16xi1>
        %mul3A_500 = arith.constant 32 : i32
        %mul3A_501 = arith.muli %mul3A_257, %mul3A_500 : i32
        %add3A_502 = arith.addi %mul3A_2, %mul3A_501 : i32
        %dma_start3A_503 = arith.constant 0 : i32
        %dma_start3A_504 = tpu.memref_slice %arg5[%add3A_502, %dma_start3A_503] : memref<100000x1024xf32, #tpu.memory_space<hbm>> -> memref<32x1024xf32, #tpu.memory_space<hbm>>
        %dma_start3A_505 = arith.constant 0 : i32
        %dma_start3A_506 = tpu.memref_slice %arg5[%add3A_502, %dma_start3A_505] : memref<100000x1024xf32, #tpu.memory_space<hbm>> -> memref<32x1024xf32, #tpu.memory_space<hbm>>
        tpu.enqueue_dma source(%arg15 : memref<32x1024xf32, #tpu.memory_space<vmem>>) target(%dma_start3A_506 : memref<32x1024xf32, #tpu.memory_space<hbm>>) target_semaphore(%arg17 : memref<!tpu.dma_semaphore, #tpu.memory_space<semaphore_mem>>)
        %lt3A_507 = arith.cmpi slt, %add3A_261, %select_n3A_10 : i32
        %convert_element_type3A_508 = arith.extui %lt3A_507 : i1 to i32
        %cond3A_509 = arith.constant 0 : i32
        %cond3A_510 = arith.cmpi ne, %convert_element_type3A_508, %cond3A_509 : i32
        scf.if %cond3A_510 {
          %broadcast_in_dim3A_671 = vector.broadcast %add3A_261 : i32 to vector<16xi32>
          %gather3A_672 = tpu.vector_load_idx %arg11[%broadcast_in_dim3A_671] : memref<112xi32, #tpu.memory_space<vmem>>[vector<16xi32>], vector<16xi32>,
          %add3A_673 = arith.constant 0 : i32
          %add3A_674 = vector.broadcast %add3A_673 : i32 to vector<16xi32>
          %add3A_675 = arith.addi %add3A_674, %iota3A : vector<16xi32>
          %lt3A_676 = arith.cmpi slt, %add3A_675, %gather3A_672 : vector<16xi32>
          %mul3A_677 = arith.constant 128 : i32
          %mul3A_678 = arith.muli %add3A_261, %mul3A_677 : i32
          %add3A_679 = arith.constant 0 : i32
          %add3A_680 = arith.addi %mul3A_678, %add3A_679 : i32
          %get3A_681 = arith.index_cast %add3A_680 : i32 to index
          %get3A_682 = tpu.vector_load %arg10[%get3A_681] {strides = array<i32>} : memref<12800xi32, #tpu.memory_space<vmem>>, vector<16xi32>,
          %jit3A_683 = arith.constant 0 : i32
          %broadcast_in_dim3A_684 = vector.broadcast %jit3A_683 : i32 to vector<16xi32>
          %select_n3A_685 = arith.select %lt3A_676, %get3A_682, %broadcast_in_dim3A_684 : vector<16xi1>, vector<16xi32>
          %shift_right_arithmetic3A_686 = arith.constant 10 : i32
          %shift_right_arithmetic3A_687 = vector.broadcast %shift_right_arithmetic3A_686 : i32 to vector<16xi32>
          %shift_right_arithmetic3A_688 = arith.shrsi %select_n3A_685, %shift_right_arithmetic3A_687 : vector<16xi32>
          %and3A_689 = arith.constant 1023 : i32
          %and3A_690 = vector.broadcast %and3A_689 : i32 to vector<16xi32>
          %and3A_691 = arith.andi %select_n3A_685, %and3A_690 : vector<16xi32>
          %shift_left3A_692 = arith.constant 5 : i32
          %shift_left3A_693 = arith.shli %add3A_261, %shift_left3A_692 : i32
          %add3A_694 = vector.broadcast %shift_left3A_693 : i32 to vector<16xi32>
          %add3A_695 = arith.addi %add3A_694, %shift_right_arithmetic3A_688 : vector<16xi32>
          %gather3A_696 = tpu.vector_load_idx %arg13[%add3A_695] : memref<3200xf32, #tpu.memory_space<vmem>>[vector<16xi32>], vector<16xf32>,
          %gather3A_697 = tpu.vector_load_idx %arg14[%and3A_691] : memref<1024xf32, #tpu.memory_space<vmem>>[vector<16xi32>], vector<16xf32>,
          %add3A_698 = arith.addf %gather3A_696, %gather3A_697 : vector<16xf32>
          %mul3A_699 = arith.constant 2.000000e-01 : f32
          %mul3A_700 = vector.broadcast %mul3A_699 : f32 to vector<16xf32>
          %mul3A_701 = arith.mulf %mul3A_700, %add3A_698 : vector<16xf32>
          %max3A_702 = arith.maximumf %add3A_698, %mul3A_701 : vector<16xf32>
          tpu.vector_store_idx %arg16[%shift_right_arithmetic3A_688, %and3A_691], %max3A_702 masked %lt3A_676 : memref<32x1024xf32, #tpu.memory_space<vmem>>[vector<16xi32>, vector<16xi32>], vector<16xf32>, vector<16xi1>
          %add3A_703 = arith.constant 16 : i32
          %add3A_704 = vector.broadcast %add3A_703 : i32 to vector<16xi32>
          %add3A_705 = arith.addi %add3A_704, %iota3A : vector<16xi32>
          %lt3A_706 = arith.cmpi slt, %add3A_705, %gather3A_672 : vector<16xi32>
          %mul3A_707 = arith.constant 128 : i32
          %mul3A_708 = arith.muli %add3A_261, %mul3A_707 : i32
          %add3A_709 = arith.constant 16 : i32
          %add3A_710 = arith.addi %mul3A_708, %add3A_709 : i32
          %get3A_711 = arith.index_cast %add3A_710 : i32 to index
          %get3A_712 = tpu.vector_load %arg10[%get3A_711] {strides = array<i32>} : memref<12800xi32, #tpu.memory_space<vmem>>, vector<16xi32>,
          %jit3A_713 = arith.constant 0 : i32
          %broadcast_in_dim3A_714 = vector.broadcast %jit3A_713 : i32 to vector<16xi32>
          %select_n3A_715 = arith.select %lt3A_706, %get3A_712, %broadcast_in_dim3A_714 : vector<16xi1>, vector<16xi32>
          %shift_right_arithmetic3A_716 = arith.constant 10 : i32
          %shift_right_arithmetic3A_717 = vector.broadcast %shift_right_arithmetic3A_716 : i32 to vector<16xi32>
          %shift_right_arithmetic3A_718 = arith.shrsi %select_n3A_715, %shift_right_arithmetic3A_717 : vector<16xi32>
          %and3A_719 = arith.constant 1023 : i32
          %and3A_720 = vector.broadcast %and3A_719 : i32 to vector<16xi32>
          %and3A_721 = arith.andi %select_n3A_715, %and3A_720 : vector<16xi32>
          %shift_left3A_722 = arith.constant 5 : i32
          %shift_left3A_723 = arith.shli %add3A_261, %shift_left3A_722 : i32
          %add3A_724 = vector.broadcast %shift_left3A_723 : i32 to vector<16xi32>
          %add3A_725 = arith.addi %add3A_724, %shift_right_arithmetic3A_718 : vector<16xi32>
          %gather3A_726 = tpu.vector_load_idx %arg13[%add3A_725] : memref<3200xf32, #tpu.memory_space<vmem>>[vector<16xi32>], vector<16xf32>,
          %gather3A_727 = tpu.vector_load_idx %arg14[%and3A_721] : memref<1024xf32, #tpu.memory_space<vmem>>[vector<16xi32>], vector<16xf32>,
          %add3A_728 = arith.addf %gather3A_726, %gather3A_727 : vector<16xf32>
          %mul3A_729 = arith.constant 2.000000e-01 : f32
          %mul3A_730 = vector.broadcast %mul3A_729 : f32 to vector<16xf32>
          %mul3A_731 = arith.mulf %mul3A_730, %add3A_728 : vector<16xf32>
          %max3A_732 = arith.maximumf %add3A_728, %mul3A_731 : vector<16xf32>
          tpu.vector_store_idx %arg16[%shift_right_arithmetic3A_718, %and3A_721], %max3A_732 masked %lt3A_706 : memref<32x1024xf32, #tpu.memory_space<vmem>>[vector<16xi32>, vector<16xi32>], vector<16xf32>, vector<16xi1>
          %add3A_733 = arith.constant 32 : i32
          %add3A_734 = vector.broadcast %add3A_733 : i32 to vector<16xi32>
          %add3A_735 = arith.addi %add3A_734, %iota3A : vector<16xi32>
          %lt3A_736 = arith.cmpi slt, %add3A_735, %gather3A_672 : vector<16xi32>
          %mul3A_737 = arith.constant 128 : i32
          %mul3A_738 = arith.muli %add3A_261, %mul3A_737 : i32
          %add3A_739 = arith.constant 32 : i32
          %add3A_740 = arith.addi %mul3A_738, %add3A_739 : i32
          %get3A_741 = arith.index_cast %add3A_740 : i32 to index
          %get3A_742 = tpu.vector_load %arg10[%get3A_741] {strides = array<i32>} : memref<12800xi32, #tpu.memory_space<vmem>>, vector<16xi32>,
          %jit3A_743 = arith.constant 0 : i32
          %broadcast_in_dim3A_744 = vector.broadcast %jit3A_743 : i32 to vector<16xi32>
          %select_n3A_745 = arith.select %lt3A_736, %get3A_742, %broadcast_in_dim3A_744 : vector<16xi1>, vector<16xi32>
          %shift_right_arithmetic3A_746 = arith.constant 10 : i32
          %shift_right_arithmetic3A_747 = vector.broadcast %shift_right_arithmetic3A_746 : i32 to vector<16xi32>
          %shift_right_arithmetic3A_748 = arith.shrsi %select_n3A_745, %shift_right_arithmetic3A_747 : vector<16xi32>
          %and3A_749 = arith.constant 1023 : i32
          %and3A_750 = vector.broadcast %and3A_749 : i32 to vector<16xi32>
          %and3A_751 = arith.andi %select_n3A_745, %and3A_750 : vector<16xi32>
          %shift_left3A_752 = arith.constant 5 : i32
          %shift_left3A_753 = arith.shli %add3A_261, %shift_left3A_752 : i32
          %add3A_754 = vector.broadcast %shift_left3A_753 : i32 to vector<16xi32>
          %add3A_755 = arith.addi %add3A_754, %shift_right_arithmetic3A_748 : vector<16xi32>
          %gather3A_756 = tpu.vector_load_idx %arg13[%add3A_755] : memref<3200xf32, #tpu.memory_space<vmem>>[vector<16xi32>], vector<16xf32>,
          %gather3A_757 = tpu.vector_load_idx %arg14[%and3A_751] : memref<1024xf32, #tpu.memory_space<vmem>>[vector<16xi32>], vector<16xf32>,
          %add3A_758 = arith.addf %gather3A_756, %gather3A_757 : vector<16xf32>
          %mul3A_759 = arith.constant 2.000000e-01 : f32
          %mul3A_760 = vector.broadcast %mul3A_759 : f32 to vector<16xf32>
          %mul3A_761 = arith.mulf %mul3A_760, %add3A_758 : vector<16xf32>
          %max3A_762 = arith.maximumf %add3A_758, %mul3A_761 : vector<16xf32>
          tpu.vector_store_idx %arg16[%shift_right_arithmetic3A_748, %and3A_751], %max3A_762 masked %lt3A_736 : memref<32x1024xf32, #tpu.memory_space<vmem>>[vector<16xi32>, vector<16xi32>], vector<16xf32>, vector<16xi1>
          %add3A_763 = arith.constant 48 : i32
          %add3A_764 = vector.broadcast %add3A_763 : i32 to vector<16xi32>
          %add3A_765 = arith.addi %add3A_764, %iota3A : vector<16xi32>
          %lt3A_766 = arith.cmpi slt, %add3A_765, %gather3A_672 : vector<16xi32>
          %mul3A_767 = arith.constant 128 : i32
          %mul3A_768 = arith.muli %add3A_261, %mul3A_767 : i32
          %add3A_769 = arith.constant 48 : i32
          %add3A_770 = arith.addi %mul3A_768, %add3A_769 : i32
          %get3A_771 = arith.index_cast %add3A_770 : i32 to index
          %get3A_772 = tpu.vector_load %arg10[%get3A_771] {strides = array<i32>} : memref<12800xi32, #tpu.memory_space<vmem>>, vector<16xi32>,
          %jit3A_773 = arith.constant 0 : i32
          %broadcast_in_dim3A_774 = vector.broadcast %jit3A_773 : i32 to vector<16xi32>
          %select_n3A_775 = arith.select %lt3A_766, %get3A_772, %broadcast_in_dim3A_774 : vector<16xi1>, vector<16xi32>
          %shift_right_arithmetic3A_776 = arith.constant 10 : i32
          %shift_right_arithmetic3A_777 = vector.broadcast %shift_right_arithmetic3A_776 : i32 to vector<16xi32>
          %shift_right_arithmetic3A_778 = arith.shrsi %select_n3A_775, %shift_right_arithmetic3A_777 : vector<16xi32>
          %and3A_779 = arith.constant 1023 : i32
          %and3A_780 = vector.broadcast %and3A_779 : i32 to vector<16xi32>
          %and3A_781 = arith.andi %select_n3A_775, %and3A_780 : vector<16xi32>
          %shift_left3A_782 = arith.constant 5 : i32
          %shift_left3A_783 = arith.shli %add3A_261, %shift_left3A_782 : i32
          %add3A_784 = vector.broadcast %shift_left3A_783 : i32 to vector<16xi32>
          %add3A_785 = arith.addi %add3A_784, %shift_right_arithmetic3A_778 : vector<16xi32>
          %gather3A_786 = tpu.vector_load_idx %arg13[%add3A_785] : memref<3200xf32, #tpu.memory_space<vmem>>[vector<16xi32>], vector<16xf32>,
          %gather3A_787 = tpu.vector_load_idx %arg14[%and3A_781] : memref<1024xf32, #tpu.memory_space<vmem>>[vector<16xi32>], vector<16xf32>,
          %add3A_788 = arith.addf %gather3A_786, %gather3A_787 : vector<16xf32>
          %mul3A_789 = arith.constant 2.000000e-01 : f32
          %mul3A_790 = vector.broadcast %mul3A_789 : f32 to vector<16xf32>
          %mul3A_791 = arith.mulf %mul3A_790, %add3A_788 : vector<16xf32>
          %max3A_792 = arith.maximumf %add3A_788, %mul3A_791 : vector<16xf32>
          tpu.vector_store_idx %arg16[%shift_right_arithmetic3A_778, %and3A_781], %max3A_792 masked %lt3A_766 : memref<32x1024xf32, #tpu.memory_space<vmem>>[vector<16xi32>, vector<16xi32>], vector<16xf32>, vector<16xi1>
          %add3A_793 = arith.constant 64 : i32
          %add3A_794 = vector.broadcast %add3A_793 : i32 to vector<16xi32>
          %add3A_795 = arith.addi %add3A_794, %iota3A : vector<16xi32>
          %lt3A_796 = arith.cmpi slt, %add3A_795, %gather3A_672 : vector<16xi32>
          %mul3A_797 = arith.constant 128 : i32
          %mul3A_798 = arith.muli %add3A_261, %mul3A_797 : i32
          %add3A_799 = arith.constant 64 : i32
          %add3A_800 = arith.addi %mul3A_798, %add3A_799 : i32
          %get3A_801 = arith.index_cast %add3A_800 : i32 to index
          %get3A_802 = tpu.vector_load %arg10[%get3A_801] {strides = array<i32>} : memref<12800xi32, #tpu.memory_space<vmem>>, vector<16xi32>,
          %jit3A_803 = arith.constant 0 : i32
          %broadcast_in_dim3A_804 = vector.broadcast %jit3A_803 : i32 to vector<16xi32>
          %select_n3A_805 = arith.select %lt3A_796, %get3A_802, %broadcast_in_dim3A_804 : vector<16xi1>, vector<16xi32>
          %shift_right_arithmetic3A_806 = arith.constant 10 : i32
          %shift_right_arithmetic3A_807 = vector.broadcast %shift_right_arithmetic3A_806 : i32 to vector<16xi32>
          %shift_right_arithmetic3A_808 = arith.shrsi %select_n3A_805, %shift_right_arithmetic3A_807 : vector<16xi32>
          %and3A_809 = arith.constant 1023 : i32
          %and3A_810 = vector.broadcast %and3A_809 : i32 to vector<16xi32>
          %and3A_811 = arith.andi %select_n3A_805, %and3A_810 : vector<16xi32>
          %shift_left3A_812 = arith.constant 5 : i32
          %shift_left3A_813 = arith.shli %add3A_261, %shift_left3A_812 : i32
          %add3A_814 = vector.broadcast %shift_left3A_813 : i32 to vector<16xi32>
          %add3A_815 = arith.addi %add3A_814, %shift_right_arithmetic3A_808 : vector<16xi32>
          %gather3A_816 = tpu.vector_load_idx %arg13[%add3A_815] : memref<3200xf32, #tpu.memory_space<vmem>>[vector<16xi32>], vector<16xf32>,
          %gather3A_817 = tpu.vector_load_idx %arg14[%and3A_811] : memref<1024xf32, #tpu.memory_space<vmem>>[vector<16xi32>], vector<16xf32>,
          %add3A_818 = arith.addf %gather3A_816, %gather3A_817 : vector<16xf32>
          %mul3A_819 = arith.constant 2.000000e-01 : f32
          %mul3A_820 = vector.broadcast %mul3A_819 : f32 to vector<16xf32>
          %mul3A_821 = arith.mulf %mul3A_820, %add3A_818 : vector<16xf32>
          %max3A_822 = arith.maximumf %add3A_818, %mul3A_821 : vector<16xf32>
          tpu.vector_store_idx %arg16[%shift_right_arithmetic3A_808, %and3A_811], %max3A_822 masked %lt3A_796 : memref<32x1024xf32, #tpu.memory_space<vmem>>[vector<16xi32>, vector<16xi32>], vector<16xf32>, vector<16xi1>
          %add3A_823 = arith.constant 80 : i32
          %add3A_824 = vector.broadcast %add3A_823 : i32 to vector<16xi32>
          %add3A_825 = arith.addi %add3A_824, %iota3A : vector<16xi32>
          %lt3A_826 = arith.cmpi slt, %add3A_825, %gather3A_672 : vector<16xi32>
          %mul3A_827 = arith.constant 128 : i32
          %mul3A_828 = arith.muli %add3A_261, %mul3A_827 : i32
          %add3A_829 = arith.constant 80 : i32
          %add3A_830 = arith.addi %mul3A_828, %add3A_829 : i32
          %get3A_831 = arith.index_cast %add3A_830 : i32 to index
          %get3A_832 = tpu.vector_load %arg10[%get3A_831] {strides = array<i32>} : memref<12800xi32, #tpu.memory_space<vmem>>, vector<16xi32>,
          %jit3A_833 = arith.constant 0 : i32
          %broadcast_in_dim3A_834 = vector.broadcast %jit3A_833 : i32 to vector<16xi32>
          %select_n3A_835 = arith.select %lt3A_826, %get3A_832, %broadcast_in_dim3A_834 : vector<16xi1>, vector<16xi32>
          %shift_right_arithmetic3A_836 = arith.constant 10 : i32
          %shift_right_arithmetic3A_837 = vector.broadcast %shift_right_arithmetic3A_836 : i32 to vector<16xi32>
          %shift_right_arithmetic3A_838 = arith.shrsi %select_n3A_835, %shift_right_arithmetic3A_837 : vector<16xi32>
          %and3A_839 = arith.constant 1023 : i32
          %and3A_840 = vector.broadcast %and3A_839 : i32 to vector<16xi32>
          %and3A_841 = arith.andi %select_n3A_835, %and3A_840 : vector<16xi32>
          %shift_left3A_842 = arith.constant 5 : i32
          %shift_left3A_843 = arith.shli %add3A_261, %shift_left3A_842 : i32
          %add3A_844 = vector.broadcast %shift_left3A_843 : i32 to vector<16xi32>
          %add3A_845 = arith.addi %add3A_844, %shift_right_arithmetic3A_838 : vector<16xi32>
          %gather3A_846 = tpu.vector_load_idx %arg13[%add3A_845] : memref<3200xf32, #tpu.memory_space<vmem>>[vector<16xi32>], vector<16xf32>,
          %gather3A_847 = tpu.vector_load_idx %arg14[%and3A_841] : memref<1024xf32, #tpu.memory_space<vmem>>[vector<16xi32>], vector<16xf32>,
          %add3A_848 = arith.addf %gather3A_846, %gather3A_847 : vector<16xf32>
          %mul3A_849 = arith.constant 2.000000e-01 : f32
          %mul3A_850 = vector.broadcast %mul3A_849 : f32 to vector<16xf32>
          %mul3A_851 = arith.mulf %mul3A_850, %add3A_848 : vector<16xf32>
          %max3A_852 = arith.maximumf %add3A_848, %mul3A_851 : vector<16xf32>
          tpu.vector_store_idx %arg16[%shift_right_arithmetic3A_838, %and3A_841], %max3A_852 masked %lt3A_826 : memref<32x1024xf32, #tpu.memory_space<vmem>>[vector<16xi32>, vector<16xi32>], vector<16xf32>, vector<16xi1>
          %add3A_853 = arith.constant 96 : i32
          %add3A_854 = vector.broadcast %add3A_853 : i32 to vector<16xi32>
          %add3A_855 = arith.addi %add3A_854, %iota3A : vector<16xi32>
          %lt3A_856 = arith.cmpi slt, %add3A_855, %gather3A_672 : vector<16xi32>
          %mul3A_857 = arith.constant 128 : i32
          %mul3A_858 = arith.muli %add3A_261, %mul3A_857 : i32
          %add3A_859 = arith.constant 96 : i32
          %add3A_860 = arith.addi %mul3A_858, %add3A_859 : i32
          %get3A_861 = arith.index_cast %add3A_860 : i32 to index
          %get3A_862 = tpu.vector_load %arg10[%get3A_861] {strides = array<i32>} : memref<12800xi32, #tpu.memory_space<vmem>>, vector<16xi32>,
          %jit3A_863 = arith.constant 0 : i32
          %broadcast_in_dim3A_864 = vector.broadcast %jit3A_863 : i32 to vector<16xi32>
          %select_n3A_865 = arith.select %lt3A_856, %get3A_862, %broadcast_in_dim3A_864 : vector<16xi1>, vector<16xi32>
          %shift_right_arithmetic3A_866 = arith.constant 10 : i32
          %shift_right_arithmetic3A_867 = vector.broadcast %shift_right_arithmetic3A_866 : i32 to vector<16xi32>
          %shift_right_arithmetic3A_868 = arith.shrsi %select_n3A_865, %shift_right_arithmetic3A_867 : vector<16xi32>
          %and3A_869 = arith.constant 1023 : i32
          %and3A_870 = vector.broadcast %and3A_869 : i32 to vector<16xi32>
          %and3A_871 = arith.andi %select_n3A_865, %and3A_870 : vector<16xi32>
          %shift_left3A_872 = arith.constant 5 : i32
          %shift_left3A_873 = arith.shli %add3A_261, %shift_left3A_872 : i32
          %add3A_874 = vector.broadcast %shift_left3A_873 : i32 to vector<16xi32>
          %add3A_875 = arith.addi %add3A_874, %shift_right_arithmetic3A_868 : vector<16xi32>
          %gather3A_876 = tpu.vector_load_idx %arg13[%add3A_875] : memref<3200xf32, #tpu.memory_space<vmem>>[vector<16xi32>], vector<16xf32>,
          %gather3A_877 = tpu.vector_load_idx %arg14[%and3A_871] : memref<1024xf32, #tpu.memory_space<vmem>>[vector<16xi32>], vector<16xf32>,
          %add3A_878 = arith.addf %gather3A_876, %gather3A_877 : vector<16xf32>
          %mul3A_879 = arith.constant 2.000000e-01 : f32
          %mul3A_880 = vector.broadcast %mul3A_879 : f32 to vector<16xf32>
          %mul3A_881 = arith.mulf %mul3A_880, %add3A_878 : vector<16xf32>
          %max3A_882 = arith.maximumf %add3A_878, %mul3A_881 : vector<16xf32>
          tpu.vector_store_idx %arg16[%shift_right_arithmetic3A_868, %and3A_871], %max3A_882 masked %lt3A_856 : memref<32x1024xf32, #tpu.memory_space<vmem>>[vector<16xi32>, vector<16xi32>], vector<16xf32>, vector<16xi1>
          %add3A_883 = arith.constant 112 : i32
          %add3A_884 = vector.broadcast %add3A_883 : i32 to vector<16xi32>
          %add3A_885 = arith.addi %add3A_884, %iota3A : vector<16xi32>
          %lt3A_886 = arith.cmpi slt, %add3A_885, %gather3A_672 : vector<16xi32>
          %mul3A_887 = arith.constant 128 : i32
          %mul3A_888 = arith.muli %add3A_261, %mul3A_887 : i32
          %add3A_889 = arith.constant 112 : i32
          %add3A_890 = arith.addi %mul3A_888, %add3A_889 : i32
          %get3A_891 = arith.index_cast %add3A_890 : i32 to index
          %get3A_892 = tpu.vector_load %arg10[%get3A_891] {strides = array<i32>} : memref<12800xi32, #tpu.memory_space<vmem>>, vector<16xi32>,
          %jit3A_893 = arith.constant 0 : i32
          %broadcast_in_dim3A_894 = vector.broadcast %jit3A_893 : i32 to vector<16xi32>
          %select_n3A_895 = arith.select %lt3A_886, %get3A_892, %broadcast_in_dim3A_894 : vector<16xi1>, vector<16xi32>
          %shift_right_arithmetic3A_896 = arith.constant 10 : i32
          %shift_right_arithmetic3A_897 = vector.broadcast %shift_right_arithmetic3A_896 : i32 to vector<16xi32>
          %shift_right_arithmetic3A_898 = arith.shrsi %select_n3A_895, %shift_right_arithmetic3A_897 : vector<16xi32>
          %and3A_899 = arith.constant 1023 : i32
          %and3A_900 = vector.broadcast %and3A_899 : i32 to vector<16xi32>
          %and3A_901 = arith.andi %select_n3A_895, %and3A_900 : vector<16xi32>
          %shift_left3A_902 = arith.constant 5 : i32
          %shift_left3A_903 = arith.shli %add3A_261, %shift_left3A_902 : i32
          %add3A_904 = vector.broadcast %shift_left3A_903 : i32 to vector<16xi32>
          %add3A_905 = arith.addi %add3A_904, %shift_right_arithmetic3A_898 : vector<16xi32>
          %gather3A_906 = tpu.vector_load_idx %arg13[%add3A_905] : memref<3200xf32, #tpu.memory_space<vmem>>[vector<16xi32>], vector<16xf32>,
          %gather3A_907 = tpu.vector_load_idx %arg14[%and3A_901] : memref<1024xf32, #tpu.memory_space<vmem>>[vector<16xi32>], vector<16xf32>,
          %add3A_908 = arith.addf %gather3A_906, %gather3A_907 : vector<16xf32>
          %mul3A_909 = arith.constant 2.000000e-01 : f32
          %mul3A_910 = vector.broadcast %mul3A_909 : f32 to vector<16xf32>
          %mul3A_911 = arith.mulf %mul3A_910, %add3A_908 : vector<16xf32>
          %max3A_912 = arith.maximumf %add3A_908, %mul3A_911 : vector<16xf32>
          tpu.vector_store_idx %arg16[%shift_right_arithmetic3A_898, %and3A_901], %max3A_912 masked %lt3A_886 : memref<32x1024xf32, #tpu.memory_space<vmem>>[vector<16xi32>, vector<16xi32>], vector<16xf32>, vector<16xi1>
          %mul3A_913 = arith.constant 32 : i32
          %mul3A_914 = arith.muli %add3A_261, %mul3A_913 : i32
          %add3A_915 = arith.addi %mul3A_2, %mul3A_914 : i32
          %dma_start3A_916 = arith.constant 0 : i32
          %dma_start3A_917 = tpu.memref_slice %arg5[%add3A_915, %dma_start3A_916] : memref<100000x1024xf32, #tpu.memory_space<hbm>> -> memref<32x1024xf32, #tpu.memory_space<hbm>>
          %dma_start3A_918 = arith.constant 0 : i32
          %dma_start3A_919 = tpu.memref_slice %arg5[%add3A_915, %dma_start3A_918] : memref<100000x1024xf32, #tpu.memory_space<hbm>> -> memref<32x1024xf32, #tpu.memory_space<hbm>>
          tpu.enqueue_dma source(%arg16 : memref<32x1024xf32, #tpu.memory_space<vmem>>) target(%dma_start3A_919 : memref<32x1024xf32, #tpu.memory_space<hbm>>) target_semaphore(%arg18 : memref<!tpu.dma_semaphore, #tpu.memory_space<semaphore_mem>>)
        } else {
        }
        %dma_wait3A_511 = arith.constant 0 : i32
        %dma_wait3A_512 = tpu.memref_slice %arg5[%add3A_502, %dma_wait3A_511] : memref<100000x1024xf32, #tpu.memory_space<hbm>> -> memref<32x1024xf32, #tpu.memory_space<hbm>>
        %dma_wait3A_513 = arith.constant 0 : i32
        %dma_wait3A_514 = tpu.memref_slice %arg5[%add3A_502, %dma_wait3A_513] : memref<100000x1024xf32, #tpu.memory_space<hbm>> -> memref<32x1024xf32, #tpu.memory_space<hbm>>
        tpu.wait_dma2 semaphore(%arg17 : memref<!tpu.dma_semaphore, #tpu.memory_space<semaphore_mem>>) src(%arg15 : memref<32x1024xf32, #tpu.memory_space<vmem>>) dst(%dma_wait3A_514 : memref<32x1024xf32, #tpu.memory_space<hbm>>)
        %add3A_515 = arith.constant 0 : i32
        %add3A_516 = vector.broadcast %add3A_515 : i32 to vector<16xi32>
        %add3A_517 = arith.addi %add3A_516, %iota3A : vector<16xi32>
        %lt3A_518 = arith.cmpi slt, %add3A_517, %gather3A : vector<16xi32>
        %mul3A_519 = arith.constant 128 : i32
        %mul3A_520 = arith.muli %mul3A_257, %mul3A_519 : i32
        %add3A_521 = arith.constant 0 : i32
        %add3A_522 = arith.addi %mul3A_520, %add3A_521 : i32
        %get3A_523 = arith.index_cast %add3A_522 : i32 to index
        %get3A_524 = tpu.vector_load %arg10[%get3A_523] {strides = array<i32>} : memref<12800xi32, #tpu.memory_space<vmem>>, vector<16xi32>,
        %jit3A_525 = arith.constant 0 : i32
        %broadcast_in_dim3A_526 = vector.broadcast %jit3A_525 : i32 to vector<16xi32>
        %select_n3A_527 = arith.select %lt3A_518, %get3A_524, %broadcast_in_dim3A_526 : vector<16xi1>, vector<16xi32>
        %shift_right_arithmetic3A_528 = arith.constant 10 : i32
        %shift_right_arithmetic3A_529 = vector.broadcast %shift_right_arithmetic3A_528 : i32 to vector<16xi32>
        %shift_right_arithmetic3A_530 = arith.shrsi %select_n3A_527, %shift_right_arithmetic3A_529 : vector<16xi32>
        %and3A_531 = arith.constant 1023 : i32
        %and3A_532 = vector.broadcast %and3A_531 : i32 to vector<16xi32>
        %and3A_533 = arith.andi %select_n3A_527, %and3A_532 : vector<16xi32>
        tpu.vector_store_idx %arg15[%shift_right_arithmetic3A_530, %and3A_533], %broadcast_in_dim3A_11 masked %lt3A_518 : memref<32x1024xf32, #tpu.memory_space<vmem>>[vector<16xi32>, vector<16xi32>], vector<16xf32>, vector<16xi1>
        %add3A_534 = arith.constant 16 : i32
        %add3A_535 = vector.broadcast %add3A_534 : i32 to vector<16xi32>
        %add3A_536 = arith.addi %add3A_535, %iota3A : vector<16xi32>
        %lt3A_537 = arith.cmpi slt, %add3A_536, %gather3A : vector<16xi32>
        %mul3A_538 = arith.constant 128 : i32
        %mul3A_539 = arith.muli %mul3A_257, %mul3A_538 : i32
        %add3A_540 = arith.constant 16 : i32
        %add3A_541 = arith.addi %mul3A_539, %add3A_540 : i32
        %get3A_542 = arith.index_cast %add3A_541 : i32 to index
        %get3A_543 = tpu.vector_load %arg10[%get3A_542] {strides = array<i32>} : memref<12800xi32, #tpu.memory_space<vmem>>, vector<16xi32>,
        %jit3A_544 = arith.constant 0 : i32
        %broadcast_in_dim3A_545 = vector.broadcast %jit3A_544 : i32 to vector<16xi32>
        %select_n3A_546 = arith.select %lt3A_537, %get3A_543, %broadcast_in_dim3A_545 : vector<16xi1>, vector<16xi32>
        %shift_right_arithmetic3A_547 = arith.constant 10 : i32
        %shift_right_arithmetic3A_548 = vector.broadcast %shift_right_arithmetic3A_547 : i32 to vector<16xi32>
        %shift_right_arithmetic3A_549 = arith.shrsi %select_n3A_546, %shift_right_arithmetic3A_548 : vector<16xi32>
        %and3A_550 = arith.constant 1023 : i32
        %and3A_551 = vector.broadcast %and3A_550 : i32 to vector<16xi32>
        %and3A_552 = arith.andi %select_n3A_546, %and3A_551 : vector<16xi32>
        tpu.vector_store_idx %arg15[%shift_right_arithmetic3A_549, %and3A_552], %broadcast_in_dim3A_11 masked %lt3A_537 : memref<32x1024xf32, #tpu.memory_space<vmem>>[vector<16xi32>, vector<16xi32>], vector<16xf32>, vector<16xi1>
        %add3A_553 = arith.constant 32 : i32
        %add3A_554 = vector.broadcast %add3A_553 : i32 to vector<16xi32>
        %add3A_555 = arith.addi %add3A_554, %iota3A : vector<16xi32>
        %lt3A_556 = arith.cmpi slt, %add3A_555, %gather3A : vector<16xi32>
        %mul3A_557 = arith.constant 128 : i32
        %mul3A_558 = arith.muli %mul3A_257, %mul3A_557 : i32
        %add3A_559 = arith.constant 32 : i32
        %add3A_560 = arith.addi %mul3A_558, %add3A_559 : i32
        %get3A_561 = arith.index_cast %add3A_560 : i32 to index
        %get3A_562 = tpu.vector_load %arg10[%get3A_561] {strides = array<i32>} : memref<12800xi32, #tpu.memory_space<vmem>>, vector<16xi32>,
        %jit3A_563 = arith.constant 0 : i32
        %broadcast_in_dim3A_564 = vector.broadcast %jit3A_563 : i32 to vector<16xi32>
        %select_n3A_565 = arith.select %lt3A_556, %get3A_562, %broadcast_in_dim3A_564 : vector<16xi1>, vector<16xi32>
        %shift_right_arithmetic3A_566 = arith.constant 10 : i32
        %shift_right_arithmetic3A_567 = vector.broadcast %shift_right_arithmetic3A_566 : i32 to vector<16xi32>
        %shift_right_arithmetic3A_568 = arith.shrsi %select_n3A_565, %shift_right_arithmetic3A_567 : vector<16xi32>
        %and3A_569 = arith.constant 1023 : i32
        %and3A_570 = vector.broadcast %and3A_569 : i32 to vector<16xi32>
        %and3A_571 = arith.andi %select_n3A_565, %and3A_570 : vector<16xi32>
        tpu.vector_store_idx %arg15[%shift_right_arithmetic3A_568, %and3A_571], %broadcast_in_dim3A_11 masked %lt3A_556 : memref<32x1024xf32, #tpu.memory_space<vmem>>[vector<16xi32>, vector<16xi32>], vector<16xf32>, vector<16xi1>
        %add3A_572 = arith.constant 48 : i32
        %add3A_573 = vector.broadcast %add3A_572 : i32 to vector<16xi32>
        %add3A_574 = arith.addi %add3A_573, %iota3A : vector<16xi32>
        %lt3A_575 = arith.cmpi slt, %add3A_574, %gather3A : vector<16xi32>
        %mul3A_576 = arith.constant 128 : i32
        %mul3A_577 = arith.muli %mul3A_257, %mul3A_576 : i32
        %add3A_578 = arith.constant 48 : i32
        %add3A_579 = arith.addi %mul3A_577, %add3A_578 : i32
        %get3A_580 = arith.index_cast %add3A_579 : i32 to index
        %get3A_581 = tpu.vector_load %arg10[%get3A_580] {strides = array<i32>} : memref<12800xi32, #tpu.memory_space<vmem>>, vector<16xi32>,
        %jit3A_582 = arith.constant 0 : i32
        %broadcast_in_dim3A_583 = vector.broadcast %jit3A_582 : i32 to vector<16xi32>
        %select_n3A_584 = arith.select %lt3A_575, %get3A_581, %broadcast_in_dim3A_583 : vector<16xi1>, vector<16xi32>
        %shift_right_arithmetic3A_585 = arith.constant 10 : i32
        %shift_right_arithmetic3A_586 = vector.broadcast %shift_right_arithmetic3A_585 : i32 to vector<16xi32>
        %shift_right_arithmetic3A_587 = arith.shrsi %select_n3A_584, %shift_right_arithmetic3A_586 : vector<16xi32>
        %and3A_588 = arith.constant 1023 : i32
        %and3A_589 = vector.broadcast %and3A_588 : i32 to vector<16xi32>
        %and3A_590 = arith.andi %select_n3A_584, %and3A_589 : vector<16xi32>
        tpu.vector_store_idx %arg15[%shift_right_arithmetic3A_587, %and3A_590], %broadcast_in_dim3A_11 masked %lt3A_575 : memref<32x1024xf32, #tpu.memory_space<vmem>>[vector<16xi32>, vector<16xi32>], vector<16xf32>, vector<16xi1>
        %add3A_591 = arith.constant 64 : i32
        %add3A_592 = vector.broadcast %add3A_591 : i32 to vector<16xi32>
        %add3A_593 = arith.addi %add3A_592, %iota3A : vector<16xi32>
        %lt3A_594 = arith.cmpi slt, %add3A_593, %gather3A : vector<16xi32>
        %mul3A_595 = arith.constant 128 : i32
        %mul3A_596 = arith.muli %mul3A_257, %mul3A_595 : i32
        %add3A_597 = arith.constant 64 : i32
        %add3A_598 = arith.addi %mul3A_596, %add3A_597 : i32
        %get3A_599 = arith.index_cast %add3A_598 : i32 to index
        %get3A_600 = tpu.vector_load %arg10[%get3A_599] {strides = array<i32>} : memref<12800xi32, #tpu.memory_space<vmem>>, vector<16xi32>,
        %jit3A_601 = arith.constant 0 : i32
        %broadcast_in_dim3A_602 = vector.broadcast %jit3A_601 : i32 to vector<16xi32>
        %select_n3A_603 = arith.select %lt3A_594, %get3A_600, %broadcast_in_dim3A_602 : vector<16xi1>, vector<16xi32>
        %shift_right_arithmetic3A_604 = arith.constant 10 : i32
        %shift_right_arithmetic3A_605 = vector.broadcast %shift_right_arithmetic3A_604 : i32 to vector<16xi32>
        %shift_right_arithmetic3A_606 = arith.shrsi %select_n3A_603, %shift_right_arithmetic3A_605 : vector<16xi32>
        %and3A_607 = arith.constant 1023 : i32
        %and3A_608 = vector.broadcast %and3A_607 : i32 to vector<16xi32>
        %and3A_609 = arith.andi %select_n3A_603, %and3A_608 : vector<16xi32>
        tpu.vector_store_idx %arg15[%shift_right_arithmetic3A_606, %and3A_609], %broadcast_in_dim3A_11 masked %lt3A_594 : memref<32x1024xf32, #tpu.memory_space<vmem>>[vector<16xi32>, vector<16xi32>], vector<16xf32>, vector<16xi1>
        %add3A_610 = arith.constant 80 : i32
        %add3A_611 = vector.broadcast %add3A_610 : i32 to vector<16xi32>
        %add3A_612 = arith.addi %add3A_611, %iota3A : vector<16xi32>
        %lt3A_613 = arith.cmpi slt, %add3A_612, %gather3A : vector<16xi32>
        %mul3A_614 = arith.constant 128 : i32
        %mul3A_615 = arith.muli %mul3A_257, %mul3A_614 : i32
        %add3A_616 = arith.constant 80 : i32
        %add3A_617 = arith.addi %mul3A_615, %add3A_616 : i32
        %get3A_618 = arith.index_cast %add3A_617 : i32 to index
        %get3A_619 = tpu.vector_load %arg10[%get3A_618] {strides = array<i32>} : memref<12800xi32, #tpu.memory_space<vmem>>, vector<16xi32>,
        %jit3A_620 = arith.constant 0 : i32
        %broadcast_in_dim3A_621 = vector.broadcast %jit3A_620 : i32 to vector<16xi32>
        %select_n3A_622 = arith.select %lt3A_613, %get3A_619, %broadcast_in_dim3A_621 : vector<16xi1>, vector<16xi32>
        %shift_right_arithmetic3A_623 = arith.constant 10 : i32
        %shift_right_arithmetic3A_624 = vector.broadcast %shift_right_arithmetic3A_623 : i32 to vector<16xi32>
        %shift_right_arithmetic3A_625 = arith.shrsi %select_n3A_622, %shift_right_arithmetic3A_624 : vector<16xi32>
        %and3A_626 = arith.constant 1023 : i32
        %and3A_627 = vector.broadcast %and3A_626 : i32 to vector<16xi32>
        %and3A_628 = arith.andi %select_n3A_622, %and3A_627 : vector<16xi32>
        tpu.vector_store_idx %arg15[%shift_right_arithmetic3A_625, %and3A_628], %broadcast_in_dim3A_11 masked %lt3A_613 : memref<32x1024xf32, #tpu.memory_space<vmem>>[vector<16xi32>, vector<16xi32>], vector<16xf32>, vector<16xi1>
        %add3A_629 = arith.constant 96 : i32
        %add3A_630 = vector.broadcast %add3A_629 : i32 to vector<16xi32>
        %add3A_631 = arith.addi %add3A_630, %iota3A : vector<16xi32>
        %lt3A_632 = arith.cmpi slt, %add3A_631, %gather3A : vector<16xi32>
        %mul3A_633 = arith.constant 128 : i32
        %mul3A_634 = arith.muli %mul3A_257, %mul3A_633 : i32
        %add3A_635 = arith.constant 96 : i32
        %add3A_636 = arith.addi %mul3A_634, %add3A_635 : i32
        %get3A_637 = arith.index_cast %add3A_636 : i32 to index
        %get3A_638 = tpu.vector_load %arg10[%get3A_637] {strides = array<i32>} : memref<12800xi32, #tpu.memory_space<vmem>>, vector<16xi32>,
        %jit3A_639 = arith.constant 0 : i32
        %broadcast_in_dim3A_640 = vector.broadcast %jit3A_639 : i32 to vector<16xi32>
        %select_n3A_641 = arith.select %lt3A_632, %get3A_638, %broadcast_in_dim3A_640 : vector<16xi1>, vector<16xi32>
        %shift_right_arithmetic3A_642 = arith.constant 10 : i32
        %shift_right_arithmetic3A_643 = vector.broadcast %shift_right_arithmetic3A_642 : i32 to vector<16xi32>
        %shift_right_arithmetic3A_644 = arith.shrsi %select_n3A_641, %shift_right_arithmetic3A_643 : vector<16xi32>
        %and3A_645 = arith.constant 1023 : i32
        %and3A_646 = vector.broadcast %and3A_645 : i32 to vector<16xi32>
        %and3A_647 = arith.andi %select_n3A_641, %and3A_646 : vector<16xi32>
        tpu.vector_store_idx %arg15[%shift_right_arithmetic3A_644, %and3A_647], %broadcast_in_dim3A_11 masked %lt3A_632 : memref<32x1024xf32, #tpu.memory_space<vmem>>[vector<16xi32>, vector<16xi32>], vector<16xf32>, vector<16xi1>
        %add3A_648 = arith.constant 112 : i32
        %add3A_649 = vector.broadcast %add3A_648 : i32 to vector<16xi32>
        %add3A_650 = arith.addi %add3A_649, %iota3A : vector<16xi32>
        %lt3A_651 = arith.cmpi slt, %add3A_650, %gather3A : vector<16xi32>
        %mul3A_652 = arith.constant 128 : i32
        %mul3A_653 = arith.muli %mul3A_257, %mul3A_652 : i32
        %add3A_654 = arith.constant 112 : i32
        %add3A_655 = arith.addi %mul3A_653, %add3A_654 : i32
        %get3A_656 = arith.index_cast %add3A_655 : i32 to index
        %get3A_657 = tpu.vector_load %arg10[%get3A_656] {strides = array<i32>} : memref<12800xi32, #tpu.memory_space<vmem>>, vector<16xi32>,
        %jit3A_658 = arith.constant 0 : i32
        %broadcast_in_dim3A_659 = vector.broadcast %jit3A_658 : i32 to vector<16xi32>
        %select_n3A_660 = arith.select %lt3A_651, %get3A_657, %broadcast_in_dim3A_659 : vector<16xi1>, vector<16xi32>
        %shift_right_arithmetic3A_661 = arith.constant 10 : i32
        %shift_right_arithmetic3A_662 = vector.broadcast %shift_right_arithmetic3A_661 : i32 to vector<16xi32>
        %shift_right_arithmetic3A_663 = arith.shrsi %select_n3A_660, %shift_right_arithmetic3A_662 : vector<16xi32>
        %and3A_664 = arith.constant 1023 : i32
        %and3A_665 = vector.broadcast %and3A_664 : i32 to vector<16xi32>
        %and3A_666 = arith.andi %select_n3A_660, %and3A_665 : vector<16xi32>
        tpu.vector_store_idx %arg15[%shift_right_arithmetic3A_663, %and3A_666], %broadcast_in_dim3A_11 masked %lt3A_651 : memref<32x1024xf32, #tpu.memory_space<vmem>>[vector<16xi32>, vector<16xi32>], vector<16xf32>, vector<16xi1>
        %lt3A_667 = arith.cmpi slt, %add3A_261, %select_n3A_10 : i32
        %convert_element_type3A_668 = arith.extui %lt3A_667 : i1 to i32
        %cond3A_669 = arith.constant 0 : i32
        %cond3A_670 = arith.cmpi ne, %convert_element_type3A_668, %cond3A_669 : i32
        scf.if %cond3A_670 {
          %broadcast_in_dim3A_671 = vector.broadcast %add3A_261 : i32 to vector<16xi32>
          %gather3A_672 = tpu.vector_load_idx %arg11[%broadcast_in_dim3A_671] : memref<112xi32, #tpu.memory_space<vmem>>[vector<16xi32>], vector<16xi32>,
          %mul3A_673 = arith.constant 32 : i32
          %mul3A_674 = arith.muli %add3A_261, %mul3A_673 : i32
          %add3A_675 = arith.addi %mul3A_2, %mul3A_674 : i32
          %dma_wait3A_676 = arith.constant 0 : i32
          %dma_wait3A_677 = tpu.memref_slice %arg5[%add3A_675, %dma_wait3A_676] : memref<100000x1024xf32, #tpu.memory_space<hbm>> -> memref<32x1024xf32, #tpu.memory_space<hbm>>
          %dma_wait3A_678 = arith.constant 0 : i32
          %dma_wait3A_679 = tpu.memref_slice %arg5[%add3A_675, %dma_wait3A_678] : memref<100000x1024xf32, #tpu.memory_space<hbm>> -> memref<32x1024xf32, #tpu.memory_space<hbm>>
          tpu.wait_dma2 semaphore(%arg18 : memref<!tpu.dma_semaphore, #tpu.memory_space<semaphore_mem>>) src(%arg16 : memref<32x1024xf32, #tpu.memory_space<vmem>>) dst(%dma_wait3A_679 : memref<32x1024xf32, #tpu.memory_space<hbm>>)
          %add3A_680 = arith.constant 0 : i32
          %add3A_681 = vector.broadcast %add3A_680 : i32 to vector<16xi32>
          %add3A_682 = arith.addi %add3A_681, %iota3A : vector<16xi32>
          %lt3A_683 = arith.cmpi slt, %add3A_682, %gather3A_672 : vector<16xi32>
          %mul3A_684 = arith.constant 128 : i32
          %mul3A_685 = arith.muli %add3A_261, %mul3A_684 : i32
          %add3A_686 = arith.constant 0 : i32
          %add3A_687 = arith.addi %mul3A_685, %add3A_686 : i32
          %get3A_688 = arith.index_cast %add3A_687 : i32 to index
          %get3A_689 = tpu.vector_load %arg10[%get3A_688] {strides = array<i32>} : memref<12800xi32, #tpu.memory_space<vmem>>, vector<16xi32>,
          %jit3A_690 = arith.constant 0 : i32
          %broadcast_in_dim3A_691 = vector.broadcast %jit3A_690 : i32 to vector<16xi32>
          %select_n3A_692 = arith.select %lt3A_683, %get3A_689, %broadcast_in_dim3A_691 : vector<16xi1>, vector<16xi32>
          %shift_right_arithmetic3A_693 = arith.constant 10 : i32
          %shift_right_arithmetic3A_694 = vector.broadcast %shift_right_arithmetic3A_693 : i32 to vector<16xi32>
          %shift_right_arithmetic3A_695 = arith.shrsi %select_n3A_692, %shift_right_arithmetic3A_694 : vector<16xi32>
          %and3A_696 = arith.constant 1023 : i32
          %and3A_697 = vector.broadcast %and3A_696 : i32 to vector<16xi32>
          %and3A_698 = arith.andi %select_n3A_692, %and3A_697 : vector<16xi32>
          tpu.vector_store_idx %arg16[%shift_right_arithmetic3A_695, %and3A_698], %broadcast_in_dim3A_11 masked %lt3A_683 : memref<32x1024xf32, #tpu.memory_space<vmem>>[vector<16xi32>, vector<16xi32>], vector<16xf32>, vector<16xi1>
          %add3A_699 = arith.constant 16 : i32
          %add3A_700 = vector.broadcast %add3A_699 : i32 to vector<16xi32>
          %add3A_701 = arith.addi %add3A_700, %iota3A : vector<16xi32>
          %lt3A_702 = arith.cmpi slt, %add3A_701, %gather3A_672 : vector<16xi32>
          %mul3A_703 = arith.constant 128 : i32
          %mul3A_704 = arith.muli %add3A_261, %mul3A_703 : i32
          %add3A_705 = arith.constant 16 : i32
          %add3A_706 = arith.addi %mul3A_704, %add3A_705 : i32
          %get3A_707 = arith.index_cast %add3A_706 : i32 to index
          %get3A_708 = tpu.vector_load %arg10[%get3A_707] {strides = array<i32>} : memref<12800xi32, #tpu.memory_space<vmem>>, vector<16xi32>,
          %jit3A_709 = arith.constant 0 : i32
          %broadcast_in_dim3A_710 = vector.broadcast %jit3A_709 : i32 to vector<16xi32>
          %select_n3A_711 = arith.select %lt3A_702, %get3A_708, %broadcast_in_dim3A_710 : vector<16xi1>, vector<16xi32>
          %shift_right_arithmetic3A_712 = arith.constant 10 : i32
          %shift_right_arithmetic3A_713 = vector.broadcast %shift_right_arithmetic3A_712 : i32 to vector<16xi32>
          %shift_right_arithmetic3A_714 = arith.shrsi %select_n3A_711, %shift_right_arithmetic3A_713 : vector<16xi32>
          %and3A_715 = arith.constant 1023 : i32
          %and3A_716 = vector.broadcast %and3A_715 : i32 to vector<16xi32>
          %and3A_717 = arith.andi %select_n3A_711, %and3A_716 : vector<16xi32>
          tpu.vector_store_idx %arg16[%shift_right_arithmetic3A_714, %and3A_717], %broadcast_in_dim3A_11 masked %lt3A_702 : memref<32x1024xf32, #tpu.memory_space<vmem>>[vector<16xi32>, vector<16xi32>], vector<16xf32>, vector<16xi1>
          %add3A_718 = arith.constant 32 : i32
          %add3A_719 = vector.broadcast %add3A_718 : i32 to vector<16xi32>
          %add3A_720 = arith.addi %add3A_719, %iota3A : vector<16xi32>
          %lt3A_721 = arith.cmpi slt, %add3A_720, %gather3A_672 : vector<16xi32>
          %mul3A_722 = arith.constant 128 : i32
          %mul3A_723 = arith.muli %add3A_261, %mul3A_722 : i32
          %add3A_724 = arith.constant 32 : i32
          %add3A_725 = arith.addi %mul3A_723, %add3A_724 : i32
          %get3A_726 = arith.index_cast %add3A_725 : i32 to index
          %get3A_727 = tpu.vector_load %arg10[%get3A_726] {strides = array<i32>} : memref<12800xi32, #tpu.memory_space<vmem>>, vector<16xi32>,
          %jit3A_728 = arith.constant 0 : i32
          %broadcast_in_dim3A_729 = vector.broadcast %jit3A_728 : i32 to vector<16xi32>
          %select_n3A_730 = arith.select %lt3A_721, %get3A_727, %broadcast_in_dim3A_729 : vector<16xi1>, vector<16xi32>
          %shift_right_arithmetic3A_731 = arith.constant 10 : i32
          %shift_right_arithmetic3A_732 = vector.broadcast %shift_right_arithmetic3A_731 : i32 to vector<16xi32>
          %shift_right_arithmetic3A_733 = arith.shrsi %select_n3A_730, %shift_right_arithmetic3A_732 : vector<16xi32>
          %and3A_734 = arith.constant 1023 : i32
          %and3A_735 = vector.broadcast %and3A_734 : i32 to vector<16xi32>
          %and3A_736 = arith.andi %select_n3A_730, %and3A_735 : vector<16xi32>
          tpu.vector_store_idx %arg16[%shift_right_arithmetic3A_733, %and3A_736], %broadcast_in_dim3A_11 masked %lt3A_721 : memref<32x1024xf32, #tpu.memory_space<vmem>>[vector<16xi32>, vector<16xi32>], vector<16xf32>, vector<16xi1>
          %add3A_737 = arith.constant 48 : i32
          %add3A_738 = vector.broadcast %add3A_737 : i32 to vector<16xi32>
          %add3A_739 = arith.addi %add3A_738, %iota3A : vector<16xi32>
          %lt3A_740 = arith.cmpi slt, %add3A_739, %gather3A_672 : vector<16xi32>
          %mul3A_741 = arith.constant 128 : i32
          %mul3A_742 = arith.muli %add3A_261, %mul3A_741 : i32
          %add3A_743 = arith.constant 48 : i32
          %add3A_744 = arith.addi %mul3A_742, %add3A_743 : i32
          %get3A_745 = arith.index_cast %add3A_744 : i32 to index
          %get3A_746 = tpu.vector_load %arg10[%get3A_745] {strides = array<i32>} : memref<12800xi32, #tpu.memory_space<vmem>>, vector<16xi32>,
          %jit3A_747 = arith.constant 0 : i32
          %broadcast_in_dim3A_748 = vector.broadcast %jit3A_747 : i32 to vector<16xi32>
          %select_n3A_749 = arith.select %lt3A_740, %get3A_746, %broadcast_in_dim3A_748 : vector<16xi1>, vector<16xi32>
          %shift_right_arithmetic3A_750 = arith.constant 10 : i32
          %shift_right_arithmetic3A_751 = vector.broadcast %shift_right_arithmetic3A_750 : i32 to vector<16xi32>
          %shift_right_arithmetic3A_752 = arith.shrsi %select_n3A_749, %shift_right_arithmetic3A_751 : vector<16xi32>
          %and3A_753 = arith.constant 1023 : i32
          %and3A_754 = vector.broadcast %and3A_753 : i32 to vector<16xi32>
          %and3A_755 = arith.andi %select_n3A_749, %and3A_754 : vector<16xi32>
          tpu.vector_store_idx %arg16[%shift_right_arithmetic3A_752, %and3A_755], %broadcast_in_dim3A_11 masked %lt3A_740 : memref<32x1024xf32, #tpu.memory_space<vmem>>[vector<16xi32>, vector<16xi32>], vector<16xf32>, vector<16xi1>
          %add3A_756 = arith.constant 64 : i32
          %add3A_757 = vector.broadcast %add3A_756 : i32 to vector<16xi32>
          %add3A_758 = arith.addi %add3A_757, %iota3A : vector<16xi32>
          %lt3A_759 = arith.cmpi slt, %add3A_758, %gather3A_672 : vector<16xi32>
          %mul3A_760 = arith.constant 128 : i32
          %mul3A_761 = arith.muli %add3A_261, %mul3A_760 : i32
          %add3A_762 = arith.constant 64 : i32
          %add3A_763 = arith.addi %mul3A_761, %add3A_762 : i32
          %get3A_764 = arith.index_cast %add3A_763 : i32 to index
          %get3A_765 = tpu.vector_load %arg10[%get3A_764] {strides = array<i32>} : memref<12800xi32, #tpu.memory_space<vmem>>, vector<16xi32>,
          %jit3A_766 = arith.constant 0 : i32
          %broadcast_in_dim3A_767 = vector.broadcast %jit3A_766 : i32 to vector<16xi32>
          %select_n3A_768 = arith.select %lt3A_759, %get3A_765, %broadcast_in_dim3A_767 : vector<16xi1>, vector<16xi32>
          %shift_right_arithmetic3A_769 = arith.constant 10 : i32
          %shift_right_arithmetic3A_770 = vector.broadcast %shift_right_arithmetic3A_769 : i32 to vector<16xi32>
          %shift_right_arithmetic3A_771 = arith.shrsi %select_n3A_768, %shift_right_arithmetic3A_770 : vector<16xi32>
          %and3A_772 = arith.constant 1023 : i32
          %and3A_773 = vector.broadcast %and3A_772 : i32 to vector<16xi32>
          %and3A_774 = arith.andi %select_n3A_768, %and3A_773 : vector<16xi32>
          tpu.vector_store_idx %arg16[%shift_right_arithmetic3A_771, %and3A_774], %broadcast_in_dim3A_11 masked %lt3A_759 : memref<32x1024xf32, #tpu.memory_space<vmem>>[vector<16xi32>, vector<16xi32>], vector<16xf32>, vector<16xi1>
          %add3A_775 = arith.constant 80 : i32
          %add3A_776 = vector.broadcast %add3A_775 : i32 to vector<16xi32>
          %add3A_777 = arith.addi %add3A_776, %iota3A : vector<16xi32>
          %lt3A_778 = arith.cmpi slt, %add3A_777, %gather3A_672 : vector<16xi32>
          %mul3A_779 = arith.constant 128 : i32
          %mul3A_780 = arith.muli %add3A_261, %mul3A_779 : i32
          %add3A_781 = arith.constant 80 : i32
          %add3A_782 = arith.addi %mul3A_780, %add3A_781 : i32
          %get3A_783 = arith.index_cast %add3A_782 : i32 to index
          %get3A_784 = tpu.vector_load %arg10[%get3A_783] {strides = array<i32>} : memref<12800xi32, #tpu.memory_space<vmem>>, vector<16xi32>,
          %jit3A_785 = arith.constant 0 : i32
          %broadcast_in_dim3A_786 = vector.broadcast %jit3A_785 : i32 to vector<16xi32>
          %select_n3A_787 = arith.select %lt3A_778, %get3A_784, %broadcast_in_dim3A_786 : vector<16xi1>, vector<16xi32>
          %shift_right_arithmetic3A_788 = arith.constant 10 : i32
          %shift_right_arithmetic3A_789 = vector.broadcast %shift_right_arithmetic3A_788 : i32 to vector<16xi32>
          %shift_right_arithmetic3A_790 = arith.shrsi %select_n3A_787, %shift_right_arithmetic3A_789 : vector<16xi32>
          %and3A_791 = arith.constant 1023 : i32
          %and3A_792 = vector.broadcast %and3A_791 : i32 to vector<16xi32>
          %and3A_793 = arith.andi %select_n3A_787, %and3A_792 : vector<16xi32>
          tpu.vector_store_idx %arg16[%shift_right_arithmetic3A_790, %and3A_793], %broadcast_in_dim3A_11 masked %lt3A_778 : memref<32x1024xf32, #tpu.memory_space<vmem>>[vector<16xi32>, vector<16xi32>], vector<16xf32>, vector<16xi1>
          %add3A_794 = arith.constant 96 : i32
          %add3A_795 = vector.broadcast %add3A_794 : i32 to vector<16xi32>
          %add3A_796 = arith.addi %add3A_795, %iota3A : vector<16xi32>
          %lt3A_797 = arith.cmpi slt, %add3A_796, %gather3A_672 : vector<16xi32>
          %mul3A_798 = arith.constant 128 : i32
          %mul3A_799 = arith.muli %add3A_261, %mul3A_798 : i32
          %add3A_800 = arith.constant 96 : i32
          %add3A_801 = arith.addi %mul3A_799, %add3A_800 : i32
          %get3A_802 = arith.index_cast %add3A_801 : i32 to index
          %get3A_803 = tpu.vector_load %arg10[%get3A_802] {strides = array<i32>} : memref<12800xi32, #tpu.memory_space<vmem>>, vector<16xi32>,
          %jit3A_804 = arith.constant 0 : i32
          %broadcast_in_dim3A_805 = vector.broadcast %jit3A_804 : i32 to vector<16xi32>
          %select_n3A_806 = arith.select %lt3A_797, %get3A_803, %broadcast_in_dim3A_805 : vector<16xi1>, vector<16xi32>
          %shift_right_arithmetic3A_807 = arith.constant 10 : i32
          %shift_right_arithmetic3A_808 = vector.broadcast %shift_right_arithmetic3A_807 : i32 to vector<16xi32>
          %shift_right_arithmetic3A_809 = arith.shrsi %select_n3A_806, %shift_right_arithmetic3A_808 : vector<16xi32>
          %and3A_810 = arith.constant 1023 : i32
          %and3A_811 = vector.broadcast %and3A_810 : i32 to vector<16xi32>
          %and3A_812 = arith.andi %select_n3A_806, %and3A_811 : vector<16xi32>
          tpu.vector_store_idx %arg16[%shift_right_arithmetic3A_809, %and3A_812], %broadcast_in_dim3A_11 masked %lt3A_797 : memref<32x1024xf32, #tpu.memory_space<vmem>>[vector<16xi32>, vector<16xi32>], vector<16xf32>, vector<16xi1>
          %add3A_813 = arith.constant 112 : i32
          %add3A_814 = vector.broadcast %add3A_813 : i32 to vector<16xi32>
          %add3A_815 = arith.addi %add3A_814, %iota3A : vector<16xi32>
          %lt3A_816 = arith.cmpi slt, %add3A_815, %gather3A_672 : vector<16xi32>
          %mul3A_817 = arith.constant 128 : i32
          %mul3A_818 = arith.muli %add3A_261, %mul3A_817 : i32
          %add3A_819 = arith.constant 112 : i32
          %add3A_820 = arith.addi %mul3A_818, %add3A_819 : i32
          %get3A_821 = arith.index_cast %add3A_820 : i32 to index
          %get3A_822 = tpu.vector_load %arg10[%get3A_821] {strides = array<i32>} : memref<12800xi32, #tpu.memory_space<vmem>>, vector<16xi32>,
          %jit3A_823 = arith.constant 0 : i32
          %broadcast_in_dim3A_824 = vector.broadcast %jit3A_823 : i32 to vector<16xi32>
          %select_n3A_825 = arith.select %lt3A_816, %get3A_822, %broadcast_in_dim3A_824 : vector<16xi1>, vector<16xi32>
          %shift_right_arithmetic3A_826 = arith.constant 10 : i32
          %shift_right_arithmetic3A_827 = vector.broadcast %shift_right_arithmetic3A_826 : i32 to vector<16xi32>
          %shift_right_arithmetic3A_828 = arith.shrsi %select_n3A_825, %shift_right_arithmetic3A_827 : vector<16xi32>
          %and3A_829 = arith.constant 1023 : i32
          %and3A_830 = vector.broadcast %and3A_829 : i32 to vector<16xi32>
          %and3A_831 = arith.andi %select_n3A_825, %and3A_830 : vector<16xi32>
          tpu.vector_store_idx %arg16[%shift_right_arithmetic3A_828, %and3A_831], %broadcast_in_dim3A_11 masked %lt3A_816 : memref<32x1024xf32, #tpu.memory_space<vmem>>[vector<16xi32>, vector<16xi32>], vector<16xf32>, vector<16xi1>
        } else {
        }
      }
    } else {
    }
    %not3A = arith.constant true
    %not3A_210 = arith.xori %and3A, %not3A : i1
    %convert_element_type3A_211 = arith.extui %not3A_210 : i1 to i32
    %cond3A_212 = arith.constant 0 : i32
    %cond3A_213 = arith.cmpi ne, %convert_element_type3A_211, %cond3A_212 : i32
    scf.if %cond3A_213 {
      %sub3A = arith.constant 0 : i32
      %sub3A_214 = arith.subi %select_n3A_10, %sub3A : i32
      %sub3A_215 = arith.constant 1 : i32
      %sub3A_216 = arith.constant 1 : i32
      %sub3A_217 = arith.subi %sub3A_215, %sub3A_216 : i32
      %add3A_218 = arith.addi %sub3A_214, %sub3A_217 : i32
      %div3A = arith.constant 1 : i32
      %div3A_219 = arith.divsi %add3A_218, %div3A : i32
      %while3A = arith.constant 1 : i32
      %while3A_220 = arith.constant 0 : i32
      %while3A_221 = arith.constant 0 : i32
      %while3A_222 = arith.subi %div3A_219, %while3A_221 : i32
      %while3A_223 = arith.addi %while3A_221, %while3A_222 : i32
      %while3A_224 = arith.constant 1 : i32
      %while3A_225 = arith.divsi %while3A_222, %while3A_224 : i32
      %while3A_226 = arith.muli %while3A_225, %while3A_224 : i32
      %while3A_227 = arith.addi %while3A_221, %while3A_226 : i32
      %while3A_228 = arith.constant 1 : i32
      scf.for %while3A_230 = %while3A_221 to %while3A_227 step %while3A_228  : i32 {
        %mul3A_231 = arith.muli %while3A_230, %while3A : i32
        %add3A_232 = arith.addi %while3A_220, %mul3A_231 : i32
        %mul3A_233 = arith.constant 32 : i32
        %mul3A_234 = arith.muli %add3A_232, %mul3A_233 : i32
        %add3A_235 = arith.addi %mul3A_2, %mul3A_234 : i32
        "tpu.region"() ({
          %run_scoped3A = tpu.sem_alloc : memref<!tpu.dma_semaphore, #tpu.memory_space<semaphore_mem>>
          %dma_start3A_297 = arith.constant 0 : i32
          %dma_start3A_298 = arith.constant 0 : i32
          %dma_start3A_299 = tpu.memref_slice %arg4[%dma_start3A_297, %dma_start3A_298] : memref<1024x64xi32, #tpu.memory_space<hbm>> -> memref<128x64xi32, #tpu.memory_space<hbm>>
          %dma_start3A_300 = arith.constant 0 : i32
          %dma_start3A_301 = arith.constant 0 : i32
          %dma_start3A_302 = tpu.memref_slice %arg4[%dma_start3A_300, %dma_start3A_301] : memref<1024x64xi32, #tpu.memory_space<hbm>> -> memref<128x64xi32, #tpu.memory_space<hbm>>
          tpu.enqueue_dma source(%dma_start3A_302 : memref<128x64xi32, #tpu.memory_space<hbm>>) target(%arg6 : memref<128x64xi32, #tpu.memory_space<vmem>>) target_semaphore(%run_scoped3A : memref<!tpu.dma_semaphore, #tpu.memory_space<semaphore_mem>>)
          %dma_wait3A_303 = arith.constant 0 : i32
          %dma_wait3A_304 = arith.constant 0 : i32
          %dma_wait3A_305 = tpu.memref_slice %arg4[%dma_wait3A_303, %dma_wait3A_304] : memref<1024x64xi32, #tpu.memory_space<hbm>> -> memref<128x64xi32, #tpu.memory_space<hbm>>
          %dma_wait3A_306 = arith.constant 0 : i32
          %dma_wait3A_307 = arith.constant 0 : i32
          %dma_wait3A_308 = tpu.memref_slice %arg4[%dma_wait3A_306, %dma_wait3A_307] : memref<1024x64xi32, #tpu.memory_space<hbm>> -> memref<128x64xi32, #tpu.memory_space<hbm>>
          tpu.wait_dma2 semaphore(%run_scoped3A : memref<!tpu.dma_semaphore, #tpu.memory_space<semaphore_mem>>) src(%dma_wait3A_308 : memref<128x64xi32, #tpu.memory_space<hbm>>) dst(%arg6 : memref<128x64xi32, #tpu.memory_space<vmem>>)
          tpu.yield
        }) : () -> ()
        %scan3A_236 = arith.constant 0 : i32
        %scan3A_237 = arith.constant 0 : i32
        %scan3A_238 = arith.constant 512 : i32
        %scan3A_239 = arith.addi %scan3A_237, %scan3A_238 : i32
        %scan3A_240 = arith.constant 1 : i32
        %scan3A_241 = scf.for %scan3A_297 = %scan3A_237 to %scan3A_239 step %scan3A_240 iter_args(%scan3A_298 = %scan3A_236) -> (i32)  : i32 {
          %shift_right_arithmetic3A = arith.constant 2 : i32
          %shift_right_arithmetic3A_299 = arith.shrsi %scan3A_297, %shift_right_arithmetic3A : i32
          %and3A_300 = arith.constant 3 : i32
          %and3A_301 = arith.andi %scan3A_297, %and3A_300 : i32
          %mul3A_302 = arith.constant 16 : i32
          %mul3A_303 = arith.muli %and3A_301, %mul3A_302 : i32
          %get3A_304 = arith.index_cast %shift_right_arithmetic3A_299 : i32 to index
          %get3A_305 = arith.index_cast %mul3A_303 : i32 to index
          %get3A_306 = tpu.vector_load %arg6[%get3A_304, %get3A_305] {strides = array<i32>} : memref<128x64xi32, #tpu.memory_space<vmem>>, vector<16xi32>,
          %eq3A_307 = arith.constant 3 : i32
          %eq3A_308 = arith.cmpi eq, %and3A_301, %eq3A_307 : i32
          %jit3A_309 = arith.constant 2 : i32
          %jit3A_310 = arith.constant 16 : i32
          %select_n3A_311 = arith.select %eq3A_308, %jit3A_309, %jit3A_310 : i32
          %lt3A = vector.broadcast %select_n3A_311 : i32 to vector<16xi32>
          %lt3A_312 = arith.cmpi slt, %iota3A, %lt3A : vector<16xi32>
          %ge3A = vector.broadcast %add3A_235 : i32 to vector<16xi32>
          %ge3A_313 = arith.cmpi sge, %get3A_306, %ge3A : vector<16xi32>
          %and3A_314 = arith.andi %lt3A_312, %ge3A_313 : vector<16xi1>
          %add3A_315 = arith.constant 32 : i32
          %add3A_316 = arith.addi %add3A_235, %add3A_315 : i32
          %lt3A_317 = vector.broadcast %add3A_316 : i32 to vector<16xi32>
          %lt3A_318 = arith.cmpi slt, %get3A_306, %lt3A_317 : vector<16xi32>
          %and3A_319 = arith.andi %and3A_314, %lt3A_318 : vector<16xi1>
          %broadcast_in_dim3A_320 = arith.constant 0 : i32
          %broadcast_in_dim3A_321 = vector.broadcast %broadcast_in_dim3A_320 : i32 to vector<16xi32>
          %add3A_322 = vector.broadcast %shift_right_arithmetic3A_299 : i32 to vector<16xi32>
          %add3A_323 = arith.addi %broadcast_in_dim3A_321, %add3A_322 : vector<16xi32>
          %sub3A_324 = vector.broadcast %add3A_235 : i32 to vector<16xi32>
          %sub3A_325 = arith.subi %get3A_306, %sub3A_324 : vector<16xi32>
          %jit3A_326 = arith.constant 0 : i32
          %broadcast_in_dim3A_327 = vector.broadcast %jit3A_326 : i32 to vector<16xi32>
          %select_n3A_328 = arith.select %and3A_319, %sub3A_325, %broadcast_in_dim3A_327 : vector<16xi1>, vector<16xi32>
          %sub3A_329 = vector.broadcast %mul3A_2 : i32 to vector<16xi32>
          %sub3A_330 = arith.subi %get3A_306, %sub3A_329 : vector<16xi32>
          %jit3A_331 = arith.constant 0 : i32
          %broadcast_in_dim3A_332 = vector.broadcast %jit3A_331 : i32 to vector<16xi32>
          %select_n3A_333 = arith.select %and3A_319, %sub3A_330, %broadcast_in_dim3A_332 : vector<16xi1>, vector<16xi32>
          %gather3A = tpu.vector_load_idx %arg13[%select_n3A_333] : memref<3200xf32, #tpu.memory_space<vmem>>[vector<16xi32>], vector<16xf32>,
          %gather3A_334 = tpu.vector_load_idx %arg14[%add3A_323] : memref<1024xf32, #tpu.memory_space<vmem>>[vector<16xi32>], vector<16xf32>,
          %add3A_335 = arith.addf %gather3A, %gather3A_334 : vector<16xf32>
          %mul3A_336 = arith.constant 2.000000e-01 : f32
          %mul3A_337 = vector.broadcast %mul3A_336 : f32 to vector<16xf32>
          %mul3A_338 = arith.mulf %mul3A_337, %add3A_335 : vector<16xf32>
          %max3A_339 = arith.maximumf %add3A_335, %mul3A_338 : vector<16xf32>
          tpu.vector_store_idx %arg15[%select_n3A_328, %add3A_323], %max3A_339 masked %and3A_319 : memref<32x1024xf32, #tpu.memory_space<vmem>>[vector<16xi32>, vector<16xi32>], vector<16xf32>, vector<16xi1>
          %scan3A_340 = arith.constant 0 : i32
          scf.yield %scan3A_340 : i32
        }
        %scan3A_242 = arith.constant 512 : i32
        "tpu.region"() ({
          %run_scoped3A = tpu.sem_alloc : memref<!tpu.dma_semaphore, #tpu.memory_space<semaphore_mem>>
          %dma_start3A_297 = arith.constant 128 : i32
          %dma_start3A_298 = arith.constant 0 : i32
          %dma_start3A_299 = tpu.memref_slice %arg4[%dma_start3A_297, %dma_start3A_298] : memref<1024x64xi32, #tpu.memory_space<hbm>> -> memref<128x64xi32, #tpu.memory_space<hbm>>
          %dma_start3A_300 = arith.constant 128 : i32
          %dma_start3A_301 = arith.constant 0 : i32
          %dma_start3A_302 = tpu.memref_slice %arg4[%dma_start3A_300, %dma_start3A_301] : memref<1024x64xi32, #tpu.memory_space<hbm>> -> memref<128x64xi32, #tpu.memory_space<hbm>>
          tpu.enqueue_dma source(%dma_start3A_302 : memref<128x64xi32, #tpu.memory_space<hbm>>) target(%arg7 : memref<128x64xi32, #tpu.memory_space<vmem>>) target_semaphore(%run_scoped3A : memref<!tpu.dma_semaphore, #tpu.memory_space<semaphore_mem>>)
          %dma_wait3A_303 = arith.constant 128 : i32
          %dma_wait3A_304 = arith.constant 0 : i32
          %dma_wait3A_305 = tpu.memref_slice %arg4[%dma_wait3A_303, %dma_wait3A_304] : memref<1024x64xi32, #tpu.memory_space<hbm>> -> memref<128x64xi32, #tpu.memory_space<hbm>>
          %dma_wait3A_306 = arith.constant 128 : i32
          %dma_wait3A_307 = arith.constant 0 : i32
          %dma_wait3A_308 = tpu.memref_slice %arg4[%dma_wait3A_306, %dma_wait3A_307] : memref<1024x64xi32, #tpu.memory_space<hbm>> -> memref<128x64xi32, #tpu.memory_space<hbm>>
          tpu.wait_dma2 semaphore(%run_scoped3A : memref<!tpu.dma_semaphore, #tpu.memory_space<semaphore_mem>>) src(%dma_wait3A_308 : memref<128x64xi32, #tpu.memory_space<hbm>>) dst(%arg7 : memref<128x64xi32, #tpu.memory_space<vmem>>)
          tpu.yield
        }) : () -> ()
        %scan3A_243 = arith.constant 0 : i32
        %scan3A_244 = arith.constant 0 : i32
        %scan3A_245 = arith.constant 512 : i32
        %scan3A_246 = arith.addi %scan3A_244, %scan3A_245 : i32
        %scan3A_247 = arith.constant 1 : i32
        %scan3A_248 = scf.for %scan3A_297 = %scan3A_244 to %scan3A_246 step %scan3A_247 iter_args(%scan3A_298 = %scan3A_243) -> (i32)  : i32 {
          %shift_right_arithmetic3A = arith.constant 2 : i32
          %shift_right_arithmetic3A_299 = arith.shrsi %scan3A_297, %shift_right_arithmetic3A : i32
          %and3A_300 = arith.constant 3 : i32
          %and3A_301 = arith.andi %scan3A_297, %and3A_300 : i32
          %mul3A_302 = arith.constant 16 : i32
          %mul3A_303 = arith.muli %and3A_301, %mul3A_302 : i32
          %get3A_304 = arith.index_cast %shift_right_arithmetic3A_299 : i32 to index
          %get3A_305 = arith.index_cast %mul3A_303 : i32 to index
          %get3A_306 = tpu.vector_load %arg7[%get3A_304, %get3A_305] {strides = array<i32>} : memref<128x64xi32, #tpu.memory_space<vmem>>, vector<16xi32>,
          %eq3A_307 = arith.constant 3 : i32
          %eq3A_308 = arith.cmpi eq, %and3A_301, %eq3A_307 : i32
          %jit3A_309 = arith.constant 2 : i32
          %jit3A_310 = arith.constant 16 : i32
          %select_n3A_311 = arith.select %eq3A_308, %jit3A_309, %jit3A_310 : i32
          %lt3A = vector.broadcast %select_n3A_311 : i32 to vector<16xi32>
          %lt3A_312 = arith.cmpi slt, %iota3A, %lt3A : vector<16xi32>
          %ge3A = vector.broadcast %add3A_235 : i32 to vector<16xi32>
          %ge3A_313 = arith.cmpi sge, %get3A_306, %ge3A : vector<16xi32>
          %and3A_314 = arith.andi %lt3A_312, %ge3A_313 : vector<16xi1>
          %add3A_315 = arith.constant 32 : i32
          %add3A_316 = arith.addi %add3A_235, %add3A_315 : i32
          %lt3A_317 = vector.broadcast %add3A_316 : i32 to vector<16xi32>
          %lt3A_318 = arith.cmpi slt, %get3A_306, %lt3A_317 : vector<16xi32>
          %and3A_319 = arith.andi %and3A_314, %lt3A_318 : vector<16xi1>
          %broadcast_in_dim3A_320 = arith.constant 128 : i32
          %broadcast_in_dim3A_321 = vector.broadcast %broadcast_in_dim3A_320 : i32 to vector<16xi32>
          %add3A_322 = vector.broadcast %shift_right_arithmetic3A_299 : i32 to vector<16xi32>
          %add3A_323 = arith.addi %broadcast_in_dim3A_321, %add3A_322 : vector<16xi32>
          %sub3A_324 = vector.broadcast %add3A_235 : i32 to vector<16xi32>
          %sub3A_325 = arith.subi %get3A_306, %sub3A_324 : vector<16xi32>
          %jit3A_326 = arith.constant 0 : i32
          %broadcast_in_dim3A_327 = vector.broadcast %jit3A_326 : i32 to vector<16xi32>
          %select_n3A_328 = arith.select %and3A_319, %sub3A_325, %broadcast_in_dim3A_327 : vector<16xi1>, vector<16xi32>
          %sub3A_329 = vector.broadcast %mul3A_2 : i32 to vector<16xi32>
          %sub3A_330 = arith.subi %get3A_306, %sub3A_329 : vector<16xi32>
          %jit3A_331 = arith.constant 0 : i32
          %broadcast_in_dim3A_332 = vector.broadcast %jit3A_331 : i32 to vector<16xi32>
          %select_n3A_333 = arith.select %and3A_319, %sub3A_330, %broadcast_in_dim3A_332 : vector<16xi1>, vector<16xi32>
          %gather3A = tpu.vector_load_idx %arg13[%select_n3A_333] : memref<3200xf32, #tpu.memory_space<vmem>>[vector<16xi32>], vector<16xf32>,
          %gather3A_334 = tpu.vector_load_idx %arg14[%add3A_323] : memref<1024xf32, #tpu.memory_space<vmem>>[vector<16xi32>], vector<16xf32>,
          %add3A_335 = arith.addf %gather3A, %gather3A_334 : vector<16xf32>
          %mul3A_336 = arith.constant 2.000000e-01 : f32
          %mul3A_337 = vector.broadcast %mul3A_336 : f32 to vector<16xf32>
          %mul3A_338 = arith.mulf %mul3A_337, %add3A_335 : vector<16xf32>
          %max3A_339 = arith.maximumf %add3A_335, %mul3A_338 : vector<16xf32>
          tpu.vector_store_idx %arg15[%select_n3A_328, %add3A_323], %max3A_339 masked %and3A_319 : memref<32x1024xf32, #tpu.memory_space<vmem>>[vector<16xi32>, vector<16xi32>], vector<16xf32>, vector<16xi1>
          %scan3A_340 = arith.constant 0 : i32
          scf.yield %scan3A_340 : i32
        }
        %scan3A_249 = arith.constant 512 : i32
        "tpu.region"() ({
          %run_scoped3A = tpu.sem_alloc : memref<!tpu.dma_semaphore, #tpu.memory_space<semaphore_mem>>
          %dma_start3A_297 = arith.constant 256 : i32
          %dma_start3A_298 = arith.constant 0 : i32
          %dma_start3A_299 = tpu.memref_slice %arg4[%dma_start3A_297, %dma_start3A_298] : memref<1024x64xi32, #tpu.memory_space<hbm>> -> memref<128x64xi32, #tpu.memory_space<hbm>>
          %dma_start3A_300 = arith.constant 256 : i32
          %dma_start3A_301 = arith.constant 0 : i32
          %dma_start3A_302 = tpu.memref_slice %arg4[%dma_start3A_300, %dma_start3A_301] : memref<1024x64xi32, #tpu.memory_space<hbm>> -> memref<128x64xi32, #tpu.memory_space<hbm>>
          tpu.enqueue_dma source(%dma_start3A_302 : memref<128x64xi32, #tpu.memory_space<hbm>>) target(%arg6 : memref<128x64xi32, #tpu.memory_space<vmem>>) target_semaphore(%run_scoped3A : memref<!tpu.dma_semaphore, #tpu.memory_space<semaphore_mem>>)
          %dma_wait3A_303 = arith.constant 256 : i32
          %dma_wait3A_304 = arith.constant 0 : i32
          %dma_wait3A_305 = tpu.memref_slice %arg4[%dma_wait3A_303, %dma_wait3A_304] : memref<1024x64xi32, #tpu.memory_space<hbm>> -> memref<128x64xi32, #tpu.memory_space<hbm>>
          %dma_wait3A_306 = arith.constant 256 : i32
          %dma_wait3A_307 = arith.constant 0 : i32
          %dma_wait3A_308 = tpu.memref_slice %arg4[%dma_wait3A_306, %dma_wait3A_307] : memref<1024x64xi32, #tpu.memory_space<hbm>> -> memref<128x64xi32, #tpu.memory_space<hbm>>
          tpu.wait_dma2 semaphore(%run_scoped3A : memref<!tpu.dma_semaphore, #tpu.memory_space<semaphore_mem>>) src(%dma_wait3A_308 : memref<128x64xi32, #tpu.memory_space<hbm>>) dst(%arg6 : memref<128x64xi32, #tpu.memory_space<vmem>>)
          tpu.yield
        }) : () -> ()
        %scan3A_250 = arith.constant 0 : i32
        %scan3A_251 = arith.constant 0 : i32
        %scan3A_252 = arith.constant 512 : i32
        %scan3A_253 = arith.addi %scan3A_251, %scan3A_252 : i32
        %scan3A_254 = arith.constant 1 : i32
        %scan3A_255 = scf.for %scan3A_297 = %scan3A_251 to %scan3A_253 step %scan3A_254 iter_args(%scan3A_298 = %scan3A_250) -> (i32)  : i32 {
          %shift_right_arithmetic3A = arith.constant 2 : i32
          %shift_right_arithmetic3A_299 = arith.shrsi %scan3A_297, %shift_right_arithmetic3A : i32
          %and3A_300 = arith.constant 3 : i32
          %and3A_301 = arith.andi %scan3A_297, %and3A_300 : i32
          %mul3A_302 = arith.constant 16 : i32
          %mul3A_303 = arith.muli %and3A_301, %mul3A_302 : i32
          %get3A_304 = arith.index_cast %shift_right_arithmetic3A_299 : i32 to index
          %get3A_305 = arith.index_cast %mul3A_303 : i32 to index
          %get3A_306 = tpu.vector_load %arg6[%get3A_304, %get3A_305] {strides = array<i32>} : memref<128x64xi32, #tpu.memory_space<vmem>>, vector<16xi32>,
          %eq3A_307 = arith.constant 3 : i32
          %eq3A_308 = arith.cmpi eq, %and3A_301, %eq3A_307 : i32
          %jit3A_309 = arith.constant 2 : i32
          %jit3A_310 = arith.constant 16 : i32
          %select_n3A_311 = arith.select %eq3A_308, %jit3A_309, %jit3A_310 : i32
          %lt3A = vector.broadcast %select_n3A_311 : i32 to vector<16xi32>
          %lt3A_312 = arith.cmpi slt, %iota3A, %lt3A : vector<16xi32>
          %ge3A = vector.broadcast %add3A_235 : i32 to vector<16xi32>
          %ge3A_313 = arith.cmpi sge, %get3A_306, %ge3A : vector<16xi32>
          %and3A_314 = arith.andi %lt3A_312, %ge3A_313 : vector<16xi1>
          %add3A_315 = arith.constant 32 : i32
          %add3A_316 = arith.addi %add3A_235, %add3A_315 : i32
          %lt3A_317 = vector.broadcast %add3A_316 : i32 to vector<16xi32>
          %lt3A_318 = arith.cmpi slt, %get3A_306, %lt3A_317 : vector<16xi32>
          %and3A_319 = arith.andi %and3A_314, %lt3A_318 : vector<16xi1>
          %broadcast_in_dim3A_320 = arith.constant 256 : i32
          %broadcast_in_dim3A_321 = vector.broadcast %broadcast_in_dim3A_320 : i32 to vector<16xi32>
          %add3A_322 = vector.broadcast %shift_right_arithmetic3A_299 : i32 to vector<16xi32>
          %add3A_323 = arith.addi %broadcast_in_dim3A_321, %add3A_322 : vector<16xi32>
          %sub3A_324 = vector.broadcast %add3A_235 : i32 to vector<16xi32>
          %sub3A_325 = arith.subi %get3A_306, %sub3A_324 : vector<16xi32>
          %jit3A_326 = arith.constant 0 : i32
          %broadcast_in_dim3A_327 = vector.broadcast %jit3A_326 : i32 to vector<16xi32>
          %select_n3A_328 = arith.select %and3A_319, %sub3A_325, %broadcast_in_dim3A_327 : vector<16xi1>, vector<16xi32>
          %sub3A_329 = vector.broadcast %mul3A_2 : i32 to vector<16xi32>
          %sub3A_330 = arith.subi %get3A_306, %sub3A_329 : vector<16xi32>
          %jit3A_331 = arith.constant 0 : i32
          %broadcast_in_dim3A_332 = vector.broadcast %jit3A_331 : i32 to vector<16xi32>
          %select_n3A_333 = arith.select %and3A_319, %sub3A_330, %broadcast_in_dim3A_332 : vector<16xi1>, vector<16xi32>
          %gather3A = tpu.vector_load_idx %arg13[%select_n3A_333] : memref<3200xf32, #tpu.memory_space<vmem>>[vector<16xi32>], vector<16xf32>,
          %gather3A_334 = tpu.vector_load_idx %arg14[%add3A_323] : memref<1024xf32, #tpu.memory_space<vmem>>[vector<16xi32>], vector<16xf32>,
          %add3A_335 = arith.addf %gather3A, %gather3A_334 : vector<16xf32>
          %mul3A_336 = arith.constant 2.000000e-01 : f32
          %mul3A_337 = vector.broadcast %mul3A_336 : f32 to vector<16xf32>
          %mul3A_338 = arith.mulf %mul3A_337, %add3A_335 : vector<16xf32>
          %max3A_339 = arith.maximumf %add3A_335, %mul3A_338 : vector<16xf32>
          tpu.vector_store_idx %arg15[%select_n3A_328, %add3A_323], %max3A_339 masked %and3A_319 : memref<32x1024xf32, #tpu.memory_space<vmem>>[vector<16xi32>, vector<16xi32>], vector<16xf32>, vector<16xi1>
          %scan3A_340 = arith.constant 0 : i32
          scf.yield %scan3A_340 : i32
        }
        %scan3A_256 = arith.constant 512 : i32
        "tpu.region"() ({
          %run_scoped3A = tpu.sem_alloc : memref<!tpu.dma_semaphore, #tpu.memory_space<semaphore_mem>>
          %dma_start3A_297 = arith.constant 384 : i32
          %dma_start3A_298 = arith.constant 0 : i32
          %dma_start3A_299 = tpu.memref_slice %arg4[%dma_start3A_297, %dma_start3A_298] : memref<1024x64xi32, #tpu.memory_space<hbm>> -> memref<128x64xi32, #tpu.memory_space<hbm>>
          %dma_start3A_300 = arith.constant 384 : i32
          %dma_start3A_301 = arith.constant 0 : i32
          %dma_start3A_302 = tpu.memref_slice %arg4[%dma_start3A_300, %dma_start3A_301] : memref<1024x64xi32, #tpu.memory_space<hbm>> -> memref<128x64xi32, #tpu.memory_space<hbm>>
          tpu.enqueue_dma source(%dma_start3A_302 : memref<128x64xi32, #tpu.memory_space<hbm>>) target(%arg7 : memref<128x64xi32, #tpu.memory_space<vmem>>) target_semaphore(%run_scoped3A : memref<!tpu.dma_semaphore, #tpu.memory_space<semaphore_mem>>)
          %dma_wait3A_303 = arith.constant 384 : i32
          %dma_wait3A_304 = arith.constant 0 : i32
          %dma_wait3A_305 = tpu.memref_slice %arg4[%dma_wait3A_303, %dma_wait3A_304] : memref<1024x64xi32, #tpu.memory_space<hbm>> -> memref<128x64xi32, #tpu.memory_space<hbm>>
          %dma_wait3A_306 = arith.constant 384 : i32
          %dma_wait3A_307 = arith.constant 0 : i32
          %dma_wait3A_308 = tpu.memref_slice %arg4[%dma_wait3A_306, %dma_wait3A_307] : memref<1024x64xi32, #tpu.memory_space<hbm>> -> memref<128x64xi32, #tpu.memory_space<hbm>>
          tpu.wait_dma2 semaphore(%run_scoped3A : memref<!tpu.dma_semaphore, #tpu.memory_space<semaphore_mem>>) src(%dma_wait3A_308 : memref<128x64xi32, #tpu.memory_space<hbm>>) dst(%arg7 : memref<128x64xi32, #tpu.memory_space<vmem>>)
          tpu.yield
        }) : () -> ()
        %scan3A_257 = arith.constant 0 : i32
        %scan3A_258 = arith.constant 0 : i32
        %scan3A_259 = arith.constant 512 : i32
        %scan3A_260 = arith.addi %scan3A_258, %scan3A_259 : i32
        %scan3A_261 = arith.constant 1 : i32
        %scan3A_262 = scf.for %scan3A_297 = %scan3A_258 to %scan3A_260 step %scan3A_261 iter_args(%scan3A_298 = %scan3A_257) -> (i32)  : i32 {
          %shift_right_arithmetic3A = arith.constant 2 : i32
          %shift_right_arithmetic3A_299 = arith.shrsi %scan3A_297, %shift_right_arithmetic3A : i32
          %and3A_300 = arith.constant 3 : i32
          %and3A_301 = arith.andi %scan3A_297, %and3A_300 : i32
          %mul3A_302 = arith.constant 16 : i32
          %mul3A_303 = arith.muli %and3A_301, %mul3A_302 : i32
          %get3A_304 = arith.index_cast %shift_right_arithmetic3A_299 : i32 to index
          %get3A_305 = arith.index_cast %mul3A_303 : i32 to index
          %get3A_306 = tpu.vector_load %arg7[%get3A_304, %get3A_305] {strides = array<i32>} : memref<128x64xi32, #tpu.memory_space<vmem>>, vector<16xi32>,
          %eq3A_307 = arith.constant 3 : i32
          %eq3A_308 = arith.cmpi eq, %and3A_301, %eq3A_307 : i32
          %jit3A_309 = arith.constant 2 : i32
          %jit3A_310 = arith.constant 16 : i32
          %select_n3A_311 = arith.select %eq3A_308, %jit3A_309, %jit3A_310 : i32
          %lt3A = vector.broadcast %select_n3A_311 : i32 to vector<16xi32>
          %lt3A_312 = arith.cmpi slt, %iota3A, %lt3A : vector<16xi32>
          %ge3A = vector.broadcast %add3A_235 : i32 to vector<16xi32>
          %ge3A_313 = arith.cmpi sge, %get3A_306, %ge3A : vector<16xi32>
          %and3A_314 = arith.andi %lt3A_312, %ge3A_313 : vector<16xi1>
          %add3A_315 = arith.constant 32 : i32
          %add3A_316 = arith.addi %add3A_235, %add3A_315 : i32
          %lt3A_317 = vector.broadcast %add3A_316 : i32 to vector<16xi32>
          %lt3A_318 = arith.cmpi slt, %get3A_306, %lt3A_317 : vector<16xi32>
          %and3A_319 = arith.andi %and3A_314, %lt3A_318 : vector<16xi1>
          %broadcast_in_dim3A_320 = arith.constant 384 : i32
          %broadcast_in_dim3A_321 = vector.broadcast %broadcast_in_dim3A_320 : i32 to vector<16xi32>
          %add3A_322 = vector.broadcast %shift_right_arithmetic3A_299 : i32 to vector<16xi32>
          %add3A_323 = arith.addi %broadcast_in_dim3A_321, %add3A_322 : vector<16xi32>
          %sub3A_324 = vector.broadcast %add3A_235 : i32 to vector<16xi32>
          %sub3A_325 = arith.subi %get3A_306, %sub3A_324 : vector<16xi32>
          %jit3A_326 = arith.constant 0 : i32
          %broadcast_in_dim3A_327 = vector.broadcast %jit3A_326 : i32 to vector<16xi32>
          %select_n3A_328 = arith.select %and3A_319, %sub3A_325, %broadcast_in_dim3A_327 : vector<16xi1>, vector<16xi32>
          %sub3A_329 = vector.broadcast %mul3A_2 : i32 to vector<16xi32>
          %sub3A_330 = arith.subi %get3A_306, %sub3A_329 : vector<16xi32>
          %jit3A_331 = arith.constant 0 : i32
          %broadcast_in_dim3A_332 = vector.broadcast %jit3A_331 : i32 to vector<16xi32>
          %select_n3A_333 = arith.select %and3A_319, %sub3A_330, %broadcast_in_dim3A_332 : vector<16xi1>, vector<16xi32>
          %gather3A = tpu.vector_load_idx %arg13[%select_n3A_333] : memref<3200xf32, #tpu.memory_space<vmem>>[vector<16xi32>], vector<16xf32>,
          %gather3A_334 = tpu.vector_load_idx %arg14[%add3A_323] : memref<1024xf32, #tpu.memory_space<vmem>>[vector<16xi32>], vector<16xf32>,
          %add3A_335 = arith.addf %gather3A, %gather3A_334 : vector<16xf32>
          %mul3A_336 = arith.constant 2.000000e-01 : f32
          %mul3A_337 = vector.broadcast %mul3A_336 : f32 to vector<16xf32>
          %mul3A_338 = arith.mulf %mul3A_337, %add3A_335 : vector<16xf32>
          %max3A_339 = arith.maximumf %add3A_335, %mul3A_338 : vector<16xf32>
          tpu.vector_store_idx %arg15[%select_n3A_328, %add3A_323], %max3A_339 masked %and3A_319 : memref<32x1024xf32, #tpu.memory_space<vmem>>[vector<16xi32>, vector<16xi32>], vector<16xf32>, vector<16xi1>
          %scan3A_340 = arith.constant 0 : i32
          scf.yield %scan3A_340 : i32
        }
        %scan3A_263 = arith.constant 512 : i32
        "tpu.region"() ({
          %run_scoped3A = tpu.sem_alloc : memref<!tpu.dma_semaphore, #tpu.memory_space<semaphore_mem>>
          %dma_start3A_297 = arith.constant 512 : i32
          %dma_start3A_298 = arith.constant 0 : i32
          %dma_start3A_299 = tpu.memref_slice %arg4[%dma_start3A_297, %dma_start3A_298] : memref<1024x64xi32, #tpu.memory_space<hbm>> -> memref<128x64xi32, #tpu.memory_space<hbm>>
          %dma_start3A_300 = arith.constant 512 : i32
          %dma_start3A_301 = arith.constant 0 : i32
          %dma_start3A_302 = tpu.memref_slice %arg4[%dma_start3A_300, %dma_start3A_301] : memref<1024x64xi32, #tpu.memory_space<hbm>> -> memref<128x64xi32, #tpu.memory_space<hbm>>
          tpu.enqueue_dma source(%dma_start3A_302 : memref<128x64xi32, #tpu.memory_space<hbm>>) target(%arg6 : memref<128x64xi32, #tpu.memory_space<vmem>>) target_semaphore(%run_scoped3A : memref<!tpu.dma_semaphore, #tpu.memory_space<semaphore_mem>>)
          %dma_wait3A_303 = arith.constant 512 : i32
          %dma_wait3A_304 = arith.constant 0 : i32
          %dma_wait3A_305 = tpu.memref_slice %arg4[%dma_wait3A_303, %dma_wait3A_304] : memref<1024x64xi32, #tpu.memory_space<hbm>> -> memref<128x64xi32, #tpu.memory_space<hbm>>
          %dma_wait3A_306 = arith.constant 512 : i32
          %dma_wait3A_307 = arith.constant 0 : i32
          %dma_wait3A_308 = tpu.memref_slice %arg4[%dma_wait3A_306, %dma_wait3A_307] : memref<1024x64xi32, #tpu.memory_space<hbm>> -> memref<128x64xi32, #tpu.memory_space<hbm>>
          tpu.wait_dma2 semaphore(%run_scoped3A : memref<!tpu.dma_semaphore, #tpu.memory_space<semaphore_mem>>) src(%dma_wait3A_308 : memref<128x64xi32, #tpu.memory_space<hbm>>) dst(%arg6 : memref<128x64xi32, #tpu.memory_space<vmem>>)
          tpu.yield
        }) : () -> ()
        %scan3A_264 = arith.constant 0 : i32
        %scan3A_265 = arith.constant 0 : i32
        %scan3A_266 = arith.constant 512 : i32
        %scan3A_267 = arith.addi %scan3A_265, %scan3A_266 : i32
        %scan3A_268 = arith.constant 1 : i32
        %scan3A_269 = scf.for %scan3A_297 = %scan3A_265 to %scan3A_267 step %scan3A_268 iter_args(%scan3A_298 = %scan3A_264) -> (i32)  : i32 {
          %shift_right_arithmetic3A = arith.constant 2 : i32
          %shift_right_arithmetic3A_299 = arith.shrsi %scan3A_297, %shift_right_arithmetic3A : i32
          %and3A_300 = arith.constant 3 : i32
          %and3A_301 = arith.andi %scan3A_297, %and3A_300 : i32
          %mul3A_302 = arith.constant 16 : i32
          %mul3A_303 = arith.muli %and3A_301, %mul3A_302 : i32
          %get3A_304 = arith.index_cast %shift_right_arithmetic3A_299 : i32 to index
          %get3A_305 = arith.index_cast %mul3A_303 : i32 to index
          %get3A_306 = tpu.vector_load %arg6[%get3A_304, %get3A_305] {strides = array<i32>} : memref<128x64xi32, #tpu.memory_space<vmem>>, vector<16xi32>,
          %eq3A_307 = arith.constant 3 : i32
          %eq3A_308 = arith.cmpi eq, %and3A_301, %eq3A_307 : i32
          %jit3A_309 = arith.constant 2 : i32
          %jit3A_310 = arith.constant 16 : i32
          %select_n3A_311 = arith.select %eq3A_308, %jit3A_309, %jit3A_310 : i32
          %lt3A = vector.broadcast %select_n3A_311 : i32 to vector<16xi32>
          %lt3A_312 = arith.cmpi slt, %iota3A, %lt3A : vector<16xi32>
          %ge3A = vector.broadcast %add3A_235 : i32 to vector<16xi32>
          %ge3A_313 = arith.cmpi sge, %get3A_306, %ge3A : vector<16xi32>
          %and3A_314 = arith.andi %lt3A_312, %ge3A_313 : vector<16xi1>
          %add3A_315 = arith.constant 32 : i32
          %add3A_316 = arith.addi %add3A_235, %add3A_315 : i32
          %lt3A_317 = vector.broadcast %add3A_316 : i32 to vector<16xi32>
          %lt3A_318 = arith.cmpi slt, %get3A_306, %lt3A_317 : vector<16xi32>
          %and3A_319 = arith.andi %and3A_314, %lt3A_318 : vector<16xi1>
          %broadcast_in_dim3A_320 = arith.constant 512 : i32
          %broadcast_in_dim3A_321 = vector.broadcast %broadcast_in_dim3A_320 : i32 to vector<16xi32>
          %add3A_322 = vector.broadcast %shift_right_arithmetic3A_299 : i32 to vector<16xi32>
          %add3A_323 = arith.addi %broadcast_in_dim3A_321, %add3A_322 : vector<16xi32>
          %sub3A_324 = vector.broadcast %add3A_235 : i32 to vector<16xi32>
          %sub3A_325 = arith.subi %get3A_306, %sub3A_324 : vector<16xi32>
          %jit3A_326 = arith.constant 0 : i32
          %broadcast_in_dim3A_327 = vector.broadcast %jit3A_326 : i32 to vector<16xi32>
          %select_n3A_328 = arith.select %and3A_319, %sub3A_325, %broadcast_in_dim3A_327 : vector<16xi1>, vector<16xi32>
          %sub3A_329 = vector.broadcast %mul3A_2 : i32 to vector<16xi32>
          %sub3A_330 = arith.subi %get3A_306, %sub3A_329 : vector<16xi32>
          %jit3A_331 = arith.constant 0 : i32
          %broadcast_in_dim3A_332 = vector.broadcast %jit3A_331 : i32 to vector<16xi32>
          %select_n3A_333 = arith.select %and3A_319, %sub3A_330, %broadcast_in_dim3A_332 : vector<16xi1>, vector<16xi32>
          %gather3A = tpu.vector_load_idx %arg13[%select_n3A_333] : memref<3200xf32, #tpu.memory_space<vmem>>[vector<16xi32>], vector<16xf32>,
          %gather3A_334 = tpu.vector_load_idx %arg14[%add3A_323] : memref<1024xf32, #tpu.memory_space<vmem>>[vector<16xi32>], vector<16xf32>,
          %add3A_335 = arith.addf %gather3A, %gather3A_334 : vector<16xf32>
          %mul3A_336 = arith.constant 2.000000e-01 : f32
          %mul3A_337 = vector.broadcast %mul3A_336 : f32 to vector<16xf32>
          %mul3A_338 = arith.mulf %mul3A_337, %add3A_335 : vector<16xf32>
          %max3A_339 = arith.maximumf %add3A_335, %mul3A_338 : vector<16xf32>
          tpu.vector_store_idx %arg15[%select_n3A_328, %add3A_323], %max3A_339 masked %and3A_319 : memref<32x1024xf32, #tpu.memory_space<vmem>>[vector<16xi32>, vector<16xi32>], vector<16xf32>, vector<16xi1>
          %scan3A_340 = arith.constant 0 : i32
          scf.yield %scan3A_340 : i32
        }
        %scan3A_270 = arith.constant 512 : i32
        "tpu.region"() ({
          %run_scoped3A = tpu.sem_alloc : memref<!tpu.dma_semaphore, #tpu.memory_space<semaphore_mem>>
          %dma_start3A_297 = arith.constant 640 : i32
          %dma_start3A_298 = arith.constant 0 : i32
          %dma_start3A_299 = tpu.memref_slice %arg4[%dma_start3A_297, %dma_start3A_298] : memref<1024x64xi32, #tpu.memory_space<hbm>> -> memref<128x64xi32, #tpu.memory_space<hbm>>
          %dma_start3A_300 = arith.constant 640 : i32
          %dma_start3A_301 = arith.constant 0 : i32
          %dma_start3A_302 = tpu.memref_slice %arg4[%dma_start3A_300, %dma_start3A_301] : memref<1024x64xi32, #tpu.memory_space<hbm>> -> memref<128x64xi32, #tpu.memory_space<hbm>>
          tpu.enqueue_dma source(%dma_start3A_302 : memref<128x64xi32, #tpu.memory_space<hbm>>) target(%arg7 : memref<128x64xi32, #tpu.memory_space<vmem>>) target_semaphore(%run_scoped3A : memref<!tpu.dma_semaphore, #tpu.memory_space<semaphore_mem>>)
          %dma_wait3A_303 = arith.constant 640 : i32
          %dma_wait3A_304 = arith.constant 0 : i32
          %dma_wait3A_305 = tpu.memref_slice %arg4[%dma_wait3A_303, %dma_wait3A_304] : memref<1024x64xi32, #tpu.memory_space<hbm>> -> memref<128x64xi32, #tpu.memory_space<hbm>>
          %dma_wait3A_306 = arith.constant 640 : i32
          %dma_wait3A_307 = arith.constant 0 : i32
          %dma_wait3A_308 = tpu.memref_slice %arg4[%dma_wait3A_306, %dma_wait3A_307] : memref<1024x64xi32, #tpu.memory_space<hbm>> -> memref<128x64xi32, #tpu.memory_space<hbm>>
          tpu.wait_dma2 semaphore(%run_scoped3A : memref<!tpu.dma_semaphore, #tpu.memory_space<semaphore_mem>>) src(%dma_wait3A_308 : memref<128x64xi32, #tpu.memory_space<hbm>>) dst(%arg7 : memref<128x64xi32, #tpu.memory_space<vmem>>)
          tpu.yield
        }) : () -> ()
        %scan3A_271 = arith.constant 0 : i32
        %scan3A_272 = arith.constant 0 : i32
        %scan3A_273 = arith.constant 512 : i32
        %scan3A_274 = arith.addi %scan3A_272, %scan3A_273 : i32
        %scan3A_275 = arith.constant 1 : i32
        %scan3A_276 = scf.for %scan3A_297 = %scan3A_272 to %scan3A_274 step %scan3A_275 iter_args(%scan3A_298 = %scan3A_271) -> (i32)  : i32 {
          %shift_right_arithmetic3A = arith.constant 2 : i32
          %shift_right_arithmetic3A_299 = arith.shrsi %scan3A_297, %shift_right_arithmetic3A : i32
          %and3A_300 = arith.constant 3 : i32
          %and3A_301 = arith.andi %scan3A_297, %and3A_300 : i32
          %mul3A_302 = arith.constant 16 : i32
          %mul3A_303 = arith.muli %and3A_301, %mul3A_302 : i32
          %get3A_304 = arith.index_cast %shift_right_arithmetic3A_299 : i32 to index
          %get3A_305 = arith.index_cast %mul3A_303 : i32 to index
          %get3A_306 = tpu.vector_load %arg7[%get3A_304, %get3A_305] {strides = array<i32>} : memref<128x64xi32, #tpu.memory_space<vmem>>, vector<16xi32>,
          %eq3A_307 = arith.constant 3 : i32
          %eq3A_308 = arith.cmpi eq, %and3A_301, %eq3A_307 : i32
          %jit3A_309 = arith.constant 2 : i32
          %jit3A_310 = arith.constant 16 : i32
          %select_n3A_311 = arith.select %eq3A_308, %jit3A_309, %jit3A_310 : i32
          %lt3A = vector.broadcast %select_n3A_311 : i32 to vector<16xi32>
          %lt3A_312 = arith.cmpi slt, %iota3A, %lt3A : vector<16xi32>
          %ge3A = vector.broadcast %add3A_235 : i32 to vector<16xi32>
          %ge3A_313 = arith.cmpi sge, %get3A_306, %ge3A : vector<16xi32>
          %and3A_314 = arith.andi %lt3A_312, %ge3A_313 : vector<16xi1>
          %add3A_315 = arith.constant 32 : i32
          %add3A_316 = arith.addi %add3A_235, %add3A_315 : i32
          %lt3A_317 = vector.broadcast %add3A_316 : i32 to vector<16xi32>
          %lt3A_318 = arith.cmpi slt, %get3A_306, %lt3A_317 : vector<16xi32>
          %and3A_319 = arith.andi %and3A_314, %lt3A_318 : vector<16xi1>
          %broadcast_in_dim3A_320 = arith.constant 640 : i32
          %broadcast_in_dim3A_321 = vector.broadcast %broadcast_in_dim3A_320 : i32 to vector<16xi32>
          %add3A_322 = vector.broadcast %shift_right_arithmetic3A_299 : i32 to vector<16xi32>
          %add3A_323 = arith.addi %broadcast_in_dim3A_321, %add3A_322 : vector<16xi32>
          %sub3A_324 = vector.broadcast %add3A_235 : i32 to vector<16xi32>
          %sub3A_325 = arith.subi %get3A_306, %sub3A_324 : vector<16xi32>
          %jit3A_326 = arith.constant 0 : i32
          %broadcast_in_dim3A_327 = vector.broadcast %jit3A_326 : i32 to vector<16xi32>
          %select_n3A_328 = arith.select %and3A_319, %sub3A_325, %broadcast_in_dim3A_327 : vector<16xi1>, vector<16xi32>
          %sub3A_329 = vector.broadcast %mul3A_2 : i32 to vector<16xi32>
          %sub3A_330 = arith.subi %get3A_306, %sub3A_329 : vector<16xi32>
          %jit3A_331 = arith.constant 0 : i32
          %broadcast_in_dim3A_332 = vector.broadcast %jit3A_331 : i32 to vector<16xi32>
          %select_n3A_333 = arith.select %and3A_319, %sub3A_330, %broadcast_in_dim3A_332 : vector<16xi1>, vector<16xi32>
          %gather3A = tpu.vector_load_idx %arg13[%select_n3A_333] : memref<3200xf32, #tpu.memory_space<vmem>>[vector<16xi32>], vector<16xf32>,
          %gather3A_334 = tpu.vector_load_idx %arg14[%add3A_323] : memref<1024xf32, #tpu.memory_space<vmem>>[vector<16xi32>], vector<16xf32>,
          %add3A_335 = arith.addf %gather3A, %gather3A_334 : vector<16xf32>
          %mul3A_336 = arith.constant 2.000000e-01 : f32
          %mul3A_337 = vector.broadcast %mul3A_336 : f32 to vector<16xf32>
          %mul3A_338 = arith.mulf %mul3A_337, %add3A_335 : vector<16xf32>
          %max3A_339 = arith.maximumf %add3A_335, %mul3A_338 : vector<16xf32>
          tpu.vector_store_idx %arg15[%select_n3A_328, %add3A_323], %max3A_339 masked %and3A_319 : memref<32x1024xf32, #tpu.memory_space<vmem>>[vector<16xi32>, vector<16xi32>], vector<16xf32>, vector<16xi1>
          %scan3A_340 = arith.constant 0 : i32
          scf.yield %scan3A_340 : i32
        }
        %scan3A_277 = arith.constant 512 : i32
        "tpu.region"() ({
          %run_scoped3A = tpu.sem_alloc : memref<!tpu.dma_semaphore, #tpu.memory_space<semaphore_mem>>
          %dma_start3A_297 = arith.constant 768 : i32
          %dma_start3A_298 = arith.constant 0 : i32
          %dma_start3A_299 = tpu.memref_slice %arg4[%dma_start3A_297, %dma_start3A_298] : memref<1024x64xi32, #tpu.memory_space<hbm>> -> memref<128x64xi32, #tpu.memory_space<hbm>>
          %dma_start3A_300 = arith.constant 768 : i32
          %dma_start3A_301 = arith.constant 0 : i32
          %dma_start3A_302 = tpu.memref_slice %arg4[%dma_start3A_300, %dma_start3A_301] : memref<1024x64xi32, #tpu.memory_space<hbm>> -> memref<128x64xi32, #tpu.memory_space<hbm>>
          tpu.enqueue_dma source(%dma_start3A_302 : memref<128x64xi32, #tpu.memory_space<hbm>>) target(%arg6 : memref<128x64xi32, #tpu.memory_space<vmem>>) target_semaphore(%run_scoped3A : memref<!tpu.dma_semaphore, #tpu.memory_space<semaphore_mem>>)
          %dma_wait3A_303 = arith.constant 768 : i32
          %dma_wait3A_304 = arith.constant 0 : i32
          %dma_wait3A_305 = tpu.memref_slice %arg4[%dma_wait3A_303, %dma_wait3A_304] : memref<1024x64xi32, #tpu.memory_space<hbm>> -> memref<128x64xi32, #tpu.memory_space<hbm>>
          %dma_wait3A_306 = arith.constant 768 : i32
          %dma_wait3A_307 = arith.constant 0 : i32
          %dma_wait3A_308 = tpu.memref_slice %arg4[%dma_wait3A_306, %dma_wait3A_307] : memref<1024x64xi32, #tpu.memory_space<hbm>> -> memref<128x64xi32, #tpu.memory_space<hbm>>
          tpu.wait_dma2 semaphore(%run_scoped3A : memref<!tpu.dma_semaphore, #tpu.memory_space<semaphore_mem>>) src(%dma_wait3A_308 : memref<128x64xi32, #tpu.memory_space<hbm>>) dst(%arg6 : memref<128x64xi32, #tpu.memory_space<vmem>>)
          tpu.yield
        }) : () -> ()
        %scan3A_278 = arith.constant 0 : i32
        %scan3A_279 = arith.constant 0 : i32
        %scan3A_280 = arith.constant 512 : i32
        %scan3A_281 = arith.addi %scan3A_279, %scan3A_280 : i32
        %scan3A_282 = arith.constant 1 : i32
        %scan3A_283 = scf.for %scan3A_297 = %scan3A_279 to %scan3A_281 step %scan3A_282 iter_args(%scan3A_298 = %scan3A_278) -> (i32)  : i32 {
          %shift_right_arithmetic3A = arith.constant 2 : i32
          %shift_right_arithmetic3A_299 = arith.shrsi %scan3A_297, %shift_right_arithmetic3A : i32
          %and3A_300 = arith.constant 3 : i32
          %and3A_301 = arith.andi %scan3A_297, %and3A_300 : i32
          %mul3A_302 = arith.constant 16 : i32
          %mul3A_303 = arith.muli %and3A_301, %mul3A_302 : i32
          %get3A_304 = arith.index_cast %shift_right_arithmetic3A_299 : i32 to index
          %get3A_305 = arith.index_cast %mul3A_303 : i32 to index
          %get3A_306 = tpu.vector_load %arg6[%get3A_304, %get3A_305] {strides = array<i32>} : memref<128x64xi32, #tpu.memory_space<vmem>>, vector<16xi32>,
          %eq3A_307 = arith.constant 3 : i32
          %eq3A_308 = arith.cmpi eq, %and3A_301, %eq3A_307 : i32
          %jit3A_309 = arith.constant 2 : i32
          %jit3A_310 = arith.constant 16 : i32
          %select_n3A_311 = arith.select %eq3A_308, %jit3A_309, %jit3A_310 : i32
          %lt3A = vector.broadcast %select_n3A_311 : i32 to vector<16xi32>
          %lt3A_312 = arith.cmpi slt, %iota3A, %lt3A : vector<16xi32>
          %ge3A = vector.broadcast %add3A_235 : i32 to vector<16xi32>
          %ge3A_313 = arith.cmpi sge, %get3A_306, %ge3A : vector<16xi32>
          %and3A_314 = arith.andi %lt3A_312, %ge3A_313 : vector<16xi1>
          %add3A_315 = arith.constant 32 : i32
          %add3A_316 = arith.addi %add3A_235, %add3A_315 : i32
          %lt3A_317 = vector.broadcast %add3A_316 : i32 to vector<16xi32>
          %lt3A_318 = arith.cmpi slt, %get3A_306, %lt3A_317 : vector<16xi32>
          %and3A_319 = arith.andi %and3A_314, %lt3A_318 : vector<16xi1>
          %broadcast_in_dim3A_320 = arith.constant 768 : i32
          %broadcast_in_dim3A_321 = vector.broadcast %broadcast_in_dim3A_320 : i32 to vector<16xi32>
          %add3A_322 = vector.broadcast %shift_right_arithmetic3A_299 : i32 to vector<16xi32>
          %add3A_323 = arith.addi %broadcast_in_dim3A_321, %add3A_322 : vector<16xi32>
          %sub3A_324 = vector.broadcast %add3A_235 : i32 to vector<16xi32>
          %sub3A_325 = arith.subi %get3A_306, %sub3A_324 : vector<16xi32>
          %jit3A_326 = arith.constant 0 : i32
          %broadcast_in_dim3A_327 = vector.broadcast %jit3A_326 : i32 to vector<16xi32>
          %select_n3A_328 = arith.select %and3A_319, %sub3A_325, %broadcast_in_dim3A_327 : vector<16xi1>, vector<16xi32>
          %sub3A_329 = vector.broadcast %mul3A_2 : i32 to vector<16xi32>
          %sub3A_330 = arith.subi %get3A_306, %sub3A_329 : vector<16xi32>
          %jit3A_331 = arith.constant 0 : i32
          %broadcast_in_dim3A_332 = vector.broadcast %jit3A_331 : i32 to vector<16xi32>
          %select_n3A_333 = arith.select %and3A_319, %sub3A_330, %broadcast_in_dim3A_332 : vector<16xi1>, vector<16xi32>
          %gather3A = tpu.vector_load_idx %arg13[%select_n3A_333] : memref<3200xf32, #tpu.memory_space<vmem>>[vector<16xi32>], vector<16xf32>,
          %gather3A_334 = tpu.vector_load_idx %arg14[%add3A_323] : memref<1024xf32, #tpu.memory_space<vmem>>[vector<16xi32>], vector<16xf32>,
          %add3A_335 = arith.addf %gather3A, %gather3A_334 : vector<16xf32>
          %mul3A_336 = arith.constant 2.000000e-01 : f32
          %mul3A_337 = vector.broadcast %mul3A_336 : f32 to vector<16xf32>
          %mul3A_338 = arith.mulf %mul3A_337, %add3A_335 : vector<16xf32>
          %max3A_339 = arith.maximumf %add3A_335, %mul3A_338 : vector<16xf32>
          tpu.vector_store_idx %arg15[%select_n3A_328, %add3A_323], %max3A_339 masked %and3A_319 : memref<32x1024xf32, #tpu.memory_space<vmem>>[vector<16xi32>, vector<16xi32>], vector<16xf32>, vector<16xi1>
          %scan3A_340 = arith.constant 0 : i32
          scf.yield %scan3A_340 : i32
        }
        %scan3A_284 = arith.constant 512 : i32
        "tpu.region"() ({
          %run_scoped3A = tpu.sem_alloc : memref<!tpu.dma_semaphore, #tpu.memory_space<semaphore_mem>>
          %dma_start3A_297 = arith.constant 896 : i32
          %dma_start3A_298 = arith.constant 0 : i32
          %dma_start3A_299 = tpu.memref_slice %arg4[%dma_start3A_297, %dma_start3A_298] : memref<1024x64xi32, #tpu.memory_space<hbm>> -> memref<128x64xi32, #tpu.memory_space<hbm>>
          %dma_start3A_300 = arith.constant 896 : i32
          %dma_start3A_301 = arith.constant 0 : i32
          %dma_start3A_302 = tpu.memref_slice %arg4[%dma_start3A_300, %dma_start3A_301] : memref<1024x64xi32, #tpu.memory_space<hbm>> -> memref<128x64xi32, #tpu.memory_space<hbm>>
          tpu.enqueue_dma source(%dma_start3A_302 : memref<128x64xi32, #tpu.memory_space<hbm>>) target(%arg7 : memref<128x64xi32, #tpu.memory_space<vmem>>) target_semaphore(%run_scoped3A : memref<!tpu.dma_semaphore, #tpu.memory_space<semaphore_mem>>)
          %dma_wait3A_303 = arith.constant 896 : i32
          %dma_wait3A_304 = arith.constant 0 : i32
          %dma_wait3A_305 = tpu.memref_slice %arg4[%dma_wait3A_303, %dma_wait3A_304] : memref<1024x64xi32, #tpu.memory_space<hbm>> -> memref<128x64xi32, #tpu.memory_space<hbm>>
          %dma_wait3A_306 = arith.constant 896 : i32
          %dma_wait3A_307 = arith.constant 0 : i32
          %dma_wait3A_308 = tpu.memref_slice %arg4[%dma_wait3A_306, %dma_wait3A_307] : memref<1024x64xi32, #tpu.memory_space<hbm>> -> memref<128x64xi32, #tpu.memory_space<hbm>>
          tpu.wait_dma2 semaphore(%run_scoped3A : memref<!tpu.dma_semaphore, #tpu.memory_space<semaphore_mem>>) src(%dma_wait3A_308 : memref<128x64xi32, #tpu.memory_space<hbm>>) dst(%arg7 : memref<128x64xi32, #tpu.memory_space<vmem>>)
          tpu.yield
        }) : () -> ()
        %scan3A_285 = arith.constant 0 : i32
        %scan3A_286 = arith.constant 0 : i32
        %scan3A_287 = arith.constant 512 : i32
        %scan3A_288 = arith.addi %scan3A_286, %scan3A_287 : i32
        %scan3A_289 = arith.constant 1 : i32
        %scan3A_290 = scf.for %scan3A_297 = %scan3A_286 to %scan3A_288 step %scan3A_289 iter_args(%scan3A_298 = %scan3A_285) -> (i32)  : i32 {
          %shift_right_arithmetic3A = arith.constant 2 : i32
          %shift_right_arithmetic3A_299 = arith.shrsi %scan3A_297, %shift_right_arithmetic3A : i32
          %and3A_300 = arith.constant 3 : i32
          %and3A_301 = arith.andi %scan3A_297, %and3A_300 : i32
          %mul3A_302 = arith.constant 16 : i32
          %mul3A_303 = arith.muli %and3A_301, %mul3A_302 : i32
          %get3A_304 = arith.index_cast %shift_right_arithmetic3A_299 : i32 to index
          %get3A_305 = arith.index_cast %mul3A_303 : i32 to index
          %get3A_306 = tpu.vector_load %arg7[%get3A_304, %get3A_305] {strides = array<i32>} : memref<128x64xi32, #tpu.memory_space<vmem>>, vector<16xi32>,
          %eq3A_307 = arith.constant 3 : i32
          %eq3A_308 = arith.cmpi eq, %and3A_301, %eq3A_307 : i32
          %jit3A_309 = arith.constant 2 : i32
          %jit3A_310 = arith.constant 16 : i32
          %select_n3A_311 = arith.select %eq3A_308, %jit3A_309, %jit3A_310 : i32
          %lt3A = vector.broadcast %select_n3A_311 : i32 to vector<16xi32>
          %lt3A_312 = arith.cmpi slt, %iota3A, %lt3A : vector<16xi32>
          %ge3A = vector.broadcast %add3A_235 : i32 to vector<16xi32>
          %ge3A_313 = arith.cmpi sge, %get3A_306, %ge3A : vector<16xi32>
          %and3A_314 = arith.andi %lt3A_312, %ge3A_313 : vector<16xi1>
          %add3A_315 = arith.constant 32 : i32
          %add3A_316 = arith.addi %add3A_235, %add3A_315 : i32
          %lt3A_317 = vector.broadcast %add3A_316 : i32 to vector<16xi32>
          %lt3A_318 = arith.cmpi slt, %get3A_306, %lt3A_317 : vector<16xi32>
          %and3A_319 = arith.andi %and3A_314, %lt3A_318 : vector<16xi1>
          %broadcast_in_dim3A_320 = arith.constant 896 : i32
          %broadcast_in_dim3A_321 = vector.broadcast %broadcast_in_dim3A_320 : i32 to vector<16xi32>
          %add3A_322 = vector.broadcast %shift_right_arithmetic3A_299 : i32 to vector<16xi32>
          %add3A_323 = arith.addi %broadcast_in_dim3A_321, %add3A_322 : vector<16xi32>
          %sub3A_324 = vector.broadcast %add3A_235 : i32 to vector<16xi32>
          %sub3A_325 = arith.subi %get3A_306, %sub3A_324 : vector<16xi32>
          %jit3A_326 = arith.constant 0 : i32
          %broadcast_in_dim3A_327 = vector.broadcast %jit3A_326 : i32 to vector<16xi32>
          %select_n3A_328 = arith.select %and3A_319, %sub3A_325, %broadcast_in_dim3A_327 : vector<16xi1>, vector<16xi32>
          %sub3A_329 = vector.broadcast %mul3A_2 : i32 to vector<16xi32>
          %sub3A_330 = arith.subi %get3A_306, %sub3A_329 : vector<16xi32>
          %jit3A_331 = arith.constant 0 : i32
          %broadcast_in_dim3A_332 = vector.broadcast %jit3A_331 : i32 to vector<16xi32>
          %select_n3A_333 = arith.select %and3A_319, %sub3A_330, %broadcast_in_dim3A_332 : vector<16xi1>, vector<16xi32>
          %gather3A = tpu.vector_load_idx %arg13[%select_n3A_333] : memref<3200xf32, #tpu.memory_space<vmem>>[vector<16xi32>], vector<16xf32>,
          %gather3A_334 = tpu.vector_load_idx %arg14[%add3A_323] : memref<1024xf32, #tpu.memory_space<vmem>>[vector<16xi32>], vector<16xf32>,
          %add3A_335 = arith.addf %gather3A, %gather3A_334 : vector<16xf32>
          %mul3A_336 = arith.constant 2.000000e-01 : f32
          %mul3A_337 = vector.broadcast %mul3A_336 : f32 to vector<16xf32>
          %mul3A_338 = arith.mulf %mul3A_337, %add3A_335 : vector<16xf32>
          %max3A_339 = arith.maximumf %add3A_335, %mul3A_338 : vector<16xf32>
          tpu.vector_store_idx %arg15[%select_n3A_328, %add3A_323], %max3A_339 masked %and3A_319 : memref<32x1024xf32, #tpu.memory_space<vmem>>[vector<16xi32>, vector<16xi32>], vector<16xf32>, vector<16xi1>
          %scan3A_340 = arith.constant 0 : i32
          scf.yield %scan3A_340 : i32
        }
        %scan3A_291 = arith.constant 512 : i32
        "tpu.region"() ({
          %run_scoped3A = tpu.sem_alloc : memref<!tpu.dma_semaphore, #tpu.memory_space<semaphore_mem>>
          %dma_start3A_297 = arith.constant 0 : i32
          %dma_start3A_298 = tpu.memref_slice %arg5[%add3A_235, %dma_start3A_297] : memref<100000x1024xf32, #tpu.memory_space<hbm>> -> memref<32x1024xf32, #tpu.memory_space<hbm>>
          %dma_start3A_299 = arith.constant 0 : i32
          %dma_start3A_300 = tpu.memref_slice %arg5[%add3A_235, %dma_start3A_299] : memref<100000x1024xf32, #tpu.memory_space<hbm>> -> memref<32x1024xf32, #tpu.memory_space<hbm>>
          tpu.enqueue_dma source(%arg15 : memref<32x1024xf32, #tpu.memory_space<vmem>>) target(%dma_start3A_300 : memref<32x1024xf32, #tpu.memory_space<hbm>>) target_semaphore(%run_scoped3A : memref<!tpu.dma_semaphore, #tpu.memory_space<semaphore_mem>>)
          %dma_wait3A_301 = arith.constant 0 : i32
          %dma_wait3A_302 = tpu.memref_slice %arg5[%add3A_235, %dma_wait3A_301] : memref<100000x1024xf32, #tpu.memory_space<hbm>> -> memref<32x1024xf32, #tpu.memory_space<hbm>>
          %dma_wait3A_303 = arith.constant 0 : i32
          %dma_wait3A_304 = tpu.memref_slice %arg5[%add3A_235, %dma_wait3A_303] : memref<100000x1024xf32, #tpu.memory_space<hbm>> -> memref<32x1024xf32, #tpu.memory_space<hbm>>
          tpu.wait_dma2 semaphore(%run_scoped3A : memref<!tpu.dma_semaphore, #tpu.memory_space<semaphore_mem>>) src(%arg15 : memref<32x1024xf32, #tpu.memory_space<vmem>>) dst(%dma_wait3A_304 : memref<32x1024xf32, #tpu.memory_space<hbm>>)
          tpu.yield
        }) : () -> ()
        %scan3A_292 = arith.constant 0 : i32
        %scan3A_293 = arith.constant 32 : i32
        %scan3A_294 = arith.addi %scan3A_292, %scan3A_293 : i32
        %scan3A_295 = arith.constant 1 : i32
        scf.for %scan3A_297 = %scan3A_292 to %scan3A_294 step %scan3A_295  : i32 {
          %mul3A_298 = arith.constant 1 : i32
          %mul3A_299 = arith.muli %scan3A_297, %mul3A_298 : i32
          %add3A_300 = arith.constant 0 : i32
          %add3A_301 = arith.addi %add3A_300, %mul3A_299 : i32
          %scan3A_302 = arith.constant 0 : i32
          %scan3A_303 = arith.constant 64 : i32
          %scan3A_304 = arith.addi %scan3A_302, %scan3A_303 : i32
          %scan3A_305 = arith.constant 1 : i32
          scf.for %scan3A_307 = %scan3A_302 to %scan3A_304 step %scan3A_305  : i32 {
            %mul3A_308 = arith.constant 1 : i32
            %mul3A_309 = arith.muli %scan3A_307, %mul3A_308 : i32
            %add3A_310 = arith.constant 0 : i32
            %add3A_311 = arith.addi %add3A_310, %mul3A_309 : i32
            %mul3A_312 = arith.constant 16 : i32
            %mul3A_313 = arith.muli %add3A_311, %mul3A_312 : i32
            %swap3A_314 = arith.index_cast %add3A_301 : i32 to index
            %swap3A_315 = arith.index_cast %mul3A_313 : i32 to index
            %swap3A_316 = tpu.vector_load %arg15[%swap3A_314, %swap3A_315] {strides = array<i32>} : memref<32x1024xf32, #tpu.memory_space<vmem>>, vector<16xf32>,
            tpu.vector_store %arg15[%swap3A_314, %swap3A_315], %broadcast_in_dim3A_11 {strides = array<i32>} : memref<32x1024xf32, #tpu.memory_space<vmem>>, vector<16xf32>,
          }
          %scan3A_306 = arith.constant 64 : i32
        }
        %scan3A_296 = arith.constant 32 : i32
      }
      %while3A_229 = arith.constant 1 : i32
      scf.for %while3A_230 = %while3A_227 to %while3A_223 step %while3A_229  : i32 {
        %mul3A_231 = arith.muli %while3A_230, %while3A : i32
        %add3A_232 = arith.addi %while3A_220, %mul3A_231 : i32
        %mul3A_233 = arith.constant 32 : i32
        %mul3A_234 = arith.muli %add3A_232, %mul3A_233 : i32
        %add3A_235 = arith.addi %mul3A_2, %mul3A_234 : i32
        "tpu.region"() ({
          %run_scoped3A = tpu.sem_alloc : memref<!tpu.dma_semaphore, #tpu.memory_space<semaphore_mem>>
          %dma_start3A_297 = arith.constant 0 : i32
          %dma_start3A_298 = arith.constant 0 : i32
          %dma_start3A_299 = tpu.memref_slice %arg4[%dma_start3A_297, %dma_start3A_298] : memref<1024x64xi32, #tpu.memory_space<hbm>> -> memref<128x64xi32, #tpu.memory_space<hbm>>
          %dma_start3A_300 = arith.constant 0 : i32
          %dma_start3A_301 = arith.constant 0 : i32
          %dma_start3A_302 = tpu.memref_slice %arg4[%dma_start3A_300, %dma_start3A_301] : memref<1024x64xi32, #tpu.memory_space<hbm>> -> memref<128x64xi32, #tpu.memory_space<hbm>>
          tpu.enqueue_dma source(%dma_start3A_302 : memref<128x64xi32, #tpu.memory_space<hbm>>) target(%arg6 : memref<128x64xi32, #tpu.memory_space<vmem>>) target_semaphore(%run_scoped3A : memref<!tpu.dma_semaphore, #tpu.memory_space<semaphore_mem>>)
          %dma_wait3A_303 = arith.constant 0 : i32
          %dma_wait3A_304 = arith.constant 0 : i32
          %dma_wait3A_305 = tpu.memref_slice %arg4[%dma_wait3A_303, %dma_wait3A_304] : memref<1024x64xi32, #tpu.memory_space<hbm>> -> memref<128x64xi32, #tpu.memory_space<hbm>>
          %dma_wait3A_306 = arith.constant 0 : i32
          %dma_wait3A_307 = arith.constant 0 : i32
          %dma_wait3A_308 = tpu.memref_slice %arg4[%dma_wait3A_306, %dma_wait3A_307] : memref<1024x64xi32, #tpu.memory_space<hbm>> -> memref<128x64xi32, #tpu.memory_space<hbm>>
          tpu.wait_dma2 semaphore(%run_scoped3A : memref<!tpu.dma_semaphore, #tpu.memory_space<semaphore_mem>>) src(%dma_wait3A_308 : memref<128x64xi32, #tpu.memory_space<hbm>>) dst(%arg6 : memref<128x64xi32, #tpu.memory_space<vmem>>)
          tpu.yield
        }) : () -> ()
        %scan3A_236 = arith.constant 0 : i32
        %scan3A_237 = arith.constant 0 : i32
        %scan3A_238 = arith.constant 512 : i32
        %scan3A_239 = arith.addi %scan3A_237, %scan3A_238 : i32
        %scan3A_240 = arith.constant 1 : i32
        %scan3A_241 = scf.for %scan3A_297 = %scan3A_237 to %scan3A_239 step %scan3A_240 iter_args(%scan3A_298 = %scan3A_236) -> (i32)  : i32 {
          %shift_right_arithmetic3A = arith.constant 2 : i32
          %shift_right_arithmetic3A_299 = arith.shrsi %scan3A_297, %shift_right_arithmetic3A : i32
          %and3A_300 = arith.constant 3 : i32
          %and3A_301 = arith.andi %scan3A_297, %and3A_300 : i32
          %mul3A_302 = arith.constant 16 : i32
          %mul3A_303 = arith.muli %and3A_301, %mul3A_302 : i32
          %get3A_304 = arith.index_cast %shift_right_arithmetic3A_299 : i32 to index
          %get3A_305 = arith.index_cast %mul3A_303 : i32 to index
          %get3A_306 = tpu.vector_load %arg6[%get3A_304, %get3A_305] {strides = array<i32>} : memref<128x64xi32, #tpu.memory_space<vmem>>, vector<16xi32>,
          %eq3A_307 = arith.constant 3 : i32
          %eq3A_308 = arith.cmpi eq, %and3A_301, %eq3A_307 : i32
          %jit3A_309 = arith.constant 2 : i32
          %jit3A_310 = arith.constant 16 : i32
          %select_n3A_311 = arith.select %eq3A_308, %jit3A_309, %jit3A_310 : i32
          %lt3A = vector.broadcast %select_n3A_311 : i32 to vector<16xi32>
          %lt3A_312 = arith.cmpi slt, %iota3A, %lt3A : vector<16xi32>
          %ge3A = vector.broadcast %add3A_235 : i32 to vector<16xi32>
          %ge3A_313 = arith.cmpi sge, %get3A_306, %ge3A : vector<16xi32>
          %and3A_314 = arith.andi %lt3A_312, %ge3A_313 : vector<16xi1>
          %add3A_315 = arith.constant 32 : i32
          %add3A_316 = arith.addi %add3A_235, %add3A_315 : i32
          %lt3A_317 = vector.broadcast %add3A_316 : i32 to vector<16xi32>
          %lt3A_318 = arith.cmpi slt, %get3A_306, %lt3A_317 : vector<16xi32>
          %and3A_319 = arith.andi %and3A_314, %lt3A_318 : vector<16xi1>
          %broadcast_in_dim3A_320 = arith.constant 0 : i32
          %broadcast_in_dim3A_321 = vector.broadcast %broadcast_in_dim3A_320 : i32 to vector<16xi32>
          %add3A_322 = vector.broadcast %shift_right_arithmetic3A_299 : i32 to vector<16xi32>
          %add3A_323 = arith.addi %broadcast_in_dim3A_321, %add3A_322 : vector<16xi32>
          %sub3A_324 = vector.broadcast %add3A_235 : i32 to vector<16xi32>
          %sub3A_325 = arith.subi %get3A_306, %sub3A_324 : vector<16xi32>
          %jit3A_326 = arith.constant 0 : i32
          %broadcast_in_dim3A_327 = vector.broadcast %jit3A_326 : i32 to vector<16xi32>
          %select_n3A_328 = arith.select %and3A_319, %sub3A_325, %broadcast_in_dim3A_327 : vector<16xi1>, vector<16xi32>
          %sub3A_329 = vector.broadcast %mul3A_2 : i32 to vector<16xi32>
          %sub3A_330 = arith.subi %get3A_306, %sub3A_329 : vector<16xi32>
          %jit3A_331 = arith.constant 0 : i32
          %broadcast_in_dim3A_332 = vector.broadcast %jit3A_331 : i32 to vector<16xi32>
          %select_n3A_333 = arith.select %and3A_319, %sub3A_330, %broadcast_in_dim3A_332 : vector<16xi1>, vector<16xi32>
          %gather3A = tpu.vector_load_idx %arg13[%select_n3A_333] : memref<3200xf32, #tpu.memory_space<vmem>>[vector<16xi32>], vector<16xf32>,
          %gather3A_334 = tpu.vector_load_idx %arg14[%add3A_323] : memref<1024xf32, #tpu.memory_space<vmem>>[vector<16xi32>], vector<16xf32>,
          %add3A_335 = arith.addf %gather3A, %gather3A_334 : vector<16xf32>
          %mul3A_336 = arith.constant 2.000000e-01 : f32
          %mul3A_337 = vector.broadcast %mul3A_336 : f32 to vector<16xf32>
          %mul3A_338 = arith.mulf %mul3A_337, %add3A_335 : vector<16xf32>
          %max3A_339 = arith.maximumf %add3A_335, %mul3A_338 : vector<16xf32>
          tpu.vector_store_idx %arg15[%select_n3A_328, %add3A_323], %max3A_339 masked %and3A_319 : memref<32x1024xf32, #tpu.memory_space<vmem>>[vector<16xi32>, vector<16xi32>], vector<16xf32>, vector<16xi1>
          %scan3A_340 = arith.constant 0 : i32
          scf.yield %scan3A_340 : i32
        }
        %scan3A_242 = arith.constant 512 : i32
        "tpu.region"() ({
          %run_scoped3A = tpu.sem_alloc : memref<!tpu.dma_semaphore, #tpu.memory_space<semaphore_mem>>
          %dma_start3A_297 = arith.constant 128 : i32
          %dma_start3A_298 = arith.constant 0 : i32
          %dma_start3A_299 = tpu.memref_slice %arg4[%dma_start3A_297, %dma_start3A_298] : memref<1024x64xi32, #tpu.memory_space<hbm>> -> memref<128x64xi32, #tpu.memory_space<hbm>>
          %dma_start3A_300 = arith.constant 128 : i32
          %dma_start3A_301 = arith.constant 0 : i32
          %dma_start3A_302 = tpu.memref_slice %arg4[%dma_start3A_300, %dma_start3A_301] : memref<1024x64xi32, #tpu.memory_space<hbm>> -> memref<128x64xi32, #tpu.memory_space<hbm>>
          tpu.enqueue_dma source(%dma_start3A_302 : memref<128x64xi32, #tpu.memory_space<hbm>>) target(%arg7 : memref<128x64xi32, #tpu.memory_space<vmem>>) target_semaphore(%run_scoped3A : memref<!tpu.dma_semaphore, #tpu.memory_space<semaphore_mem>>)
          %dma_wait3A_303 = arith.constant 128 : i32
          %dma_wait3A_304 = arith.constant 0 : i32
          %dma_wait3A_305 = tpu.memref_slice %arg4[%dma_wait3A_303, %dma_wait3A_304] : memref<1024x64xi32, #tpu.memory_space<hbm>> -> memref<128x64xi32, #tpu.memory_space<hbm>>
          %dma_wait3A_306 = arith.constant 128 : i32
          %dma_wait3A_307 = arith.constant 0 : i32
          %dma_wait3A_308 = tpu.memref_slice %arg4[%dma_wait3A_306, %dma_wait3A_307] : memref<1024x64xi32, #tpu.memory_space<hbm>> -> memref<128x64xi32, #tpu.memory_space<hbm>>
          tpu.wait_dma2 semaphore(%run_scoped3A : memref<!tpu.dma_semaphore, #tpu.memory_space<semaphore_mem>>) src(%dma_wait3A_308 : memref<128x64xi32, #tpu.memory_space<hbm>>) dst(%arg7 : memref<128x64xi32, #tpu.memory_space<vmem>>)
          tpu.yield
        }) : () -> ()
        %scan3A_243 = arith.constant 0 : i32
        %scan3A_244 = arith.constant 0 : i32
        %scan3A_245 = arith.constant 512 : i32
        %scan3A_246 = arith.addi %scan3A_244, %scan3A_245 : i32
        %scan3A_247 = arith.constant 1 : i32
        %scan3A_248 = scf.for %scan3A_297 = %scan3A_244 to %scan3A_246 step %scan3A_247 iter_args(%scan3A_298 = %scan3A_243) -> (i32)  : i32 {
          %shift_right_arithmetic3A = arith.constant 2 : i32
          %shift_right_arithmetic3A_299 = arith.shrsi %scan3A_297, %shift_right_arithmetic3A : i32
          %and3A_300 = arith.constant 3 : i32
          %and3A_301 = arith.andi %scan3A_297, %and3A_300 : i32
          %mul3A_302 = arith.constant 16 : i32
          %mul3A_303 = arith.muli %and3A_301, %mul3A_302 : i32
          %get3A_304 = arith.index_cast %shift_right_arithmetic3A_299 : i32 to index
          %get3A_305 = arith.index_cast %mul3A_303 : i32 to index
          %get3A_306 = tpu.vector_load %arg7[%get3A_304, %get3A_305] {strides = array<i32>} : memref<128x64xi32, #tpu.memory_space<vmem>>, vector<16xi32>,
          %eq3A_307 = arith.constant 3 : i32
          %eq3A_308 = arith.cmpi eq, %and3A_301, %eq3A_307 : i32
          %jit3A_309 = arith.constant 2 : i32
          %jit3A_310 = arith.constant 16 : i32
          %select_n3A_311 = arith.select %eq3A_308, %jit3A_309, %jit3A_310 : i32
          %lt3A = vector.broadcast %select_n3A_311 : i32 to vector<16xi32>
          %lt3A_312 = arith.cmpi slt, %iota3A, %lt3A : vector<16xi32>
          %ge3A = vector.broadcast %add3A_235 : i32 to vector<16xi32>
          %ge3A_313 = arith.cmpi sge, %get3A_306, %ge3A : vector<16xi32>
          %and3A_314 = arith.andi %lt3A_312, %ge3A_313 : vector<16xi1>
          %add3A_315 = arith.constant 32 : i32
          %add3A_316 = arith.addi %add3A_235, %add3A_315 : i32
          %lt3A_317 = vector.broadcast %add3A_316 : i32 to vector<16xi32>
          %lt3A_318 = arith.cmpi slt, %get3A_306, %lt3A_317 : vector<16xi32>
          %and3A_319 = arith.andi %and3A_314, %lt3A_318 : vector<16xi1>
          %broadcast_in_dim3A_320 = arith.constant 128 : i32
          %broadcast_in_dim3A_321 = vector.broadcast %broadcast_in_dim3A_320 : i32 to vector<16xi32>
          %add3A_322 = vector.broadcast %shift_right_arithmetic3A_299 : i32 to vector<16xi32>
          %add3A_323 = arith.addi %broadcast_in_dim3A_321, %add3A_322 : vector<16xi32>
          %sub3A_324 = vector.broadcast %add3A_235 : i32 to vector<16xi32>
          %sub3A_325 = arith.subi %get3A_306, %sub3A_324 : vector<16xi32>
          %jit3A_326 = arith.constant 0 : i32
          %broadcast_in_dim3A_327 = vector.broadcast %jit3A_326 : i32 to vector<16xi32>
          %select_n3A_328 = arith.select %and3A_319, %sub3A_325, %broadcast_in_dim3A_327 : vector<16xi1>, vector<16xi32>
          %sub3A_329 = vector.broadcast %mul3A_2 : i32 to vector<16xi32>
          %sub3A_330 = arith.subi %get3A_306, %sub3A_329 : vector<16xi32>
          %jit3A_331 = arith.constant 0 : i32
          %broadcast_in_dim3A_332 = vector.broadcast %jit3A_331 : i32 to vector<16xi32>
          %select_n3A_333 = arith.select %and3A_319, %sub3A_330, %broadcast_in_dim3A_332 : vector<16xi1>, vector<16xi32>
          %gather3A = tpu.vector_load_idx %arg13[%select_n3A_333] : memref<3200xf32, #tpu.memory_space<vmem>>[vector<16xi32>], vector<16xf32>,
          %gather3A_334 = tpu.vector_load_idx %arg14[%add3A_323] : memref<1024xf32, #tpu.memory_space<vmem>>[vector<16xi32>], vector<16xf32>,
          %add3A_335 = arith.addf %gather3A, %gather3A_334 : vector<16xf32>
          %mul3A_336 = arith.constant 2.000000e-01 : f32
          %mul3A_337 = vector.broadcast %mul3A_336 : f32 to vector<16xf32>
          %mul3A_338 = arith.mulf %mul3A_337, %add3A_335 : vector<16xf32>
          %max3A_339 = arith.maximumf %add3A_335, %mul3A_338 : vector<16xf32>
          tpu.vector_store_idx %arg15[%select_n3A_328, %add3A_323], %max3A_339 masked %and3A_319 : memref<32x1024xf32, #tpu.memory_space<vmem>>[vector<16xi32>, vector<16xi32>], vector<16xf32>, vector<16xi1>
          %scan3A_340 = arith.constant 0 : i32
          scf.yield %scan3A_340 : i32
        }
        %scan3A_249 = arith.constant 512 : i32
        "tpu.region"() ({
          %run_scoped3A = tpu.sem_alloc : memref<!tpu.dma_semaphore, #tpu.memory_space<semaphore_mem>>
          %dma_start3A_297 = arith.constant 256 : i32
          %dma_start3A_298 = arith.constant 0 : i32
          %dma_start3A_299 = tpu.memref_slice %arg4[%dma_start3A_297, %dma_start3A_298] : memref<1024x64xi32, #tpu.memory_space<hbm>> -> memref<128x64xi32, #tpu.memory_space<hbm>>
          %dma_start3A_300 = arith.constant 256 : i32
          %dma_start3A_301 = arith.constant 0 : i32
          %dma_start3A_302 = tpu.memref_slice %arg4[%dma_start3A_300, %dma_start3A_301] : memref<1024x64xi32, #tpu.memory_space<hbm>> -> memref<128x64xi32, #tpu.memory_space<hbm>>
          tpu.enqueue_dma source(%dma_start3A_302 : memref<128x64xi32, #tpu.memory_space<hbm>>) target(%arg6 : memref<128x64xi32, #tpu.memory_space<vmem>>) target_semaphore(%run_scoped3A : memref<!tpu.dma_semaphore, #tpu.memory_space<semaphore_mem>>)
          %dma_wait3A_303 = arith.constant 256 : i32
          %dma_wait3A_304 = arith.constant 0 : i32
          %dma_wait3A_305 = tpu.memref_slice %arg4[%dma_wait3A_303, %dma_wait3A_304] : memref<1024x64xi32, #tpu.memory_space<hbm>> -> memref<128x64xi32, #tpu.memory_space<hbm>>
          %dma_wait3A_306 = arith.constant 256 : i32
          %dma_wait3A_307 = arith.constant 0 : i32
          %dma_wait3A_308 = tpu.memref_slice %arg4[%dma_wait3A_306, %dma_wait3A_307] : memref<1024x64xi32, #tpu.memory_space<hbm>> -> memref<128x64xi32, #tpu.memory_space<hbm>>
          tpu.wait_dma2 semaphore(%run_scoped3A : memref<!tpu.dma_semaphore, #tpu.memory_space<semaphore_mem>>) src(%dma_wait3A_308 : memref<128x64xi32, #tpu.memory_space<hbm>>) dst(%arg6 : memref<128x64xi32, #tpu.memory_space<vmem>>)
          tpu.yield
        }) : () -> ()
        %scan3A_250 = arith.constant 0 : i32
        %scan3A_251 = arith.constant 0 : i32
        %scan3A_252 = arith.constant 512 : i32
        %scan3A_253 = arith.addi %scan3A_251, %scan3A_252 : i32
        %scan3A_254 = arith.constant 1 : i32
        %scan3A_255 = scf.for %scan3A_297 = %scan3A_251 to %scan3A_253 step %scan3A_254 iter_args(%scan3A_298 = %scan3A_250) -> (i32)  : i32 {
          %shift_right_arithmetic3A = arith.constant 2 : i32
          %shift_right_arithmetic3A_299 = arith.shrsi %scan3A_297, %shift_right_arithmetic3A : i32
          %and3A_300 = arith.constant 3 : i32
          %and3A_301 = arith.andi %scan3A_297, %and3A_300 : i32
          %mul3A_302 = arith.constant 16 : i32
          %mul3A_303 = arith.muli %and3A_301, %mul3A_302 : i32
          %get3A_304 = arith.index_cast %shift_right_arithmetic3A_299 : i32 to index
          %get3A_305 = arith.index_cast %mul3A_303 : i32 to index
          %get3A_306 = tpu.vector_load %arg6[%get3A_304, %get3A_305] {strides = array<i32>} : memref<128x64xi32, #tpu.memory_space<vmem>>, vector<16xi32>,
          %eq3A_307 = arith.constant 3 : i32
          %eq3A_308 = arith.cmpi eq, %and3A_301, %eq3A_307 : i32
          %jit3A_309 = arith.constant 2 : i32
          %jit3A_310 = arith.constant 16 : i32
          %select_n3A_311 = arith.select %eq3A_308, %jit3A_309, %jit3A_310 : i32
          %lt3A = vector.broadcast %select_n3A_311 : i32 to vector<16xi32>
          %lt3A_312 = arith.cmpi slt, %iota3A, %lt3A : vector<16xi32>
          %ge3A = vector.broadcast %add3A_235 : i32 to vector<16xi32>
          %ge3A_313 = arith.cmpi sge, %get3A_306, %ge3A : vector<16xi32>
          %and3A_314 = arith.andi %lt3A_312, %ge3A_313 : vector<16xi1>
          %add3A_315 = arith.constant 32 : i32
          %add3A_316 = arith.addi %add3A_235, %add3A_315 : i32
          %lt3A_317 = vector.broadcast %add3A_316 : i32 to vector<16xi32>
          %lt3A_318 = arith.cmpi slt, %get3A_306, %lt3A_317 : vector<16xi32>
          %and3A_319 = arith.andi %and3A_314, %lt3A_318 : vector<16xi1>
          %broadcast_in_dim3A_320 = arith.constant 256 : i32
          %broadcast_in_dim3A_321 = vector.broadcast %broadcast_in_dim3A_320 : i32 to vector<16xi32>
          %add3A_322 = vector.broadcast %shift_right_arithmetic3A_299 : i32 to vector<16xi32>
          %add3A_323 = arith.addi %broadcast_in_dim3A_321, %add3A_322 : vector<16xi32>
          %sub3A_324 = vector.broadcast %add3A_235 : i32 to vector<16xi32>
          %sub3A_325 = arith.subi %get3A_306, %sub3A_324 : vector<16xi32>
          %jit3A_326 = arith.constant 0 : i32
          %broadcast_in_dim3A_327 = vector.broadcast %jit3A_326 : i32 to vector<16xi32>
          %select_n3A_328 = arith.select %and3A_319, %sub3A_325, %broadcast_in_dim3A_327 : vector<16xi1>, vector<16xi32>
          %sub3A_329 = vector.broadcast %mul3A_2 : i32 to vector<16xi32>
          %sub3A_330 = arith.subi %get3A_306, %sub3A_329 : vector<16xi32>
          %jit3A_331 = arith.constant 0 : i32
          %broadcast_in_dim3A_332 = vector.broadcast %jit3A_331 : i32 to vector<16xi32>
          %select_n3A_333 = arith.select %and3A_319, %sub3A_330, %broadcast_in_dim3A_332 : vector<16xi1>, vector<16xi32>
          %gather3A = tpu.vector_load_idx %arg13[%select_n3A_333] : memref<3200xf32, #tpu.memory_space<vmem>>[vector<16xi32>], vector<16xf32>,
          %gather3A_334 = tpu.vector_load_idx %arg14[%add3A_323] : memref<1024xf32, #tpu.memory_space<vmem>>[vector<16xi32>], vector<16xf32>,
          %add3A_335 = arith.addf %gather3A, %gather3A_334 : vector<16xf32>
          %mul3A_336 = arith.constant 2.000000e-01 : f32
          %mul3A_337 = vector.broadcast %mul3A_336 : f32 to vector<16xf32>
          %mul3A_338 = arith.mulf %mul3A_337, %add3A_335 : vector<16xf32>
          %max3A_339 = arith.maximumf %add3A_335, %mul3A_338 : vector<16xf32>
          tpu.vector_store_idx %arg15[%select_n3A_328, %add3A_323], %max3A_339 masked %and3A_319 : memref<32x1024xf32, #tpu.memory_space<vmem>>[vector<16xi32>, vector<16xi32>], vector<16xf32>, vector<16xi1>
          %scan3A_340 = arith.constant 0 : i32
          scf.yield %scan3A_340 : i32
        }
        %scan3A_256 = arith.constant 512 : i32
        "tpu.region"() ({
          %run_scoped3A = tpu.sem_alloc : memref<!tpu.dma_semaphore, #tpu.memory_space<semaphore_mem>>
          %dma_start3A_297 = arith.constant 384 : i32
          %dma_start3A_298 = arith.constant 0 : i32
          %dma_start3A_299 = tpu.memref_slice %arg4[%dma_start3A_297, %dma_start3A_298] : memref<1024x64xi32, #tpu.memory_space<hbm>> -> memref<128x64xi32, #tpu.memory_space<hbm>>
          %dma_start3A_300 = arith.constant 384 : i32
          %dma_start3A_301 = arith.constant 0 : i32
          %dma_start3A_302 = tpu.memref_slice %arg4[%dma_start3A_300, %dma_start3A_301] : memref<1024x64xi32, #tpu.memory_space<hbm>> -> memref<128x64xi32, #tpu.memory_space<hbm>>
          tpu.enqueue_dma source(%dma_start3A_302 : memref<128x64xi32, #tpu.memory_space<hbm>>) target(%arg7 : memref<128x64xi32, #tpu.memory_space<vmem>>) target_semaphore(%run_scoped3A : memref<!tpu.dma_semaphore, #tpu.memory_space<semaphore_mem>>)
          %dma_wait3A_303 = arith.constant 384 : i32
          %dma_wait3A_304 = arith.constant 0 : i32
          %dma_wait3A_305 = tpu.memref_slice %arg4[%dma_wait3A_303, %dma_wait3A_304] : memref<1024x64xi32, #tpu.memory_space<hbm>> -> memref<128x64xi32, #tpu.memory_space<hbm>>
          %dma_wait3A_306 = arith.constant 384 : i32
          %dma_wait3A_307 = arith.constant 0 : i32
          %dma_wait3A_308 = tpu.memref_slice %arg4[%dma_wait3A_306, %dma_wait3A_307] : memref<1024x64xi32, #tpu.memory_space<hbm>> -> memref<128x64xi32, #tpu.memory_space<hbm>>
          tpu.wait_dma2 semaphore(%run_scoped3A : memref<!tpu.dma_semaphore, #tpu.memory_space<semaphore_mem>>) src(%dma_wait3A_308 : memref<128x64xi32, #tpu.memory_space<hbm>>) dst(%arg7 : memref<128x64xi32, #tpu.memory_space<vmem>>)
          tpu.yield
        }) : () -> ()
        %scan3A_257 = arith.constant 0 : i32
        %scan3A_258 = arith.constant 0 : i32
        %scan3A_259 = arith.constant 512 : i32
        %scan3A_260 = arith.addi %scan3A_258, %scan3A_259 : i32
        %scan3A_261 = arith.constant 1 : i32
        %scan3A_262 = scf.for %scan3A_297 = %scan3A_258 to %scan3A_260 step %scan3A_261 iter_args(%scan3A_298 = %scan3A_257) -> (i32)  : i32 {
          %shift_right_arithmetic3A = arith.constant 2 : i32
          %shift_right_arithmetic3A_299 = arith.shrsi %scan3A_297, %shift_right_arithmetic3A : i32
          %and3A_300 = arith.constant 3 : i32
          %and3A_301 = arith.andi %scan3A_297, %and3A_300 : i32
          %mul3A_302 = arith.constant 16 : i32
          %mul3A_303 = arith.muli %and3A_301, %mul3A_302 : i32
          %get3A_304 = arith.index_cast %shift_right_arithmetic3A_299 : i32 to index
          %get3A_305 = arith.index_cast %mul3A_303 : i32 to index
          %get3A_306 = tpu.vector_load %arg7[%get3A_304, %get3A_305] {strides = array<i32>} : memref<128x64xi32, #tpu.memory_space<vmem>>, vector<16xi32>,
          %eq3A_307 = arith.constant 3 : i32
          %eq3A_308 = arith.cmpi eq, %and3A_301, %eq3A_307 : i32
          %jit3A_309 = arith.constant 2 : i32
          %jit3A_310 = arith.constant 16 : i32
          %select_n3A_311 = arith.select %eq3A_308, %jit3A_309, %jit3A_310 : i32
          %lt3A = vector.broadcast %select_n3A_311 : i32 to vector<16xi32>
          %lt3A_312 = arith.cmpi slt, %iota3A, %lt3A : vector<16xi32>
          %ge3A = vector.broadcast %add3A_235 : i32 to vector<16xi32>
          %ge3A_313 = arith.cmpi sge, %get3A_306, %ge3A : vector<16xi32>
          %and3A_314 = arith.andi %lt3A_312, %ge3A_313 : vector<16xi1>
          %add3A_315 = arith.constant 32 : i32
          %add3A_316 = arith.addi %add3A_235, %add3A_315 : i32
          %lt3A_317 = vector.broadcast %add3A_316 : i32 to vector<16xi32>
          %lt3A_318 = arith.cmpi slt, %get3A_306, %lt3A_317 : vector<16xi32>
          %and3A_319 = arith.andi %and3A_314, %lt3A_318 : vector<16xi1>
          %broadcast_in_dim3A_320 = arith.constant 384 : i32
          %broadcast_in_dim3A_321 = vector.broadcast %broadcast_in_dim3A_320 : i32 to vector<16xi32>
          %add3A_322 = vector.broadcast %shift_right_arithmetic3A_299 : i32 to vector<16xi32>
          %add3A_323 = arith.addi %broadcast_in_dim3A_321, %add3A_322 : vector<16xi32>
          %sub3A_324 = vector.broadcast %add3A_235 : i32 to vector<16xi32>
          %sub3A_325 = arith.subi %get3A_306, %sub3A_324 : vector<16xi32>
          %jit3A_326 = arith.constant 0 : i32
          %broadcast_in_dim3A_327 = vector.broadcast %jit3A_326 : i32 to vector<16xi32>
          %select_n3A_328 = arith.select %and3A_319, %sub3A_325, %broadcast_in_dim3A_327 : vector<16xi1>, vector<16xi32>
          %sub3A_329 = vector.broadcast %mul3A_2 : i32 to vector<16xi32>
          %sub3A_330 = arith.subi %get3A_306, %sub3A_329 : vector<16xi32>
          %jit3A_331 = arith.constant 0 : i32
          %broadcast_in_dim3A_332 = vector.broadcast %jit3A_331 : i32 to vector<16xi32>
          %select_n3A_333 = arith.select %and3A_319, %sub3A_330, %broadcast_in_dim3A_332 : vector<16xi1>, vector<16xi32>
          %gather3A = tpu.vector_load_idx %arg13[%select_n3A_333] : memref<3200xf32, #tpu.memory_space<vmem>>[vector<16xi32>], vector<16xf32>,
          %gather3A_334 = tpu.vector_load_idx %arg14[%add3A_323] : memref<1024xf32, #tpu.memory_space<vmem>>[vector<16xi32>], vector<16xf32>,
          %add3A_335 = arith.addf %gather3A, %gather3A_334 : vector<16xf32>
          %mul3A_336 = arith.constant 2.000000e-01 : f32
          %mul3A_337 = vector.broadcast %mul3A_336 : f32 to vector<16xf32>
          %mul3A_338 = arith.mulf %mul3A_337, %add3A_335 : vector<16xf32>
          %max3A_339 = arith.maximumf %add3A_335, %mul3A_338 : vector<16xf32>
          tpu.vector_store_idx %arg15[%select_n3A_328, %add3A_323], %max3A_339 masked %and3A_319 : memref<32x1024xf32, #tpu.memory_space<vmem>>[vector<16xi32>, vector<16xi32>], vector<16xf32>, vector<16xi1>
          %scan3A_340 = arith.constant 0 : i32
          scf.yield %scan3A_340 : i32
        }
        %scan3A_263 = arith.constant 512 : i32
        "tpu.region"() ({
          %run_scoped3A = tpu.sem_alloc : memref<!tpu.dma_semaphore, #tpu.memory_space<semaphore_mem>>
          %dma_start3A_297 = arith.constant 512 : i32
          %dma_start3A_298 = arith.constant 0 : i32
          %dma_start3A_299 = tpu.memref_slice %arg4[%dma_start3A_297, %dma_start3A_298] : memref<1024x64xi32, #tpu.memory_space<hbm>> -> memref<128x64xi32, #tpu.memory_space<hbm>>
          %dma_start3A_300 = arith.constant 512 : i32
          %dma_start3A_301 = arith.constant 0 : i32
          %dma_start3A_302 = tpu.memref_slice %arg4[%dma_start3A_300, %dma_start3A_301] : memref<1024x64xi32, #tpu.memory_space<hbm>> -> memref<128x64xi32, #tpu.memory_space<hbm>>
          tpu.enqueue_dma source(%dma_start3A_302 : memref<128x64xi32, #tpu.memory_space<hbm>>) target(%arg6 : memref<128x64xi32, #tpu.memory_space<vmem>>) target_semaphore(%run_scoped3A : memref<!tpu.dma_semaphore, #tpu.memory_space<semaphore_mem>>)
          %dma_wait3A_303 = arith.constant 512 : i32
          %dma_wait3A_304 = arith.constant 0 : i32
          %dma_wait3A_305 = tpu.memref_slice %arg4[%dma_wait3A_303, %dma_wait3A_304] : memref<1024x64xi32, #tpu.memory_space<hbm>> -> memref<128x64xi32, #tpu.memory_space<hbm>>
          %dma_wait3A_306 = arith.constant 512 : i32
          %dma_wait3A_307 = arith.constant 0 : i32
          %dma_wait3A_308 = tpu.memref_slice %arg4[%dma_wait3A_306, %dma_wait3A_307] : memref<1024x64xi32, #tpu.memory_space<hbm>> -> memref<128x64xi32, #tpu.memory_space<hbm>>
          tpu.wait_dma2 semaphore(%run_scoped3A : memref<!tpu.dma_semaphore, #tpu.memory_space<semaphore_mem>>) src(%dma_wait3A_308 : memref<128x64xi32, #tpu.memory_space<hbm>>) dst(%arg6 : memref<128x64xi32, #tpu.memory_space<vmem>>)
          tpu.yield
        }) : () -> ()
        %scan3A_264 = arith.constant 0 : i32
        %scan3A_265 = arith.constant 0 : i32
        %scan3A_266 = arith.constant 512 : i32
        %scan3A_267 = arith.addi %scan3A_265, %scan3A_266 : i32
        %scan3A_268 = arith.constant 1 : i32
        %scan3A_269 = scf.for %scan3A_297 = %scan3A_265 to %scan3A_267 step %scan3A_268 iter_args(%scan3A_298 = %scan3A_264) -> (i32)  : i32 {
          %shift_right_arithmetic3A = arith.constant 2 : i32
          %shift_right_arithmetic3A_299 = arith.shrsi %scan3A_297, %shift_right_arithmetic3A : i32
          %and3A_300 = arith.constant 3 : i32
          %and3A_301 = arith.andi %scan3A_297, %and3A_300 : i32
          %mul3A_302 = arith.constant 16 : i32
          %mul3A_303 = arith.muli %and3A_301, %mul3A_302 : i32
          %get3A_304 = arith.index_cast %shift_right_arithmetic3A_299 : i32 to index
          %get3A_305 = arith.index_cast %mul3A_303 : i32 to index
          %get3A_306 = tpu.vector_load %arg6[%get3A_304, %get3A_305] {strides = array<i32>} : memref<128x64xi32, #tpu.memory_space<vmem>>, vector<16xi32>,
          %eq3A_307 = arith.constant 3 : i32
          %eq3A_308 = arith.cmpi eq, %and3A_301, %eq3A_307 : i32
          %jit3A_309 = arith.constant 2 : i32
          %jit3A_310 = arith.constant 16 : i32
          %select_n3A_311 = arith.select %eq3A_308, %jit3A_309, %jit3A_310 : i32
          %lt3A = vector.broadcast %select_n3A_311 : i32 to vector<16xi32>
          %lt3A_312 = arith.cmpi slt, %iota3A, %lt3A : vector<16xi32>
          %ge3A = vector.broadcast %add3A_235 : i32 to vector<16xi32>
          %ge3A_313 = arith.cmpi sge, %get3A_306, %ge3A : vector<16xi32>
          %and3A_314 = arith.andi %lt3A_312, %ge3A_313 : vector<16xi1>
          %add3A_315 = arith.constant 32 : i32
          %add3A_316 = arith.addi %add3A_235, %add3A_315 : i32
          %lt3A_317 = vector.broadcast %add3A_316 : i32 to vector<16xi32>
          %lt3A_318 = arith.cmpi slt, %get3A_306, %lt3A_317 : vector<16xi32>
          %and3A_319 = arith.andi %and3A_314, %lt3A_318 : vector<16xi1>
          %broadcast_in_dim3A_320 = arith.constant 512 : i32
          %broadcast_in_dim3A_321 = vector.broadcast %broadcast_in_dim3A_320 : i32 to vector<16xi32>
          %add3A_322 = vector.broadcast %shift_right_arithmetic3A_299 : i32 to vector<16xi32>
          %add3A_323 = arith.addi %broadcast_in_dim3A_321, %add3A_322 : vector<16xi32>
          %sub3A_324 = vector.broadcast %add3A_235 : i32 to vector<16xi32>
          %sub3A_325 = arith.subi %get3A_306, %sub3A_324 : vector<16xi32>
          %jit3A_326 = arith.constant 0 : i32
          %broadcast_in_dim3A_327 = vector.broadcast %jit3A_326 : i32 to vector<16xi32>
          %select_n3A_328 = arith.select %and3A_319, %sub3A_325, %broadcast_in_dim3A_327 : vector<16xi1>, vector<16xi32>
          %sub3A_329 = vector.broadcast %mul3A_2 : i32 to vector<16xi32>
          %sub3A_330 = arith.subi %get3A_306, %sub3A_329 : vector<16xi32>
          %jit3A_331 = arith.constant 0 : i32
          %broadcast_in_dim3A_332 = vector.broadcast %jit3A_331 : i32 to vector<16xi32>
          %select_n3A_333 = arith.select %and3A_319, %sub3A_330, %broadcast_in_dim3A_332 : vector<16xi1>, vector<16xi32>
          %gather3A = tpu.vector_load_idx %arg13[%select_n3A_333] : memref<3200xf32, #tpu.memory_space<vmem>>[vector<16xi32>], vector<16xf32>,
          %gather3A_334 = tpu.vector_load_idx %arg14[%add3A_323] : memref<1024xf32, #tpu.memory_space<vmem>>[vector<16xi32>], vector<16xf32>,
          %add3A_335 = arith.addf %gather3A, %gather3A_334 : vector<16xf32>
          %mul3A_336 = arith.constant 2.000000e-01 : f32
          %mul3A_337 = vector.broadcast %mul3A_336 : f32 to vector<16xf32>
          %mul3A_338 = arith.mulf %mul3A_337, %add3A_335 : vector<16xf32>
          %max3A_339 = arith.maximumf %add3A_335, %mul3A_338 : vector<16xf32>
          tpu.vector_store_idx %arg15[%select_n3A_328, %add3A_323], %max3A_339 masked %and3A_319 : memref<32x1024xf32, #tpu.memory_space<vmem>>[vector<16xi32>, vector<16xi32>], vector<16xf32>, vector<16xi1>
          %scan3A_340 = arith.constant 0 : i32
          scf.yield %scan3A_340 : i32
        }
        %scan3A_270 = arith.constant 512 : i32
        "tpu.region"() ({
          %run_scoped3A = tpu.sem_alloc : memref<!tpu.dma_semaphore, #tpu.memory_space<semaphore_mem>>
          %dma_start3A_297 = arith.constant 640 : i32
          %dma_start3A_298 = arith.constant 0 : i32
          %dma_start3A_299 = tpu.memref_slice %arg4[%dma_start3A_297, %dma_start3A_298] : memref<1024x64xi32, #tpu.memory_space<hbm>> -> memref<128x64xi32, #tpu.memory_space<hbm>>
          %dma_start3A_300 = arith.constant 640 : i32
          %dma_start3A_301 = arith.constant 0 : i32
          %dma_start3A_302 = tpu.memref_slice %arg4[%dma_start3A_300, %dma_start3A_301] : memref<1024x64xi32, #tpu.memory_space<hbm>> -> memref<128x64xi32, #tpu.memory_space<hbm>>
          tpu.enqueue_dma source(%dma_start3A_302 : memref<128x64xi32, #tpu.memory_space<hbm>>) target(%arg7 : memref<128x64xi32, #tpu.memory_space<vmem>>) target_semaphore(%run_scoped3A : memref<!tpu.dma_semaphore, #tpu.memory_space<semaphore_mem>>)
          %dma_wait3A_303 = arith.constant 640 : i32
          %dma_wait3A_304 = arith.constant 0 : i32
          %dma_wait3A_305 = tpu.memref_slice %arg4[%dma_wait3A_303, %dma_wait3A_304] : memref<1024x64xi32, #tpu.memory_space<hbm>> -> memref<128x64xi32, #tpu.memory_space<hbm>>
          %dma_wait3A_306 = arith.constant 640 : i32
          %dma_wait3A_307 = arith.constant 0 : i32
          %dma_wait3A_308 = tpu.memref_slice %arg4[%dma_wait3A_306, %dma_wait3A_307] : memref<1024x64xi32, #tpu.memory_space<hbm>> -> memref<128x64xi32, #tpu.memory_space<hbm>>
          tpu.wait_dma2 semaphore(%run_scoped3A : memref<!tpu.dma_semaphore, #tpu.memory_space<semaphore_mem>>) src(%dma_wait3A_308 : memref<128x64xi32, #tpu.memory_space<hbm>>) dst(%arg7 : memref<128x64xi32, #tpu.memory_space<vmem>>)
          tpu.yield
        }) : () -> ()
        %scan3A_271 = arith.constant 0 : i32
        %scan3A_272 = arith.constant 0 : i32
        %scan3A_273 = arith.constant 512 : i32
        %scan3A_274 = arith.addi %scan3A_272, %scan3A_273 : i32
        %scan3A_275 = arith.constant 1 : i32
        %scan3A_276 = scf.for %scan3A_297 = %scan3A_272 to %scan3A_274 step %scan3A_275 iter_args(%scan3A_298 = %scan3A_271) -> (i32)  : i32 {
          %shift_right_arithmetic3A = arith.constant 2 : i32
          %shift_right_arithmetic3A_299 = arith.shrsi %scan3A_297, %shift_right_arithmetic3A : i32
          %and3A_300 = arith.constant 3 : i32
          %and3A_301 = arith.andi %scan3A_297, %and3A_300 : i32
          %mul3A_302 = arith.constant 16 : i32
          %mul3A_303 = arith.muli %and3A_301, %mul3A_302 : i32
          %get3A_304 = arith.index_cast %shift_right_arithmetic3A_299 : i32 to index
          %get3A_305 = arith.index_cast %mul3A_303 : i32 to index
          %get3A_306 = tpu.vector_load %arg7[%get3A_304, %get3A_305] {strides = array<i32>} : memref<128x64xi32, #tpu.memory_space<vmem>>, vector<16xi32>,
          %eq3A_307 = arith.constant 3 : i32
          %eq3A_308 = arith.cmpi eq, %and3A_301, %eq3A_307 : i32
          %jit3A_309 = arith.constant 2 : i32
          %jit3A_310 = arith.constant 16 : i32
          %select_n3A_311 = arith.select %eq3A_308, %jit3A_309, %jit3A_310 : i32
          %lt3A = vector.broadcast %select_n3A_311 : i32 to vector<16xi32>
          %lt3A_312 = arith.cmpi slt, %iota3A, %lt3A : vector<16xi32>
          %ge3A = vector.broadcast %add3A_235 : i32 to vector<16xi32>
          %ge3A_313 = arith.cmpi sge, %get3A_306, %ge3A : vector<16xi32>
          %and3A_314 = arith.andi %lt3A_312, %ge3A_313 : vector<16xi1>
          %add3A_315 = arith.constant 32 : i32
          %add3A_316 = arith.addi %add3A_235, %add3A_315 : i32
          %lt3A_317 = vector.broadcast %add3A_316 : i32 to vector<16xi32>
          %lt3A_318 = arith.cmpi slt, %get3A_306, %lt3A_317 : vector<16xi32>
          %and3A_319 = arith.andi %and3A_314, %lt3A_318 : vector<16xi1>
          %broadcast_in_dim3A_320 = arith.constant 640 : i32
          %broadcast_in_dim3A_321 = vector.broadcast %broadcast_in_dim3A_320 : i32 to vector<16xi32>
          %add3A_322 = vector.broadcast %shift_right_arithmetic3A_299 : i32 to vector<16xi32>
          %add3A_323 = arith.addi %broadcast_in_dim3A_321, %add3A_322 : vector<16xi32>
          %sub3A_324 = vector.broadcast %add3A_235 : i32 to vector<16xi32>
          %sub3A_325 = arith.subi %get3A_306, %sub3A_324 : vector<16xi32>
          %jit3A_326 = arith.constant 0 : i32
          %broadcast_in_dim3A_327 = vector.broadcast %jit3A_326 : i32 to vector<16xi32>
          %select_n3A_328 = arith.select %and3A_319, %sub3A_325, %broadcast_in_dim3A_327 : vector<16xi1>, vector<16xi32>
          %sub3A_329 = vector.broadcast %mul3A_2 : i32 to vector<16xi32>
          %sub3A_330 = arith.subi %get3A_306, %sub3A_329 : vector<16xi32>
          %jit3A_331 = arith.constant 0 : i32
          %broadcast_in_dim3A_332 = vector.broadcast %jit3A_331 : i32 to vector<16xi32>
          %select_n3A_333 = arith.select %and3A_319, %sub3A_330, %broadcast_in_dim3A_332 : vector<16xi1>, vector<16xi32>
          %gather3A = tpu.vector_load_idx %arg13[%select_n3A_333] : memref<3200xf32, #tpu.memory_space<vmem>>[vector<16xi32>], vector<16xf32>,
          %gather3A_334 = tpu.vector_load_idx %arg14[%add3A_323] : memref<1024xf32, #tpu.memory_space<vmem>>[vector<16xi32>], vector<16xf32>,
          %add3A_335 = arith.addf %gather3A, %gather3A_334 : vector<16xf32>
          %mul3A_336 = arith.constant 2.000000e-01 : f32
          %mul3A_337 = vector.broadcast %mul3A_336 : f32 to vector<16xf32>
          %mul3A_338 = arith.mulf %mul3A_337, %add3A_335 : vector<16xf32>
          %max3A_339 = arith.maximumf %add3A_335, %mul3A_338 : vector<16xf32>
          tpu.vector_store_idx %arg15[%select_n3A_328, %add3A_323], %max3A_339 masked %and3A_319 : memref<32x1024xf32, #tpu.memory_space<vmem>>[vector<16xi32>, vector<16xi32>], vector<16xf32>, vector<16xi1>
          %scan3A_340 = arith.constant 0 : i32
          scf.yield %scan3A_340 : i32
        }
        %scan3A_277 = arith.constant 512 : i32
        "tpu.region"() ({
          %run_scoped3A = tpu.sem_alloc : memref<!tpu.dma_semaphore, #tpu.memory_space<semaphore_mem>>
          %dma_start3A_297 = arith.constant 768 : i32
          %dma_start3A_298 = arith.constant 0 : i32
          %dma_start3A_299 = tpu.memref_slice %arg4[%dma_start3A_297, %dma_start3A_298] : memref<1024x64xi32, #tpu.memory_space<hbm>> -> memref<128x64xi32, #tpu.memory_space<hbm>>
          %dma_start3A_300 = arith.constant 768 : i32
          %dma_start3A_301 = arith.constant 0 : i32
          %dma_start3A_302 = tpu.memref_slice %arg4[%dma_start3A_300, %dma_start3A_301] : memref<1024x64xi32, #tpu.memory_space<hbm>> -> memref<128x64xi32, #tpu.memory_space<hbm>>
          tpu.enqueue_dma source(%dma_start3A_302 : memref<128x64xi32, #tpu.memory_space<hbm>>) target(%arg6 : memref<128x64xi32, #tpu.memory_space<vmem>>) target_semaphore(%run_scoped3A : memref<!tpu.dma_semaphore, #tpu.memory_space<semaphore_mem>>)
          %dma_wait3A_303 = arith.constant 768 : i32
          %dma_wait3A_304 = arith.constant 0 : i32
          %dma_wait3A_305 = tpu.memref_slice %arg4[%dma_wait3A_303, %dma_wait3A_304] : memref<1024x64xi32, #tpu.memory_space<hbm>> -> memref<128x64xi32, #tpu.memory_space<hbm>>
          %dma_wait3A_306 = arith.constant 768 : i32
          %dma_wait3A_307 = arith.constant 0 : i32
          %dma_wait3A_308 = tpu.memref_slice %arg4[%dma_wait3A_306, %dma_wait3A_307] : memref<1024x64xi32, #tpu.memory_space<hbm>> -> memref<128x64xi32, #tpu.memory_space<hbm>>
          tpu.wait_dma2 semaphore(%run_scoped3A : memref<!tpu.dma_semaphore, #tpu.memory_space<semaphore_mem>>) src(%dma_wait3A_308 : memref<128x64xi32, #tpu.memory_space<hbm>>) dst(%arg6 : memref<128x64xi32, #tpu.memory_space<vmem>>)
          tpu.yield
        }) : () -> ()
        %scan3A_278 = arith.constant 0 : i32
        %scan3A_279 = arith.constant 0 : i32
        %scan3A_280 = arith.constant 512 : i32
        %scan3A_281 = arith.addi %scan3A_279, %scan3A_280 : i32
        %scan3A_282 = arith.constant 1 : i32
        %scan3A_283 = scf.for %scan3A_297 = %scan3A_279 to %scan3A_281 step %scan3A_282 iter_args(%scan3A_298 = %scan3A_278) -> (i32)  : i32 {
          %shift_right_arithmetic3A = arith.constant 2 : i32
          %shift_right_arithmetic3A_299 = arith.shrsi %scan3A_297, %shift_right_arithmetic3A : i32
          %and3A_300 = arith.constant 3 : i32
          %and3A_301 = arith.andi %scan3A_297, %and3A_300 : i32
          %mul3A_302 = arith.constant 16 : i32
          %mul3A_303 = arith.muli %and3A_301, %mul3A_302 : i32
          %get3A_304 = arith.index_cast %shift_right_arithmetic3A_299 : i32 to index
          %get3A_305 = arith.index_cast %mul3A_303 : i32 to index
          %get3A_306 = tpu.vector_load %arg6[%get3A_304, %get3A_305] {strides = array<i32>} : memref<128x64xi32, #tpu.memory_space<vmem>>, vector<16xi32>,
          %eq3A_307 = arith.constant 3 : i32
          %eq3A_308 = arith.cmpi eq, %and3A_301, %eq3A_307 : i32
          %jit3A_309 = arith.constant 2 : i32
          %jit3A_310 = arith.constant 16 : i32
          %select_n3A_311 = arith.select %eq3A_308, %jit3A_309, %jit3A_310 : i32
          %lt3A = vector.broadcast %select_n3A_311 : i32 to vector<16xi32>
          %lt3A_312 = arith.cmpi slt, %iota3A, %lt3A : vector<16xi32>
          %ge3A = vector.broadcast %add3A_235 : i32 to vector<16xi32>
          %ge3A_313 = arith.cmpi sge, %get3A_306, %ge3A : vector<16xi32>
          %and3A_314 = arith.andi %lt3A_312, %ge3A_313 : vector<16xi1>
          %add3A_315 = arith.constant 32 : i32
          %add3A_316 = arith.addi %add3A_235, %add3A_315 : i32
          %lt3A_317 = vector.broadcast %add3A_316 : i32 to vector<16xi32>
          %lt3A_318 = arith.cmpi slt, %get3A_306, %lt3A_317 : vector<16xi32>
          %and3A_319 = arith.andi %and3A_314, %lt3A_318 : vector<16xi1>
          %broadcast_in_dim3A_320 = arith.constant 768 : i32
          %broadcast_in_dim3A_321 = vector.broadcast %broadcast_in_dim3A_320 : i32 to vector<16xi32>
          %add3A_322 = vector.broadcast %shift_right_arithmetic3A_299 : i32 to vector<16xi32>
          %add3A_323 = arith.addi %broadcast_in_dim3A_321, %add3A_322 : vector<16xi32>
          %sub3A_324 = vector.broadcast %add3A_235 : i32 to vector<16xi32>
          %sub3A_325 = arith.subi %get3A_306, %sub3A_324 : vector<16xi32>
          %jit3A_326 = arith.constant 0 : i32
          %broadcast_in_dim3A_327 = vector.broadcast %jit3A_326 : i32 to vector<16xi32>
          %select_n3A_328 = arith.select %and3A_319, %sub3A_325, %broadcast_in_dim3A_327 : vector<16xi1>, vector<16xi32>
          %sub3A_329 = vector.broadcast %mul3A_2 : i32 to vector<16xi32>
          %sub3A_330 = arith.subi %get3A_306, %sub3A_329 : vector<16xi32>
          %jit3A_331 = arith.constant 0 : i32
          %broadcast_in_dim3A_332 = vector.broadcast %jit3A_331 : i32 to vector<16xi32>
          %select_n3A_333 = arith.select %and3A_319, %sub3A_330, %broadcast_in_dim3A_332 : vector<16xi1>, vector<16xi32>
          %gather3A = tpu.vector_load_idx %arg13[%select_n3A_333] : memref<3200xf32, #tpu.memory_space<vmem>>[vector<16xi32>], vector<16xf32>,
          %gather3A_334 = tpu.vector_load_idx %arg14[%add3A_323] : memref<1024xf32, #tpu.memory_space<vmem>>[vector<16xi32>], vector<16xf32>,
          %add3A_335 = arith.addf %gather3A, %gather3A_334 : vector<16xf32>
          %mul3A_336 = arith.constant 2.000000e-01 : f32
          %mul3A_337 = vector.broadcast %mul3A_336 : f32 to vector<16xf32>
          %mul3A_338 = arith.mulf %mul3A_337, %add3A_335 : vector<16xf32>
          %max3A_339 = arith.maximumf %add3A_335, %mul3A_338 : vector<16xf32>
          tpu.vector_store_idx %arg15[%select_n3A_328, %add3A_323], %max3A_339 masked %and3A_319 : memref<32x1024xf32, #tpu.memory_space<vmem>>[vector<16xi32>, vector<16xi32>], vector<16xf32>, vector<16xi1>
          %scan3A_340 = arith.constant 0 : i32
          scf.yield %scan3A_340 : i32
        }
        %scan3A_284 = arith.constant 512 : i32
        "tpu.region"() ({
          %run_scoped3A = tpu.sem_alloc : memref<!tpu.dma_semaphore, #tpu.memory_space<semaphore_mem>>
          %dma_start3A_297 = arith.constant 896 : i32
          %dma_start3A_298 = arith.constant 0 : i32
          %dma_start3A_299 = tpu.memref_slice %arg4[%dma_start3A_297, %dma_start3A_298] : memref<1024x64xi32, #tpu.memory_space<hbm>> -> memref<128x64xi32, #tpu.memory_space<hbm>>
          %dma_start3A_300 = arith.constant 896 : i32
          %dma_start3A_301 = arith.constant 0 : i32
          %dma_start3A_302 = tpu.memref_slice %arg4[%dma_start3A_300, %dma_start3A_301] : memref<1024x64xi32, #tpu.memory_space<hbm>> -> memref<128x64xi32, #tpu.memory_space<hbm>>
          tpu.enqueue_dma source(%dma_start3A_302 : memref<128x64xi32, #tpu.memory_space<hbm>>) target(%arg7 : memref<128x64xi32, #tpu.memory_space<vmem>>) target_semaphore(%run_scoped3A : memref<!tpu.dma_semaphore, #tpu.memory_space<semaphore_mem>>)
          %dma_wait3A_303 = arith.constant 896 : i32
          %dma_wait3A_304 = arith.constant 0 : i32
          %dma_wait3A_305 = tpu.memref_slice %arg4[%dma_wait3A_303, %dma_wait3A_304] : memref<1024x64xi32, #tpu.memory_space<hbm>> -> memref<128x64xi32, #tpu.memory_space<hbm>>
          %dma_wait3A_306 = arith.constant 896 : i32
          %dma_wait3A_307 = arith.constant 0 : i32
          %dma_wait3A_308 = tpu.memref_slice %arg4[%dma_wait3A_306, %dma_wait3A_307] : memref<1024x64xi32, #tpu.memory_space<hbm>> -> memref<128x64xi32, #tpu.memory_space<hbm>>
          tpu.wait_dma2 semaphore(%run_scoped3A : memref<!tpu.dma_semaphore, #tpu.memory_space<semaphore_mem>>) src(%dma_wait3A_308 : memref<128x64xi32, #tpu.memory_space<hbm>>) dst(%arg7 : memref<128x64xi32, #tpu.memory_space<vmem>>)
          tpu.yield
        }) : () -> ()
        %scan3A_285 = arith.constant 0 : i32
        %scan3A_286 = arith.constant 0 : i32
        %scan3A_287 = arith.constant 512 : i32
        %scan3A_288 = arith.addi %scan3A_286, %scan3A_287 : i32
        %scan3A_289 = arith.constant 1 : i32
        %scan3A_290 = scf.for %scan3A_297 = %scan3A_286 to %scan3A_288 step %scan3A_289 iter_args(%scan3A_298 = %scan3A_285) -> (i32)  : i32 {
          %shift_right_arithmetic3A = arith.constant 2 : i32
          %shift_right_arithmetic3A_299 = arith.shrsi %scan3A_297, %shift_right_arithmetic3A : i32
          %and3A_300 = arith.constant 3 : i32
          %and3A_301 = arith.andi %scan3A_297, %and3A_300 : i32
          %mul3A_302 = arith.constant 16 : i32
          %mul3A_303 = arith.muli %and3A_301, %mul3A_302 : i32
          %get3A_304 = arith.index_cast %shift_right_arithmetic3A_299 : i32 to index
          %get3A_305 = arith.index_cast %mul3A_303 : i32 to index
          %get3A_306 = tpu.vector_load %arg7[%get3A_304, %get3A_305] {strides = array<i32>} : memref<128x64xi32, #tpu.memory_space<vmem>>, vector<16xi32>,
          %eq3A_307 = arith.constant 3 : i32
          %eq3A_308 = arith.cmpi eq, %and3A_301, %eq3A_307 : i32
          %jit3A_309 = arith.constant 2 : i32
          %jit3A_310 = arith.constant 16 : i32
          %select_n3A_311 = arith.select %eq3A_308, %jit3A_309, %jit3A_310 : i32
          %lt3A = vector.broadcast %select_n3A_311 : i32 to vector<16xi32>
          %lt3A_312 = arith.cmpi slt, %iota3A, %lt3A : vector<16xi32>
          %ge3A = vector.broadcast %add3A_235 : i32 to vector<16xi32>
          %ge3A_313 = arith.cmpi sge, %get3A_306, %ge3A : vector<16xi32>
          %and3A_314 = arith.andi %lt3A_312, %ge3A_313 : vector<16xi1>
          %add3A_315 = arith.constant 32 : i32
          %add3A_316 = arith.addi %add3A_235, %add3A_315 : i32
          %lt3A_317 = vector.broadcast %add3A_316 : i32 to vector<16xi32>
          %lt3A_318 = arith.cmpi slt, %get3A_306, %lt3A_317 : vector<16xi32>
          %and3A_319 = arith.andi %and3A_314, %lt3A_318 : vector<16xi1>
          %broadcast_in_dim3A_320 = arith.constant 896 : i32
          %broadcast_in_dim3A_321 = vector.broadcast %broadcast_in_dim3A_320 : i32 to vector<16xi32>
          %add3A_322 = vector.broadcast %shift_right_arithmetic3A_299 : i32 to vector<16xi32>
          %add3A_323 = arith.addi %broadcast_in_dim3A_321, %add3A_322 : vector<16xi32>
          %sub3A_324 = vector.broadcast %add3A_235 : i32 to vector<16xi32>
          %sub3A_325 = arith.subi %get3A_306, %sub3A_324 : vector<16xi32>
          %jit3A_326 = arith.constant 0 : i32
          %broadcast_in_dim3A_327 = vector.broadcast %jit3A_326 : i32 to vector<16xi32>
          %select_n3A_328 = arith.select %and3A_319, %sub3A_325, %broadcast_in_dim3A_327 : vector<16xi1>, vector<16xi32>
          %sub3A_329 = vector.broadcast %mul3A_2 : i32 to vector<16xi32>
          %sub3A_330 = arith.subi %get3A_306, %sub3A_329 : vector<16xi32>
          %jit3A_331 = arith.constant 0 : i32
          %broadcast_in_dim3A_332 = vector.broadcast %jit3A_331 : i32 to vector<16xi32>
          %select_n3A_333 = arith.select %and3A_319, %sub3A_330, %broadcast_in_dim3A_332 : vector<16xi1>, vector<16xi32>
          %gather3A = tpu.vector_load_idx %arg13[%select_n3A_333] : memref<3200xf32, #tpu.memory_space<vmem>>[vector<16xi32>], vector<16xf32>,
          %gather3A_334 = tpu.vector_load_idx %arg14[%add3A_323] : memref<1024xf32, #tpu.memory_space<vmem>>[vector<16xi32>], vector<16xf32>,
          %add3A_335 = arith.addf %gather3A, %gather3A_334 : vector<16xf32>
          %mul3A_336 = arith.constant 2.000000e-01 : f32
          %mul3A_337 = vector.broadcast %mul3A_336 : f32 to vector<16xf32>
          %mul3A_338 = arith.mulf %mul3A_337, %add3A_335 : vector<16xf32>
          %max3A_339 = arith.maximumf %add3A_335, %mul3A_338 : vector<16xf32>
          tpu.vector_store_idx %arg15[%select_n3A_328, %add3A_323], %max3A_339 masked %and3A_319 : memref<32x1024xf32, #tpu.memory_space<vmem>>[vector<16xi32>, vector<16xi32>], vector<16xf32>, vector<16xi1>
          %scan3A_340 = arith.constant 0 : i32
          scf.yield %scan3A_340 : i32
        }
        %scan3A_291 = arith.constant 512 : i32
        "tpu.region"() ({
          %run_scoped3A = tpu.sem_alloc : memref<!tpu.dma_semaphore, #tpu.memory_space<semaphore_mem>>
          %dma_start3A_297 = arith.constant 0 : i32
          %dma_start3A_298 = tpu.memref_slice %arg5[%add3A_235, %dma_start3A_297] : memref<100000x1024xf32, #tpu.memory_space<hbm>> -> memref<32x1024xf32, #tpu.memory_space<hbm>>
          %dma_start3A_299 = arith.constant 0 : i32
          %dma_start3A_300 = tpu.memref_slice %arg5[%add3A_235, %dma_start3A_299] : memref<100000x1024xf32, #tpu.memory_space<hbm>> -> memref<32x1024xf32, #tpu.memory_space<hbm>>
          tpu.enqueue_dma source(%arg15 : memref<32x1024xf32, #tpu.memory_space<vmem>>) target(%dma_start3A_300 : memref<32x1024xf32, #tpu.memory_space<hbm>>) target_semaphore(%run_scoped3A : memref<!tpu.dma_semaphore, #tpu.memory_space<semaphore_mem>>)
          %dma_wait3A_301 = arith.constant 0 : i32
          %dma_wait3A_302 = tpu.memref_slice %arg5[%add3A_235, %dma_wait3A_301] : memref<100000x1024xf32, #tpu.memory_space<hbm>> -> memref<32x1024xf32, #tpu.memory_space<hbm>>
          %dma_wait3A_303 = arith.constant 0 : i32
          %dma_wait3A_304 = tpu.memref_slice %arg5[%add3A_235, %dma_wait3A_303] : memref<100000x1024xf32, #tpu.memory_space<hbm>> -> memref<32x1024xf32, #tpu.memory_space<hbm>>
          tpu.wait_dma2 semaphore(%run_scoped3A : memref<!tpu.dma_semaphore, #tpu.memory_space<semaphore_mem>>) src(%arg15 : memref<32x1024xf32, #tpu.memory_space<vmem>>) dst(%dma_wait3A_304 : memref<32x1024xf32, #tpu.memory_space<hbm>>)
          tpu.yield
        }) : () -> ()
        %scan3A_292 = arith.constant 0 : i32
        %scan3A_293 = arith.constant 32 : i32
        %scan3A_294 = arith.addi %scan3A_292, %scan3A_293 : i32
        %scan3A_295 = arith.constant 1 : i32
        scf.for %scan3A_297 = %scan3A_292 to %scan3A_294 step %scan3A_295  : i32 {
          %mul3A_298 = arith.constant 1 : i32
          %mul3A_299 = arith.muli %scan3A_297, %mul3A_298 : i32
          %add3A_300 = arith.constant 0 : i32
          %add3A_301 = arith.addi %add3A_300, %mul3A_299 : i32
          %scan3A_302 = arith.constant 0 : i32
          %scan3A_303 = arith.constant 64 : i32
          %scan3A_304 = arith.addi %scan3A_302, %scan3A_303 : i32
          %scan3A_305 = arith.constant 1 : i32
          scf.for %scan3A_307 = %scan3A_302 to %scan3A_304 step %scan3A_305  : i32 {
            %mul3A_308 = arith.constant 1 : i32
            %mul3A_309 = arith.muli %scan3A_307, %mul3A_308 : i32
            %add3A_310 = arith.constant 0 : i32
            %add3A_311 = arith.addi %add3A_310, %mul3A_309 : i32
            %mul3A_312 = arith.constant 16 : i32
            %mul3A_313 = arith.muli %add3A_311, %mul3A_312 : i32
            %swap3A_314 = arith.index_cast %add3A_301 : i32 to index
            %swap3A_315 = arith.index_cast %mul3A_313 : i32 to index
            %swap3A_316 = tpu.vector_load %arg15[%swap3A_314, %swap3A_315] {strides = array<i32>} : memref<32x1024xf32, #tpu.memory_space<vmem>>, vector<16xf32>,
            tpu.vector_store %arg15[%swap3A_314, %swap3A_315], %broadcast_in_dim3A_11 {strides = array<i32>} : memref<32x1024xf32, #tpu.memory_space<vmem>>, vector<16xf32>,
          }
          %scan3A_306 = arith.constant 64 : i32
        }
        %scan3A_296 = arith.constant 32 : i32
      }
    } else {
    }
    return
  }
}

module attributes {stable_mosaic.version = 14 : i64} {
  func.func @_tc_body(%arg0: i32, %arg1: memref<4000x128xf32, #tpu.memory_space<vmem>>, %arg2: memref<1x128xf32, #tpu.memory_space<vmem>>, %arg3: memref<1024x128xf32, #tpu.memory_space<vmem>>, %arg4: memref<1x128xf32, #tpu.memory_space<vmem>>, %arg5: memref<1x1x4000xf32, #tpu.memory_space<vmem>>, %arg6: memref<1024xf32, #tpu.memory_space<vmem>>) attributes {dimension_semantics = [#tpu.dimension_semantics<arbitrary>], iteration_bounds = array<i64: 25>, scalar_prefetch = 0 : i64, scratch_operands = 0 : i64, tpu.core_type = #tpu.core_type<tc>, window_params = [{transform_indices = @transform_0, window_bounds = array<i64: 4000, 128>}, {pipeline_mode = #tpu.pipeline_mode<synchronous>, transform_indices = @transform_1, window_bounds = array<i64: 1, 128>}, {pipeline_mode = #tpu.pipeline_mode<synchronous>, transform_indices = @transform_2, window_bounds = array<i64: 1024, 128>}, {pipeline_mode = #tpu.pipeline_mode<synchronous>, transform_indices = @transform_3, window_bounds = array<i64: 1, 128>}, {transform_indices = @transform_4, window_bounds = array<i64: 1, 1, 4000>}, {pipeline_mode = #tpu.pipeline_mode<synchronous>, transform_indices = @transform_5, window_bounds = array<i64: 1024>}]} {
    %get3A = arith.constant 0 : index
    %get3A_0 = arith.constant 0 : index
    %get3A_1 = vector.load %arg2[%get3A, %get3A_0] : memref<1x128xf32, #tpu.memory_space<vmem>>, vector<1x128xf32>
    %get3A_2 = arith.constant 0 : index
    %get3A_3 = arith.constant 0 : index
    %get3A_4 = vector.load %arg1[%get3A_2, %get3A_3] : memref<4000x128xf32, #tpu.memory_space<vmem>>, vector<4000x128xf32>
    %dot_general3A = arith.constant dense<0.000000e+00> : vector<1x4000xf32>
    %dot_general3A_5 = tpu.matmul %get3A_1, %get3A_4, %dot_general3A {dimension_numbers = #tpu.dot_dimension_numbers<[1], [1], [0], [0], [0, 0, 1, 0], [], []>, transpose_lhs_hint = false} : vector<1x128xf32>, vector<4000x128xf32>, vector<1x4000xf32> -> vector<1x4000xf32>
    %broadcast_in_dim3A = vector.shape_cast %dot_general3A_5 : vector<1x4000xf32> to vector<1x1x4000xf32>
    %swap3A = arith.constant 0 : index
    %swap3A_6 = arith.constant 0 : index
    %swap3A_7 = arith.constant 0 : index
    %swap3A_8 = vector.load %arg5[%swap3A, %swap3A_6, %swap3A_7] : memref<1x1x4000xf32, #tpu.memory_space<vmem>>, vector<1x1x4000xf32>
    tpu.vector_store %arg5[%swap3A, %swap3A_6, %swap3A_7], %broadcast_in_dim3A {strides = array<i32>} : memref<1x1x4000xf32, #tpu.memory_space<vmem>>, vector<1x1x4000xf32>,
    %eq3A = arith.constant 0 : i32
    %eq3A_9 = arith.cmpi eq, %arg0, %eq3A : i32
    %convert_element_type3A = arith.extui %eq3A_9 : i1 to i32
    %cond3A = arith.constant 0 : i32
    %cond3A_10 = arith.cmpi ne, %convert_element_type3A, %cond3A : i32
    scf.if %cond3A_10 {
      %get3A_11 = arith.constant 0 : index
      %get3A_12 = arith.constant 0 : index
      %get3A_13 = vector.load %arg3[%get3A_11, %get3A_12] : memref<1024x128xf32, #tpu.memory_space<vmem>>, vector<1024x128xf32>
      %get3A_14 = arith.constant 0 : index
      %get3A_15 = arith.constant 0 : index
      %get3A_16 = vector.load %arg4[%get3A_14, %get3A_15] : memref<1x128xf32, #tpu.memory_space<vmem>>, vector<1x128xf32>
      %mul3A = vector.broadcast %get3A_16 : vector<1x128xf32> to vector<1024x128xf32>
      %mul3A_17 = arith.mulf %get3A_13, %mul3A : vector<1024x128xf32>
      %reduce_sum3A = arith.constant dense<0.000000e+00> : vector<1024xf32>
      %reduce_sum3A_18 = vector.multi_reduction <add>, %mul3A_17, %reduce_sum3A [1] : vector<1024x128xf32> to vector<1024xf32>
      %swap3A_19 = arith.constant 0 : index
      %swap3A_20 = vector.load %arg6[%swap3A_19] : memref<1024xf32, #tpu.memory_space<vmem>>, vector<1024xf32>
      tpu.vector_store %arg6[%swap3A_19], %reduce_sum3A_18 {strides = array<i32>} : memref<1024xf32, #tpu.memory_space<vmem>>, vector<1024xf32>,
    } else {
    }
    return
  }
  func.func @transform_0(%arg0: i32) -> (i32, i32) {
    %c0_i32 = arith.constant 0 : i32
    %c0_i32_0 = arith.constant 0 : i32
    return %arg0, %c0_i32 : i32, i32
  }
  func.func @transform_1(%arg0: i32) -> (i32, i32) {
    %c0_i32 = arith.constant 0 : i32
    %c0_i32_0 = arith.constant 0 : i32
    %c0_i32_1 = arith.constant 0 : i32
    return %c0_i32, %c0_i32_0 : i32, i32
  }
  func.func @transform_2(%arg0: i32) -> (i32, i32) {
    %c0_i32 = arith.constant 0 : i32
    %c0_i32_0 = arith.constant 0 : i32
    %c0_i32_1 = arith.constant 0 : i32
    return %c0_i32, %c0_i32_0 : i32, i32
  }
  func.func @transform_3(%arg0: i32) -> (i32, i32) {
    %c0_i32 = arith.constant 0 : i32
    %c0_i32_0 = arith.constant 0 : i32
    %c0_i32_1 = arith.constant 0 : i32
    return %c0_i32, %c0_i32_0 : i32, i32
  }
  func.func @transform_4(%arg0: i32) -> (i32, i32, i32) {
    %c0_i32 = arith.constant 0 : i32
    %c0_i32_0 = arith.constant 0 : i32
    %c0_i32_1 = arith.constant 0 : i32
    return %arg0, %c0_i32, %c0_i32_0 : i32, i32, i32
  }
  func.func @transform_5(%arg0: i32) -> i32 {
    %c0_i32 = arith.constant 0 : i32
    %c0_i32_0 = arith.constant 0 : i32
    return %c0_i32 : i32
  }
}

</mosaic_0001>

<sc_bundles>
// kernel: kernel.4.cloned.1.call-start
scs
__scs_entry_jumppad:
0x0: {  	(pc) =	sbr.rel $0x88, $3  }
0x1: {  	(tag) =	ssettag $0x0;
	lr =	simm.s32 $0x1  }
0x2: {  	[smem:$0x3F9D] =	sst lr;
	_ =	strace $0xD0000000  }
0x3: {  	_ = 	snop  }
0x4: {  	_ = 	snop  }
0x5: {  	_ = 	snop  }
0x6: {  	_ = 	snop  }
0x7: {  	_ = 	snop  }
__scs_overlays_trampoline_lowered:
0x8: {  	[smem:$0x3FAC] =	sst s0  }
0x9: {  	[smem:$0x3FAD] =	sst s1  }
0xa: {  	[smem:$0x3FAE] =	sst s2  }
0xb: {  	[smem:$0x3FAF] =	sst s3  }
0xc: {  	[smem:$0x3FB0] =	sst s4  }
0xd: {  	[smem:$0x3FB1] =	sst s5  }
0xe: {  	[smem:$0x3FB2] =	sst s6  }
0xf: {  	[smem:$0x3FB3] =	sst s7  }
0x10: {  	[smem:$0x3FB4] =	sst s8  }
0x11: {  	[smem:$0x3FB5] =	sst s9;
	s0 =	simm.s32 @!p0 $0x0  }
0x12: {  	s1 =	sld [smem:$0x3F9B];
	s0 =	simm.s32 @p0 $0x1  }
0x13: {  	[smem:$0x3FB6] =	sst s0;
	s0 =	simm.s32 @!p1 $0x0  }
0x14: {  	s2 =	sld [smem:$0x3F9A];
	s0 =	simm.s32 @p1 $0x1  }
0x15: {  	[smem:$0x3FB7] =	sst s0;
	s0 =	simm.s32 @!p2 $0x0  }
0x16: {  	s3 =	sld [smem:$0x3FDB];
	s0 =	simm.s32 @p2 $0x1  }
0x17: {  	s4 =	simm.s32 $0x1BF5;
	[smem:$0x3FB9] =	sst s0  }
0x18: {  	s0 =	sld [smem:$0x3F9C];
	_ =	swait.ge [sflag:s4], $0x0  }
0x19: {  	s7 =	sld [smem:$0x3F9D]  }
0x1a: {  	s8 =	sadd.s32 $0xFFFFE003, lr  }
0x1b: {  	s9 =	sadd.s32 $0xFFFFFEF7, lr;
	s5 =	simm.s32 $0xFFFFFFFF;
	p2 =	slt.u32 s8, $0xFFFFF086  }
0x1c: {  	p1 =	slt.u32 s9, $0xF7A;
	s5 =	simm.s32 @!p2 $0x0  }
0x1d: {  	s5 =	simm.s32 @p1 $0x1;
	p0 =	seq.s32 s7, s2  }
0x1e: {  	s7 =	smul.u32 @!p0 $0xF7A, s2;
	p2 =	seq.s32 @!p0 s5, $0x0  }
0x1f: {  	s9 =	smul.u32 $0xF7A, s1;
	s8 =	simm.s32 @!p0 $0x1BF5;
	p2 =	por !p2, p0  }
0x20: {  	[sflag:s8] =	ssyncset.s32 @!p0 $0xFFFFF086;
	s6 =	sadd.s32 @!p0 s3, s7;
	s7 =	simm.s32 @!p0 $0x108  }
0x21: {  	s3 =	sadd.s32 s3, s9;
	s6 =	sadd.s32 @!p0 $0x88, s6;
	s7 =	simm.s32 @p2 $0x1082  }
0x22: {  	[simem:s7], [sflag:s8] =	dma.local @!p0 [hbm:s6], $0xF7A  }
0x23: {  	s9 =	sor.u32 $0xD0000000, s2;
	s6 =	simm.s32 $0x108;
	_ =	swait.ge @!p0 [sflag:s8], $0x0  }
0x24: {  	s3 =	sadd.s32 $0x88, s3;
	s6 =	simm.s32 @!p1 $0x1082;
	[sflag:s4] =	ssyncset.s32 $0xFFFFF086  }
0x25: {  	[simem:s6], [sflag:s4] =	dma.local [hbm:s3], $0xF7A  }
0x26: {  	[smem:$0x3F9D] =	sst s1;
	(tag) =	ssettag s2;
	_ =	strace s9  }
0x27: {  	s1 =	sld [smem:$0x3FAD]  }
0x28: {  	s2 =	sld [smem:$0x3FAE]  }
0x29: {  	s4 =	sld [smem:$0x3FB0]  }
0x2a: {  	p0 =	seq.s32 s5, $0x0;
	s5 =	sld [smem:$0x3FB1]  }
0x2b: {  	s6 =	sld [smem:$0x3FB2]  }
0x2c: {  	s7 =	sld [smem:$0x3FB3]  }
0x2d: {  	s3 =	simm.s32 $0x108;
	s8 =	sld [smem:$0x3FB4]  }
0x2e: {  	s3 =	simm.s32 @!p0 $0x1082;
	s9 =	sld [smem:$0x3FB5]  }
0x2f: {  	lr =	sadd.s32 s0, s3;
	s0 =	sld [smem:$0x3FAC]  }
0x30: {  	s3 =	sld [smem:$0x3FAF]  }
0x31: {  	[smem:$0x3FB8] =	sst s10  }
0x32: {  	s10 =	sld [smem:$0x3FB6];
	_ =	sdelay $0x3  }
0x33: {  	p0 =	seq.s32 s10, $0x1;
	s10 =	sld [smem:$0x3FB8];
	_ =	sdelay $0x3  }
0x34: {  	[smem:$0x3FB8] =	sst s10  }
0x35: {  	s10 =	sld [smem:$0x3FB7];
	_ =	sdelay $0x3  }
0x36: {  	p1 =	seq.s32 s10, $0x1;
	s10 =	sld [smem:$0x3FB8];
	_ =	sdelay $0x3  }
0x37: {  	[smem:$0x3FB8] =	sst s10  }
0x38: {  	s10 =	sld [smem:$0x3FB9]  }
0x39: {  	_ = 	snop;
	(pc) =	sbr.ind lr, $3  }
0x3a: {  	_ = 	snop  }
0x3b: {  	_ = 	snop  }
0x3c: {  	p2 =	seq.s32 s10, $0x1;
	s10 =	sld [smem:$0x3FB8]  }
0x3d: {  	_ =	shalt  }
0x3e: {  	_ =	shalt  }
0x3f: {  	_ =	shalt  }
0x40: {  	_ =	shalt  }
0x41: {  	_ =	shalt  }
0x42: {  	_ =	shalt  }
0x43: {  	_ =	shalt  }
0x44: {  	_ =	shalt  }
0x45: {  	_ =	shalt  }
0x46: {  	_ =	shalt  }
0x47: {  	_ =	shalt  }
0x48: {  	_ =	shalt  }
0x49: {  	_ =	shalt  }
0x4a: {  	_ =	shalt  }
0x4b: {  	_ =	shalt  }
0x4c: {  	_ =	shalt  }
0x4d: {  	_ =	shalt  }
0x4e: {  	_ =	shalt  }
0x4f: {  	_ =	shalt  }
0x50: {  	_ =	shalt  }
0x51: {  	_ =	shalt  }
0x52: {  	_ =	shalt  }
0x53: {  	_ =	shalt  }
0x54: {  	_ =	shalt  }
0x55: {  	_ =	shalt  }
0x56: {  	_ =	shalt  }
0x57: {  	_ =	shalt  }
0x58: {  	_ =	shalt  }
0x59: {  	_ =	shalt  }
0x5a: {  	_ =	shalt  }
0x5b: {  	_ =	shalt  }
0x5c: {  	_ =	shalt  }
0x5d: {  	_ =	shalt  }
0x5e: {  	_ =	shalt  }
0x5f: {  	_ =	shalt  }
0x60: {  	_ =	shalt  }
0x61: {  	_ =	shalt  }
0x62: {  	_ =	shalt  }
0x63: {  	_ =	shalt  }
0x64: {  	_ =	shalt  }
0x65: {  	_ =	shalt  }
0x66: {  	_ =	shalt  }
0x67: {  	_ =	shalt  }
0x68: {  	_ =	shalt  }
0x69: {  	_ =	shalt  }
0x6a: {  	_ =	shalt  }
0x6b: {  	_ =	shalt  }
0x6c: {  	_ =	shalt  }
0x6d: {  	_ =	shalt  }
0x6e: {  	_ =	shalt  }
0x6f: {  	_ =	shalt  }
0x70: {  	_ =	shalt  }
0x71: {  	_ =	shalt  }
0x72: {  	_ =	shalt  }
0x73: {  	_ =	shalt  }
0x74: {  	_ =	shalt  }
0x75: {  	_ =	shalt  }
0x76: {  	_ =	shalt  }
0x77: {  	_ =	shalt  }
0x78: {  	_ =	shalt  }
0x79: {  	_ =	shalt  }
0x7a: {  	_ =	shalt  }
0x7b: {  	_ =	shalt  }
0x7c: {  	_ =	shalt  }
0x7d: {  	_ =	shalt  }
0x7e: {  	_ =	shalt  }
0x7f: {  	_ =	shalt  }
0x80: {  	_ =	shalt  }
0x81: {  	_ =	shalt  }
0x82: {  	_ =	shalt  }
0x83: {  	_ =	shalt  }
0x84: {  	_ =	shalt  }
0x85: {  	_ =	shalt  }
0x86: {  	_ =	shalt  }
0x87: {  	_ =	shalt  }
.Lfunc_end0:
.L_simem_size_0:
called_computation_lowered:
.L_overlay_start_0:
0x88: {  	s2 =	sld [smem:$0x3FD9]  }
0x89: {  	s3 =	sld [smem:$0x3FFE];
	_ =	sdelay $0x1  }
0x8a: {  	s1 =	srdreg.scid  }
0x8b: {  	s0 =	sand.u32 $0x1, s1  }
0x8c: {  	s17 =	sshll.u32 s0, $0xA;
	s2 =	sadd.s32 s3, s2  }
0x8d: {  	s2 =	sadd.s32 s2, s17  }
0x8e: {  	[smem:$0x3FC4] =	sst s2  }
0x8f: {  	_ = 	snop  }
0x90: {  	s2 =	sld [smem:$0x3FD0];
	(tm) =	ssettm $0x1  }
0x91: {  	s18 =	sld [smem:$0x3FFB];
	_ =	sdelay $0x3  }
0x92: {  	_ =	strace s18  }
0x93: {  	s3 =	sld [smem:$0x3FFC];
	_ =	sdelay $0x3  }
0x94: {  	_ =	strace s3  }
0x95: {  	s3 =	sld [smem:$0x3FFD];
	_ =	sdelay $0x3  }
0x96: {  	_ =	strace s3  }
0x97: {  	_ =	strace $0x8FFFFFFF  }
0x98: {  	s19 =	sld [smem:$0x3FDB];
	_ =	sdelay $0x1  }
0x99: {  	s4 =	simm.s32 $_scs_section_size  }
0x9a: {  	s5 =	simm.s32 $_size__tile_overlayer_lowered;
	s6 =	simm.s32 $_tile_overlayer_lowered  }
0x9b: {  	s22 =	simm.s32 $0x1BFF;
	s21 =	sshll.u32 s6, $0x1;
	s3 =	sadd.s32 s4, s19  }
0x9c: {  	s7 =	simm.s32 $0x0;
	s20 =	sshll.u32 s5, $0x1;
	s5 =	sadd.s32 s21, s3  }
0x9d: {  	[timem:s7], [sflag:s22] =	dma.local [hbm:s5], s20  }
0x9e: {  	_ =	swait.ge [sflag:s22], s20  }
0x9f: {  	s4 =	ssub.s32 $0x0, s20;
	[sflag:s22] =	ssyncset.done $0x0  }
0xa0: {  	[sflag:s22] =	ssyncadd.s32 s4;
	_ =	sdelay $0x1  }
0xa1: {  	s23 =	simm.s32 $0x1B8B  }
0xa2: {  	_ =	swait.ge [sflag:s23], $0x1  }
0xa3: {  	[sflag:s23] =	ssyncset.done $0x0  }
0xa4: {  	s25 =	simm.s32 $0x1B8E;
	s24 =	sld [smem:$0x3FFE];
	[sflag:s23] =	ssyncadd.s32 $0xFFFFFFFF  }
0xa5: {  	s26 =	simm.s32 $execute0_lowered;
	[smem:$0x3FD2] =	sst s25  }
0xa6: {  	s5 =	sshll.u32 s26, $0x1;
	_ =	strace $0x80000046;
	[dreg:$0x1] =	wrdreg $0xFFFFFFFF  }
0xa7: {  	s28 =	simm.s32 $_size_execute0_lowered;
	s3 =	sadd.s32 s3, s5;
	[dreg:$0x0] =	wrdreg $0x0  }
0xa8: {  	s5 =	sshll.u32 s28, $0x1;
	[dreg:$0x2] =	wrdreg s3  }
0xa9: {  	[dreg:$0x3] =	wrdreg s5  }
0xaa: {  	[dreg:$0x4] =	wrdreg $0xC0  }
0xab: {  	_ =	task [dreg:s7], $0x5FFFF  }
0xac: {  	[dreg:$0x1] =	wrdreg $0xFFFFFFFF  }
0xad: {  	[dreg:$0x0] =	wrdreg $0x60  }
0xae: {  	[dreg:$0x2] =	wrdreg s24  }
0xaf: {  	[dreg:$0x3] =	wrdreg s2  }
0xb0: {  	[dreg:$0x4] =	wrdreg $0x9  }
0xb1: {  	_ =	task.clear_ibuf [dreg:s7], $0x5FFFF;
	_ =	strace $0x90000046  }
0xb2: {  	s29 =	simm.s32 $0x9;
	_ =	strace $0x80000048  }
0xb3: {  	_ =	swait.ge [sflag:s29], $0x1  }
0xb4: {  	[sflag:s29] =	ssyncadd.s32 $0xFFFFFFFF  }
0xb5: {  	_ =	strace $0x90000048  }
0xb6: {  	_ =	sfence  }
0xb7: {  	s30 =	sld [smem:$0x0];
	_ =	sdelay $0x2  }
0xb8: {  	s31 =	sshll.u32 s1, $0xD;
	s1 =	sshrl.u32 s1, $0x2  }
0xb9: {  	s3 =	sand.u32 $0x4000, s31;
	s1 =	sadd.s32 s1, s30  }
0xba: {  	s0 =	sor.u32 s3, s0;
	s1 =	sshll.u32 s1, $0x11  }
0xbb: {  	s0 =	sor.u32 s1, s0  }
0xbc: {  	s0 =	sadd.s32 $0x8F2B, s0  }
0xbd: {  	[sflag:s0] =	ssyncadd.remote.s32 $0x1  }
0xbe: {  	_ =	sfence.sel $0xFFFF  }
0xbf: {  	[dreg:$0x0] =	wrdreg $0xFFFFFFFF;
	(pc) =	sbr.abs _section_cstart, $3  }
0xc0: {  	[dreg:$0x1] =	wrdreg $0xFFFFFFFF  }
0xc1: {  	_ =	task.clear_ibuf [dreg:s7], $0x2FFFF;
	_ =	strace $0x9FFFFFFF  }
0xc2: {  	(tm) =	ssettm $0x7FFFFFFF  }
0xc3: {  	_ =	shalt  }
tec
execute0_lowered:
.L_overlay_start_1:
0x0: {  	(tag) =	ssettag $0x1  }
0x1: {  	s0 =	srdreg.scid;
	s5 =	rddreg [dreg:$0x0]  }
0x2: {  	s3 =	stileid.u32;
	s2 =	rddreg [dreg:$0x1];
	s4 =	simm.s32 $0x0  }
0x3: {  	s19 =	simm.s32 $0xC300;
	s20 =	simm.s32 $0x3;
	s21 =	simm.s32 $0xCF80  }
0x4: {  	s28 =	simm.s32 $0x9000;
	s29 =	simm.s32 $0xD380;
	s30 =	simm.s32 $0x15380  }
0x5: {  	s0 =	sand.u32 $0x1, s0;
	s1 =	sshll.u32 s3, $0x1;
	[smem:$0x7FF] =	sst s4  }
0x6: {  	s22 =	sadd.s32 $0x800, s5;
	s10 =	sadd.s32 $0x4C00, s5;
	s11 =	sadd.s32 $0x5400, s5  }
0x7: {  	s23 =	smul.u32 $0x640000, s3;
	s12 =	sadd.s32 $0x5C00, s5;
	s13 =	sadd.s32 $0x6400, s5  }
0x8: {  	s14 =	sadd.s32 $0x6C00, s5;
	s15 =	sadd.s32 $0x7400, s5;
	s1 =	sor.u32 s0, s1  }
0x9: {  	_ =	strace $0x80000047;
	[dreg:$0x4] =	wrdreg s22;
	s7 =	ssub.s32 $0x2, s0  }
0xa: {  	s0 =	smul.u32 $0x320000, s0;
	s22 =	simm.s32 $0x1;
	s9 =	sshrl.u32 s7, $0x1  }
0xb: {  	s31 =	smul.u32 $0xC80, s1;
	p0 =	seq.s32 s1, $0x1F;
	s16 =	ssub.s32 s7, s9  }
0xc: {  	s7 =	simm.s32 $0x19;
	s9 =	sadd.s32 $0x4400, s5;
	s0 =	sadd.s32 s0, s23  }
0xd: {  	s23 =	simm.s32 $0x4000;
	s6 =	sshrl.u32 s31, $0x3;
	s1 =	sadd.s32 $0xC80, s31  }
0xe: {  	s7 =	simm.s32 @!p0 $0x64;
	s26 =	smax.u32 s16, $0x1;
	[dreg:$0x8] =	wrdreg s0  }
.Ltmp0:
0xf: {  	[dreg:$0x3] =	wrdreg s31;
	s8 =	sadd.s32 s6, s5;
	(pc) =	sbr.rel .LBB2_1-.Ltmp0, $4  }
0x10: {  	s6 =	sadd.s32 $0x3C00, s5;
	s1 =	simm.s32 @p0 $0x186A0;
	s24 =	sadd.s32 $0x1, s7  }
0x11: {  	[dreg:$0x7] =	wrdreg s26;
	s26 =	simm.s32 $0xC200;
	s8 =	sadd.s32 $0xA00, s8  }
0x12: {  	v2 =	vimm.s32 $0x0;
	v3 =	vimm.f32 $0.0e+00;
	s25 =	sshrl.u32 s24, $0x1;
	s24 =	simm.s32 $0x2;
	[dreg:$0x5] =	wrdreg s8  }
0x13: {  	v4 =	vlaneseq.u32;
	v0 =	vmov s31;
	v1 =	vmov s1;
	s1 =	simm.s32 $0x0;
	[dreg:$0x6] =	wrdreg s25;
	s25 =	simm.s32 $0xC280  }
.LBB2_54:
0x14: {  	s1 =	rddreg [dreg:$0x9]  }
0x15: {  	s0 =	rddreg [dreg:$0x7];
	s1 =	sadd.s32 $0x1, s1  }
0x16: {  	p0 =	sne.s32 s1, s0  }
.Ltmp1:
0x17: {  	_ = 	snop;
	(pc) =	sbr.rel @!p0 .LBB2_55-.Ltmp1, $1  }
0x18: {  	_ =	sdelay $0x3  }
.LBB2_1:
0x19: {  	[dreg:$0x9] =	wrdreg s1  }
0x1a: {  	s0 =	rddreg [dreg:$0x5]  }
0x1b: {  	[tilespmem:s19], [sflag:$0x3] =	stream.linear.gather [hbm4b:s0+s4], $0xC80, $0x38;
	[tilespmem:$0x1D380] =	vst v63  }
0x1c: {  	_ =	swait.ge [sflag:s20], $0xC80  }
0x1d: {  	[sflag:s20] =	ssyncset.done $0x0  }
0x1e: {  	s31 =	rddreg [dreg:$0x4];
	[sflag:s20] =	ssyncadd.s32 $0xFFFFF380  }
0x1f: {  	[tilespmem:s21], [sflag:$0x3] =	stream.linear.gather [hbm4b:s31+s4], $0x400, $0x38;
	[tilespmem:$0x1D380] =	vst v63  }
0x20: {  	_ =	swait.ge [sflag:s20], $0x400  }
0x21: {  	[sflag:s20] =	ssyncset.done $0x0  }
0x22: {  	[sflag:s20] =	ssyncadd.s32 $0xFFFFFC00  }
0x23: {  	[tilespmem:$0xC200] =	vst v2  }
0x24: {  	[tilespmem:$0xC210] =	vst v2  }
0x25: {  	[tilespmem:$0xC220] =	vst v2  }
0x26: {  	[tilespmem:$0xC230] =	vst v2  }
0x27: {  	[tilespmem:$0xC240] =	vst v2  }
0x28: {  	[tilespmem:$0xC250] =	vst v2  }
0x29: {  	s0 =	simm.s32 $0x0;
	[tilespmem:$0xC260] =	vst v2  }
.LBB2_2:
0x2a: {  	s1 =	sshll.u32 s0, $0xA;
	s5 =	sshll.u32 s0, $0x7  }
0x2b: {  	s8 =	sand.u32 $0x6000, s1;
	s5 =	sand.u32 $0x380, s5;
	s1 =	simm.s32 $0x0  }
0x2c: {  	s5 =	sor.u32 s8, s5;
	s31 =	sand.u32 $0x1C00, s1  }
0x2d: {  	s16 =	sand.u32 $0x70, s1;
	s17 =	sor.u32 s31, s5  }
0x2e: {  	s8 =	simm.s32 $0x10;
	s16 =	sor.u32 s16, s17  }
.LBB2_3:
0x2f: {  	p0 =	sne.s32 s8, $0x3F0  }
0x30: {  	[tilespmem:s16+$0xD380] =	vst v3;
	s1 =	sadd.s32 $0x80, s1;
	s17 =	smov.u32 s8;
	s8 =	sadd.s32 $0x10, s8  }
.Ltmp2:
0x31: {  	[tilespmem:s16+$0x15380] =	vst v3;
	(pc) =	sbr.rel @p0 .LBB2_3-.Ltmp2, $4  }
0x32: {  	_ = 	snop  }
0x33: {  	s16 =	sand.u32 $0x1C00, s1  }
0x34: {  	s17 =	sand.u32 $0x70, s17;
	s16 =	sor.u32 s16, s5  }
0x35: {  	s16 =	sor.u32 s17, s16  }
0x36: {  	s0 =	sadd.s32 $0x1, s0  }
0x37: {  	p0 =	sne.s32 s0, $0x20  }
.Ltmp3:
0x38: {  	_ = 	snop;
	(pc) =	sbr.rel @p0 .LBB2_2-.Ltmp3, $3  }
0x39: {  	_ =	sdelay $0x1  }
0x3a: {  	[tilespmem:s16+$0xD380] =	vst v3  }
0x3b: {  	[tilespmem:s16+$0x15380] =	vst v3  }
0x3c: {  	s0 =	simm.s32 $0x0  }
0x3d: {  	[tilespmem:s0], [sflag:$0x1] =	stream.linear.gather [hbm4b:s6+s0], $0x4000, $0x38;
	[tilespmem:$0x1D380] =	vst v63  }
0x3e: {  	s1 =	simm.s32 $0x0;
	_ =	swait.ge [sflag:s22], $0x4000  }
0x3f: {  	s5 =	sand.u32 $0x20, s0;
	s8 =	sand.u32 $0x3FFFFF80, s1;
	[sflag:s22] =	ssyncset.done $0x0  }
0x40: {  	s1 =	sor.u32 s5, s8;
	[sflag:s22] =	ssyncadd.s32 $0xFFFFC000  }
0x41: {  	[tilespmem:s23], [sflag:$0x2] =	stream.linear.gather [hbm4b:s9+s0], $0x4000, $0x38;
	[tilespmem:$0x1D380] =	vst v63  }
0x42: {  	v6 =	vld [tilespmem:s1+$0x0];
	_ =	sdelay $0x4  }
0x43: {  	vm0 =	vge.s32 v6, v0;
	vm1 =	vlt.s32 v6, v1  }
0x44: {  	vm0 =	vmand vm0, vm1  }
0x45: {  	v5 =	vmpcnt.ones.xlane vm0;
	_ =	sdelay $0x1  }
0x46: {  	(v2sf) =	vpush v5, $0x0  }
0x47: {  	p0 =	por $0x1, $0x1;
	s5 =	simm.s32 $0x0;
	s1 =	simm.s32 $0x0  }
0x48: {  	s16 =	simm.s32 $0x0;
	s5 =	simm.s32 @!p0 $0x7F0;
	s17 =	sand.u32 $0x2, s1  }
0x49: {  	s18 =	sshll.u32 s17, $0x4;
	[tilespmem:s5+$0x8000] =	vst.msk vm0, v6;
	v5 =	vmov s16  }
0x4a: {  	s8 =	sor.u32 s18, s8;
	[tilespmem:s5+$0x8800] =	vst.msk vm0, v5  }
0x4b: {  	v6 =	vld [tilespmem:s8+$0x10];
	_ =	sdelay $0x1  }
0x4c: {  	p0 =	seq.s32 s17, $0x0;
	s5 =	simm.s32 $0x10  }
0x4d: {  	s5 =	simm.s32 @!p0 $0x2  }
0x4e: {  	v7 =	vmov s5  }
0x4f: {  	vm0 =	vgt.u32 v7, v4;
	vm1 =	vge.s32 v6, v0  }
0x50: {  	vm0 =	vmand vm0, vm1;
	vm1 =	vlt.s32 v6, v1  }
0x51: {  	vm0 =	vmand vm1, vm0  }
0x52: {  	v7 =	vmpcnt.ones.xlane vm0;
	_ =	sdelay $0x1  }
0x53: {  	s31 =	spop (v2sf);
	(v2sf) =	vpush v7, $0x0;
	_ =	sdelay $0x3  }
0x54: {  	s5 =	sadd.s32 $0x0, s31  }
0x55: {  	p1 =	slt.s32 s5, $0x7F0  }
.LBB2_6:
0x56: {  	s8 =	smov.u32 s5  }
0x57: {  	s1 =	sadd.s32 $0x2, s1;
	s0 =	sadd.s32 $0x20, s0;
	s8 =	simm.s32 @!p1 $0x7F0  }
0x58: {  	s16 =	sshrl.u32 s1, $0x2;
	s17 =	sshll.u32 s1, $0x5;
	s18 =	sand.u32 $0x2, s1;
	[tilespmem:s8+$0x8000] =	vst.msk vm0, v6  }
0x59: {  	s31 =	sand.u32 $0x20, s0;
	s17 =	sand.u32 $0x3FFFFF80, s17;
	s3 =	sshll.u32 s18, $0x4;
	[tilespmem:s8+$0x8800] =	vst.msk vm0, v5  }
0x5a: {  	p0 =	seq.s32 s18, $0x0;
	s8 =	sor.u32 s31, s17;
	s3 =	sor.u32 s3, s17  }
0x5b: {  	v6 =	vld [tilespmem:s8+$0x0];
	s8 =	simm.s32 $0x10  }
0x5c: {  	s8 =	simm.s32 @!p0 $0x2;
	p0 =	slt.u32 s1, $0x1FE  }
0x5d: {  	v7 =	vmov s8;
	_ =	sdelay $0x1  }
0x5e: {  	s8 =	spop (v2sf)  }
0x5f: {  	s5 =	sadd.s32 s5, s8  }
0x60: {  	vm0 =	vge.s32 v6, v0;
	vm1 =	vlt.s32 v6, v1;
	p1 =	slt.s32 s5, $0x7F0;
	s8 =	smov.u32 s5  }
0x61: {  	vm0 =	vmand vm0, vm1;
	s8 =	simm.s32 @!p1 $0x7F0  }
0x62: {  	v5 =	vmov s16;
	v8 =	vmpcnt.ones.xlane vm0;
	[tilespmem:s8+$0x8000] =	vst.msk vm0, v6  }
0x63: {  	[tilespmem:s8+$0x8800] =	vst.msk vm0, v5  }
0x64: {  	v6 =	vld [tilespmem:s3+$0x10];
	(v2sf) =	vpush v8, $0x0;
	_ =	sdelay $0x4  }
0x65: {  	vm0 =	vgt.u32 v7, v4;
	vm1 =	vge.s32 v6, v0  }
0x66: {  	vm0 =	vmand vm0, vm1;
	vm1 =	vlt.s32 v6, v1  }
0x67: {  	vm0 =	vmand vm1, vm0  }
0x68: {  	v7 =	vmpcnt.ones.xlane vm0;
	_ =	sdelay $0x1  }
0x69: {  	(v2sf) =	vpush v7, $0x0;
	_ =	sdelay $0x2  }
.Ltmp4:
0x6a: {  	(pc) =	sbr.rel @p0 .LBB2_6-.Ltmp4, $4  }
0x6b: {  	_ = 	snop  }
0x6c: {  	s3 =	spop (v2sf)  }
0x6d: {  	s5 =	sadd.s32 s5, s3  }
0x6e: {  	p1 =	slt.s32 s5, $0x7F0  }
0x6f: {  	_ =	sdelay $0x3  }
0x70: {  	s0 =	smov.u32 s5  }
0x71: {  	s0 =	simm.s32 @!p1 $0x7F0  }
0x72: {  	[tilespmem:s0+$0x8000] =	vst.msk vm0, v6  }
0x73: {  	s3 =	simm.s32 $0x0;
	[tilespmem:s0+$0x8800] =	vst.msk vm0, v5;
	s1 =	spop (v2sf)  }
0x74: {  	s3 =	sand.u32 $0x3FFFFF80, s3;
	s0 =	simm.s32 $0x0;
	_ =	swait.ge [sflag:s24], $0x4000  }
0x75: {  	s3 =	sadd.s32 $0x4000, s3;
	s8 =	sand.u32 $0x20, s0;
	[sflag:s24] =	ssyncset.done $0x0  }
0x76: {  	s8 =	sor.u32 s8, s3;
	[sflag:s24] =	ssyncadd.s32 $0xFFFFC000  }
0x77: {  	[tilespmem:s0], [sflag:$0x2] =	stream.linear.gather [hbm4b:s10+s0], $0x4000, $0x38;
	[tilespmem:$0x1D380] =	vst v63  }
0x78: {  	v6 =	vld [tilespmem:s8+$0x0];
	_ =	sdelay $0x4  }
0x79: {  	vm0 =	vge.s32 v6, v0;
	vm1 =	vlt.s32 v6, v1  }
0x7a: {  	vm0 =	vmand vm0, vm1  }
0x7b: {  	v5 =	vmpcnt.ones.xlane vm0  }
0x7c: {  	s17 =	simm.s32 $0x0  }
0x7d: {  	s18 =	sadd.s32 s5, s1;
	(v2sf) =	vpush v5, $0x0;
	v5 =	vmov s17  }
0x7e: {  	s1 =	simm.s32 $0x0;
	p0 =	slt.s32 s18, $0x7F0;
	s8 =	smov.u32 s18;
	v5 =	vadd.s32 $0x80, v5  }
0x7f: {  	s16 =	sand.u32 $0x2, s1;
	s8 =	simm.s32 @!p0 $0x7F0;
	v5 =	vbroadcast v5, $0x0  }
0x80: {  	[tilespmem:s8+$0x8000] =	vst.msk vm0, v6;
	s17 =	sshll.u32 s16, $0x4  }
0x81: {  	s3 =	sor.u32 s17, s3;
	[tilespmem:s8+$0x8800] =	vst.msk vm0, v5  }
0x82: {  	v6 =	vld [tilespmem:s3+$0x10];
	_ =	sdelay $0x1  }
0x83: {  	p0 =	seq.s32 s16, $0x0;
	s3 =	simm.s32 $0x10  }
0x84: {  	s3 =	simm.s32 @!p0 $0x2  }
0x85: {  	v7 =	vmov s3  }
0x86: {  	vm0 =	vgt.u32 v7, v4;
	vm1 =	vge.s32 v6, v0  }
0x87: {  	vm0 =	vmand vm0, vm1;
	vm1 =	vlt.s32 v6, v1  }
0x88: {  	vm0 =	vmand vm1, vm0  }
0x89: {  	v7 =	vmpcnt.ones.xlane vm0;
	_ =	sdelay $0x1  }
0x8a: {  	s31 =	spop (v2sf);
	(v2sf) =	vpush v7, $0x0;
	_ =	sdelay $0x4  }
0x8b: {  	s5 =	sadd.s32 s18, s31  }
.LBB2_8:
0x8c: {  	s1 =	sadd.s32 $0x2, s1;
	p0 =	slt.s32 s5, $0x7F0  }
0x8d: {  	s16 =	smov.u32 s5;
	s0 =	sadd.s32 $0x20, s0;
	s8 =	sshll.u32 s1, $0x5  }
0x8e: {  	s3 =	sshrl.u32 s1, $0x2;
	s16 =	simm.s32 @!p0 $0x7F0;
	s8 =	sand.u32 $0x3FFFFF80, s8  }
0x8f: {  	s17 =	sand.u32 $0x20, s0;
	v7 =	vmov s3;
	s3 =	sand.u32 $0x2, s1;
	[tilespmem:s16+$0x8000] =	vst.msk vm0, v6;
	s8 =	sadd.s32 $0x4000, s8  }
0x90: {  	v6 =	vadd.s32 $0x80, v7;
	p0 =	seq.s32 s3, $0x0;
	[tilespmem:s16+$0x8800] =	vst.msk vm0, v5;
	s16 =	sor.u32 s17, s8;
	s17 =	simm.s32 $0x10  }
0x91: {  	s17 =	simm.s32 @!p0 $0x2;
	p0 =	slt.u32 s1, $0x1FE  }
0x92: {  	v7 =	vld [tilespmem:s16+$0x0];
	v8 =	vmov s17;
	_ =	sdelay $0x2  }
0x93: {  	s16 =	spop (v2sf)  }
0x94: {  	s5 =	sadd.s32 s5, s16  }
0x95: {  	vm0 =	vge.s32 v7, v0;
	vm1 =	vlt.s32 v7, v1;
	p1 =	slt.s32 s5, $0x7F0;
	s16 =	smov.u32 s5  }
0x96: {  	v5 =	vbroadcast v6, $0x0;
	vm0 =	vmand vm0, vm1;
	s16 =	simm.s32 @!p1 $0x7F0  }
0x97: {  	s3 =	sshll.u32 s3, $0x4;
	[tilespmem:s16+$0x8000] =	vst.msk vm0, v7;
	v7 =	vmpcnt.ones.xlane vm0  }
0x98: {  	s3 =	sor.u32 s3, s8;
	[tilespmem:s16+$0x8800] =	vst.msk vm0, v5  }
0x99: {  	v6 =	vld [tilespmem:s3+$0x10];
	(v2sf) =	vpush v7, $0x0;
	_ =	sdelay $0x4  }
0x9a: {  	vm0 =	vgt.u32 v8, v4;
	vm1 =	vge.s32 v6, v0  }
0x9b: {  	vm0 =	vmand vm0, vm1;
	vm1 =	vlt.s32 v6, v1  }
0x9c: {  	vm0 =	vmand vm1, vm0  }
0x9d: {  	v7 =	vmpcnt.ones.xlane vm0;
	_ =	sdelay $0x1  }
0x9e: {  	(v2sf) =	vpush v7, $0x0;
	_ =	sdelay $0x1  }
.Ltmp5:
0x9f: {  	(pc) =	sbr.rel @p0 .LBB2_8-.Ltmp5, $3  }
0xa0: {  	_ =	sdelay $0x1  }
0xa1: {  	s3 =	spop (v2sf)  }
0xa2: {  	s5 =	sadd.s32 s5, s3  }
0xa3: {  	_ =	sdelay $0x4  }
0xa4: {  	p0 =	slt.s32 s5, $0x7F0;
	s0 =	smov.u32 s5  }
0xa5: {  	s0 =	simm.s32 @!p0 $0x7F0  }
0xa6: {  	[tilespmem:s0+$0x8000] =	vst.msk vm0, v6  }
0xa7: {  	[tilespmem:s0+$0x8800] =	vst.msk vm0, v5;
	s1 =	spop (v2sf)  }
0xa8: {  	s3 =	simm.s32 $0x0;
	s0 =	simm.s32 $0x0;
	_ =	swait.ge [sflag:s24], $0x4000  }
0xa9: {  	s3 =	sand.u32 $0x3FFFFF80, s3;
	s8 =	sand.u32 $0x20, s0;
	[sflag:s24] =	ssyncset.done $0x0  }
0xaa: {  	s8 =	sor.u32 s8, s3;
	[sflag:s24] =	ssyncadd.s32 $0xFFFFC000  }
0xab: {  	[tilespmem:s23], [sflag:$0x2] =	stream.linear.gather [hbm4b:s11+s0], $0x4000, $0x38;
	[tilespmem:$0x1D380] =	vst v63  }
0xac: {  	v6 =	vld [tilespmem:s8+$0x0];
	_ =	sdelay $0x4  }
0xad: {  	vm0 =	vge.s32 v6, v0;
	vm1 =	vlt.s32 v6, v1  }
0xae: {  	vm0 =	vmand vm0, vm1  }
0xaf: {  	v5 =	vmpcnt.ones.xlane vm0  }
0xb0: {  	s17 =	simm.s32 $0x0  }
0xb1: {  	s18 =	sadd.s32 s5, s1;
	(v2sf) =	vpush v5, $0x0;
	v5 =	vmov s17  }
0xb2: {  	s1 =	simm.s32 $0x0;
	p0 =	slt.s32 s18, $0x7F0;
	s8 =	smov.u32 s18;
	v5 =	vadd.s32 $0x100, v5  }
0xb3: {  	s16 =	sand.u32 $0x2, s1;
	s8 =	simm.s32 @!p0 $0x7F0;
	v5 =	vbroadcast v5, $0x0  }
0xb4: {  	[tilespmem:s8+$0x8000] =	vst.msk vm0, v6;
	s17 =	sshll.u32 s16, $0x4  }
0xb5: {  	s3 =	sor.u32 s17, s3;
	[tilespmem:s8+$0x8800] =	vst.msk vm0, v5  }
0xb6: {  	v6 =	vld [tilespmem:s3+$0x10];
	_ =	sdelay $0x1  }
0xb7: {  	p0 =	seq.s32 s16, $0x0;
	s3 =	simm.s32 $0x10  }
0xb8: {  	s3 =	simm.s32 @!p0 $0x2  }
0xb9: {  	v7 =	vmov s3  }
0xba: {  	vm0 =	vgt.u32 v7, v4;
	vm1 =	vge.s32 v6, v0  }
0xbb: {  	vm0 =	vmand vm0, vm1;
	vm1 =	vlt.s32 v6, v1  }
0xbc: {  	vm0 =	vmand vm1, vm0  }
0xbd: {  	v7 =	vmpcnt.ones.xlane vm0;
	_ =	sdelay $0x1  }
0xbe: {  	s31 =	spop (v2sf);
	(v2sf) =	vpush v7, $0x0;
	_ =	sdelay $0x3  }
0xbf: {  	s5 =	sadd.s32 s18, s31  }
0xc0: {  	p1 =	slt.s32 s5, $0x7F0  }
.LBB2_10:
0xc1: {  	s3 =	smov.u32 s5  }
0xc2: {  	s1 =	sadd.s32 $0x2, s1;
	s0 =	sadd.s32 $0x20, s0;
	s3 =	simm.s32 @!p1 $0x7F0  }
0xc3: {  	s8 =	sshrl.u32 s1, $0x2;
	s16 =	sshll.u32 s1, $0x5;
	s17 =	sand.u32 $0x2, s1;
	[tilespmem:s3+$0x8000] =	vst.msk vm0, v6  }
0xc4: {  	s18 =	sand.u32 $0x20, s0;
	s16 =	sand.u32 $0x3FFFFF80, s16;
	v6 =	vmov s8;
	s8 =	sshll.u32 s17, $0x4;
	[tilespmem:s3+$0x8800] =	vst.msk vm0, v5  }
0xc5: {  	p0 =	seq.s32 s17, $0x0;
	s3 =	sor.u32 s18, s16;
	v5 =	vadd.s32 $0x100, v6;
	s8 =	sor.u32 s8, s16  }
0xc6: {  	v6 =	vld [tilespmem:s3+$0x0];
	s3 =	simm.s32 $0x10  }
0xc7: {  	s3 =	simm.s32 @!p0 $0x2;
	p0 =	slt.u32 s1, $0x1FE  }
0xc8: {  	v7 =	vmov s3;
	_ =	sdelay $0x1  }
0xc9: {  	s3 =	spop (v2sf)  }
0xca: {  	s3 =	sadd.s32 s5, s3  }
0xcb: {  	vm0 =	vge.s32 v6, v0;
	vm1 =	vlt.s32 v6, v1;
	p1 =	slt.s32 s3, $0x7F0;
	s5 =	smov.u32 s3  }
0xcc: {  	v5 =	vbroadcast v5, $0x0;
	vm0 =	vmand vm0, vm1;
	s5 =	simm.s32 @!p1 $0x7F0  }
0xcd: {  	v8 =	vmpcnt.ones.xlane vm0;
	[tilespmem:s5+$0x8000] =	vst.msk vm0, v6  }
0xce: {  	[tilespmem:s5+$0x8800] =	vst.msk vm0, v5  }
0xcf: {  	v6 =	vld [tilespmem:s8+$0x10];
	(v2sf) =	vpush v8, $0x0;
	_ =	sdelay $0x4  }
0xd0: {  	vm0 =	vgt.u32 v7, v4;
	vm1 =	vge.s32 v6, v0  }
0xd1: {  	vm0 =	vmand vm0, vm1;
	vm1 =	vlt.s32 v6, v1  }
0xd2: {  	vm0 =	vmand vm1, vm0  }
0xd3: {  	v7 =	vmpcnt.ones.xlane vm0;
	_ =	sdelay $0x1  }
0xd4: {  	(v2sf) =	vpush v7, $0x0;
	_ =	sdelay $0x2  }
.Ltmp6:
0xd5: {  	(pc) =	sbr.rel @p0 .LBB2_10-.Ltmp6, $4  }
0xd6: {  	_ = 	snop  }
0xd7: {  	s5 =	spop (v2sf)  }
0xd8: {  	s5 =	sadd.s32 s3, s5  }
0xd9: {  	p1 =	slt.s32 s5, $0x7F0  }
0xda: {  	_ =	sdelay $0x3  }
0xdb: {  	s0 =	smov.u32 s5  }
0xdc: {  	s0 =	simm.s32 @!p1 $0x7F0  }
0xdd: {  	[tilespmem:s0+$0x8000] =	vst.msk vm0, v6  }
0xde: {  	s3 =	simm.s32 $0x0;
	[tilespmem:s0+$0x8800] =	vst.msk vm0, v5;
	s1 =	spop (v2sf)  }
0xdf: {  	s3 =	sand.u32 $0x3FFFFF80, s3;
	s0 =	simm.s32 $0x0;
	_ =	swait.ge [sflag:s24], $0x4000  }
0xe0: {  	s3 =	sadd.s32 $0x4000, s3;
	s8 =	sand.u32 $0x20, s0;
	[sflag:s24] =	ssyncset.done $0x0  }
0xe1: {  	s8 =	sor.u32 s8, s3;
	[sflag:s24] =	ssyncadd.s32 $0xFFFFC000  }
0xe2: {  	[tilespmem:s0], [sflag:$0x2] =	stream.linear.gather [hbm4b:s12+s0], $0x4000, $0x38;
	[tilespmem:$0x1D380] =	vst v63  }
0xe3: {  	v6 =	vld [tilespmem:s8+$0x0];
	_ =	sdelay $0x4  }
0xe4: {  	vm0 =	vge.s32 v6, v0;
	vm1 =	vlt.s32 v6, v1  }
0xe5: {  	vm0 =	vmand vm0, vm1  }
0xe6: {  	v5 =	vmpcnt.ones.xlane vm0  }
0xe7: {  	s17 =	simm.s32 $0x0  }
0xe8: {  	s18 =	sadd.s32 s5, s1;
	(v2sf) =	vpush v5, $0x0;
	v5 =	vmov s17  }
0xe9: {  	s1 =	simm.s32 $0x0;
	p0 =	slt.s32 s18, $0x7F0;
	s8 =	smov.u32 s18;
	v5 =	vadd.s32 $0x180, v5  }
0xea: {  	s16 =	sand.u32 $0x2, s1;
	s8 =	simm.s32 @!p0 $0x7F0;
	v5 =	vbroadcast v5, $0x0  }
0xeb: {  	[tilespmem:s8+$0x8000] =	vst.msk vm0, v6;
	s17 =	sshll.u32 s16, $0x4  }
0xec: {  	s3 =	sor.u32 s17, s3;
	[tilespmem:s8+$0x8800] =	vst.msk vm0, v5  }
0xed: {  	v6 =	vld [tilespmem:s3+$0x10];
	_ =	sdelay $0x1  }
0xee: {  	p0 =	seq.s32 s16, $0x0;
	s3 =	simm.s32 $0x10  }
0xef: {  	s3 =	simm.s32 @!p0 $0x2  }
0xf0: {  	v7 =	vmov s3  }
0xf1: {  	vm0 =	vgt.u32 v7, v4;
	vm1 =	vge.s32 v6, v0  }
0xf2: {  	vm0 =	vmand vm0, vm1;
	vm1 =	vlt.s32 v6, v1  }
0xf3: {  	vm0 =	vmand vm1, vm0  }
0xf4: {  	v7 =	vmpcnt.ones.xlane vm0;
	_ =	sdelay $0x1  }
0xf5: {  	s31 =	spop (v2sf);
	(v2sf) =	vpush v7, $0x0;
	_ =	sdelay $0x4  }
0xf6: {  	s5 =	sadd.s32 s18, s31  }
.LBB2_12:
0xf7: {  	s1 =	sadd.s32 $0x2, s1;
	p0 =	slt.s32 s5, $0x7F0  }
0xf8: {  	s16 =	smov.u32 s5;
	s0 =	sadd.s32 $0x20, s0;
	s8 =	sshll.u32 s1, $0x5  }
0xf9: {  	s3 =	sshrl.u32 s1, $0x2;
	s16 =	simm.s32 @!p0 $0x7F0;
	s8 =	sand.u32 $0x3FFFFF80, s8  }
0xfa: {  	s17 =	sand.u32 $0x20, s0;
	v7 =	vmov s3;
	s3 =	sand.u32 $0x2, s1;
	[tilespmem:s16+$0x8000] =	vst.msk vm0, v6;
	s8 =	sadd.s32 $0x4000, s8  }
0xfb: {  	v6 =	vadd.s32 $0x180, v7;
	p0 =	seq.s32 s3, $0x0;
	[tilespmem:s16+$0x8800] =	vst.msk vm0, v5;
	s16 =	sor.u32 s17, s8;
	s17 =	simm.s32 $0x10  }
0xfc: {  	s17 =	simm.s32 @!p0 $0x2;
	p0 =	slt.u32 s1, $0x1FE  }
0xfd: {  	v7 =	vld [tilespmem:s16+$0x0];
	v8 =	vmov s17;
	_ =	sdelay $0x2  }
0xfe: {  	s16 =	spop (v2sf)  }
0xff: {  	s5 =	sadd.s32 s5, s16  }
0x100: {  	vm0 =	vge.s32 v7, v0;
	vm1 =	vlt.s32 v7, v1;
	p1 =	slt.s32 s5, $0x7F0;
	s16 =	smov.u32 s5  }
0x101: {  	v5 =	vbroadcast v6, $0x0;
	vm0 =	vmand vm0, vm1;
	s16 =	simm.s32 @!p1 $0x7F0  }
0x102: {  	s3 =	sshll.u32 s3, $0x4;
	[tilespmem:s16+$0x8000] =	vst.msk vm0, v7;
	v7 =	vmpcnt.ones.xlane vm0  }
0x103: {  	s3 =	sor.u32 s3, s8;
	[tilespmem:s16+$0x8800] =	vst.msk vm0, v5  }
0x104: {  	v6 =	vld [tilespmem:s3+$0x10];
	(v2sf) =	vpush v7, $0x0;
	_ =	sdelay $0x4  }
0x105: {  	vm0 =	vgt.u32 v8, v4;
	vm1 =	vge.s32 v6, v0  }
0x106: {  	vm0 =	vmand vm0, vm1;
	vm1 =	vlt.s32 v6, v1  }
0x107: {  	vm0 =	vmand vm1, vm0  }
0x108: {  	v7 =	vmpcnt.ones.xlane vm0;
	_ =	sdelay $0x1  }
0x109: {  	(v2sf) =	vpush v7, $0x0;
	_ =	sdelay $0x1  }
.Ltmp7:
0x10a: {  	(pc) =	sbr.rel @p0 .LBB2_12-.Ltmp7, $3  }
0x10b: {  	_ =	sdelay $0x1  }
0x10c: {  	s3 =	spop (v2sf)  }
0x10d: {  	s5 =	sadd.s32 s5, s3  }
0x10e: {  	_ =	sdelay $0x4  }
0x10f: {  	p0 =	slt.s32 s5, $0x7F0;
	s0 =	smov.u32 s5  }
0x110: {  	s0 =	simm.s32 @!p0 $0x7F0  }
0x111: {  	[tilespmem:s0+$0x8000] =	vst.msk vm0, v6  }
0x112: {  	[tilespmem:s0+$0x8800] =	vst.msk vm0, v5;
	s1 =	spop (v2sf)  }
0x113: {  	s3 =	simm.s32 $0x0;
	s0 =	simm.s32 $0x0;
	_ =	swait.ge [sflag:s24], $0x4000  }
0x114: {  	s3 =	sand.u32 $0x3FFFFF80, s3;
	s8 =	sand.u32 $0x20, s0;
	[sflag:s24] =	ssyncset.done $0x0  }
0x115: {  	s8 =	sor.u32 s8, s3;
	[sflag:s24] =	ssyncadd.s32 $0xFFFFC000  }
0x116: {  	[tilespmem:s23], [sflag:$0x2] =	stream.linear.gather [hbm4b:s13+s0], $0x4000, $0x38;
	[tilespmem:$0x1D380] =	vst v63  }
0x117: {  	v6 =	vld [tilespmem:s8+$0x0];
	_ =	sdelay $0x4  }
0x118: {  	vm0 =	vge.s32 v6, v0;
	vm1 =	vlt.s32 v6, v1  }
0x119: {  	vm0 =	vmand vm0, vm1  }
0x11a: {  	v5 =	vmpcnt.ones.xlane vm0  }
0x11b: {  	s17 =	simm.s32 $0x0  }
0x11c: {  	s5 =	sadd.s32 s5, s1;
	(v2sf) =	vpush v5, $0x0;
	v5 =	vmov s17  }
0x11d: {  	s1 =	simm.s32 $0x0;
	p0 =	slt.s32 s5, $0x7F0;
	s8 =	smov.u32 s5;
	v5 =	vadd.s32 $0x200, v5  }
0x11e: {  	s16 =	sand.u32 $0x2, s1;
	s8 =	simm.s32 @!p0 $0x7F0;
	v5 =	vbroadcast v5, $0x0  }
0x11f: {  	[tilespmem:s8+$0x8000] =	vst.msk vm0, v6;
	s17 =	sshll.u32 s16, $0x4  }
0x120: {  	s3 =	sor.u32 s17, s3;
	[tilespmem:s8+$0x8800] =	vst.msk vm0, v5  }
0x121: {  	v6 =	vld [tilespmem:s3+$0x10];
	_ =	sdelay $0x1  }
0x122: {  	p0 =	seq.s32 s16, $0x0;
	s3 =	simm.s32 $0x10  }
0x123: {  	s3 =	simm.s32 @!p0 $0x2  }
0x124: {  	v7 =	vmov s3  }
0x125: {  	vm0 =	vgt.u32 v7, v4;
	vm1 =	vge.s32 v6, v0  }
0x126: {  	vm0 =	vmand vm0, vm1;
	vm1 =	vlt.s32 v6, v1  }
0x127: {  	vm0 =	vmand vm1, vm0  }
0x128: {  	v7 =	vmpcnt.ones.xlane vm0;
	_ =	sdelay $0x1  }
0x129: {  	s18 =	spop (v2sf);
	(v2sf) =	vpush v7, $0x0;
	_ =	sdelay $0x3  }
0x12a: {  	s5 =	sadd.s32 s5, s18  }
0x12b: {  	s31 =	rddreg [dreg:$0x3];
	p1 =	slt.s32 s5, $0x7F0  }
.LBB2_14:
0x12c: {  	s3 =	smov.u32 s5  }
0x12d: {  	s1 =	sadd.s32 $0x2, s1;
	s0 =	sadd.s32 $0x20, s0;
	s3 =	simm.s32 @!p1 $0x7F0  }
0x12e: {  	s8 =	sshrl.u32 s1, $0x2;
	s16 =	sshll.u32 s1, $0x5;
	s17 =	sand.u32 $0x2, s1;
	[tilespmem:s3+$0x8000] =	vst.msk vm0, v6  }
0x12f: {  	s18 =	sand.u32 $0x20, s0;
	s16 =	sand.u32 $0x3FFFFF80, s16;
	v6 =	vmov s8;
	s8 =	sshll.u32 s17, $0x4;
	[tilespmem:s3+$0x8800] =	vst.msk vm0, v5  }
0x130: {  	p0 =	seq.s32 s17, $0x0;
	s3 =	sor.u32 s18, s16;
	v5 =	vadd.s32 $0x200, v6;
	s8 =	sor.u32 s8, s16  }
0x131: {  	v6 =	vld [tilespmem:s3+$0x0];
	s3 =	simm.s32 $0x10  }
0x132: {  	s3 =	simm.s32 @!p0 $0x2;
	p0 =	slt.u32 s1, $0x1FE  }
0x133: {  	v7 =	vmov s3;
	_ =	sdelay $0x1  }
0x134: {  	s3 =	spop (v2sf)  }
0x135: {  	s3 =	sadd.s32 s5, s3  }
0x136: {  	vm0 =	vge.s32 v6, v0;
	vm1 =	vlt.s32 v6, v1;
	p1 =	slt.s32 s3, $0x7F0;
	s5 =	smov.u32 s3  }
0x137: {  	v5 =	vbroadcast v5, $0x0;
	vm0 =	vmand vm0, vm1;
	s5 =	simm.s32 @!p1 $0x7F0  }
0x138: {  	v8 =	vmpcnt.ones.xlane vm0;
	[tilespmem:s5+$0x8000] =	vst.msk vm0, v6  }
0x139: {  	[tilespmem:s5+$0x8800] =	vst.msk vm0, v5  }
0x13a: {  	v6 =	vld [tilespmem:s8+$0x10];
	(v2sf) =	vpush v8, $0x0;
	_ =	sdelay $0x4  }
0x13b: {  	vm0 =	vgt.u32 v7, v4;
	vm1 =	vge.s32 v6, v0  }
0x13c: {  	vm0 =	vmand vm0, vm1;
	vm1 =	vlt.s32 v6, v1  }
0x13d: {  	vm0 =	vmand vm1, vm0  }
0x13e: {  	v7 =	vmpcnt.ones.xlane vm0;
	_ =	sdelay $0x1  }
0x13f: {  	(v2sf) =	vpush v7, $0x0;
	_ =	sdelay $0x2  }
.Ltmp8:
0x140: {  	(pc) =	sbr.rel @p0 .LBB2_14-.Ltmp8, $4  }
0x141: {  	_ = 	snop  }
0x142: {  	s5 =	spop (v2sf)  }
0x143: {  	s5 =	sadd.s32 s3, s5  }
0x144: {  	p1 =	slt.s32 s5, $0x7F0  }
0x145: {  	_ =	sdelay $0x3  }
0x146: {  	s0 =	smov.u32 s5  }
0x147: {  	s0 =	simm.s32 @!p1 $0x7F0  }
0x148: {  	[tilespmem:s0+$0x8000] =	vst.msk vm0, v6  }
0x149: {  	s3 =	simm.s32 $0x0;
	[tilespmem:s0+$0x8800] =	vst.msk vm0, v5;
	s1 =	spop (v2sf)  }
0x14a: {  	s3 =	sand.u32 $0x3FFFFF80, s3;
	s0 =	simm.s32 $0x0;
	_ =	swait.ge [sflag:s24], $0x4000  }
0x14b: {  	s3 =	sadd.s32 $0x4000, s3;
	s8 =	sand.u32 $0x20, s0;
	[sflag:s24] =	ssyncset.done $0x0  }
0x14c: {  	s8 =	sor.u32 s8, s3;
	[sflag:s24] =	ssyncadd.s32 $0xFFFFC000  }
0x14d: {  	[tilespmem:s0], [sflag:$0x2] =	stream.linear.gather [hbm4b:s14+s0], $0x4000, $0x38;
	[tilespmem:$0x1D380] =	vst v63  }
0x14e: {  	v6 =	vld [tilespmem:s8+$0x0];
	_ =	sdelay $0x4  }
0x14f: {  	vm0 =	vge.s32 v6, v0;
	vm1 =	vlt.s32 v6, v1  }
0x150: {  	vm0 =	vmand vm0, vm1  }
0x151: {  	v5 =	vmpcnt.ones.xlane vm0  }
0x152: {  	s17 =	simm.s32 $0x0  }
0x153: {  	s5 =	sadd.s32 s5, s1;
	(v2sf) =	vpush v5, $0x0;
	v5 =	vmov s17  }
0x154: {  	s1 =	simm.s32 $0x0;
	p0 =	slt.s32 s5, $0x7F0;
	s8 =	smov.u32 s5;
	v5 =	vadd.s32 $0x280, v5  }
0x155: {  	s16 =	sand.u32 $0x2, s1;
	s8 =	simm.s32 @!p0 $0x7F0;
	v5 =	vbroadcast v5, $0x0  }
0x156: {  	[tilespmem:s8+$0x8000] =	vst.msk vm0, v6;
	s17 =	sshll.u32 s16, $0x4  }
0x157: {  	s3 =	sor.u32 s17, s3;
	[tilespmem:s8+$0x8800] =	vst.msk vm0, v5  }
0x158: {  	v6 =	vld [tilespmem:s3+$0x10];
	_ =	sdelay $0x1  }
0x159: {  	p0 =	seq.s32 s16, $0x0;
	s3 =	simm.s32 $0x10  }
0x15a: {  	s3 =	simm.s32 @!p0 $0x2  }
0x15b: {  	v7 =	vmov s3  }
0x15c: {  	vm0 =	vgt.u32 v7, v4;
	vm1 =	vge.s32 v6, v0  }
0x15d: {  	vm0 =	vmand vm0, vm1;
	vm1 =	vlt.s32 v6, v1  }
0x15e: {  	vm0 =	vmand vm1, vm0  }
0x15f: {  	v7 =	vmpcnt.ones.xlane vm0;
	_ =	sdelay $0x1  }
0x160: {  	s18 =	spop (v2sf);
	(v2sf) =	vpush v7, $0x0;
	_ =	sdelay $0x4  }
0x161: {  	s5 =	sadd.s32 s5, s18  }
.LBB2_16:
0x162: {  	s1 =	sadd.s32 $0x2, s1;
	p0 =	slt.s32 s5, $0x7F0  }
0x163: {  	s16 =	smov.u32 s5;
	s0 =	sadd.s32 $0x20, s0;
	s8 =	sshll.u32 s1, $0x5  }
0x164: {  	s3 =	sshrl.u32 s1, $0x2;
	s16 =	simm.s32 @!p0 $0x7F0;
	s8 =	sand.u32 $0x3FFFFF80, s8  }
0x165: {  	s17 =	sand.u32 $0x20, s0;
	v7 =	vmov s3;
	s3 =	sand.u32 $0x2, s1;
	[tilespmem:s16+$0x8000] =	vst.msk vm0, v6;
	s8 =	sadd.s32 $0x4000, s8  }
0x166: {  	v6 =	vadd.s32 $0x280, v7;
	p0 =	seq.s32 s3, $0x0;
	[tilespmem:s16+$0x8800] =	vst.msk vm0, v5;
	s16 =	sor.u32 s17, s8;
	s17 =	simm.s32 $0x10  }
0x167: {  	s17 =	simm.s32 @!p0 $0x2;
	p0 =	slt.u32 s1, $0x1FE  }
0x168: {  	v7 =	vld [tilespmem:s16+$0x0];
	v8 =	vmov s17;
	_ =	sdelay $0x2  }
0x169: {  	s16 =	spop (v2sf)  }
0x16a: {  	s5 =	sadd.s32 s5, s16  }
0x16b: {  	vm0 =	vge.s32 v7, v0;
	vm1 =	vlt.s32 v7, v1;
	p1 =	slt.s32 s5, $0x7F0;
	s16 =	smov.u32 s5  }
0x16c: {  	v5 =	vbroadcast v6, $0x0;
	vm0 =	vmand vm0, vm1;
	s16 =	simm.s32 @!p1 $0x7F0  }
0x16d: {  	s3 =	sshll.u32 s3, $0x4;
	[tilespmem:s16+$0x8000] =	vst.msk vm0, v7;
	v7 =	vmpcnt.ones.xlane vm0  }
0x16e: {  	s3 =	sor.u32 s3, s8;
	[tilespmem:s16+$0x8800] =	vst.msk vm0, v5  }
0x16f: {  	v6 =	vld [tilespmem:s3+$0x10];
	(v2sf) =	vpush v7, $0x0;
	_ =	sdelay $0x4  }
0x170: {  	vm0 =	vgt.u32 v8, v4;
	vm1 =	vge.s32 v6, v0  }
0x171: {  	vm0 =	vmand vm0, vm1;
	vm1 =	vlt.s32 v6, v1  }
0x172: {  	vm0 =	vmand vm1, vm0  }
0x173: {  	v7 =	vmpcnt.ones.xlane vm0;
	_ =	sdelay $0x1  }
0x174: {  	(v2sf) =	vpush v7, $0x0;
	_ =	sdelay $0x1  }
.Ltmp9:
0x175: {  	(pc) =	sbr.rel @p0 .LBB2_16-.Ltmp9, $3  }
0x176: {  	_ =	sdelay $0x1  }
0x177: {  	s3 =	spop (v2sf)  }
0x178: {  	s5 =	sadd.s32 s5, s3  }
0x179: {  	_ =	sdelay $0x4  }
0x17a: {  	p0 =	slt.s32 s5, $0x7F0;
	s0 =	smov.u32 s5  }
0x17b: {  	s0 =	simm.s32 @!p0 $0x7F0  }
0x17c: {  	[tilespmem:s0+$0x8000] =	vst.msk vm0, v6  }
0x17d: {  	[tilespmem:s0+$0x8800] =	vst.msk vm0, v5;
	s1 =	spop (v2sf)  }
0x17e: {  	s3 =	simm.s32 $0x0;
	s0 =	simm.s32 $0x0;
	_ =	swait.ge [sflag:s24], $0x4000  }
0x17f: {  	s3 =	sand.u32 $0x3FFFFF80, s3;
	s8 =	sand.u32 $0x20, s0;
	[sflag:s24] =	ssyncset.done $0x0  }
0x180: {  	s8 =	sor.u32 s8, s3;
	[sflag:s24] =	ssyncadd.s32 $0xFFFFC000  }
0x181: {  	[tilespmem:s23], [sflag:$0x2] =	stream.linear.gather [hbm4b:s15+s0], $0x4000, $0x38;
	[tilespmem:$0x1D380] =	vst v63  }
0x182: {  	v6 =	vld [tilespmem:s8+$0x0];
	_ =	sdelay $0x4  }
0x183: {  	vm0 =	vge.s32 v6, v0;
	vm1 =	vlt.s32 v6, v1  }
0x184: {  	vm0 =	vmand vm0, vm1  }
0x185: {  	v5 =	vmpcnt.ones.xlane vm0  }
0x186: {  	s17 =	simm.s32 $0x0  }
0x187: {  	s5 =	sadd.s32 s5, s1;
	(v2sf) =	vpush v5, $0x0;
	v5 =	vmov s17  }
0x188: {  	s1 =	simm.s32 $0x0;
	p0 =	slt.s32 s5, $0x7F0;
	s8 =	smov.u32 s5;
	v5 =	vadd.s32 $0x300, v5  }
0x189: {  	s16 =	sand.u32 $0x2, s1;
	s8 =	simm.s32 @!p0 $0x7F0;
	v5 =	vbroadcast v5, $0x0  }
0x18a: {  	[tilespmem:s8+$0x8000] =	vst.msk vm0, v6;
	s17 =	sshll.u32 s16, $0x4  }
0x18b: {  	s3 =	sor.u32 s17, s3;
	[tilespmem:s8+$0x8800] =	vst.msk vm0, v5  }
0x18c: {  	v6 =	vld [tilespmem:s3+$0x10];
	_ =	sdelay $0x1  }
0x18d: {  	p0 =	seq.s32 s16, $0x0;
	s3 =	simm.s32 $0x10  }
0x18e: {  	s3 =	simm.s32 @!p0 $0x2  }
0x18f: {  	v7 =	vmov s3  }
0x190: {  	vm0 =	vgt.u32 v7, v4;
	vm1 =	vge.s32 v6, v0  }
0x191: {  	vm0 =	vmand vm0, vm1;
	vm1 =	vlt.s32 v6, v1  }
0x192: {  	vm0 =	vmand vm1, vm0  }
0x193: {  	v7 =	vmpcnt.ones.xlane vm0;
	_ =	sdelay $0x1  }
0x194: {  	s18 =	spop (v2sf);
	(v2sf) =	vpush v7, $0x0;
	_ =	sdelay $0x3  }
0x195: {  	s5 =	sadd.s32 s5, s18  }
0x196: {  	p1 =	slt.s32 s5, $0x7F0  }
.LBB2_18:
0x197: {  	s3 =	smov.u32 s5  }
0x198: {  	s1 =	sadd.s32 $0x2, s1;
	s0 =	sadd.s32 $0x20, s0;
	s3 =	simm.s32 @!p1 $0x7F0  }
0x199: {  	s8 =	sshrl.u32 s1, $0x2;
	s16 =	sshll.u32 s1, $0x5;
	s17 =	sand.u32 $0x2, s1;
	[tilespmem:s3+$0x8000] =	vst.msk vm0, v6  }
0x19a: {  	s18 =	sand.u32 $0x20, s0;
	s16 =	sand.u32 $0x3FFFFF80, s16;
	v6 =	vmov s8;
	s8 =	sshll.u32 s17, $0x4;
	[tilespmem:s3+$0x8800] =	vst.msk vm0, v5  }
0x19b: {  	p0 =	seq.s32 s17, $0x0;
	s3 =	sor.u32 s18, s16;
	v5 =	vadd.s32 $0x300, v6;
	s8 =	sor.u32 s8, s16  }
0x19c: {  	v6 =	vld [tilespmem:s3+$0x0];
	s3 =	simm.s32 $0x10  }
0x19d: {  	s3 =	simm.s32 @!p0 $0x2;
	p0 =	slt.u32 s1, $0x1FE  }
0x19e: {  	v7 =	vmov s3;
	_ =	sdelay $0x1  }
0x19f: {  	s3 =	spop (v2sf)  }
0x1a0: {  	s3 =	sadd.s32 s5, s3  }
0x1a1: {  	vm0 =	vge.s32 v6, v0;
	vm1 =	vlt.s32 v6, v1;
	p1 =	slt.s32 s3, $0x7F0;
	s5 =	smov.u32 s3  }
0x1a2: {  	v5 =	vbroadcast v5, $0x0;
	vm0 =	vmand vm0, vm1;
	s5 =	simm.s32 @!p1 $0x7F0  }
0x1a3: {  	v8 =	vmpcnt.ones.xlane vm0;
	[tilespmem:s5+$0x8000] =	vst.msk vm0, v6  }
0x1a4: {  	[tilespmem:s5+$0x8800] =	vst.msk vm0, v5  }
0x1a5: {  	v6 =	vld [tilespmem:s8+$0x10];
	(v2sf) =	vpush v8, $0x0;
	_ =	sdelay $0x4  }
0x1a6: {  	vm0 =	vgt.u32 v7, v4;
	vm1 =	vge.s32 v6, v0  }
0x1a7: {  	vm0 =	vmand vm0, vm1;
	vm1 =	vlt.s32 v6, v1  }
0x1a8: {  	vm0 =	vmand vm1, vm0  }
0x1a9: {  	v7 =	vmpcnt.ones.xlane vm0;
	_ =	sdelay $0x1  }
0x1aa: {  	(v2sf) =	vpush v7, $0x0;
	_ =	sdelay $0x2  }
.Ltmp10:
0x1ab: {  	(pc) =	sbr.rel @p0 .LBB2_18-.Ltmp10, $4  }
0x1ac: {  	_ = 	snop  }
0x1ad: {  	s5 =	spop (v2sf)  }
0x1ae: {  	s5 =	sadd.s32 s3, s5  }
0x1af: {  	p1 =	slt.s32 s5, $0x7F0  }
0x1b0: {  	_ =	sdelay $0x3  }
0x1b1: {  	s0 =	smov.u32 s5  }
0x1b2: {  	s0 =	simm.s32 @!p1 $0x7F0  }
0x1b3: {  	[tilespmem:s0+$0x8000] =	vst.msk vm0, v6  }
0x1b4: {  	s1 =	simm.s32 $0x0;
	[tilespmem:s0+$0x8800] =	vst.msk vm0, v5;
	s0 =	simm.s32 $0x0;
	s8 =	spop (v2sf)  }
0x1b5: {  	s1 =	sand.u32 $0x3FFFFF80, s1;
	s3 =	sand.u32 $0x20, s0;
	_ =	swait.ge [sflag:s24], $0x4000  }
0x1b6: {  	s5 =	sadd.s32 s5, s8;
	s8 =	sadd.s32 $0x4000, s1;
	[sflag:s24] =	ssyncset.done $0x0  }
0x1b7: {  	s1 =	sor.u32 s3, s8;
	[sflag:s24] =	ssyncadd.s32 $0xFFFFC000  }
0x1b8: {  	v6 =	vld [tilespmem:s1+$0x0];
	_ =	sdelay $0x4  }
0x1b9: {  	vm0 =	vge.s32 v6, v0;
	vm1 =	vlt.s32 v6, v1  }
0x1ba: {  	vm0 =	vmand vm0, vm1  }
0x1bb: {  	v5 =	vmpcnt.ones.xlane vm0  }
0x1bc: {  	s16 =	simm.s32 $0x0  }
0x1bd: {  	(v2sf) =	vpush v5, $0x0;
	v5 =	vmov s16  }
0x1be: {  	p0 =	slt.s32 s5, $0x7F0;
	s3 =	smov.u32 s5;
	s1 =	simm.s32 $0x0;
	v5 =	vadd.s32 $0x380, v5  }
0x1bf: {  	s3 =	simm.s32 @!p0 $0x7F0;
	s16 =	sand.u32 $0x2, s1;
	v5 =	vbroadcast v5, $0x0  }
0x1c0: {  	[tilespmem:s3+$0x8000] =	vst.msk vm0, v6;
	s17 =	sshll.u32 s16, $0x4  }
0x1c1: {  	s17 =	sor.u32 s17, s8;
	[tilespmem:s3+$0x8800] =	vst.msk vm0, v5  }
0x1c2: {  	v6 =	vld [tilespmem:s17+$0x10];
	_ =	sdelay $0x1  }
0x1c3: {  	p0 =	seq.s32 s16, $0x0;
	s3 =	simm.s32 $0x10  }
0x1c4: {  	s3 =	simm.s32 @!p0 $0x2  }
0x1c5: {  	v7 =	vmov s3  }
0x1c6: {  	vm0 =	vgt.u32 v7, v4;
	vm1 =	vge.s32 v6, v0  }
0x1c7: {  	vm0 =	vmand vm0, vm1;
	vm1 =	vlt.s32 v6, v1  }
0x1c8: {  	vm0 =	vmand vm1, vm0  }
0x1c9: {  	v7 =	vmpcnt.ones.xlane vm0;
	_ =	sdelay $0x1  }
0x1ca: {  	s18 =	spop (v2sf);
	(v2sf) =	vpush v7, $0x0;
	_ =	sdelay $0x4  }
0x1cb: {  	s5 =	sadd.s32 s5, s18  }
.LBB2_20:
0x1cc: {  	s1 =	sadd.s32 $0x2, s1;
	p0 =	slt.s32 s5, $0x7F0  }
0x1cd: {  	s16 =	smov.u32 s5;
	s0 =	sadd.s32 $0x20, s0;
	s8 =	sshll.u32 s1, $0x5  }
0x1ce: {  	s3 =	sshrl.u32 s1, $0x2;
	s16 =	simm.s32 @!p0 $0x7F0;
	s8 =	sand.u32 $0x3FFFFF80, s8  }
0x1cf: {  	s17 =	sand.u32 $0x20, s0;
	v7 =	vmov s3;
	s3 =	sand.u32 $0x2, s1;
	[tilespmem:s16+$0x8000] =	vst.msk vm0, v6;
	s8 =	sadd.s32 $0x4000, s8  }
0x1d0: {  	v6 =	vadd.s32 $0x380, v7;
	p0 =	seq.s32 s3, $0x0;
	[tilespmem:s16+$0x8800] =	vst.msk vm0, v5;
	s16 =	sor.u32 s17, s8;
	s17 =	simm.s32 $0x10  }
0x1d1: {  	s17 =	simm.s32 @!p0 $0x2;
	p0 =	slt.u32 s1, $0x1FE  }
0x1d2: {  	v7 =	vld [tilespmem:s16+$0x0];
	v8 =	vmov s17;
	_ =	sdelay $0x2  }
0x1d3: {  	s16 =	spop (v2sf)  }
0x1d4: {  	s5 =	sadd.s32 s5, s16  }
0x1d5: {  	vm0 =	vge.s32 v7, v0;
	vm1 =	vlt.s32 v7, v1;
	p1 =	slt.s32 s5, $0x7F0;
	s16 =	smov.u32 s5  }
0x1d6: {  	v5 =	vbroadcast v6, $0x0;
	vm0 =	vmand vm0, vm1;
	s16 =	simm.s32 @!p1 $0x7F0  }
0x1d7: {  	s3 =	sshll.u32 s3, $0x4;
	[tilespmem:s16+$0x8000] =	vst.msk vm0, v7;
	v7 =	vmpcnt.ones.xlane vm0  }
0x1d8: {  	s3 =	sor.u32 s3, s8;
	[tilespmem:s16+$0x8800] =	vst.msk vm0, v5  }
0x1d9: {  	v6 =	vld [tilespmem:s3+$0x10];
	(v2sf) =	vpush v7, $0x0;
	_ =	sdelay $0x4  }
0x1da: {  	vm0 =	vgt.u32 v8, v4;
	vm1 =	vge.s32 v6, v0  }
0x1db: {  	vm0 =	vmand vm0, vm1;
	vm1 =	vlt.s32 v6, v1  }
0x1dc: {  	vm0 =	vmand vm1, vm0  }
0x1dd: {  	v7 =	vmpcnt.ones.xlane vm0;
	_ =	sdelay $0x1  }
0x1de: {  	(v2sf) =	vpush v7, $0x0;
	_ =	sdelay $0x1  }
.Ltmp11:
0x1df: {  	(pc) =	sbr.rel @p0 .LBB2_20-.Ltmp11, $3  }
0x1e0: {  	_ =	sdelay $0x1  }
0x1e1: {  	s3 =	spop (v2sf)  }
0x1e2: {  	s5 =	sadd.s32 s5, s3  }
0x1e3: {  	_ =	sdelay $0x5  }
.Ltmp12:
0x1e4: {  	p0 =	slt.s32 s5, $0x7F0;
	s0 =	smov.u32 s5;
	(pc) =	sbr.rel .LBB2_22-.Ltmp12, $4  }
0x1e5: {  	s0 =	simm.s32 @!p0 $0x7F0  }
0x1e6: {  	[tilespmem:s0+$0x8000] =	vst.msk vm0, v6;
	s1 =	spop (v2sf)  }
0x1e7: {  	[tilespmem:s0+$0x8800] =	vst.msk vm0, v5;
	s0 =	sadd.s32 s5, s1  }
0x1e8: {  	s1 =	simm.s32 $0x0;
	v5 =	vmov s0  }
.LBB2_24:
0x1e9: {  	s1 =	sadd.s32 $0x1, s1  }
0x1ea: {  	p0 =	sne.s32 s1, $0x80  }
.Ltmp13:
0x1eb: {  	_ = 	snop;
	(pc) =	sbr.rel @!p0 .LBB2_25-.Ltmp13, $1  }
0x1ec: {  	_ =	sdelay $0x3  }
.LBB2_22:
0x1ed: {  	s3 =	sshll.u32 s1, $0x4  }
0x1ee: {  	v8 =	vld [tilespmem:s3+$0x8000];
	_ =	sdelay $0x4  }
0x1ef: {  	v6 =	vor.u32 s3, v4;
	v7 =	vsub.s32 v8, v0  }
0x1f0: {  	vm1 =	vlt.s32 v6, v5;
	v6 =	vshra.s32 v7, $0x5  }
0x1f1: {  	v6 =	vnsel vm1, $0x0, v6;
	_ =	sdelay $0x4  }
0x1f2: {  	v9 =	vld [tilespmem:s3+$0x8800];
	[tilespmem:v6+s25+$0x0] =	vst.idx.msk vm1, v4  }
0x1f3: {  	v7 =	vld.idx.msk [tilespmem:v6+s25+$0x0], $0xffff;
	_ =	sdelay $0x4  }
0x1f4: {  	vm0 =	veq.s32 v7, v4  }
0x1f5: {  	vm2 =	vmand vm1, vm0  }
0x1f6: {  	vm0 =	vmxor vm1, vm2  }
0x1f7: {  	v7 =	vsel vm0, $0x3F800000, v3  }
0x1f8: {  	(xrf0) =	vmax.scan.msk.f32 $0xffff, v7;
	_ =	sdelay $0x5  }
0x1f9: {  	v7, _, _ =	vpop (xrf0)  }
0x1fa: {  	(v2sf) =	vpush v7, $0xF;
	_ =	sdelay $0x7  }
0x1fb: {  	v10 =	vld.idx.msk [tilespmem:v6+s26+$0x0], $0xffff;
	_ =	sdelay $0x4  }
0x1fc: {  	vm3 =	vlt.s32 v10, $0x7F  }
0x1fd: {  	v11 =	vnsel vm3, $0x7F, v10;
	v7 =	vshll.u32 v6, $0x7  }
0x1fe: {  	v11 =	vadd.s32 v7, v11;
	s18 =	spop (v2sf)  }
0x1ff: {  	v8 =	vshll.u32 v8, $0xA;
	p0 =	sgt.f32 s18, $0.0e+00  }
.Ltmp14:
0x200: {  	v8 =	vand.u32 $0x7C00, v8;
	(pc) =	sbr.rel @!p0 .LBB2_24-.Ltmp14, $4  }
0x201: {  	v8 =	vnsel vm1, $0x0, v8  }
0x202: {  	v8 =	vadd.s32 v9, v8  }
0x203: {  	v9 =	vadd.s32 $0x1, v10;
	[tilespmem:v11+s28+$0x0] =	vst.idx.msk vm2, v8  }
0x204: {  	[tilespmem:v6+s26+$0x0] =	vst.idx.msk vm2, v9  }
.LBB2_23:
0x205: {  	[tilespmem:v6+s25+$0x0] =	vst.idx.msk vm0, v4  }
0x206: {  	v9 =	vld.idx.msk [tilespmem:v6+s25+$0x0], $0xffff;
	_ =	sdelay $0x4  }
0x207: {  	vm1 =	veq.s32 v9, v4  }
0x208: {  	vm1 =	vmand vm0, vm1  }
0x209: {  	vm0 =	vmxor vm0, vm1  }
0x20a: {  	v9 =	vsel vm0, $0x3F800000, v3  }
0x20b: {  	(xrf0) =	vmax.scan.msk.f32 $0xffff, v9;
	_ =	sdelay $0x5  }
0x20c: {  	v9, _, _ =	vpop (xrf0)  }
0x20d: {  	(v2sf) =	vpush v9, $0xF;
	_ =	sdelay $0x7  }
0x20e: {  	v9 =	vld.idx.msk [tilespmem:v6+s26+$0x0], $0xffff;
	_ =	sdelay $0x4  }
0x20f: {  	vm2 =	vlt.s32 v9, $0x7F  }
0x210: {  	v10 =	vnsel vm2, $0x7F, v9  }
0x211: {  	v10 =	vadd.s32 v7, v10;
	s3 =	spop (v2sf)  }
0x212: {  	p0 =	sgt.f32 s3, $0.0e+00  }
.Ltmp15:
0x213: {  	_ = 	snop;
	(pc) =	sbr.rel @p0 .LBB2_23-.Ltmp15, $3  }
0x214: {  	_ =	sdelay $0x1  }
0x215: {  	v9 =	vadd.s32 $0x1, v9;
	[tilespmem:v10+s28+$0x0] =	vst.idx.msk vm1, v8  }
0x216: {  	[tilespmem:v6+s26+$0x0] =	vst.idx.msk vm1, v9  }
.Ltmp16:
0x217: {  	_ = 	snop;
	(pc) =	sbr.rel .LBB2_24-.Ltmp16, $1  }
0x218: {  	_ =	sdelay $0x3  }
.LBB2_25:
0x219: {  	v5 =	vld [tilespmem:$0xC200]  }
0x21a: {  	v6 =	vld [tilespmem:$0xC210];
	_ =	sdelay $0x1  }
0x21b: {  	v7 =	vld [tilespmem:$0xC220];
	_ =	sdelay $0x1  }
0x21c: {  	v8 =	vld [tilespmem:$0xC230]  }
0x21d: {  	vm0 =	vgt.s32 v5, v6  }
0x21e: {  	v5 =	vsel vm0, v5, v6;
	v6 =	vld [tilespmem:$0xC240]  }
0x21f: {  	vm0 =	vgt.s32 v5, v7  }
0x220: {  	v5 =	vsel vm0, v5, v7;
	v7 =	vld [tilespmem:$0xC250]  }
0x221: {  	vm0 =	vgt.s32 v5, v8  }
0x222: {  	v63 =	vld [tilespmem:$0xC260];
	v5 =	vsel vm0, v5, v8  }
0x223: {  	vm0 =	vgt.s32 v5, v6  }
0x224: {  	v5 =	vsel vm0, v5, v6  }
0x225: {  	vm0 =	vgt.s32 v5, v7  }
0x226: {  	v5 =	vsel vm0, v5, v7  }
0x227: {  	vm0 =	vgt.s32 v5, v63  }
0x228: {  	v5 =	vsel vm0, v5, v63  }
0x229: {  	v5 =	vxor.u32 $0x80000000, v5  }
0x22a: {  	(xrf0) =	vmax.scan.msk.u32 $0xffff, v5;
	_ =	sdelay $0x5  }
0x22b: {  	v5, _, _ =	vpop (xrf0)  }
0x22c: {  	(v2sf) =	vpush v5, $0xF;
	_ =	sdelay $0xe  }
0x22d: {  	p0 =	sgt.s32 s0, $0x7F0;
	s0 =	spop (v2sf)  }
0x22e: {  	p1 =	sgt.u32 @!p0 s0, $0x80000080  }
0x22f: {  	p1 =	por p0, p1  }
.Ltmp17:
0x230: {  	_ = 	snop;
	(pc) =	sbr.rel @p1 .LBB2_32-.Ltmp17, $2  }
0x231: {  	_ =	sdelay $0x2  }
0x232: {  	s1 =	simm.s32 $0x0  }
.Ltmp18:
0x233: {  	(pc) =	sbr.rel .LBB2_27-.Ltmp18, $3  }
0x234: {  	_ =	sdelay $0x1  }
0x235: {  	s18 =	rddreg [dreg:$0x6]  }
0x236: {  	s0 =	simm.s32 $0x1;
	s16 =	simm.s32 $0x9080;
	s5 =	rddreg [dreg:$0x8]  }
.LBB2_31:
0x237: {  	s18 =	sadd.s32 $0xFFFFFFFF, s18  }
0x238: {  	p0 =	seq.s32 s18, $0x0  }
.Ltmp19:
0x239: {  	_ = 	snop;
	(pc) =	sbr.rel @p0 .LBB2_54-.Ltmp19, $3  }
0x23a: {  	_ =	sdelay $0x1  }
0x23b: {  	s5 =	sadd.s32 $0x10000, s5  }
0x23c: {  	s1 =	sadd.s32 $0x40, s1;
	s0 =	sadd.s32 $0x2, s0;
	s16 =	sadd.s32 $0x100, s16  }
.LBB2_27:
0x23d: {  	s3 =	sadd.s32 $0xFFFFFFFF, s0  }
0x23e: {  	v5 =	vmov s3  }
0x23f: {  	v5 =	vand.u32 $0xFFFFFFFE, v5  }
0x240: {  	v5 =	vbroadcast v5, $0x0;
	_ =	sdelay $0x5  }
0x241: {  	v12 =	vld.idx.msk [tilespmem:v5+s26+$0x0], $0xffff  }
0x242: {  	v5 =	vld [tilespmem:s16+$0xFFFFFF80];
	_ =	sdelay $0x3  }
0x243: {  	vm0 =	vgt.s32 v12, v4  }
0x244: {  	v5 =	vnsel vm0, $0x0, v5  }
0x245: {  	v6 =	vshra.s32 v5, $0xA;
	v8 =	vand.u32 $0x3FF, v5  }
0x246: {  	v7 =	vadd.s32 s1, v6;
	_ =	sdelay $0x3  }
0x247: {  	v8 =	vld.idx.msk [tilespmem:v8+s21+$0x0], $0xffff  }
0x248: {  	v7 =	vld.idx.msk [tilespmem:v7+s19+$0x0], $0xffff;
	_ =	sdelay $0x1  }
0x249: {  	v9 =	vshll.u32 v5, $0x3  }
0x24a: {  	v5 =	vand.u32 $0xFFFFE07F, v5;
	v9 =	vand.u32 $0x1C00, v9;
	v6 =	vshll.u32 v6, $0x7  }
0x24b: {  	v6 =	vand.u32 $0x380, v6;
	v5 =	vor.u32 v9, v5  }
0x24c: {  	v5 =	vor.u32 v6, v5;
	v7 =	vadd.f32 v8, v7;
	_ =	sdelay $0x1  }
0x24d: {  	v6 =	vmul.f32 $2.000000030e-01, v7;
	_ =	sdelay $0x1  }
0x24e: {  	v6 =	vmax.f32 v7, v6  }
0x24f: {  	[tilespmem:v5+s29+$0x0] =	vst.idx.msk vm0, v6  }
0x250: {  	v6 =	vld [tilespmem:s16+$0xFFFFFF90];
	_ =	sdelay $0x2  }
0x251: {  	v5 =	vor.u32 $0x10, v4  }
0x252: {  	vm1 =	vgt.s32 v12, v5  }
0x253: {  	v6 =	vnsel vm1, $0x0, v6  }
0x254: {  	v7 =	vshra.s32 v6, $0xA;
	v9 =	vand.u32 $0x3FF, v6  }
0x255: {  	v8 =	vadd.s32 s1, v7;
	_ =	sdelay $0x3  }
0x256: {  	v9 =	vld.idx.msk [tilespmem:v9+s21+$0x0], $0xffff  }
0x257: {  	v8 =	vld.idx.msk [tilespmem:v8+s19+$0x0], $0xffff;
	_ =	sdelay $0x1  }
0x258: {  	v10 =	vshll.u32 v6, $0x3  }
0x259: {  	v6 =	vand.u32 $0xFFFFE07F, v6;
	v10 =	vand.u32 $0x1C00, v10;
	v7 =	vshll.u32 v7, $0x7  }
0x25a: {  	v7 =	vand.u32 $0x380, v7;
	v6 =	vor.u32 v10, v6  }
0x25b: {  	v6 =	vor.u32 v7, v6;
	v8 =	vadd.f32 v9, v8;
	_ =	sdelay $0x1  }
0x25c: {  	v7 =	vmul.f32 $2.000000030e-01, v8;
	_ =	sdelay $0x1  }
0x25d: {  	v7 =	vmax.f32 v8, v7  }
0x25e: {  	[tilespmem:v6+s29+$0x0] =	vst.idx.msk vm1, v7  }
0x25f: {  	v7 =	vld [tilespmem:s16+$0xFFFFFFA0];
	_ =	sdelay $0x2  }
0x260: {  	v6 =	vor.u32 $0x20, v4  }
0x261: {  	vm2 =	vgt.s32 v12, v6  }
0x262: {  	v7 =	vnsel vm2, $0x0, v7  }
0x263: {  	v8 =	vshra.s32 v7, $0xA;
	v10 =	vand.u32 $0x3FF, v7  }
0x264: {  	v9 =	vadd.s32 s1, v8;
	_ =	sdelay $0x3  }
0x265: {  	v10 =	vld.idx.msk [tilespmem:v10+s21+$0x0], $0xffff  }
0x266: {  	v9 =	vld.idx.msk [tilespmem:v9+s19+$0x0], $0xffff;
	_ =	sdelay $0x1  }
0x267: {  	v11 =	vshll.u32 v7, $0x3  }
0x268: {  	v7 =	vand.u32 $0xFFFFE07F, v7;
	v11 =	vand.u32 $0x1C00, v11;
	v8 =	vshll.u32 v8, $0x7  }
0x269: {  	v8 =	vand.u32 $0x380, v8;
	v7 =	vor.u32 v11, v7  }
0x26a: {  	v7 =	vor.u32 v8, v7;
	v9 =	vadd.f32 v10, v9;
	_ =	sdelay $0x1  }
0x26b: {  	v8 =	vmul.f32 $2.000000030e-01, v9;
	_ =	sdelay $0x1  }
0x26c: {  	v8 =	vmax.f32 v9, v8  }
0x26d: {  	[tilespmem:v7+s29+$0x0] =	vst.idx.msk vm2, v8  }
0x26e: {  	v8 =	vld [tilespmem:s16+$0xFFFFFFB0];
	_ =	sdelay $0x2  }
0x26f: {  	v7 =	vor.u32 $0x30, v4  }
0x270: {  	vm3 =	vgt.s32 v12, v7  }
0x271: {  	v8 =	vnsel vm3, $0x0, v8  }
0x272: {  	v9 =	vshra.s32 v8, $0xA;
	v11 =	vand.u32 $0x3FF, v8  }
0x273: {  	v10 =	vadd.s32 s1, v9;
	_ =	sdelay $0x3  }
0x274: {  	v11 =	vld.idx.msk [tilespmem:v11+s21+$0x0], $0xffff  }
0x275: {  	v10 =	vld.idx.msk [tilespmem:v10+s19+$0x0], $0xffff;
	_ =	sdelay $0x1  }
0x276: {  	v13 =	vshll.u32 v8, $0x3  }
0x277: {  	v8 =	vand.u32 $0xFFFFE07F, v8;
	v13 =	vand.u32 $0x1C00, v13;
	v9 =	vshll.u32 v9, $0x7  }
0x278: {  	v9 =	vand.u32 $0x380, v9;
	v8 =	vor.u32 v13, v8  }
0x279: {  	v8 =	vor.u32 v9, v8;
	v10 =	vadd.f32 v11, v10;
	_ =	sdelay $0x1  }
0x27a: {  	v9 =	vmul.f32 $2.000000030e-01, v10;
	_ =	sdelay $0x1  }
0x27b: {  	v9 =	vmax.f32 v10, v9  }
0x27c: {  	[tilespmem:v8+s29+$0x0] =	vst.idx.msk vm3, v9  }
0x27d: {  	v9 =	vld [tilespmem:s16+$0xFFFFFFC0];
	_ =	sdelay $0x2  }
0x27e: {  	v8 =	vor.u32 $0x40, v4  }
0x27f: {  	vm4 =	vgt.s32 v12, v8  }
0x280: {  	v9 =	vnsel vm4, $0x0, v9  }
0x281: {  	v10 =	vshra.s32 v9, $0xA;
	v13 =	vand.u32 $0x3FF, v9  }
0x282: {  	v11 =	vadd.s32 s1, v10;
	_ =	sdelay $0x3  }
0x283: {  	v13 =	vld.idx.msk [tilespmem:v13+s21+$0x0], $0xffff  }
0x284: {  	v11 =	vld.idx.msk [tilespmem:v11+s19+$0x0], $0xffff;
	_ =	sdelay $0x1  }
0x285: {  	v14 =	vshll.u32 v9, $0x3  }
0x286: {  	v9 =	vand.u32 $0xFFFFE07F, v9;
	v14 =	vand.u32 $0x1C00, v14;
	v10 =	vshll.u32 v10, $0x7  }
0x287: {  	v10 =	vand.u32 $0x380, v10;
	v9 =	vor.u32 v14, v9  }
0x288: {  	v9 =	vor.u32 v10, v9;
	v11 =	vadd.f32 v13, v11;
	_ =	sdelay $0x1  }
0x289: {  	v10 =	vmul.f32 $2.000000030e-01, v11;
	_ =	sdelay $0x1  }
0x28a: {  	v10 =	vmax.f32 v11, v10  }
0x28b: {  	[tilespmem:v9+s29+$0x0] =	vst.idx.msk vm4, v10  }
0x28c: {  	v10 =	vld [tilespmem:s16+$0xFFFFFFD0];
	_ =	sdelay $0x2  }
0x28d: {  	v9 =	vor.u32 $0x50, v4  }
0x28e: {  	vm5 =	vgt.s32 v12, v9  }
0x28f: {  	v10 =	vnsel vm5, $0x0, v10  }
0x290: {  	v11 =	vshra.s32 v10, $0xA;
	v14 =	vand.u32 $0x3FF, v10  }
0x291: {  	v13 =	vadd.s32 s1, v11;
	_ =	sdelay $0x3  }
0x292: {  	v14 =	vld.idx.msk [tilespmem:v14+s21+$0x0], $0xffff  }
0x293: {  	v13 =	vld.idx.msk [tilespmem:v13+s19+$0x0], $0xffff;
	_ =	sdelay $0x1  }
0x294: {  	v15 =	vshll.u32 v10, $0x3  }
0x295: {  	v10 =	vand.u32 $0xFFFFE07F, v10;
	v15 =	vand.u32 $0x1C00, v15;
	v11 =	vshll.u32 v11, $0x7  }
0x296: {  	v11 =	vand.u32 $0x380, v11;
	v10 =	vor.u32 v15, v10  }
0x297: {  	v10 =	vor.u32 v11, v10;
	v13 =	vadd.f32 v14, v13;
	_ =	sdelay $0x1  }
0x298: {  	v11 =	vmul.f32 $2.000000030e-01, v13;
	_ =	sdelay $0x1  }
0x299: {  	v11 =	vmax.f32 v13, v11  }
0x29a: {  	[tilespmem:v10+s29+$0x0] =	vst.idx.msk vm5, v11  }
0x29b: {  	v11 =	vld [tilespmem:s16+$0xFFFFFFE0];
	_ =	sdelay $0x2  }
0x29c: {  	v10 =	vor.u32 $0x60, v4  }
0x29d: {  	vm6 =	vgt.s32 v12, v10  }
0x29e: {  	v11 =	vnsel vm6, $0x0, v11  }
0x29f: {  	v13 =	vshra.s32 v11, $0xA;
	v15 =	vand.u32 $0x3FF, v11  }
0x2a0: {  	v14 =	vadd.s32 s1, v13;
	_ =	sdelay $0x3  }
0x2a1: {  	v15 =	vld.idx.msk [tilespmem:v15+s21+$0x0], $0xffff  }
0x2a2: {  	v14 =	vld.idx.msk [tilespmem:v14+s19+$0x0], $0xffff;
	_ =	sdelay $0x1  }
0x2a3: {  	v16 =	vshll.u32 v11, $0x3  }
0x2a4: {  	v11 =	vand.u32 $0xFFFFE07F, v11;
	v16 =	vand.u32 $0x1C00, v16;
	v13 =	vshll.u32 v13, $0x7  }
0x2a5: {  	v13 =	vand.u32 $0x380, v13;
	v11 =	vor.u32 v16, v11  }
0x2a6: {  	v11 =	vor.u32 v13, v11;
	v14 =	vadd.f32 v15, v14;
	_ =	sdelay $0x1  }
0x2a7: {  	v13 =	vmul.f32 $2.000000030e-01, v14;
	_ =	sdelay $0x1  }
0x2a8: {  	v13 =	vmax.f32 v14, v13  }
0x2a9: {  	[tilespmem:v11+s29+$0x0] =	vst.idx.msk vm6, v13  }
0x2aa: {  	v13 =	vld [tilespmem:s16+$0xFFFFFFF0];
	_ =	sdelay $0x2  }
0x2ab: {  	v11 =	vor.u32 $0x70, v4  }
0x2ac: {  	vm7 =	vgt.s32 v12, v11  }
0x2ad: {  	v12 =	vnsel vm7, $0x0, v13  }
0x2ae: {  	v13 =	vshra.s32 v12, $0xA;
	v15 =	vand.u32 $0x3FF, v12  }
0x2af: {  	v14 =	vadd.s32 s1, v13;
	_ =	sdelay $0x3  }
0x2b0: {  	v15 =	vld.idx.msk [tilespmem:v15+s21+$0x0], $0xffff  }
0x2b1: {  	v14 =	vld.idx.msk [tilespmem:v14+s19+$0x0], $0xffff;
	_ =	sdelay $0x1  }
0x2b2: {  	v63 =	vshll.u32 v12, $0x3  }
0x2b3: {  	v12 =	vand.u32 $0xFFFFE07F, v12;
	v16 =	vand.u32 $0x1C00, v63;
	v13 =	vshll.u32 v13, $0x7  }
0x2b4: {  	v12 =	vor.u32 v16, v12;
	v13 =	vand.u32 $0x380, v13  }
0x2b5: {  	v12 =	vor.u32 v13, v12;
	v14 =	vadd.f32 v15, v14  }
0x2b6: {  	p0 =	sge.u32 s0, s7  }
.Ltmp20:
0x2b7: {  	v13 =	vmul.f32 $2.000000030e-01, v14;
	(pc) =	sbr.rel @p0 .LBB2_29-.Ltmp20, $4  }
0x2b8: {  	_ = 	snop  }
0x2b9: {  	s31 =	sshrl.u32 s5, $0x3;
	v13 =	vmax.f32 v14, v13  }
0x2ba: {  	s3 =	sadd.s32 s2, s31;
	[tilespmem:v12+s29+$0x0] =	vst.idx.msk vm7, v13  }
0x2bb: {  	v12 =	vmov s0;
	[hbm4b:s3+s4] =	stream.linear.scatter [tilespmem:s29], [sflag:$0x1], $0x8000, $0x38;
	[tilespmem:$0x1D380] =	vst v63  }
0x2bc: {  	_ =	sdelay $0x3  }
0x2bd: {  	v13 =	vld.idx.msk [tilespmem:v12+s26+$0x0], $0xffff  }
0x2be: {  	v14 =	vld [tilespmem:s16+$0x0];
	_ =	sdelay $0x3  }
0x2bf: {  	vm8 =	vgt.s32 v13, v4  }
0x2c0: {  	v14 =	vnsel vm8, $0x0, v14  }
0x2c1: {  	s8 =	sadd.s32 $0x20, s1;
	v15 =	vshra.s32 v14, $0xA;
	v17 =	vand.u32 $0x3FF, v14  }
0x2c2: {  	v16 =	vadd.s32 s8, v15;
	_ =	sdelay $0x3  }
0x2c3: {  	v17 =	vld.idx.msk [tilespmem:v17+s21+$0x0], $0xffff  }
0x2c4: {  	v16 =	vld.idx.msk [tilespmem:v16+s19+$0x0], $0xffff;
	_ =	sdelay $0x1  }
0x2c5: {  	v18 =	vshll.u32 v14, $0x3  }
0x2c6: {  	v14 =	vand.u32 $0xFFFFE07F, v14;
	v18 =	vand.u32 $0x1C00, v18;
	v15 =	vshll.u32 v15, $0x7  }
0x2c7: {  	v15 =	vand.u32 $0x380, v15;
	v14 =	vor.u32 v18, v14  }
0x2c8: {  	v14 =	vor.u32 v15, v14;
	v16 =	vadd.f32 v17, v16;
	_ =	sdelay $0x1  }
0x2c9: {  	v15 =	vmul.f32 $2.000000030e-01, v16;
	_ =	sdelay $0x1  }
0x2ca: {  	v15 =	vmax.f32 v16, v15  }
0x2cb: {  	[tilespmem:v14+s30+$0x0] =	vst.idx.msk vm8, v15  }
0x2cc: {  	v14 =	vld [tilespmem:s16+$0x10];
	_ =	sdelay $0x3  }
0x2cd: {  	vm8 =	vgt.s32 v13, v5  }
0x2ce: {  	v14 =	vnsel vm8, $0x0, v14  }
0x2cf: {  	v15 =	vshra.s32 v14, $0xA;
	v45 =	vand.u32 $0x3FF, v14  }
0x2d0: {  	v44 =	vadd.s32 s8, v15;
	_ =	sdelay $0x3  }
0x2d1: {  	v17 =	vld.idx.msk [tilespmem:v45+s21+$0x0], $0xffff  }
0x2d2: {  	v16 =	vld.idx.msk [tilespmem:v44+s19+$0x0], $0xffff;
	_ =	sdelay $0x1  }
0x2d3: {  	v46 =	vshll.u32 v14, $0x3  }
0x2d4: {  	v14 =	vand.u32 $0xFFFFE07F, v14;
	v18 =	vand.u32 $0x1C00, v46;
	v15 =	vshll.u32 v15, $0x7  }
0x2d5: {  	v15 =	vand.u32 $0x380, v15;
	v14 =	vor.u32 v18, v14  }
0x2d6: {  	v14 =	vor.u32 v15, v14;
	v16 =	vadd.f32 v17, v16;
	_ =	sdelay $0x1  }
0x2d7: {  	v15 =	vmul.f32 $2.000000030e-01, v16;
	_ =	sdelay $0x1  }
0x2d8: {  	v15 =	vmax.f32 v16, v15  }
0x2d9: {  	[tilespmem:v14+s30+$0x0] =	vst.idx.msk vm8, v15  }
0x2da: {  	v14 =	vld [tilespmem:s16+$0x20];
	_ =	sdelay $0x3  }
0x2db: {  	vm8 =	vgt.s32 v13, v6  }
0x2dc: {  	v14 =	vnsel vm8, $0x0, v14  }
0x2dd: {  	v15 =	vshra.s32 v14, $0xA;
	v48 =	vand.u32 $0x3FF, v14  }
0x2de: {  	v47 =	vadd.s32 s8, v15;
	_ =	sdelay $0x3  }
0x2df: {  	v17 =	vld.idx.msk [tilespmem:v48+s21+$0x0], $0xffff  }
0x2e0: {  	v16 =	vld.idx.msk [tilespmem:v47+s19+$0x0], $0xffff;
	_ =	sdelay $0x1  }
0x2e1: {  	v49 =	vshll.u32 v14, $0x3  }
0x2e2: {  	v14 =	vand.u32 $0xFFFFE07F, v14;
	v18 =	vand.u32 $0x1C00, v49;
	v15 =	vshll.u32 v15, $0x7  }
0x2e3: {  	v15 =	vand.u32 $0x380, v15;
	v14 =	vor.u32 v18, v14  }
0x2e4: {  	v14 =	vor.u32 v15, v14;
	v16 =	vadd.f32 v17, v16;
	_ =	sdelay $0x1  }
0x2e5: {  	v15 =	vmul.f32 $2.000000030e-01, v16;
	_ =	sdelay $0x1  }
0x2e6: {  	v15 =	vmax.f32 v16, v15  }
0x2e7: {  	[tilespmem:v14+s30+$0x0] =	vst.idx.msk vm8, v15  }
0x2e8: {  	v14 =	vld [tilespmem:s16+$0x30];
	_ =	sdelay $0x3  }
0x2e9: {  	vm8 =	vgt.s32 v13, v7  }
0x2ea: {  	v14 =	vnsel vm8, $0x0, v14  }
0x2eb: {  	v15 =	vshra.s32 v14, $0xA;
	v51 =	vand.u32 $0x3FF, v14  }
0x2ec: {  	v50 =	vadd.s32 s8, v15;
	_ =	sdelay $0x3  }
0x2ed: {  	v17 =	vld.idx.msk [tilespmem:v51+s21+$0x0], $0xffff  }
0x2ee: {  	v16 =	vld.idx.msk [tilespmem:v50+s19+$0x0], $0xffff;
	_ =	sdelay $0x1  }
0x2ef: {  	v52 =	vshll.u32 v14, $0x3  }
0x2f0: {  	v14 =	vand.u32 $0xFFFFE07F, v14;
	v18 =	vand.u32 $0x1C00, v52;
	v15 =	vshll.u32 v15, $0x7  }
0x2f1: {  	v15 =	vand.u32 $0x380, v15;
	v14 =	vor.u32 v18, v14  }
0x2f2: {  	v14 =	vor.u32 v15, v14;
	v16 =	vadd.f32 v17, v16;
	_ =	sdelay $0x1  }
0x2f3: {  	v15 =	vmul.f32 $2.000000030e-01, v16;
	_ =	sdelay $0x1  }
0x2f4: {  	v15 =	vmax.f32 v16, v15  }
0x2f5: {  	[tilespmem:v14+s30+$0x0] =	vst.idx.msk vm8, v15  }
0x2f6: {  	v14 =	vld [tilespmem:s16+$0x40];
	_ =	sdelay $0x3  }
0x2f7: {  	vm8 =	vgt.s32 v13, v8  }
0x2f8: {  	v14 =	vnsel vm8, $0x0, v14  }
0x2f9: {  	v15 =	vshra.s32 v14, $0xA;
	v54 =	vand.u32 $0x3FF, v14  }
0x2fa: {  	v53 =	vadd.s32 s8, v15;
	_ =	sdelay $0x3  }
0x2fb: {  	v17 =	vld.idx.msk [tilespmem:v54+s21+$0x0], $0xffff  }
0x2fc: {  	v16 =	vld.idx.msk [tilespmem:v53+s19+$0x0], $0xffff;
	_ =	sdelay $0x1  }
0x2fd: {  	v55 =	vshll.u32 v14, $0x3  }
0x2fe: {  	v14 =	vand.u32 $0xFFFFE07F, v14;
	v18 =	vand.u32 $0x1C00, v55;
	v15 =	vshll.u32 v15, $0x7  }
0x2ff: {  	v15 =	vand.u32 $0x380, v15;
	v14 =	vor.u32 v18, v14  }
0x300: {  	v14 =	vor.u32 v15, v14;
	v16 =	vadd.f32 v17, v16;
	_ =	sdelay $0x1  }
0x301: {  	v15 =	vmul.f32 $2.000000030e-01, v16;
	_ =	sdelay $0x1  }
0x302: {  	v15 =	vmax.f32 v16, v15  }
0x303: {  	[tilespmem:v14+s30+$0x0] =	vst.idx.msk vm8, v15  }
0x304: {  	v14 =	vld [tilespmem:s16+$0x50];
	_ =	sdelay $0x3  }
0x305: {  	vm8 =	vgt.s32 v13, v9  }
0x306: {  	v14 =	vnsel vm8, $0x0, v14  }
0x307: {  	v15 =	vshra.s32 v14, $0xA;
	v57 =	vand.u32 $0x3FF, v14  }
0x308: {  	v56 =	vadd.s32 s8, v15;
	_ =	sdelay $0x3  }
0x309: {  	v17 =	vld.idx.msk [tilespmem:v57+s21+$0x0], $0xffff  }
0x30a: {  	v16 =	vld.idx.msk [tilespmem:v56+s19+$0x0], $0xffff;
	_ =	sdelay $0x1  }
0x30b: {  	v58 =	vshll.u32 v14, $0x3  }
0x30c: {  	v14 =	vand.u32 $0xFFFFE07F, v14;
	v18 =	vand.u32 $0x1C00, v58;
	v15 =	vshll.u32 v15, $0x7  }
0x30d: {  	v15 =	vand.u32 $0x380, v15;
	v14 =	vor.u32 v18, v14  }
0x30e: {  	v14 =	vor.u32 v15, v14;
	v16 =	vadd.f32 v17, v16;
	_ =	sdelay $0x1  }
0x30f: {  	v15 =	vmul.f32 $2.000000030e-01, v16;
	_ =	sdelay $0x1  }
0x310: {  	v15 =	vmax.f32 v16, v15  }
0x311: {  	[tilespmem:v14+s30+$0x0] =	vst.idx.msk vm8, v15  }
0x312: {  	v14 =	vld [tilespmem:s16+$0x60];
	_ =	sdelay $0x3  }
0x313: {  	vm8 =	vgt.s32 v13, v10  }
0x314: {  	v14 =	vnsel vm8, $0x0, v14  }
0x315: {  	v15 =	vshra.s32 v14, $0xA;
	v60 =	vand.u32 $0x3FF, v14  }
0x316: {  	v59 =	vadd.s32 s8, v15;
	_ =	sdelay $0x3  }
0x317: {  	v17 =	vld.idx.msk [tilespmem:v60+s21+$0x0], $0xffff  }
0x318: {  	v16 =	vld.idx.msk [tilespmem:v59+s19+$0x0], $0xffff;
	_ =	sdelay $0x1  }
0x319: {  	v61 =	vshll.u32 v14, $0x3  }
0x31a: {  	v14 =	vand.u32 $0xFFFFE07F, v14;
	v18 =	vand.u32 $0x1C00, v61;
	v15 =	vshll.u32 v15, $0x7  }
0x31b: {  	v14 =	vor.u32 v18, v14;
	v15 =	vand.u32 $0x380, v15  }
0x31c: {  	v14 =	vor.u32 v15, v14;
	v16 =	vadd.f32 v17, v16;
	_ =	sdelay $0x1  }
0x31d: {  	v15 =	vmul.f32 $2.000000030e-01, v16;
	_ =	sdelay $0x1  }
0x31e: {  	v15 =	vmax.f32 v16, v15  }
0x31f: {  	[tilespmem:v14+s30+$0x0] =	vst.idx.msk vm8, v15  }
0x320: {  	v14 =	vld [tilespmem:s16+$0x70];
	_ =	sdelay $0x3  }
0x321: {  	vm8 =	vgt.s32 v13, v11  }
0x322: {  	v13 =	vnsel vm8, $0x0, v14  }
0x323: {  	v14 =	vshra.s32 v13, $0xA;
	v62 =	vand.u32 $0x3FF, v13  }
0x324: {  	v15 =	vadd.s32 s8, v14;
	_ =	sdelay $0x3  }
0x325: {  	v16 =	vld.idx.msk [tilespmem:v62+s21+$0x0], $0xffff  }
0x326: {  	v15 =	vld.idx.msk [tilespmem:v15+s19+$0x0], $0xffff;
	_ =	sdelay $0x1  }
0x327: {  	v63 =	vshll.u32 v13, $0x3  }
0x328: {  	v13 =	vand.u32 $0xFFFFE07F, v13;
	v17 =	vand.u32 $0x1C00, v63;
	v14 =	vshll.u32 v14, $0x7  }
0x329: {  	v14 =	vand.u32 $0x380, v14;
	v13 =	vor.u32 v17, v13  }
0x32a: {  	v13 =	vor.u32 v14, v13;
	v15 =	vadd.f32 v16, v15;
	_ =	sdelay $0x1  }
0x32b: {  	v14 =	vmul.f32 $2.000000030e-01, v15  }
0x32c: {  	s3 =	sadd.s32 $0x8000, s5  }
0x32d: {  	s3 =	sshrl.u32 s3, $0x3;
	v14 =	vmax.f32 v15, v14  }
0x32e: {  	s3 =	sadd.s32 s2, s3;
	[tilespmem:v13+s30+$0x0] =	vst.idx.msk vm8, v14  }
0x32f: {  	[hbm4b:s3+s4] =	stream.linear.scatter [tilespmem:s30], [sflag:$0x2], $0x8000, $0x38;
	[tilespmem:$0x1D380] =	vst v63  }
.LBB2_29:
0x330: {  	_ =	swait.ge [sflag:s22], $0x8000  }
0x331: {  	[sflag:s22] =	ssyncset.done $0x0  }
0x332: {  	[sflag:s22] =	ssyncadd.s32 $0xFFFF8000  }
0x333: {  	v13 =	vld [tilespmem:s16+$0xFFFFFF80];
	_ =	sdelay $0x4  }
0x334: {  	v13 =	vnsel vm0, $0x0, v13  }
0x335: {  	v14 =	vshll.u32 v13, $0x3  }
0x336: {  	v15 =	vshrl.u32 v13, $0x3;
	v13 =	vand.u32 $0xFFFFE07F, v13;
	v14 =	vand.u32 $0x1C00, v14  }
0x337: {  	v15 =	vand.u32 $0x380, v15;
	v13 =	vor.u32 v14, v13  }
0x338: {  	v13 =	vor.u32 v15, v13;
	_ =	sdelay $0x4  }
0x339: {  	[tilespmem:v13+s29+$0x0] =	vst.idx.msk vm0, v3  }
0x33a: {  	v13 =	vld [tilespmem:s16+$0xFFFFFF90];
	_ =	sdelay $0x4  }
0x33b: {  	v13 =	vnsel vm1, $0x0, v13  }
0x33c: {  	v14 =	vshll.u32 v13, $0x3  }
0x33d: {  	v15 =	vshrl.u32 v13, $0x3;
	v13 =	vand.u32 $0xFFFFE07F, v13;
	v14 =	vand.u32 $0x1C00, v14  }
0x33e: {  	v15 =	vand.u32 $0x380, v15;
	v13 =	vor.u32 v14, v13  }
0x33f: {  	v13 =	vor.u32 v15, v13;
	_ =	sdelay $0x4  }
0x340: {  	[tilespmem:v13+s29+$0x0] =	vst.idx.msk vm1, v3  }
0x341: {  	v13 =	vld [tilespmem:s16+$0xFFFFFFA0];
	_ =	sdelay $0x4  }
0x342: {  	v13 =	vnsel vm2, $0x0, v13  }
0x343: {  	v14 =	vshll.u32 v13, $0x3  }
0x344: {  	v15 =	vshrl.u32 v13, $0x3;
	v13 =	vand.u32 $0xFFFFE07F, v13;
	v14 =	vand.u32 $0x1C00, v14  }
0x345: {  	v15 =	vand.u32 $0x380, v15;
	v13 =	vor.u32 v14, v13  }
0x346: {  	v13 =	vor.u32 v15, v13;
	_ =	sdelay $0x4  }
0x347: {  	[tilespmem:v13+s29+$0x0] =	vst.idx.msk vm2, v3  }
0x348: {  	v13 =	vld [tilespmem:s16+$0xFFFFFFB0];
	_ =	sdelay $0x4  }
0x349: {  	v13 =	vnsel vm3, $0x0, v13  }
0x34a: {  	v14 =	vshll.u32 v13, $0x3  }
0x34b: {  	v15 =	vshrl.u32 v13, $0x3;
	v13 =	vand.u32 $0xFFFFE07F, v13;
	v14 =	vand.u32 $0x1C00, v14  }
0x34c: {  	v15 =	vand.u32 $0x380, v15;
	v13 =	vor.u32 v14, v13  }
0x34d: {  	v13 =	vor.u32 v15, v13;
	_ =	sdelay $0x4  }
0x34e: {  	[tilespmem:v13+s29+$0x0] =	vst.idx.msk vm3, v3  }
0x34f: {  	v13 =	vld [tilespmem:s16+$0xFFFFFFC0];
	_ =	sdelay $0x4  }
0x350: {  	v13 =	vnsel vm4, $0x0, v13  }
0x351: {  	v14 =	vshll.u32 v13, $0x3  }
0x352: {  	v15 =	vshrl.u32 v13, $0x3;
	v13 =	vand.u32 $0xFFFFE07F, v13;
	v14 =	vand.u32 $0x1C00, v14  }
0x353: {  	v15 =	vand.u32 $0x380, v15;
	v13 =	vor.u32 v14, v13  }
0x354: {  	v13 =	vor.u32 v15, v13;
	_ =	sdelay $0x4  }
0x355: {  	[tilespmem:v13+s29+$0x0] =	vst.idx.msk vm4, v3  }
0x356: {  	v13 =	vld [tilespmem:s16+$0xFFFFFFD0];
	_ =	sdelay $0x4  }
0x357: {  	v13 =	vnsel vm5, $0x0, v13  }
0x358: {  	v14 =	vshll.u32 v13, $0x3  }
0x359: {  	v15 =	vshrl.u32 v13, $0x3;
	v13 =	vand.u32 $0xFFFFE07F, v13;
	v14 =	vand.u32 $0x1C00, v14  }
0x35a: {  	v15 =	vand.u32 $0x380, v15;
	v13 =	vor.u32 v14, v13  }
0x35b: {  	v13 =	vor.u32 v15, v13;
	_ =	sdelay $0x4  }
0x35c: {  	[tilespmem:v13+s29+$0x0] =	vst.idx.msk vm5, v3  }
0x35d: {  	v13 =	vld [tilespmem:s16+$0xFFFFFFE0];
	_ =	sdelay $0x4  }
0x35e: {  	v13 =	vnsel vm6, $0x0, v13  }
0x35f: {  	v14 =	vshll.u32 v13, $0x3  }
0x360: {  	v15 =	vshrl.u32 v13, $0x3;
	v13 =	vand.u32 $0xFFFFE07F, v13;
	v14 =	vand.u32 $0x1C00, v14  }
0x361: {  	v15 =	vand.u32 $0x380, v15;
	v13 =	vor.u32 v14, v13  }
0x362: {  	v13 =	vor.u32 v15, v13;
	_ =	sdelay $0x4  }
0x363: {  	[tilespmem:v13+s29+$0x0] =	vst.idx.msk vm6, v3  }
0x364: {  	v13 =	vld [tilespmem:s16+$0xFFFFFFF0];
	_ =	sdelay $0x4  }
0x365: {  	v13 =	vnsel vm7, $0x0, v13  }
0x366: {  	v14 =	vshll.u32 v13, $0x3  }
0x367: {  	v15 =	vshrl.u32 v13, $0x3;
	v13 =	vand.u32 $0xFFFFE07F, v13;
	v14 =	vand.u32 $0x1C00, v14  }
0x368: {  	v15 =	vand.u32 $0x380, v15;
	v13 =	vor.u32 v14, v13  }
0x369: {  	v13 =	vor.u32 v15, v13  }
.Ltmp21:
0x36a: {  	_ = 	snop;
	(pc) =	sbr.rel @p0 .LBB2_31-.Ltmp21, $2  }
0x36b: {  	_ =	sdelay $0x2  }
0x36c: {  	[tilespmem:v13+s29+$0x0] =	vst.idx.msk vm7, v3  }
0x36d: {  	_ =	sdelay $0x3  }
0x36e: {  	v12 =	vld.idx.msk [tilespmem:v12+s26+$0x0], $0xffff;
	_ =	swait.ge [sflag:s24], $0x8000  }
0x36f: {  	[sflag:s24] =	ssyncset.done $0x0  }
0x370: {  	[sflag:s24] =	ssyncadd.s32 $0xFFFF8000  }
0x371: {  	v13 =	vld [tilespmem:s16+$0x0];
	_ =	sdelay $0x3  }
0x372: {  	vm0 =	vgt.s32 v12, v4  }
0x373: {  	v13 =	vnsel vm0, $0x0, v13  }
0x374: {  	v14 =	vshll.u32 v13, $0x3  }
0x375: {  	v15 =	vshrl.u32 v13, $0x3;
	v13 =	vand.u32 $0xFFFFE07F, v13;
	v14 =	vand.u32 $0x1C00, v14  }
0x376: {  	v15 =	vand.u32 $0x380, v15;
	v13 =	vor.u32 v14, v13  }
0x377: {  	v13 =	vor.u32 v15, v13;
	_ =	sdelay $0x4  }
0x378: {  	[tilespmem:v13+s30+$0x0] =	vst.idx.msk vm0, v3  }
0x379: {  	v13 =	vld [tilespmem:s16+$0x10];
	_ =	sdelay $0x3  }
0x37a: {  	vm9 =	vgt.s32 v12, v5  }
0x37b: {  	v5 =	vnsel vm9, $0x0, v13  }
0x37c: {  	v13 =	vshll.u32 v5, $0x3  }
0x37d: {  	v62 =	vshrl.u32 v5, $0x3;
	v5 =	vand.u32 $0xFFFFE07F, v5;
	v13 =	vand.u32 $0x1C00, v13  }
0x37e: {  	v14 =	vand.u32 $0x380, v62;
	v5 =	vor.u32 v13, v5  }
0x37f: {  	v5 =	vor.u32 v14, v5;
	_ =	sdelay $0x4  }
0x380: {  	[tilespmem:v5+s30+$0x0] =	vst.idx.msk vm9, v3  }
0x381: {  	v5 =	vld [tilespmem:s16+$0x20];
	_ =	sdelay $0x3  }
0x382: {  	vm10 =	vgt.s32 v12, v6  }
0x383: {  	v5 =	vnsel vm10, $0x0, v5  }
0x384: {  	v6 =	vshll.u32 v5, $0x3  }
0x385: {  	v63 =	vshrl.u32 v5, $0x3;
	v5 =	vand.u32 $0xFFFFE07F, v5;
	v6 =	vand.u32 $0x1C00, v6  }
0x386: {  	v13 =	vand.u32 $0x380, v63;
	v5 =	vor.u32 v6, v5  }
0x387: {  	v5 =	vor.u32 v13, v5;
	_ =	sdelay $0x4  }
0x388: {  	[tilespmem:v5+s30+$0x0] =	vst.idx.msk vm10, v3  }
0x389: {  	v5 =	vld [tilespmem:s16+$0x30];
	_ =	sdelay $0x3  }
0x38a: {  	vm11 =	vgt.s32 v12, v7  }
0x38b: {  	v5 =	vnsel vm11, $0x0, v5  }
0x38c: {  	v6 =	vshll.u32 v5, $0x3  }
0x38d: {  	v7 =	vshrl.u32 v5, $0x3;
	v5 =	vand.u32 $0xFFFFE07F, v5;
	v6 =	vand.u32 $0x1C00, v6  }
0x38e: {  	v7 =	vand.u32 $0x380, v7;
	v5 =	vor.u32 v6, v5  }
0x38f: {  	v5 =	vor.u32 v7, v5;
	_ =	sdelay $0x4  }
0x390: {  	[tilespmem:v5+s30+$0x0] =	vst.idx.msk vm11, v3  }
0x391: {  	v5 =	vld [tilespmem:s16+$0x40];
	_ =	sdelay $0x3  }
0x392: {  	vm12 =	vgt.s32 v12, v8  }
0x393: {  	v5 =	vnsel vm12, $0x0, v5  }
0x394: {  	v6 =	vshll.u32 v5, $0x3  }
0x395: {  	v7 =	vshrl.u32 v5, $0x3;
	v5 =	vand.u32 $0xFFFFE07F, v5;
	v6 =	vand.u32 $0x1C00, v6  }
0x396: {  	v7 =	vand.u32 $0x380, v7;
	v5 =	vor.u32 v6, v5  }
0x397: {  	v5 =	vor.u32 v7, v5;
	_ =	sdelay $0x4  }
0x398: {  	[tilespmem:v5+s30+$0x0] =	vst.idx.msk vm12, v3  }
0x399: {  	v5 =	vld [tilespmem:s16+$0x50];
	_ =	sdelay $0x3  }
0x39a: {  	vm13 =	vgt.s32 v12, v9  }
0x39b: {  	v5 =	vnsel vm13, $0x0, v5  }
0x39c: {  	v6 =	vshll.u32 v5, $0x3  }
0x39d: {  	v7 =	vshrl.u32 v5, $0x3;
	v5 =	vand.u32 $0xFFFFE07F, v5;
	v6 =	vand.u32 $0x1C00, v6  }
0x39e: {  	v7 =	vand.u32 $0x380, v7;
	v5 =	vor.u32 v6, v5  }
0x39f: {  	v5 =	vor.u32 v7, v5;
	_ =	sdelay $0x4  }
0x3a0: {  	[tilespmem:v5+s30+$0x0] =	vst.idx.msk vm13, v3  }
0x3a1: {  	v5 =	vld [tilespmem:s16+$0x60];
	_ =	sdelay $0x3  }
0x3a2: {  	vm14 =	vgt.s32 v12, v10  }
0x3a3: {  	v5 =	vnsel vm14, $0x0, v5  }
0x3a4: {  	v6 =	vshll.u32 v5, $0x3  }
0x3a5: {  	v7 =	vshrl.u32 v5, $0x3;
	v5 =	vand.u32 $0xFFFFE07F, v5;
	v6 =	vand.u32 $0x1C00, v6  }
0x3a6: {  	v7 =	vand.u32 $0x380, v7;
	v5 =	vor.u32 v6, v5  }
0x3a7: {  	v5 =	vor.u32 v7, v5;
	_ =	sdelay $0x4  }
0x3a8: {  	[tilespmem:v5+s30+$0x0] =	vst.idx.msk vm14, v3  }
0x3a9: {  	v5 =	vld [tilespmem:s16+$0x70];
	_ =	sdelay $0x3  }
0x3aa: {  	vm15 =	vgt.s32 v12, v11  }
0x3ab: {  	v5 =	vnsel vm15, $0x0, v5  }
0x3ac: {  	v6 =	vshll.u32 v5, $0x3  }
0x3ad: {  	v7 =	vshrl.u32 v5, $0x3;
	v5 =	vand.u32 $0xFFFFE07F, v5;
	v6 =	vand.u32 $0x1C00, v6  }
0x3ae: {  	v7 =	vand.u32 $0x380, v7;
	v5 =	vor.u32 v6, v5  }
0x3af: {  	v5 =	vor.u32 v7, v5  }
.Ltmp22:
0x3b0: {  	_ = 	snop;
	(pc) =	sbr.rel .LBB2_31-.Ltmp22, $2  }
0x3b1: {  	_ =	sdelay $0x2  }
0x3b2: {  	[tilespmem:v5+s30+$0x0] =	vst.idx.msk vm15, v3  }
.LBB2_32:
0x3b3: {  	s1 =	simm.s32 @p0 $0x0  }
.LBB2_33:
0x3b4: {  	s0 =	simm.s32 $0x0  }
0x3b5: {  	[tilespmem:s0], [sflag:$0x3] =	stream.linear.gather [hbm4b:s6+s0], $0x4000, $0x38;
	[tilespmem:$0x1D380] =	vst v63  }
0x3b6: {  	s3 =	simm.s32 $0x0;
	s0 =	sand.u32 $0x3, s0;
	_ =	swait.ge [sflag:s20], $0x4000  }
0x3b7: {  	s3 =	sand.u32 $0x3FFFFF80, s3;
	s5 =	sshll.u32 s0, $0x4;
	[sflag:s20] =	ssyncset.done $0x0  }
0x3b8: {  	s3 =	sor.u32 s5, s3;
	[sflag:s20] =	ssyncadd.s32 $0xFFFFC000  }
0x3b9: {  	v7 =	vld [tilespmem:s3+$0x0];
	_ =	sdelay $0x1  }
0x3ba: {  	s17 =	sshll.u32 s1, $0x5;
	p0 =	seq.s32 s0, $0x3;
	s5 =	simm.s32 $0x2  }
0x3bb: {  	s0 =	sadd.s32 s31, s17;
	s5 =	simm.s32 @!p0 $0x10  }
0x3bc: {  	v5 =	vmov s0;
	s3 =	sadd.s32 $0x20, s0;
	v8 =	vmov s5  }
0x3bd: {  	v6 =	vmov s3;
	vm0 =	vgt.u32 v8, v4;
	vm1 =	vge.s32 v7, v5  }
0x3be: {  	s18 =	simm.s32 $0x0;
	vm0 =	vmand vm0, vm1;
	vm1 =	vlt.s32 v7, v6  }
0x3bf: {  	v8 =	vmov s18;
	v9 =	vsub.s32 v7, v0;
	vm0 =	vmand vm1, vm0  }
0x3c0: {  	v9 =	vnsel vm0, $0x0, v9;
	_ =	sdelay $0x3  }
0x3c1: {  	v8 =	vld.idx.msk [tilespmem:v8+s21+$0x0], $0xffff  }
0x3c2: {  	v7 =	vsub.s32 v7, v5;
	v9 =	vld.idx.msk [tilespmem:v9+s19+$0x0], $0xffff  }
0x3c3: {  	v7 =	vnsel vm0, $0x0, v7  }
0x3c4: {  	v10 =	vshll.u32 v7, $0xA;
	v7 =	vshll.u32 v7, $0x7  }
0x3c5: {  	v10 =	vand.u32 $0xFFFFE000, v10;
	v7 =	vand.u32 $0x380, v7  }
0x3c6: {  	v7 =	vor.u32 v10, v7  }
0x3c7: {  	v7 =	vor.u32 s18, v7;
	v8 =	vadd.f32 v8, v9;
	_ =	sdelay $0x1  }
0x3c8: {  	s5 =	simm.s32 $0x1;
	v9 =	vmul.f32 $2.000000030e-01, v8  }
0x3c9: {  	s8 =	simm.s32 $0x2;
	s17 =	simm.s32 $0x20;
	s16 =	sand.u32 $0x3, s5  }
.LBB2_34:
0x3ca: {  	p0 =	sne.s32 s8, $0x1FF;
	s3 =	sand.u32 $0x3FFFFF80, s17;
	s17 =	sshll.u32 s16, $0x4;
	v8 =	vmax.f32 v8, v9  }
0x3cb: {  	s3 =	sor.u32 s17, s3;
	[tilespmem:v7+s29+$0x0] =	vst.idx.msk vm0, v8  }
0x3cc: {  	v7 =	vld [tilespmem:s3+$0x0];
	_ =	sdelay $0x1  }
0x3cd: {  	p1 =	seq.s32 s16, $0x3;
	s3 =	simm.s32 $0x2  }
0x3ce: {  	s3 =	simm.s32 @!p1 $0x10  }
0x3cf: {  	v8 =	vmov s3  }
0x3d0: {  	vm0 =	vgt.u32 v8, v4;
	vm1 =	vge.s32 v7, v5  }
0x3d1: {  	s3 =	sshrl.u32 s5, $0x2;
	s5 =	smov.u32 s8;
	vm0 =	vmand vm0, vm1;
	vm1 =	vlt.s32 v7, v6  }
0x3d2: {  	v8 =	vmov s3;
	v9 =	vsub.s32 v7, v0;
	vm0 =	vmand vm1, vm0  }
0x3d3: {  	v9 =	vnsel vm0, $0x0, v9;
	_ =	sdelay $0x3  }
0x3d4: {  	v8 =	vld.idx.msk [tilespmem:v8+s21+$0x0], $0xffff  }
0x3d5: {  	v9 =	vld.idx.msk [tilespmem:v9+s19+$0x0], $0xffff  }
0x3d6: {  	v7 =	vsub.s32 v7, v5  }
0x3d7: {  	v7 =	vnsel vm0, $0x0, v7  }
0x3d8: {  	v10 =	vshll.u32 v7, $0xA;
	v7 =	vshll.u32 v7, $0x7  }
0x3d9: {  	v10 =	vand.u32 $0xFFFFE000, v10;
	v7 =	vand.u32 $0x380, v7  }
.Ltmp23:
0x3da: {  	v7 =	vor.u32 v10, v7;
	(pc) =	sbr.rel @p0 .LBB2_34-.Ltmp23, $3  }
0x3db: {  	v7 =	vor.u32 s3, v7;
	v8 =	vadd.f32 v8, v9;
	_ =	sdelay $0x1  }
0x3dc: {  	v9 =	vmul.f32 $2.000000030e-01, v8  }
0x3dd: {  	s8 =	sadd.s32 $0x1, s8;
	s16 =	sand.u32 $0x3, s5;
	s17 =	sshll.u32 s5, $0x5  }
0x3de: {  	_ =	sdelay $0x3  }
0x3df: {  	s3 =	sand.u32 $0x3FFFFF80, s17;
	s8 =	sshll.u32 s16, $0x4;
	v8 =	vmax.f32 v8, v9  }
0x3e0: {  	s3 =	sor.u32 s8, s3;
	[tilespmem:v7+s29+$0x0] =	vst.idx.msk vm0, v8  }
0x3e1: {  	v7 =	vld [tilespmem:s3+$0x0];
	_ =	sdelay $0x1  }
0x3e2: {  	p0 =	seq.s32 s16, $0x3;
	s3 =	simm.s32 $0x2  }
0x3e3: {  	s3 =	simm.s32 @!p0 $0x10  }
0x3e4: {  	v8 =	vmov s3  }
0x3e5: {  	vm0 =	vgt.u32 v8, v4;
	vm1 =	vge.s32 v7, v5  }
0x3e6: {  	s5 =	sshrl.u32 s5, $0x2;
	vm0 =	vmand vm0, vm1;
	vm1 =	vlt.s32 v7, v6  }
0x3e7: {  	v8 =	vmov s5;
	v9 =	vsub.s32 v7, v0;
	vm0 =	vmand vm1, vm0  }
0x3e8: {  	v9 =	vnsel vm0, $0x0, v9;
	_ =	sdelay $0x3  }
0x3e9: {  	v8 =	vld.idx.msk [tilespmem:v8+s21+$0x0], $0xffff  }
0x3ea: {  	v7 =	vsub.s32 v7, v5;
	v9 =	vld.idx.msk [tilespmem:v9+s19+$0x0], $0xffff  }
0x3eb: {  	v7 =	vnsel vm0, $0x0, v7  }
0x3ec: {  	v10 =	vshll.u32 v7, $0xA;
	v7 =	vshll.u32 v7, $0x7  }
0x3ed: {  	v10 =	vand.u32 $0xFFFFE000, v10;
	v7 =	vand.u32 $0x380, v7  }
0x3ee: {  	v7 =	vor.u32 v10, v7  }
0x3ef: {  	v7 =	vor.u32 s5, v7;
	v8 =	vadd.f32 v8, v9;
	_ =	sdelay $0x1  }
0x3f0: {  	v9 =	vmul.f32 $2.000000030e-01, v8;
	_ =	sdelay $0x1  }
0x3f1: {  	v8 =	vmax.f32 v8, v9  }
0x3f2: {  	s8 =	simm.s32 $0x0;
	[tilespmem:v7+s29+$0x0] =	vst.idx.msk vm0, v8  }
0x3f3: {  	[tilespmem:s23], [sflag:$0x3] =	stream.linear.gather [hbm4b:s9+s8], $0x4000, $0x38;
	[tilespmem:$0x1D380] =	vst v63  }
0x3f4: {  	s16 =	simm.s32 $0x0;
	s3 =	sand.u32 $0x3, s8;
	_ =	swait.ge [sflag:s20], $0x4000  }
0x3f5: {  	s17 =	sshll.u32 s3, $0x4;
	s5 =	sand.u32 $0x3FFFFF80, s16;
	[sflag:s20] =	ssyncset.done $0x0  }
0x3f6: {  	s5 =	sor.u32 s17, s5;
	[sflag:s20] =	ssyncadd.s32 $0xFFFFC000  }
0x3f7: {  	v7 =	vld [tilespmem:s5+$0x4000];
	_ =	sdelay $0x1  }
0x3f8: {  	p0 =	seq.s32 s3, $0x3;
	s3 =	simm.s32 $0x2  }
0x3f9: {  	s18 =	simm.s32 $0x0;
	s3 =	simm.s32 @!p0 $0x10  }
0x3fa: {  	v9 =	vmov s18;
	v8 =	vmov s3  }
0x3fb: {  	vm0 =	vgt.u32 v8, v4;
	v8 =	vadd.s32 $0x80, v9;
	vm1 =	vge.s32 v7, v5  }
0x3fc: {  	v8 =	vbroadcast v8, $0x0;
	vm0 =	vmand vm0, vm1;
	vm1 =	vlt.s32 v7, v6  }
0x3fd: {  	v9 =	vsub.s32 v7, v0;
	vm0 =	vmand vm1, vm0  }
0x3fe: {  	v9 =	vnsel vm0, $0x0, v9;
	_ =	sdelay $0x3  }
0x3ff: {  	v10 =	vld.idx.msk [tilespmem:v8+s21+$0x0], $0xffff  }
0x400: {  	v7 =	vsub.s32 v7, v5;
	v9 =	vld.idx.msk [tilespmem:v9+s19+$0x0], $0xffff  }
0x401: {  	v7 =	vnsel vm0, $0x0, v7  }
0x402: {  	v12 =	vshll.u32 v8, $0x3;
	v11 =	vshll.u32 v7, $0xA  }
0x403: {  	v12 =	vand.u32 $0x7FFFFC00, v12;
	v7 =	vshll.u32 v7, $0x7;
	v11 =	vand.u32 $0xFFFFE000, v11  }
0x404: {  	v63 =	vand.u32 $0x380, v7;
	v11 =	vadd.s32 v12, v11  }
0x405: {  	v8 =	vand.u32 $0x7F, v8;
	v7 =	vadd.f32 v10, v9;
	v9 =	vor.u32 v63, v11  }
0x406: {  	v8 =	vor.u32 v8, v9;
	_ =	sdelay $0x1  }
0x407: {  	s5 =	simm.s32 $0x1;
	v9 =	vmul.f32 $2.000000030e-01, v7  }
0x408: {  	s17 =	simm.s32 $0x20;
	s8 =	simm.s32 $0x2;
	s16 =	sand.u32 $0x3, s5  }
.LBB2_36:
0x409: {  	p0 =	sne.s32 s8, $0x1FF;
	s3 =	sand.u32 $0x3FFFFF80, s17;
	s17 =	sshll.u32 s16, $0x4;
	v7 =	vmax.f32 v7, v9  }
0x40a: {  	s3 =	sor.u32 s17, s3;
	[tilespmem:v8+s29+$0x0] =	vst.idx.msk vm0, v7  }
0x40b: {  	v7 =	vld [tilespmem:s3+$0x4000];
	_ =	sdelay $0x1  }
0x40c: {  	p1 =	seq.s32 s16, $0x3;
	s16 =	simm.s32 $0x2  }
0x40d: {  	s16 =	simm.s32 @!p1 $0x10;
	s3 =	sshrl.u32 s5, $0x2;
	s5 =	smov.u32 s8  }
0x40e: {  	v8 =	vmov s16;
	v9 =	vmov s3  }
0x40f: {  	vm0 =	vgt.u32 v8, v4;
	v8 =	vadd.s32 $0x80, v9;
	vm1 =	vge.s32 v7, v5  }
0x410: {  	v8 =	vbroadcast v8, $0x0;
	vm0 =	vmand vm0, vm1;
	vm1 =	vlt.s32 v7, v6  }
0x411: {  	v9 =	vsub.s32 v7, v0;
	vm0 =	vmand vm1, vm0  }
0x412: {  	v9 =	vnsel vm0, $0x0, v9;
	_ =	sdelay $0x3  }
0x413: {  	v10 =	vld.idx.msk [tilespmem:v8+s21+$0x0], $0xffff  }
0x414: {  	v7 =	vsub.s32 v7, v5;
	v9 =	vld.idx.msk [tilespmem:v9+s19+$0x0], $0xffff  }
0x415: {  	v7 =	vnsel vm0, $0x0, v7  }
0x416: {  	v12 =	vshll.u32 v8, $0x3;
	v11 =	vshll.u32 v7, $0xA  }
0x417: {  	v12 =	vand.u32 $0x7FFFFC00, v12;
	v7 =	vshll.u32 v7, $0x7;
	v11 =	vand.u32 $0xFFFFE000, v11  }
0x418: {  	v7 =	vand.u32 $0x380, v7;
	v11 =	vadd.s32 v12, v11  }
.Ltmp24:
0x419: {  	v8 =	vand.u32 $0x7F, v8;
	v11 =	vor.u32 v7, v11;
	(pc) =	sbr.rel @p0 .LBB2_36-.Ltmp24, $3  }
0x41a: {  	v8 =	vor.u32 v8, v11;
	v7 =	vadd.f32 v10, v9;
	_ =	sdelay $0x1  }
0x41b: {  	v9 =	vmul.f32 $2.000000030e-01, v7  }
0x41c: {  	s8 =	sadd.s32 $0x1, s8;
	s16 =	sand.u32 $0x3, s5;
	s17 =	sshll.u32 s5, $0x5  }
0x41d: {  	_ =	sdelay $0x3  }
0x41e: {  	s3 =	sand.u32 $0x3FFFFF80, s17;
	s8 =	sshll.u32 s16, $0x4;
	v7 =	vmax.f32 v7, v9  }
0x41f: {  	s3 =	sor.u32 s8, s3;
	[tilespmem:v8+s29+$0x0] =	vst.idx.msk vm0, v7  }
0x420: {  	v7 =	vld [tilespmem:s3+$0x4000];
	_ =	sdelay $0x1  }
0x421: {  	p0 =	seq.s32 s16, $0x3;
	s3 =	simm.s32 $0x2  }
0x422: {  	s5 =	sshrl.u32 s5, $0x2;
	s3 =	simm.s32 @!p0 $0x10  }
0x423: {  	v9 =	vmov s5;
	v8 =	vmov s3  }
0x424: {  	vm0 =	vgt.u32 v8, v4;
	v8 =	vadd.s32 $0x80, v9;
	vm1 =	vge.s32 v7, v5  }
0x425: {  	v8 =	vbroadcast v8, $0x0;
	vm0 =	vmand vm0, vm1;
	vm1 =	vlt.s32 v7, v6  }
0x426: {  	v9 =	vsub.s32 v7, v0;
	vm0 =	vmand vm1, vm0  }
0x427: {  	v9 =	vnsel vm0, $0x0, v9;
	_ =	sdelay $0x3  }
0x428: {  	v7 =	vsub.s32 v7, v5;
	v10 =	vld.idx.msk [tilespmem:v8+s21+$0x0], $0xffff  }
0x429: {  	v7 =	vnsel vm0, $0x0, v7;
	v9 =	vld.idx.msk [tilespmem:v9+s19+$0x0], $0xffff  }
0x42a: {  	v12 =	vshll.u32 v8, $0x3;
	v11 =	vshll.u32 v7, $0xA  }
0x42b: {  	v12 =	vand.u32 $0x7FFFFC00, v12;
	v7 =	vshll.u32 v7, $0x7;
	v11 =	vand.u32 $0xFFFFE000, v11  }
0x42c: {  	v7 =	vand.u32 $0x380, v7;
	v11 =	vadd.s32 v12, v11  }
0x42d: {  	v8 =	vand.u32 $0x7F, v8;
	v7 =	vor.u32 v7, v11  }
0x42e: {  	v7 =	vor.u32 v8, v7;
	v9 =	vadd.f32 v10, v9;
	_ =	sdelay $0x1  }
0x42f: {  	v8 =	vmul.f32 $2.000000030e-01, v9;
	_ =	sdelay $0x1  }
0x430: {  	v8 =	vmax.f32 v9, v8  }
0x431: {  	s8 =	simm.s32 $0x0;
	[tilespmem:v7+s29+$0x0] =	vst.idx.msk vm0, v8  }
0x432: {  	[tilespmem:s8], [sflag:$0x3] =	stream.linear.gather [hbm4b:s10+s8], $0x4000, $0x38;
	[tilespmem:$0x1D380] =	vst v63  }
0x433: {  	s16 =	simm.s32 $0x0;
	s3 =	sand.u32 $0x3, s8;
	_ =	swait.ge [sflag:s20], $0x4000  }
0x434: {  	s5 =	sand.u32 $0x3FFFFF80, s16;
	s17 =	sshll.u32 s3, $0x4;
	[sflag:s20] =	ssyncset.done $0x0  }
0x435: {  	s5 =	sor.u32 s17, s5;
	[sflag:s20] =	ssyncadd.s32 $0xFFFFC000  }
0x436: {  	v7 =	vld [tilespmem:s5+$0x0];
	_ =	sdelay $0x1  }
0x437: {  	p0 =	seq.s32 s3, $0x3;
	s3 =	simm.s32 $0x2  }
0x438: {  	s18 =	simm.s32 $0x0;
	s3 =	simm.s32 @!p0 $0x10  }
0x439: {  	v9 =	vmov s18;
	v8 =	vmov s3  }
0x43a: {  	vm0 =	vgt.u32 v8, v4;
	v8 =	vadd.s32 $0x100, v9;
	vm1 =	vge.s32 v7, v5  }
0x43b: {  	v8 =	vbroadcast v8, $0x0;
	vm0 =	vmand vm0, vm1;
	vm1 =	vlt.s32 v7, v6  }
0x43c: {  	v9 =	vsub.s32 v7, v0;
	vm0 =	vmand vm1, vm0  }
0x43d: {  	v9 =	vnsel vm0, $0x0, v9;
	_ =	sdelay $0x3  }
0x43e: {  	v10 =	vld.idx.msk [tilespmem:v8+s21+$0x0], $0xffff  }
0x43f: {  	v7 =	vsub.s32 v7, v5;
	v9 =	vld.idx.msk [tilespmem:v9+s19+$0x0], $0xffff  }
0x440: {  	v7 =	vnsel vm0, $0x0, v7  }
0x441: {  	v62 =	vshll.u32 v8, $0x3;
	v11 =	vshll.u32 v7, $0xA  }
0x442: {  	v12 =	vand.u32 $0x7FFFFC00, v62;
	v7 =	vshll.u32 v7, $0x7;
	v11 =	vand.u32 $0xFFFFE000, v11  }
0x443: {  	v63 =	vand.u32 $0x380, v7;
	v11 =	vadd.s32 v12, v11  }
0x444: {  	v8 =	vand.u32 $0x7F, v8;
	v7 =	vadd.f32 v10, v9;
	v9 =	vor.u32 v63, v11  }
0x445: {  	v8 =	vor.u32 v8, v9;
	_ =	sdelay $0x1  }
0x446: {  	s5 =	simm.s32 $0x1;
	v9 =	vmul.f32 $2.000000030e-01, v7  }
0x447: {  	s17 =	simm.s32 $0x20;
	s8 =	simm.s32 $0x2;
	s16 =	sand.u32 $0x3, s5  }
.LBB2_38:
0x448: {  	p0 =	sne.s32 s8, $0x1FF;
	s3 =	sand.u32 $0x3FFFFF80, s17;
	s17 =	sshll.u32 s16, $0x4;
	v7 =	vmax.f32 v7, v9  }
0x449: {  	s3 =	sor.u32 s17, s3;
	[tilespmem:v8+s29+$0x0] =	vst.idx.msk vm0, v7  }
0x44a: {  	v7 =	vld [tilespmem:s3+$0x0];
	_ =	sdelay $0x1  }
0x44b: {  	p1 =	seq.s32 s16, $0x3;
	s16 =	simm.s32 $0x2  }
0x44c: {  	s16 =	simm.s32 @!p1 $0x10;
	s3 =	sshrl.u32 s5, $0x2;
	s5 =	smov.u32 s8  }
0x44d: {  	v8 =	vmov s16;
	v9 =	vmov s3  }
0x44e: {  	vm0 =	vgt.u32 v8, v4;
	v8 =	vadd.s32 $0x100, v9;
	vm1 =	vge.s32 v7, v5  }
0x44f: {  	v8 =	vbroadcast v8, $0x0;
	vm0 =	vmand vm0, vm1;
	vm1 =	vlt.s32 v7, v6  }
0x450: {  	v9 =	vsub.s32 v7, v0;
	vm0 =	vmand vm1, vm0  }
0x451: {  	v9 =	vnsel vm0, $0x0, v9;
	_ =	sdelay $0x3  }
0x452: {  	v10 =	vld.idx.msk [tilespmem:v8+s21+$0x0], $0xffff  }
0x453: {  	v7 =	vsub.s32 v7, v5;
	v9 =	vld.idx.msk [tilespmem:v9+s19+$0x0], $0xffff  }
0x454: {  	v7 =	vnsel vm0, $0x0, v7  }
0x455: {  	v12 =	vshll.u32 v8, $0x3;
	v11 =	vshll.u32 v7, $0xA  }
0x456: {  	v12 =	vand.u32 $0x7FFFFC00, v12;
	v7 =	vshll.u32 v7, $0x7;
	v11 =	vand.u32 $0xFFFFE000, v11  }
0x457: {  	v7 =	vand.u32 $0x380, v7;
	v11 =	vadd.s32 v12, v11  }
.Ltmp25:
0x458: {  	v8 =	vand.u32 $0x7F, v8;
	v11 =	vor.u32 v7, v11;
	(pc) =	sbr.rel @p0 .LBB2_38-.Ltmp25, $3  }
0x459: {  	v8 =	vor.u32 v8, v11;
	v7 =	vadd.f32 v10, v9;
	_ =	sdelay $0x1  }
0x45a: {  	v9 =	vmul.f32 $2.000000030e-01, v7  }
0x45b: {  	s8 =	sadd.s32 $0x1, s8;
	s16 =	sand.u32 $0x3, s5;
	s17 =	sshll.u32 s5, $0x5  }
0x45c: {  	_ =	sdelay $0x3  }
0x45d: {  	s3 =	sand.u32 $0x3FFFFF80, s17;
	s8 =	sshll.u32 s16, $0x4;
	v7 =	vmax.f32 v7, v9  }
0x45e: {  	s3 =	sor.u32 s8, s3;
	[tilespmem:v8+s29+$0x0] =	vst.idx.msk vm0, v7  }
0x45f: {  	v7 =	vld [tilespmem:s3+$0x0];
	_ =	sdelay $0x1  }
0x460: {  	p0 =	seq.s32 s16, $0x3;
	s3 =	simm.s32 $0x2  }
0x461: {  	s5 =	sshrl.u32 s5, $0x2;
	s3 =	simm.s32 @!p0 $0x10  }
0x462: {  	v9 =	vmov s5;
	v8 =	vmov s3  }
0x463: {  	vm0 =	vgt.u32 v8, v4;
	v8 =	vadd.s32 $0x100, v9;
	vm1 =	vge.s32 v7, v5  }
0x464: {  	v8 =	vbroadcast v8, $0x0;
	vm0 =	vmand vm0, vm1;
	vm1 =	vlt.s32 v7, v6  }
0x465: {  	v9 =	vsub.s32 v7, v0;
	vm0 =	vmand vm1, vm0  }
0x466: {  	v9 =	vnsel vm0, $0x0, v9;
	_ =	sdelay $0x3  }
0x467: {  	v7 =	vsub.s32 v7, v5;
	v10 =	vld.idx.msk [tilespmem:v8+s21+$0x0], $0xffff  }
0x468: {  	v7 =	vnsel vm0, $0x0, v7;
	v9 =	vld.idx.msk [tilespmem:v9+s19+$0x0], $0xffff  }
0x469: {  	v12 =	vshll.u32 v8, $0x3;
	v11 =	vshll.u32 v7, $0xA  }
0x46a: {  	v12 =	vand.u32 $0x7FFFFC00, v12;
	v7 =	vshll.u32 v7, $0x7;
	v11 =	vand.u32 $0xFFFFE000, v11  }
0x46b: {  	v7 =	vand.u32 $0x380, v7;
	v11 =	vadd.s32 v12, v11  }
0x46c: {  	v8 =	vand.u32 $0x7F, v8;
	v7 =	vor.u32 v7, v11  }
0x46d: {  	v7 =	vor.u32 v8, v7;
	v9 =	vadd.f32 v10, v9;
	_ =	sdelay $0x1  }
0x46e: {  	v8 =	vmul.f32 $2.000000030e-01, v9;
	_ =	sdelay $0x1  }
0x46f: {  	v8 =	vmax.f32 v9, v8  }
0x470: {  	s8 =	simm.s32 $0x0;
	[tilespmem:v7+s29+$0x0] =	vst.idx.msk vm0, v8  }
0x471: {  	[tilespmem:s23], [sflag:$0x3] =	stream.linear.gather [hbm4b:s11+s8], $0x4000, $0x38;
	[tilespmem:$0x1D380] =	vst v63  }
0x472: {  	s16 =	simm.s32 $0x0;
	s3 =	sand.u32 $0x3, s8;
	_ =	swait.ge [sflag:s20], $0x4000  }
0x473: {  	s5 =	sand.u32 $0x3FFFFF80, s16;
	s17 =	sshll.u32 s3, $0x4;
	[sflag:s20] =	ssyncset.done $0x0  }
0x474: {  	s5 =	sor.u32 s17, s5;
	[sflag:s20] =	ssyncadd.s32 $0xFFFFC000  }
0x475: {  	v7 =	vld [tilespmem:s5+$0x4000];
	_ =	sdelay $0x1  }
0x476: {  	p0 =	seq.s32 s3, $0x3;
	s3 =	simm.s32 $0x2  }
0x477: {  	s18 =	simm.s32 $0x0;
	s3 =	simm.s32 @!p0 $0x10  }
0x478: {  	v9 =	vmov s18;
	v8 =	vmov s3  }
0x479: {  	vm0 =	vgt.u32 v8, v4;
	v8 =	vadd.s32 $0x180, v9;
	vm1 =	vge.s32 v7, v5  }
0x47a: {  	v8 =	vbroadcast v8, $0x0;
	vm0 =	vmand vm0, vm1;
	vm1 =	vlt.s32 v7, v6  }
0x47b: {  	v9 =	vsub.s32 v7, v0;
	vm0 =	vmand vm1, vm0  }
0x47c: {  	v9 =	vnsel vm0, $0x0, v9;
	_ =	sdelay $0x3  }
0x47d: {  	v10 =	vld.idx.msk [tilespmem:v8+s21+$0x0], $0xffff  }
0x47e: {  	v7 =	vsub.s32 v7, v5;
	v9 =	vld.idx.msk [tilespmem:v9+s19+$0x0], $0xffff  }
0x47f: {  	v7 =	vnsel vm0, $0x0, v7  }
0x480: {  	v62 =	vshll.u32 v8, $0x3;
	v11 =	vshll.u32 v7, $0xA  }
0x481: {  	v12 =	vand.u32 $0x7FFFFC00, v62;
	v7 =	vshll.u32 v7, $0x7;
	v11 =	vand.u32 $0xFFFFE000, v11  }
0x482: {  	v63 =	vand.u32 $0x380, v7;
	v11 =	vadd.s32 v12, v11  }
0x483: {  	v8 =	vand.u32 $0x7F, v8;
	v7 =	vadd.f32 v10, v9;
	v9 =	vor.u32 v63, v11  }
0x484: {  	v8 =	vor.u32 v8, v9;
	_ =	sdelay $0x1  }
0x485: {  	s5 =	simm.s32 $0x1;
	v9 =	vmul.f32 $2.000000030e-01, v7  }
0x486: {  	s17 =	simm.s32 $0x20;
	s8 =	simm.s32 $0x2;
	s16 =	sand.u32 $0x3, s5  }
.LBB2_40:
0x487: {  	p0 =	sne.s32 s8, $0x1FF;
	s3 =	sand.u32 $0x3FFFFF80, s17;
	s17 =	sshll.u32 s16, $0x4;
	v7 =	vmax.f32 v7, v9  }
0x488: {  	s3 =	sor.u32 s17, s3;
	[tilespmem:v8+s29+$0x0] =	vst.idx.msk vm0, v7  }
0x489: {  	v7 =	vld [tilespmem:s3+$0x4000];
	_ =	sdelay $0x1  }
0x48a: {  	p1 =	seq.s32 s16, $0x3;
	s16 =	simm.s32 $0x2  }
0x48b: {  	s16 =	simm.s32 @!p1 $0x10;
	s3 =	sshrl.u32 s5, $0x2;
	s5 =	smov.u32 s8  }
0x48c: {  	v8 =	vmov s16;
	v9 =	vmov s3  }
0x48d: {  	vm0 =	vgt.u32 v8, v4;
	v8 =	vadd.s32 $0x180, v9;
	vm1 =	vge.s32 v7, v5  }
0x48e: {  	v8 =	vbroadcast v8, $0x0;
	vm0 =	vmand vm0, vm1;
	vm1 =	vlt.s32 v7, v6  }
0x48f: {  	v9 =	vsub.s32 v7, v0;
	vm0 =	vmand vm1, vm0  }
0x490: {  	v9 =	vnsel vm0, $0x0, v9;
	_ =	sdelay $0x3  }
0x491: {  	v10 =	vld.idx.msk [tilespmem:v8+s21+$0x0], $0xffff  }
0x492: {  	v7 =	vsub.s32 v7, v5;
	v9 =	vld.idx.msk [tilespmem:v9+s19+$0x0], $0xffff  }
0x493: {  	v7 =	vnsel vm0, $0x0, v7  }
0x494: {  	v12 =	vshll.u32 v8, $0x3;
	v11 =	vshll.u32 v7, $0xA  }
0x495: {  	v12 =	vand.u32 $0x7FFFFC00, v12;
	v7 =	vshll.u32 v7, $0x7;
	v11 =	vand.u32 $0xFFFFE000, v11  }
0x496: {  	v7 =	vand.u32 $0x380, v7;
	v11 =	vadd.s32 v12, v11  }
.Ltmp26:
0x497: {  	v8 =	vand.u32 $0x7F, v8;
	v11 =	vor.u32 v7, v11;
	(pc) =	sbr.rel @p0 .LBB2_40-.Ltmp26, $3  }
0x498: {  	v8 =	vor.u32 v8, v11;
	v7 =	vadd.f32 v10, v9;
	_ =	sdelay $0x1  }
0x499: {  	v9 =	vmul.f32 $2.000000030e-01, v7  }
0x49a: {  	s8 =	sadd.s32 $0x1, s8;
	s16 =	sand.u32 $0x3, s5;
	s17 =	sshll.u32 s5, $0x5  }
0x49b: {  	_ =	sdelay $0x3  }
0x49c: {  	s3 =	sand.u32 $0x3FFFFF80, s17;
	s8 =	sshll.u32 s16, $0x4;
	v7 =	vmax.f32 v7, v9  }
0x49d: {  	s3 =	sor.u32 s8, s3;
	[tilespmem:v8+s29+$0x0] =	vst.idx.msk vm0, v7  }
0x49e: {  	v7 =	vld [tilespmem:s3+$0x4000];
	_ =	sdelay $0x1  }
0x49f: {  	p0 =	seq.s32 s16, $0x3;
	s3 =	simm.s32 $0x2  }
0x4a0: {  	s5 =	sshrl.u32 s5, $0x2;
	s3 =	simm.s32 @!p0 $0x10  }
0x4a1: {  	v9 =	vmov s5;
	v8 =	vmov s3  }
0x4a2: {  	vm0 =	vgt.u32 v8, v4;
	v8 =	vadd.s32 $0x180, v9;
	vm1 =	vge.s32 v7, v5  }
0x4a3: {  	v8 =	vbroadcast v8, $0x0;
	vm0 =	vmand vm0, vm1;
	vm1 =	vlt.s32 v7, v6  }
0x4a4: {  	v9 =	vsub.s32 v7, v0;
	vm0 =	vmand vm1, vm0  }
0x4a5: {  	v9 =	vnsel vm0, $0x0, v9;
	_ =	sdelay $0x3  }
0x4a6: {  	v7 =	vsub.s32 v7, v5;
	v10 =	vld.idx.msk [tilespmem:v8+s21+$0x0], $0xffff  }
0x4a7: {  	v7 =	vnsel vm0, $0x0, v7;
	v9 =	vld.idx.msk [tilespmem:v9+s19+$0x0], $0xffff  }
0x4a8: {  	v12 =	vshll.u32 v8, $0x3;
	v11 =	vshll.u32 v7, $0xA  }
0x4a9: {  	v12 =	vand.u32 $0x7FFFFC00, v12;
	v7 =	vshll.u32 v7, $0x7;
	v11 =	vand.u32 $0xFFFFE000, v11  }
0x4aa: {  	v7 =	vand.u32 $0x380, v7;
	v11 =	vadd.s32 v12, v11  }
0x4ab: {  	v8 =	vand.u32 $0x7F, v8;
	v7 =	vor.u32 v7, v11  }
0x4ac: {  	v7 =	vor.u32 v8, v7;
	v9 =	vadd.f32 v10, v9;
	_ =	sdelay $0x1  }
0x4ad: {  	v8 =	vmul.f32 $2.000000030e-01, v9;
	_ =	sdelay $0x1  }
0x4ae: {  	v8 =	vmax.f32 v9, v8  }
0x4af: {  	s8 =	simm.s32 $0x0;
	[tilespmem:v7+s29+$0x0] =	vst.idx.msk vm0, v8  }
0x4b0: {  	[tilespmem:s8], [sflag:$0x3] =	stream.linear.gather [hbm4b:s12+s8], $0x4000, $0x38;
	[tilespmem:$0x1D380] =	vst v63  }
0x4b1: {  	s16 =	simm.s32 $0x0;
	s3 =	sand.u32 $0x3, s8;
	_ =	swait.ge [sflag:s20], $0x4000  }
0x4b2: {  	s5 =	sand.u32 $0x3FFFFF80, s16;
	s17 =	sshll.u32 s3, $0x4;
	[sflag:s20] =	ssyncset.done $0x0  }
0x4b3: {  	s5 =	sor.u32 s17, s5;
	[sflag:s20] =	ssyncadd.s32 $0xFFFFC000  }
0x4b4: {  	v7 =	vld [tilespmem:s5+$0x0];
	_ =	sdelay $0x1  }
0x4b5: {  	p0 =	seq.s32 s3, $0x3;
	s3 =	simm.s32 $0x2  }
0x4b6: {  	s18 =	simm.s32 $0x0;
	s3 =	simm.s32 @!p0 $0x10  }
0x4b7: {  	v9 =	vmov s18;
	v8 =	vmov s3  }
0x4b8: {  	vm0 =	vgt.u32 v8, v4;
	v8 =	vadd.s32 $0x200, v9;
	vm1 =	vge.s32 v7, v5  }
0x4b9: {  	v8 =	vbroadcast v8, $0x0;
	vm0 =	vmand vm0, vm1;
	vm1 =	vlt.s32 v7, v6  }
0x4ba: {  	v9 =	vsub.s32 v7, v0;
	vm0 =	vmand vm1, vm0  }
0x4bb: {  	v9 =	vnsel vm0, $0x0, v9;
	_ =	sdelay $0x3  }
0x4bc: {  	v10 =	vld.idx.msk [tilespmem:v8+s21+$0x0], $0xffff  }
0x4bd: {  	v7 =	vsub.s32 v7, v5;
	v9 =	vld.idx.msk [tilespmem:v9+s19+$0x0], $0xffff  }
0x4be: {  	v7 =	vnsel vm0, $0x0, v7  }
0x4bf: {  	v62 =	vshll.u32 v8, $0x3;
	v11 =	vshll.u32 v7, $0xA  }
0x4c0: {  	v12 =	vand.u32 $0x7FFFFC00, v62;
	v7 =	vshll.u32 v7, $0x7;
	v11 =	vand.u32 $0xFFFFE000, v11  }
0x4c1: {  	v63 =	vand.u32 $0x380, v7;
	v11 =	vadd.s32 v12, v11  }
0x4c2: {  	v8 =	vand.u32 $0x7F, v8;
	v7 =	vadd.f32 v10, v9;
	v9 =	vor.u32 v63, v11  }
0x4c3: {  	v8 =	vor.u32 v8, v9;
	_ =	sdelay $0x1  }
0x4c4: {  	s5 =	simm.s32 $0x1;
	v9 =	vmul.f32 $2.000000030e-01, v7  }
0x4c5: {  	s17 =	simm.s32 $0x20;
	s8 =	simm.s32 $0x2;
	s16 =	sand.u32 $0x3, s5  }
.LBB2_42:
0x4c6: {  	p0 =	sne.s32 s8, $0x1FF;
	s3 =	sand.u32 $0x3FFFFF80, s17;
	s17 =	sshll.u32 s16, $0x4;
	v7 =	vmax.f32 v7, v9  }
0x4c7: {  	s3 =	sor.u32 s17, s3;
	[tilespmem:v8+s29+$0x0] =	vst.idx.msk vm0, v7  }
0x4c8: {  	v7 =	vld [tilespmem:s3+$0x0];
	_ =	sdelay $0x1  }
0x4c9: {  	p1 =	seq.s32 s16, $0x3;
	s16 =	simm.s32 $0x2  }
0x4ca: {  	s16 =	simm.s32 @!p1 $0x10;
	s3 =	sshrl.u32 s5, $0x2;
	s5 =	smov.u32 s8  }
0x4cb: {  	v8 =	vmov s16;
	v9 =	vmov s3  }
0x4cc: {  	vm0 =	vgt.u32 v8, v4;
	v8 =	vadd.s32 $0x200, v9;
	vm1 =	vge.s32 v7, v5  }
0x4cd: {  	v8 =	vbroadcast v8, $0x0;
	vm0 =	vmand vm0, vm1;
	vm1 =	vlt.s32 v7, v6  }
0x4ce: {  	v9 =	vsub.s32 v7, v0;
	vm0 =	vmand vm1, vm0  }
0x4cf: {  	v9 =	vnsel vm0, $0x0, v9;
	_ =	sdelay $0x3  }
0x4d0: {  	v10 =	vld.idx.msk [tilespmem:v8+s21+$0x0], $0xffff  }
0x4d1: {  	v7 =	vsub.s32 v7, v5;
	v9 =	vld.idx.msk [tilespmem:v9+s19+$0x0], $0xffff  }
0x4d2: {  	v7 =	vnsel vm0, $0x0, v7  }
0x4d3: {  	v12 =	vshll.u32 v8, $0x3;
	v11 =	vshll.u32 v7, $0xA  }
0x4d4: {  	v12 =	vand.u32 $0x7FFFFC00, v12;
	v7 =	vshll.u32 v7, $0x7;
	v11 =	vand.u32 $0xFFFFE000, v11  }
0x4d5: {  	v7 =	vand.u32 $0x380, v7;
	v11 =	vadd.s32 v12, v11  }
.Ltmp27:
0x4d6: {  	v8 =	vand.u32 $0x7F, v8;
	v11 =	vor.u32 v7, v11;
	(pc) =	sbr.rel @p0 .LBB2_42-.Ltmp27, $3  }
0x4d7: {  	v8 =	vor.u32 v8, v11;
	v7 =	vadd.f32 v10, v9;
	_ =	sdelay $0x1  }
0x4d8: {  	v9 =	vmul.f32 $2.000000030e-01, v7  }
0x4d9: {  	s8 =	sadd.s32 $0x1, s8;
	s16 =	sand.u32 $0x3, s5;
	s17 =	sshll.u32 s5, $0x5  }
0x4da: {  	_ =	sdelay $0x3  }
0x4db: {  	s3 =	sand.u32 $0x3FFFFF80, s17;
	s8 =	sshll.u32 s16, $0x4;
	v7 =	vmax.f32 v7, v9  }
0x4dc: {  	s3 =	sor.u32 s8, s3;
	[tilespmem:v8+s29+$0x0] =	vst.idx.msk vm0, v7  }
0x4dd: {  	v7 =	vld [tilespmem:s3+$0x0];
	_ =	sdelay $0x1  }
0x4de: {  	p0 =	seq.s32 s16, $0x3;
	s3 =	simm.s32 $0x2  }
0x4df: {  	s5 =	sshrl.u32 s5, $0x2;
	s3 =	simm.s32 @!p0 $0x10  }
0x4e0: {  	v9 =	vmov s5;
	v8 =	vmov s3  }
0x4e1: {  	vm0 =	vgt.u32 v8, v4;
	v8 =	vadd.s32 $0x200, v9;
	vm1 =	vge.s32 v7, v5  }
0x4e2: {  	v8 =	vbroadcast v8, $0x0;
	vm0 =	vmand vm0, vm1;
	vm1 =	vlt.s32 v7, v6  }
0x4e3: {  	v9 =	vsub.s32 v7, v0;
	vm0 =	vmand vm1, vm0  }
0x4e4: {  	v9 =	vnsel vm0, $0x0, v9;
	_ =	sdelay $0x3  }
0x4e5: {  	v7 =	vsub.s32 v7, v5;
	v10 =	vld.idx.msk [tilespmem:v8+s21+$0x0], $0xffff  }
0x4e6: {  	v7 =	vnsel vm0, $0x0, v7;
	v9 =	vld.idx.msk [tilespmem:v9+s19+$0x0], $0xffff  }
0x4e7: {  	v12 =	vshll.u32 v8, $0x3;
	v11 =	vshll.u32 v7, $0xA  }
0x4e8: {  	v12 =	vand.u32 $0x7FFFFC00, v12;
	v7 =	vshll.u32 v7, $0x7;
	v11 =	vand.u32 $0xFFFFE000, v11  }
0x4e9: {  	v7 =	vand.u32 $0x380, v7;
	v11 =	vadd.s32 v12, v11  }
0x4ea: {  	v8 =	vand.u32 $0x7F, v8;
	v7 =	vor.u32 v7, v11  }
0x4eb: {  	v7 =	vor.u32 v8, v7;
	v9 =	vadd.f32 v10, v9;
	_ =	sdelay $0x1  }
0x4ec: {  	v8 =	vmul.f32 $2.000000030e-01, v9;
	_ =	sdelay $0x1  }
0x4ed: {  	v8 =	vmax.f32 v9, v8  }
0x4ee: {  	s8 =	simm.s32 $0x0;
	[tilespmem:v7+s29+$0x0] =	vst.idx.msk vm0, v8  }
0x4ef: {  	[tilespmem:s23], [sflag:$0x3] =	stream.linear.gather [hbm4b:s13+s8], $0x4000, $0x38;
	[tilespmem:$0x1D380] =	vst v63  }
0x4f0: {  	s16 =	simm.s32 $0x0;
	s3 =	sand.u32 $0x3, s8;
	_ =	swait.ge [sflag:s20], $0x4000  }
0x4f1: {  	s5 =	sand.u32 $0x3FFFFF80, s16;
	s17 =	sshll.u32 s3, $0x4;
	[sflag:s20] =	ssyncset.done $0x0  }
0x4f2: {  	s5 =	sor.u32 s17, s5;
	[sflag:s20] =	ssyncadd.s32 $0xFFFFC000  }
0x4f3: {  	v7 =	vld [tilespmem:s5+$0x4000];
	_ =	sdelay $0x1  }
0x4f4: {  	p0 =	seq.s32 s3, $0x3;
	s3 =	simm.s32 $0x2  }
0x4f5: {  	s18 =	simm.s32 $0x0;
	s3 =	simm.s32 @!p0 $0x10  }
0x4f6: {  	v9 =	vmov s18;
	v8 =	vmov s3  }
0x4f7: {  	vm0 =	vgt.u32 v8, v4;
	v8 =	vadd.s32 $0x280, v9;
	vm1 =	vge.s32 v7, v5  }
0x4f8: {  	v8 =	vbroadcast v8, $0x0;
	vm0 =	vmand vm0, vm1;
	vm1 =	vlt.s32 v7, v6  }
0x4f9: {  	v9 =	vsub.s32 v7, v0;
	vm0 =	vmand vm1, vm0  }
0x4fa: {  	v9 =	vnsel vm0, $0x0, v9;
	_ =	sdelay $0x3  }
0x4fb: {  	v10 =	vld.idx.msk [tilespmem:v8+s21+$0x0], $0xffff  }
0x4fc: {  	v7 =	vsub.s32 v7, v5;
	v9 =	vld.idx.msk [tilespmem:v9+s19+$0x0], $0xffff  }
0x4fd: {  	v7 =	vnsel vm0, $0x0, v7  }
0x4fe: {  	v62 =	vshll.u32 v8, $0x3;
	v11 =	vshll.u32 v7, $0xA  }
0x4ff: {  	v12 =	vand.u32 $0x7FFFFC00, v62;
	v7 =	vshll.u32 v7, $0x7;
	v11 =	vand.u32 $0xFFFFE000, v11  }
0x500: {  	v63 =	vand.u32 $0x380, v7;
	v11 =	vadd.s32 v12, v11  }
0x501: {  	v8 =	vand.u32 $0x7F, v8;
	v7 =	vadd.f32 v10, v9;
	v9 =	vor.u32 v63, v11  }
0x502: {  	v8 =	vor.u32 v8, v9;
	_ =	sdelay $0x1  }
0x503: {  	s5 =	simm.s32 $0x1;
	v9 =	vmul.f32 $2.000000030e-01, v7  }
0x504: {  	s17 =	simm.s32 $0x20;
	s8 =	simm.s32 $0x2;
	s16 =	sand.u32 $0x3, s5  }
.LBB2_44:
0x505: {  	p0 =	sne.s32 s8, $0x1FF;
	s3 =	sand.u32 $0x3FFFFF80, s17;
	s17 =	sshll.u32 s16, $0x4;
	v7 =	vmax.f32 v7, v9  }
0x506: {  	s3 =	sor.u32 s17, s3;
	[tilespmem:v8+s29+$0x0] =	vst.idx.msk vm0, v7  }
0x507: {  	v7 =	vld [tilespmem:s3+$0x4000];
	_ =	sdelay $0x1  }
0x508: {  	p1 =	seq.s32 s16, $0x3;
	s16 =	simm.s32 $0x2  }
0x509: {  	s16 =	simm.s32 @!p1 $0x10;
	s3 =	sshrl.u32 s5, $0x2;
	s5 =	smov.u32 s8  }
0x50a: {  	v8 =	vmov s16;
	v9 =	vmov s3  }
0x50b: {  	vm0 =	vgt.u32 v8, v4;
	v8 =	vadd.s32 $0x280, v9;
	vm1 =	vge.s32 v7, v5  }
0x50c: {  	v8 =	vbroadcast v8, $0x0;
	vm0 =	vmand vm0, vm1;
	vm1 =	vlt.s32 v7, v6  }
0x50d: {  	v9 =	vsub.s32 v7, v0;
	vm0 =	vmand vm1, vm0  }
0x50e: {  	v9 =	vnsel vm0, $0x0, v9;
	_ =	sdelay $0x3  }
0x50f: {  	v10 =	vld.idx.msk [tilespmem:v8+s21+$0x0], $0xffff  }
0x510: {  	v7 =	vsub.s32 v7, v5;
	v9 =	vld.idx.msk [tilespmem:v9+s19+$0x0], $0xffff  }
0x511: {  	v7 =	vnsel vm0, $0x0, v7  }
0x512: {  	v12 =	vshll.u32 v8, $0x3;
	v11 =	vshll.u32 v7, $0xA  }
0x513: {  	v12 =	vand.u32 $0x7FFFFC00, v12;
	v7 =	vshll.u32 v7, $0x7;
	v11 =	vand.u32 $0xFFFFE000, v11  }
0x514: {  	v7 =	vand.u32 $0x380, v7;
	v11 =	vadd.s32 v12, v11  }
.Ltmp28:
0x515: {  	v8 =	vand.u32 $0x7F, v8;
	v11 =	vor.u32 v7, v11;
	(pc) =	sbr.rel @p0 .LBB2_44-.Ltmp28, $3  }
0x516: {  	v8 =	vor.u32 v8, v11;
	v7 =	vadd.f32 v10, v9;
	_ =	sdelay $0x1  }
0x517: {  	v9 =	vmul.f32 $2.000000030e-01, v7  }
0x518: {  	s8 =	sadd.s32 $0x1, s8;
	s16 =	sand.u32 $0x3, s5;
	s17 =	sshll.u32 s5, $0x5  }
0x519: {  	_ =	sdelay $0x3  }
0x51a: {  	s3 =	sand.u32 $0x3FFFFF80, s17;
	s8 =	sshll.u32 s16, $0x4;
	v7 =	vmax.f32 v7, v9  }
0x51b: {  	s3 =	sor.u32 s8, s3;
	[tilespmem:v8+s29+$0x0] =	vst.idx.msk vm0, v7  }
0x51c: {  	v7 =	vld [tilespmem:s3+$0x4000];
	_ =	sdelay $0x1  }
0x51d: {  	p0 =	seq.s32 s16, $0x3;
	s3 =	simm.s32 $0x2  }
0x51e: {  	s5 =	sshrl.u32 s5, $0x2;
	s3 =	simm.s32 @!p0 $0x10  }
0x51f: {  	v9 =	vmov s5;
	v8 =	vmov s3  }
0x520: {  	vm0 =	vgt.u32 v8, v4;
	v8 =	vadd.s32 $0x280, v9;
	vm1 =	vge.s32 v7, v5  }
0x521: {  	v8 =	vbroadcast v8, $0x0;
	vm0 =	vmand vm0, vm1;
	vm1 =	vlt.s32 v7, v6  }
0x522: {  	v9 =	vsub.s32 v7, v0;
	vm0 =	vmand vm1, vm0  }
0x523: {  	v9 =	vnsel vm0, $0x0, v9;
	_ =	sdelay $0x3  }
0x524: {  	v7 =	vsub.s32 v7, v5;
	v10 =	vld.idx.msk [tilespmem:v8+s21+$0x0], $0xffff  }
0x525: {  	v7 =	vnsel vm0, $0x0, v7;
	v9 =	vld.idx.msk [tilespmem:v9+s19+$0x0], $0xffff  }
0x526: {  	v12 =	vshll.u32 v8, $0x3;
	v11 =	vshll.u32 v7, $0xA  }
0x527: {  	v12 =	vand.u32 $0x7FFFFC00, v12;
	v7 =	vshll.u32 v7, $0x7;
	v11 =	vand.u32 $0xFFFFE000, v11  }
0x528: {  	v7 =	vand.u32 $0x380, v7;
	v11 =	vadd.s32 v12, v11  }
0x529: {  	v8 =	vand.u32 $0x7F, v8;
	v7 =	vor.u32 v7, v11  }
0x52a: {  	v7 =	vor.u32 v8, v7;
	v9 =	vadd.f32 v10, v9;
	_ =	sdelay $0x1  }
0x52b: {  	v8 =	vmul.f32 $2.000000030e-01, v9;
	_ =	sdelay $0x1  }
0x52c: {  	v8 =	vmax.f32 v9, v8  }
0x52d: {  	s8 =	simm.s32 $0x0;
	[tilespmem:v7+s29+$0x0] =	vst.idx.msk vm0, v8  }
0x52e: {  	[tilespmem:s8], [sflag:$0x3] =	stream.linear.gather [hbm4b:s14+s8], $0x4000, $0x38;
	[tilespmem:$0x1D380] =	vst v63  }
0x52f: {  	s16 =	simm.s32 $0x0;
	s3 =	sand.u32 $0x3, s8;
	_ =	swait.ge [sflag:s20], $0x4000  }
0x530: {  	s5 =	sand.u32 $0x3FFFFF80, s16;
	s17 =	sshll.u32 s3, $0x4;
	[sflag:s20] =	ssyncset.done $0x0  }
0x531: {  	s5 =	sor.u32 s17, s5;
	[sflag:s20] =	ssyncadd.s32 $0xFFFFC000  }
0x532: {  	v7 =	vld [tilespmem:s5+$0x0];
	_ =	sdelay $0x1  }
0x533: {  	p0 =	seq.s32 s3, $0x3;
	s3 =	simm.s32 $0x2  }
0x534: {  	s18 =	simm.s32 $0x0;
	s3 =	simm.s32 @!p0 $0x10  }
0x535: {  	v9 =	vmov s18;
	v8 =	vmov s3  }
0x536: {  	vm0 =	vgt.u32 v8, v4;
	v8 =	vadd.s32 $0x300, v9;
	vm1 =	vge.s32 v7, v5  }
0x537: {  	v8 =	vbroadcast v8, $0x0;
	vm0 =	vmand vm0, vm1;
	vm1 =	vlt.s32 v7, v6  }
0x538: {  	v9 =	vsub.s32 v7, v0;
	vm0 =	vmand vm1, vm0  }
0x539: {  	v9 =	vnsel vm0, $0x0, v9;
	_ =	sdelay $0x3  }
0x53a: {  	v10 =	vld.idx.msk [tilespmem:v8+s21+$0x0], $0xffff  }
0x53b: {  	v7 =	vsub.s32 v7, v5;
	v9 =	vld.idx.msk [tilespmem:v9+s19+$0x0], $0xffff  }
0x53c: {  	v7 =	vnsel vm0, $0x0, v7  }
0x53d: {  	v62 =	vshll.u32 v8, $0x3;
	v11 =	vshll.u32 v7, $0xA  }
0x53e: {  	v12 =	vand.u32 $0x7FFFFC00, v62;
	v7 =	vshll.u32 v7, $0x7;
	v11 =	vand.u32 $0xFFFFE000, v11  }
0x53f: {  	v63 =	vand.u32 $0x380, v7;
	v11 =	vadd.s32 v12, v11  }
0x540: {  	v8 =	vand.u32 $0x7F, v8;
	v7 =	vadd.f32 v10, v9;
	v9 =	vor.u32 v63, v11  }
0x541: {  	v8 =	vor.u32 v8, v9;
	_ =	sdelay $0x1  }
0x542: {  	s5 =	simm.s32 $0x1;
	v9 =	vmul.f32 $2.000000030e-01, v7  }
0x543: {  	s17 =	simm.s32 $0x20;
	s8 =	simm.s32 $0x2;
	s16 =	sand.u32 $0x3, s5  }
.LBB2_46:
0x544: {  	p0 =	sne.s32 s8, $0x1FF;
	s3 =	sand.u32 $0x3FFFFF80, s17;
	s17 =	sshll.u32 s16, $0x4;
	v7 =	vmax.f32 v7, v9  }
0x545: {  	s3 =	sor.u32 s17, s3;
	[tilespmem:v8+s29+$0x0] =	vst.idx.msk vm0, v7  }
0x546: {  	v7 =	vld [tilespmem:s3+$0x0];
	_ =	sdelay $0x1  }
0x547: {  	p1 =	seq.s32 s16, $0x3;
	s16 =	simm.s32 $0x2  }
0x548: {  	s16 =	simm.s32 @!p1 $0x10;
	s3 =	sshrl.u32 s5, $0x2;
	s5 =	smov.u32 s8  }
0x549: {  	v8 =	vmov s16;
	v9 =	vmov s3  }
0x54a: {  	vm0 =	vgt.u32 v8, v4;
	v8 =	vadd.s32 $0x300, v9;
	vm1 =	vge.s32 v7, v5  }
0x54b: {  	v8 =	vbroadcast v8, $0x0;
	vm0 =	vmand vm0, vm1;
	vm1 =	vlt.s32 v7, v6  }
0x54c: {  	v9 =	vsub.s32 v7, v0;
	vm0 =	vmand vm1, vm0  }
0x54d: {  	v9 =	vnsel vm0, $0x0, v9;
	_ =	sdelay $0x3  }
0x54e: {  	v10 =	vld.idx.msk [tilespmem:v8+s21+$0x0], $0xffff  }
0x54f: {  	v7 =	vsub.s32 v7, v5;
	v9 =	vld.idx.msk [tilespmem:v9+s19+$0x0], $0xffff  }
0x550: {  	v7 =	vnsel vm0, $0x0, v7  }
0x551: {  	v12 =	vshll.u32 v8, $0x3;
	v11 =	vshll.u32 v7, $0xA  }
0x552: {  	v12 =	vand.u32 $0x7FFFFC00, v12;
	v7 =	vshll.u32 v7, $0x7;
	v11 =	vand.u32 $0xFFFFE000, v11  }
0x553: {  	v7 =	vand.u32 $0x380, v7;
	v11 =	vadd.s32 v12, v11  }
.Ltmp29:
0x554: {  	v8 =	vand.u32 $0x7F, v8;
	v11 =	vor.u32 v7, v11;
	(pc) =	sbr.rel @p0 .LBB2_46-.Ltmp29, $3  }
0x555: {  	v8 =	vor.u32 v8, v11;
	v7 =	vadd.f32 v10, v9;
	_ =	sdelay $0x1  }
0x556: {  	v9 =	vmul.f32 $2.000000030e-01, v7  }
0x557: {  	s8 =	sadd.s32 $0x1, s8;
	s16 =	sand.u32 $0x3, s5;
	s17 =	sshll.u32 s5, $0x5  }
0x558: {  	_ =	sdelay $0x3  }
0x559: {  	s3 =	sand.u32 $0x3FFFFF80, s17;
	s8 =	sshll.u32 s16, $0x4;
	v7 =	vmax.f32 v7, v9  }
0x55a: {  	s3 =	sor.u32 s8, s3;
	[tilespmem:v8+s29+$0x0] =	vst.idx.msk vm0, v7  }
0x55b: {  	v7 =	vld [tilespmem:s3+$0x0];
	_ =	sdelay $0x1  }
0x55c: {  	p0 =	seq.s32 s16, $0x3;
	s3 =	simm.s32 $0x2  }
0x55d: {  	s5 =	sshrl.u32 s5, $0x2;
	s3 =	simm.s32 @!p0 $0x10  }
0x55e: {  	v9 =	vmov s5;
	v8 =	vmov s3  }
0x55f: {  	vm0 =	vgt.u32 v8, v4;
	v8 =	vadd.s32 $0x300, v9;
	vm1 =	vge.s32 v7, v5  }
0x560: {  	v8 =	vbroadcast v8, $0x0;
	vm0 =	vmand vm0, vm1;
	vm1 =	vlt.s32 v7, v6  }
0x561: {  	v9 =	vsub.s32 v7, v0;
	vm0 =	vmand vm1, vm0  }
0x562: {  	v9 =	vnsel vm0, $0x0, v9;
	_ =	sdelay $0x3  }
0x563: {  	v7 =	vsub.s32 v7, v5;
	v10 =	vld.idx.msk [tilespmem:v8+s21+$0x0], $0xffff  }
0x564: {  	v7 =	vnsel vm0, $0x0, v7;
	v9 =	vld.idx.msk [tilespmem:v9+s19+$0x0], $0xffff  }
0x565: {  	v12 =	vshll.u32 v8, $0x3;
	v11 =	vshll.u32 v7, $0xA  }
0x566: {  	v12 =	vand.u32 $0x7FFFFC00, v12;
	v7 =	vshll.u32 v7, $0x7;
	v11 =	vand.u32 $0xFFFFE000, v11  }
0x567: {  	v7 =	vand.u32 $0x380, v7;
	v11 =	vadd.s32 v12, v11  }
0x568: {  	v8 =	vand.u32 $0x7F, v8;
	v7 =	vor.u32 v7, v11  }
0x569: {  	v7 =	vor.u32 v8, v7;
	v9 =	vadd.f32 v10, v9;
	_ =	sdelay $0x1  }
0x56a: {  	v8 =	vmul.f32 $2.000000030e-01, v9;
	_ =	sdelay $0x1  }
0x56b: {  	v8 =	vmax.f32 v9, v8  }
0x56c: {  	s8 =	simm.s32 $0x0;
	[tilespmem:v7+s29+$0x0] =	vst.idx.msk vm0, v8  }
0x56d: {  	[tilespmem:s23], [sflag:$0x3] =	stream.linear.gather [hbm4b:s15+s8], $0x4000, $0x38;
	[tilespmem:$0x1D380] =	vst v63  }
0x56e: {  	s16 =	simm.s32 $0x0;
	s3 =	sand.u32 $0x3, s8;
	_ =	swait.ge [sflag:s20], $0x4000  }
0x56f: {  	s5 =	sand.u32 $0x3FFFFF80, s16;
	s17 =	sshll.u32 s3, $0x4;
	[sflag:s20] =	ssyncset.done $0x0  }
0x570: {  	s5 =	sor.u32 s17, s5;
	[sflag:s20] =	ssyncadd.s32 $0xFFFFC000  }
0x571: {  	v7 =	vld [tilespmem:s5+$0x4000];
	_ =	sdelay $0x1  }
0x572: {  	p0 =	seq.s32 s3, $0x3;
	s3 =	simm.s32 $0x2  }
0x573: {  	s18 =	simm.s32 $0x0;
	s3 =	simm.s32 @!p0 $0x10  }
0x574: {  	v9 =	vmov s18;
	v8 =	vmov s3  }
0x575: {  	vm0 =	vgt.u32 v8, v4;
	v8 =	vadd.s32 $0x380, v9;
	vm1 =	vge.s32 v7, v5  }
0x576: {  	v8 =	vbroadcast v8, $0x0;
	vm0 =	vmand vm0, vm1;
	vm1 =	vlt.s32 v7, v6  }
0x577: {  	v9 =	vsub.s32 v7, v0;
	vm0 =	vmand vm1, vm0  }
0x578: {  	v9 =	vnsel vm0, $0x0, v9;
	_ =	sdelay $0x3  }
0x579: {  	v10 =	vld.idx.msk [tilespmem:v8+s21+$0x0], $0xffff  }
0x57a: {  	v7 =	vsub.s32 v7, v5;
	v9 =	vld.idx.msk [tilespmem:v9+s19+$0x0], $0xffff  }
0x57b: {  	v7 =	vnsel vm0, $0x0, v7  }
0x57c: {  	v62 =	vshll.u32 v8, $0x3;
	v11 =	vshll.u32 v7, $0xA  }
0x57d: {  	v12 =	vand.u32 $0x7FFFFC00, v62;
	v7 =	vshll.u32 v7, $0x7;
	v11 =	vand.u32 $0xFFFFE000, v11  }
0x57e: {  	v63 =	vand.u32 $0x380, v7;
	v11 =	vadd.s32 v12, v11  }
0x57f: {  	v8 =	vand.u32 $0x7F, v8;
	v7 =	vadd.f32 v10, v9;
	v9 =	vor.u32 v63, v11  }
0x580: {  	v8 =	vor.u32 v8, v9;
	_ =	sdelay $0x1  }
0x581: {  	s5 =	simm.s32 $0x1;
	v9 =	vmul.f32 $2.000000030e-01, v7  }
0x582: {  	s17 =	simm.s32 $0x20;
	s8 =	simm.s32 $0x2;
	s16 =	sand.u32 $0x3, s5  }
.LBB2_48:
0x583: {  	p0 =	sne.s32 s8, $0x1FF;
	s3 =	sand.u32 $0x3FFFFF80, s17;
	s17 =	sshll.u32 s16, $0x4;
	v7 =	vmax.f32 v7, v9  }
0x584: {  	s3 =	sor.u32 s17, s3;
	[tilespmem:v8+s29+$0x0] =	vst.idx.msk vm0, v7  }
0x585: {  	v7 =	vld [tilespmem:s3+$0x4000];
	_ =	sdelay $0x1  }
0x586: {  	p1 =	seq.s32 s16, $0x3;
	s16 =	simm.s32 $0x2  }
0x587: {  	s16 =	simm.s32 @!p1 $0x10;
	s3 =	sshrl.u32 s5, $0x2;
	s5 =	smov.u32 s8  }
0x588: {  	v8 =	vmov s16;
	v9 =	vmov s3  }
0x589: {  	vm0 =	vgt.u32 v8, v4;
	v8 =	vadd.s32 $0x380, v9;
	vm1 =	vge.s32 v7, v5  }
0x58a: {  	v8 =	vbroadcast v8, $0x0;
	vm0 =	vmand vm0, vm1;
	vm1 =	vlt.s32 v7, v6  }
0x58b: {  	v9 =	vsub.s32 v7, v0;
	vm0 =	vmand vm1, vm0  }
0x58c: {  	v9 =	vnsel vm0, $0x0, v9;
	_ =	sdelay $0x3  }
0x58d: {  	v10 =	vld.idx.msk [tilespmem:v8+s21+$0x0], $0xffff  }
0x58e: {  	v7 =	vsub.s32 v7, v5;
	v9 =	vld.idx.msk [tilespmem:v9+s19+$0x0], $0xffff  }
0x58f: {  	v7 =	vnsel vm0, $0x0, v7  }
0x590: {  	v12 =	vshll.u32 v8, $0x3;
	v11 =	vshll.u32 v7, $0xA  }
0x591: {  	v12 =	vand.u32 $0x7FFFFC00, v12;
	v7 =	vshll.u32 v7, $0x7;
	v11 =	vand.u32 $0xFFFFE000, v11  }
0x592: {  	v7 =	vand.u32 $0x380, v7;
	v11 =	vadd.s32 v12, v11  }
.Ltmp30:
0x593: {  	v8 =	vand.u32 $0x7F, v8;
	v11 =	vor.u32 v7, v11;
	(pc) =	sbr.rel @p0 .LBB2_48-.Ltmp30, $3  }
0x594: {  	v8 =	vor.u32 v8, v11;
	v7 =	vadd.f32 v10, v9;
	_ =	sdelay $0x1  }
0x595: {  	v9 =	vmul.f32 $2.000000030e-01, v7  }
0x596: {  	s8 =	sadd.s32 $0x1, s8;
	s16 =	sand.u32 $0x3, s5;
	s17 =	sshll.u32 s5, $0x5  }
0x597: {  	_ =	sdelay $0x3  }
0x598: {  	s3 =	sand.u32 $0x3FFFFF80, s17;
	s8 =	sshll.u32 s16, $0x4;
	v7 =	vmax.f32 v7, v9  }
0x599: {  	s3 =	sor.u32 s8, s3;
	[tilespmem:v8+s29+$0x0] =	vst.idx.msk vm0, v7  }
0x59a: {  	v7 =	vld [tilespmem:s3+$0x4000];
	_ =	sdelay $0x1  }
0x59b: {  	p0 =	seq.s32 s16, $0x3;
	s3 =	simm.s32 $0x2  }
0x59c: {  	s5 =	sshrl.u32 s5, $0x2;
	s3 =	simm.s32 @!p0 $0x10  }
0x59d: {  	v59 =	vmov s5;
	v58 =	vmov s3  }
0x59e: {  	v60 =	vadd.s32 $0x380, v59;
	vm14 =	vgt.u32 v58, v4;
	vm1 =	vge.s32 v7, v5  }
0x59f: {  	vm15 =	vlt.s32 v7, v6;
	v6 =	vbroadcast v60, $0x0;
	vm0 =	vmand vm14, vm1  }
0x5a0: {  	v61 =	vsub.s32 v7, v0;
	vm0 =	vmand vm15, vm0  }
0x5a1: {  	v8 =	vnsel vm0, $0x0, v61;
	_ =	sdelay $0x3  }
0x5a2: {  	v5 =	vsub.s32 v7, v5;
	v62 =	vld.idx.msk [tilespmem:v6+s21+$0x0], $0xffff  }
0x5a3: {  	v5 =	vnsel vm0, $0x0, v5;
	v7 =	vld.idx.msk [tilespmem:v8+s19+$0x0], $0xffff  }
0x5a4: {  	v10 =	vshll.u32 v6, $0x3;
	v63 =	vshll.u32 v5, $0xA  }
0x5a5: {  	v10 =	vand.u32 $0x7FFFFC00, v10;
	v5 =	vshll.u32 v5, $0x7;
	v8 =	vand.u32 $0xFFFFE000, v63  }
0x5a6: {  	v5 =	vand.u32 $0x380, v5;
	v8 =	vadd.s32 v10, v8  }
0x5a7: {  	v6 =	vand.u32 $0x7F, v6;
	v5 =	vor.u32 v5, v8  }
0x5a8: {  	v5 =	vor.u32 v6, v5;
	v7 =	vadd.f32 v62, v7;
	_ =	sdelay $0x1  }
0x5a9: {  	v6 =	vmul.f32 $2.000000030e-01, v7;
	_ =	sdelay $0x1  }
0x5aa: {  	s0 =	sshll.u32 s0, $0x7;
	v6 =	vmax.f32 v7, v6  }
0x5ab: {  	s18 =	sadd.s32 s2, s0;
	s0 =	simm.s32 $0x0;
	[tilespmem:v5+s29+$0x0] =	vst.idx.msk vm0, v6  }
0x5ac: {  	[hbm4b:s18+s0] =	stream.linear.scatter [tilespmem:s29], [sflag:$0x3], $0x8000, $0x38;
	[tilespmem:$0x1D380] =	vst v63  }
0x5ad: {  	_ =	swait.ge [sflag:s20], $0x8000  }
0x5ae: {  	[sflag:s20] =	ssyncset.done $0x0  }
0x5af: {  	s5 =	simm.s32 $0x0;
	[sflag:s20] =	ssyncadd.s32 $0xFFFF8000  }
.LBB2_50:
0x5b0: {  	s3 =	sshll.u32 s5, $0xA;
	s8 =	sshll.u32 s5, $0x7  }
0x5b1: {  	s3 =	sand.u32 $0x6000, s3;
	s8 =	sand.u32 $0x380, s8  }
0x5b2: {  	s3 =	sor.u32 s8, s3  }
0x5b3: {  	s18 =	sand.u32 $0x1C00, s0;
	s8 =	sadd.s32 $0xD380, s3  }
0x5b4: {  	s17 =	sand.u32 $0x70, s0;
	s3 =	sadd.s32 s18, s8  }
0x5b5: {  	s16 =	simm.s32 $0x10;
	s18 =	simm.s32 $0x0;
	s17 =	sadd.s32 s17, s3  }
.LBB2_51:
0x5b6: {  	p0 =	sne.s32 s16, $0x3F0  }
0x5b7: {  	[tilespmem:s17+$0x0] =	vst v3;
	s18 =	sadd.s32 $0x80, s18;
	s3 =	smov.u32 s16;
	s16 =	sadd.s32 $0x10, s16  }
.Ltmp31:
0x5b8: {  	(pc) =	sbr.rel @p0 .LBB2_51-.Ltmp31, $4  }
0x5b9: {  	_ = 	snop  }
0x5ba: {  	s17 =	sand.u32 $0x1C00, s18  }
0x5bb: {  	s3 =	sand.u32 $0x70, s3;
	s17 =	sadd.s32 s17, s8  }
0x5bc: {  	s17 =	sadd.s32 s3, s17  }
0x5bd: {  	s5 =	sadd.s32 $0x1, s5  }
0x5be: {  	p0 =	sne.s32 s5, $0x20  }
.Ltmp32:
0x5bf: {  	_ = 	snop;
	(pc) =	sbr.rel @p0 .LBB2_50-.Ltmp32, $2  }
0x5c0: {  	_ =	sdelay $0x2  }
0x5c1: {  	[tilespmem:s17+$0x0] =	vst v3  }
0x5c2: {  	s1 =	sadd.s32 $0x1, s1  }
0x5c3: {  	p0 =	sne.s32 s1, s7  }
.Ltmp33:
0x5c4: {  	_ = 	snop;
	(pc) =	sbr.rel @p0 .LBB2_33-.Ltmp33, $4  }
.Ltmp34:
0x5c5: {  	_ = 	snop;
	(pc) =	sbr.rel @!p0 .LBB2_54-.Ltmp34, $4  }
0x5c6: {  	_ = 	snop  }
0x5c7: {  	_ = 	snop  }
0x5c8: {  	_ = 	snop  }
0x5c9: {  	_ = 	snop  }
.LBB2_55:
0x5ca: {  	_ =	sfence.sel $0x180000  }
0x5cb: {  	[bflag:$0x0] =	sbarrier.arrive $0xFFFF  }
0x5cc: {  	_ =	strace $0x90000047  }
0x5cd: {  	s0 =	stileid.u32;
	[bflag:$0x2] =	sbarrier.arrive $0xFFFF  }
0x5ce: {  	p0 =	sne.s32 s0, $0x0;
	s0 =	rddreg [dreg:$0x2]  }
0x5cf: {  	s0 =	sadd.s32 @!p0 $0x100000, s0  }
0x5d0: {  	[sflag:s0] =	ssyncadd.tile.s32 @!p0 $0x1;
	_ =	shalt  }
.Lfunc_end2:
_tile_overlayer_lowered:
.L_overlay_start_2:
0x5d1: {  	(tag) =	ssettag $0x2  }
0x5d2: {  	s0 =	rddreg [dreg:$0x0];
	s2 =	stileid.u32  }
0x5d3: {  	s1 =	rddreg [dreg:$0x1];
	p0 =	sne.s32 s2, $0x0  }
0x5d4: {  	s3 =	rddreg [dreg:$0x2];
	[bflag:$0x3] =	sbarrier.arrive $0xFFFF;
	s2 =	simm.s32 @!p0 $0x1C03  }
0x5d5: {  	[timem:s3], [sflag:s2] =	dma.local @!p0 [hbm:s0], s1  }
0x5d6: {  	s0 =	simm.s32 @!p0 $0x3  }
0x5d7: {  	_ =	swait.ge @!p0 [sflag:s0], s1  }
0x5d8: {  	s1 =	ssub.s32 @!p0 $0x0, s1;
	[sflag:s0] =	ssyncset.done @!p0 $0x0  }
0x5d9: {  	[sflag:s0] =	ssyncadd.s32 @!p0 s1  }
0x5da: {  	[bflag:$0x3] =	sbarrier.arrive $0xFFFF  }
0x5db: {  	_ =	shalt  }

</sc_bundles>
